<compile_context>
chip_gen: v7x
topology: tpu7x:2x2x1
jax: 0.10.2.dev20260603
libtpu: 0.0.44.dev20260713+nightly
codegen_flags: <defaults>
</compile_context>

<pallas_src>
import functools

import jax
import jax.numpy as jnp
from jax import lax
from jax.experimental import pallas as pl
from jax.experimental.pallas import tpu as pltpu
from jax.experimental.pallas import tpu_sc as plsc

N = 10000
E = 320000
DIM = 128
H = 8
HID = 256
W16 = 16

NC = 2
NS = 16
EDGES_PER_SC = E // NC
EDGES_PER_TILE = EDGES_PER_SC // NS
KB = 40
CH = 5
K = KB * CH
NCHUNK = EDGES_PER_TILE // K
K2 = 80
NCHUNK2 = EDGES_PER_TILE // K2
NPAD = 10240
ROWS_PER_TILE = NPAD // NS


def _node_proj_body(x_ref, wt_ref, b_ref, wu_ref, bu_ref, wv_ref,
                    xp_ref, au_ref, av_ref):
    xp = jnp.dot(x_ref[...], wt_ref[...], preferred_element_type=jnp.float32)
    xp = xp + b_ref[...]
    xp_ref[...] = xp
    au_ref[...] = jnp.dot(xp, wu_ref[...],
                          preferred_element_type=jnp.float32) + bu_ref[...]
    av_ref[...] = jnp.dot(xp, wv_ref[...], preferred_element_type=jnp.float32)


def _node_proj(x, wt, b, wu2t, bu2, wv2t):
    blk = 1000
    grid = N // blk
    return pl.pallas_call(
        _node_proj_body,
        grid=(grid,),
        in_specs=[
            pl.BlockSpec((blk, DIM), lambda i: (i, 0)),
            pl.BlockSpec((DIM, DIM), lambda i: (0, 0)),
            pl.BlockSpec((1, DIM), lambda i: (0, 0)),
            pl.BlockSpec((DIM, W16), lambda i: (0, 0)),
            pl.BlockSpec((1, W16), lambda i: (0, 0)),
            pl.BlockSpec((DIM, W16), lambda i: (0, 0)),
        ],
        out_specs=[
            pl.BlockSpec((blk, DIM), lambda i: (i, 0)),
            pl.BlockSpec((blk, W16), lambda i: (i, 0)),
            pl.BlockSpec((blk, W16), lambda i: (i, 0)),
        ],
        out_shape=[
            jax.ShapeDtypeStruct((N, DIM), jnp.float32),
            jax.ShapeDtypeStruct((N, W16), jnp.float32),
            jax.ShapeDtypeStruct((N, W16), jnp.float32),
        ],
    )(x, wt, b, wu2t, bu2, wv2t)


def _edge_bias_body(ef_ref, w_ref, c_ref, out_ref):
    h = jnp.dot(ef_ref[...], w_ref[...], preferred_element_type=jnp.float32)
    out_ref[...] = h + c_ref[...]


def _edge_bias(ef128, wbig, cbig):
    blk = 1000
    grid = (2 * E // 128) // blk
    return pl.pallas_call(
        _edge_bias_body,
        grid=(grid,),
        in_specs=[
            pl.BlockSpec((blk, 128), lambda i: (i, 0)),
            pl.BlockSpec((128, 1024), lambda i: (0, 0)),
            pl.BlockSpec((1, 1024), lambda i: (0, 0)),
        ],
        out_specs=pl.BlockSpec((blk, 1024), lambda i: (i, 0)),
        out_shape=jax.ShapeDtypeStruct((2 * E // 128, 1024), jnp.float32),
    )(ef128, wbig, cbig)


def _sc_pass1(src, dst, ae, au, av, zeros16):
    mesh = plsc.VectorSubcoreMesh(core_axis_name="c", subcore_axis_name="s")

    @functools.partial(
        pl.kernel,
        out_type=[
            jax.ShapeDtypeStruct((E, W16), jnp.float32),
            jax.ShapeDtypeStruct((NC, NPAD, W16), jnp.float32),
        ],
        mesh=mesh,
        compiler_params=pltpu.CompilerParams(use_tc_tiling_on_sc=False),
        scratch_types=(
            [pltpu.VMEM((K,), jnp.int32) for _ in range(2)]
            + [pltpu.VMEM((K,), jnp.int32) for _ in range(2)]
            + [pltpu.VMEM((K, W16), jnp.float32) for _ in range(2)]
            + [pltpu.VMEM((K, W16), jnp.float32) for _ in range(2)]
            + [pltpu.VMEM((K, W16), jnp.float32) for _ in range(2)]
            + [
                pltpu.VMEM_SHARED((NPAD, W16), jnp.float32),
                pltpu.SemaphoreType.DMA,
                pltpu.SemaphoreType.DMA,
                pltpu.SemaphoreType.DMA,
                pltpu.SemaphoreType.DMA,
            ]
        ),
    )
    def body(src_hbm, dst_hbm, ae_hbm, au_hbm, av_hbm, z_hbm,
             exp_hbm, ssum_hbm, s0, s1, t0, t1, a0, a1, b0, b1, e0, e1,
             ssum_sh, semi0, semi1, semd0, semd1):
        sv = [s0, s1]
        tv = [t0, t1]
        av_ = [a0, a1]
        bv = [b0, b1]
        ev = [e0, e1]
        semi = [semi0, semi1]
        semd = [semd0, semd1]
        c = lax.axis_index("c")
        s = lax.axis_index("s")
        rbase = s * ROWS_PER_TILE
        pltpu.sync_copy(z_hbm, ssum_sh.at[pl.ds(rbase, ROWS_PER_TILE)])
        plsc.subcore_barrier()

        tbase = c * EDGES_PER_SC + s * EDGES_PER_TILE

        def cbase(i):
            return pl.multiple_of(tbase, 8) + lax.min(i, NCHUNK - 1) * K

        def fire_idx(k, i):
            b = cbase(i)
            pltpu.async_copy(src_hbm.at[pl.ds(b, K)], sv[k], semi[k])
            pltpu.async_copy(dst_hbm.at[pl.ds(b, K)], tv[k], semi[k])

        def drain_idx(k):
            pltpu.make_async_copy(src_hbm.at[pl.ds(0, K)], sv[k],
                                  semi[k]).wait()
            pltpu.make_async_copy(dst_hbm.at[pl.ds(0, K)], tv[k],
                                  semi[k]).wait()

        def fire_data(k, i):
            b = cbase(i)
            pltpu.async_copy(ae_hbm.at[pl.ds(b, K)], ev[k], semd[k])
            for j in range(CH):
                pltpu.async_copy(
                    au_hbm.at[sv[k].at[pl.ds(j * KB, KB)]],
                    av_[k].at[pl.ds(j * KB, KB)], semd[k])
                pltpu.async_copy(
                    av_hbm.at[tv[k].at[pl.ds(j * KB, KB)]],
                    bv[k].at[pl.ds(j * KB, KB)], semd[k])

        def drain_data(k):
            pltpu.make_async_copy(ae_hbm.at[pl.ds(0, K)], ev[k],
                                  semd[k]).wait()
            pltpu.make_async_copy(ae_hbm.at[pl.ds(0, K)], av_[k],
                                  semd[k]).wait()
            pltpu.make_async_copy(ae_hbm.at[pl.ds(0, K)], bv[k],
                                  semd[k]).wait()

        def compute_scatter(k, i):
            asrc_v, advt_v, ebuf_v = av_[k], bv[k], ev[k]
            b = cbase(i)

            def edge(e4, _):
                for u in range(4):
                    e = e4 * 4 + u
                    sc = asrc_v[e, :] + advt_v[e, :] + ebuf_v[e, :]
                    sc = jnp.where(sc >= 0.0, sc, 0.2 * sc)
                    ebuf_v[e, :] = jnp.exp(sc)
                return 0

            lax.fori_loop(0, K // 4, edge, 0)
            est = pltpu.async_copy(ebuf_v, exp_hbm.at[pl.ds(b, K)], semi[k])
            pltpu.sync_copy(ebuf_v, ssum_sh.at[tv[k]], add=True)
            est.wait()

        fire_idx(0, 0)
        drain_idx(0)
        fire_data(0, 0)
        fire_idx(1, 1)

        def pipe(g, _):
            i0 = 2 * g
            drain_idx(1)
            fire_data(1, i0 + 1)
            drain_data(0)
            compute_scatter(0, i0)
            fire_idx(0, i0 + 2)
            drain_idx(0)
            drain_data(1)
            fire_data(0, i0 + 2)
            compute_scatter(1, i0 + 1)
            fire_idx(1, i0 + 3)
            return 0

        lax.fori_loop(0, NCHUNK // 2 - 1, pipe, 0)
        drain_idx(1)
        fire_data(1, NCHUNK - 1)
        drain_data(0)
        compute_scatter(0, NCHUNK - 2)
        drain_data(1)
        compute_scatter(1, NCHUNK - 1)

        plsc.subcore_barrier()
        pltpu.sync_copy(ssum_sh.at[pl.ds(rbase, ROWS_PER_TILE)],
                        ssum_hbm.at[c, pl.ds(rbase, ROWS_PER_TILE)])

    return body(src, dst, ae, au, av, zeros16)


def _combine_body(ss_ref, out_ref):
    out_ref[...] = 1.0 / (ss_ref[0] + ss_ref[1] + 1e-16)


def _combine(ssum):
    blk = 1000
    grid = N // blk
    return pl.pallas_call(
        _combine_body,
        grid=(grid,),
        in_specs=[pl.BlockSpec((NC, blk, W16), lambda i: (0, i, 0))],
        out_specs=pl.BlockSpec((blk, W16), lambda i: (i, 0)),
        out_shape=jax.ShapeDtypeStruct((N, W16), jnp.float32),
    )(ssum)


def _sc_pass2(src, dst, exps, rsum, xp, zeros128):
    mesh = plsc.VectorSubcoreMesh(core_axis_name="c", subcore_axis_name="s")
    P2 = K2 // 2

    @functools.partial(
        pl.kernel,
        out_type=jax.ShapeDtypeStruct((NC, NPAD, DIM), jnp.float32),
        mesh=mesh,
        compiler_params=pltpu.CompilerParams(use_tc_tiling_on_sc=False),
        scratch_types=(
            [pltpu.VMEM((K2,), jnp.int32) for _ in range(2)]
            + [pltpu.VMEM((K2,), jnp.int32) for _ in range(2)]
            + [pltpu.VMEM((K2, W16), jnp.float32) for _ in range(2)]
            + [pltpu.VMEM((K2, W16), jnp.float32) for _ in range(2)]
            + [pltpu.VMEM((K2, DIM), jnp.float32) for _ in range(2)]
            + [
                pltpu.VMEM_SHARED((NPAD, DIM), jnp.float32),
                pltpu.SemaphoreType.DMA,
                pltpu.SemaphoreType.DMA,
                pltpu.SemaphoreType.DMA,
                pltpu.SemaphoreType.DMA,
            ]
        ),
    )
    def body(src_hbm, dst_hbm, exp_hbm, rsum_hbm, xp_hbm, z_hbm,
             agg_hbm, s0, s1, t0, t1, e0, e1, r0, r1, x0, x1,
             agg_sh, semi0, semi1, semd0, semd1):
        sv = [s0, s1]
        tv = [t0, t1]
        ev = [e0, e1]
        rv = [r0, r1]
        xv = [x0, x1]
        semi = [semi0, semi1]
        semd = [semd0, semd1]
        c = lax.axis_index("c")
        s = lax.axis_index("s")
        rbase = s * ROWS_PER_TILE
        pltpu.sync_copy(z_hbm, agg_sh.at[pl.ds(rbase, ROWS_PER_TILE)])
        plsc.subcore_barrier()

        tbase = c * EDGES_PER_SC + s * EDGES_PER_TILE

        def cbase(i):
            return pl.multiple_of(tbase, 8) + lax.min(i, NCHUNK2 - 1) * K2

        def fire_idx(k, i):
            b = cbase(i)
            pltpu.async_copy(src_hbm.at[pl.ds(b, K2)], sv[k], semi[k])
            pltpu.async_copy(dst_hbm.at[pl.ds(b, K2)], tv[k], semi[k])

        def drain_idx(k):
            pltpu.make_async_copy(src_hbm.at[pl.ds(0, K2)], sv[k],
                                  semi[k]).wait()
            pltpu.make_async_copy(dst_hbm.at[pl.ds(0, K2)], tv[k],
                                  semi[k]).wait()

        def fire_data(k, i):
            b = cbase(i)
            pltpu.async_copy(exp_hbm.at[pl.ds(b, K2)], ev[k], semd[k])
            pltpu.async_copy(rsum_hbm.at[tv[k]], rv[k], semd[k])
            pltpu.async_copy(xp_hbm.at[sv[k]], xv[k], semd[k])

        def drain_data(k):
            pltpu.make_async_copy(exp_hbm.at[pl.ds(0, K2)], ev[k],
                                  semd[k]).wait()
            pltpu.make_async_copy(exp_hbm.at[pl.ds(0, K2)], rv[k],
                                  semd[k]).wait()
            pltpu.make_async_copy(xp_hbm.at[pl.ds(0, K2)], xv[k],
                                  semd[k]).wait()

        def compute_scatter(k):
            ebuf_v, rbuf_v, xbuf_v = ev[k], rv[k], xv[k]

            def edge(e2, _):
                for u in range(2):
                    e = e2 * 2 + u
                    p = ebuf_v[e, :] * rbuf_v[e, :]
                    for j in range(H):
                        xbuf_v[e, j * 16:(j + 1) * 16] = (
                            xbuf_v[e, j * 16:(j + 1) * 16] * p)
                return 0

            lax.fori_loop(0, P2, edge, 0)
            pltpu.sync_copy(xbuf_v, agg_sh.at[tv[k]], add=True)

        fire_idx(0, 0)
        drain_idx(0)
        fire_data(0, 0)
        fire_idx(1, 1)

        def pipe(g, _):
            i0 = 2 * g
            drain_idx(1)
            fire_data(1, i0 + 1)
            drain_data(0)
            compute_scatter(0)
            fire_idx(0, i0 + 2)
            drain_idx(0)
            drain_data(1)
            fire_data(0, i0 + 2)
            compute_scatter(1)
            fire_idx(1, i0 + 3)
            return 0

        lax.fori_loop(0, (NCHUNK2 - 1) // 2, pipe, 0)
        drain_idx(1)
        drain_data(0)
        compute_scatter(0)

        plsc.subcore_barrier()
        pltpu.sync_copy(agg_sh.at[pl.ds(rbase, ROWS_PER_TILE)],
                        agg_hbm.at[c, pl.ds(rbase, ROWS_PER_TILE)])

    return body(src, dst, exps, rsum, xp, zeros128)


def _ff_body(agg_ref, w1_ref, b1_ref, w2_ref, b2_ref, out_ref):
    a = agg_ref[0] + agg_ref[1]
    h = jnp.dot(a, w1_ref[...], preferred_element_type=jnp.float32)
    h = jax.nn.gelu(h + b1_ref[...])
    out_ref[...] = jnp.dot(h, w2_ref[...],
                           preferred_element_type=jnp.float32) + b2_ref[...]


def _ff(agg, w1t, b1, w2t, b2):
    blk = 1000
    grid = N // blk
    return pl.pallas_call(
        _ff_body,
        grid=(grid,),
        in_specs=[
            pl.BlockSpec((NC, blk, DIM), lambda i: (0, i, 0)),
            pl.BlockSpec((DIM, HID), lambda i: (0, 0)),
            pl.BlockSpec((1, HID), lambda i: (0, 0)),
            pl.BlockSpec((HID, DIM), lambda i: (0, 0)),
            pl.BlockSpec((1, DIM), lambda i: (0, 0)),
        ],
        out_specs=pl.BlockSpec((blk, DIM), lambda i: (i, 0)),
        out_shape=jax.ShapeDtypeStruct((N, DIM), jnp.float32),
    )(agg, w1t, b1, w2t, b2)


def kernel(x, edge_index, edge_feat, W_in, b_in, W_e, b_e, W_u, b_u, W_v,
           W_ae, b_ae, W_ff1, b_ff1, W_ff2, b_ff2):
    src = edge_index[0].astype(jnp.int32)
    dst = edge_index[1].astype(jnp.int32)

    wu2t = jnp.concatenate([W_u, W_u], axis=0).T
    bu2 = jnp.tile(b_u, 2).reshape(1, W16)
    wv2t = jnp.concatenate([W_v, W_v], axis=0).T
    m = W_e.T @ W_ae.T
    cvec = b_e @ W_ae.T + b_ae
    mm0 = jnp.tile(m[0], 2)
    mm1 = jnp.tile(m[1], 2)
    cc = jnp.arange(128)
    pp = jnp.arange(1024)
    pmod = pp % W16
    mask = (cc[:, None] // 2) == (pp[None, :] // W16)
    vals = jnp.where((cc[:, None] % 2) == 0, mm0[pmod][None, :],
                     mm1[pmod][None, :])
    wbig = jnp.where(mask, vals, 0.0).astype(jnp.float32)
    cbig = jnp.tile(jnp.tile(cvec, 2), 64).reshape(1, 1024)
    ef128 = edge_feat.reshape(2 * E // 128, 128)

    zeros16 = jnp.zeros((ROWS_PER_TILE, W16), jnp.float32)
    zeros128 = jnp.zeros((ROWS_PER_TILE, DIM), jnp.float32)

    xp, au16, av16 = _node_proj(x, W_in.T, b_in.reshape(1, DIM), wu2t,
                                bu2, wv2t)
    ae16 = _edge_bias(ef128, wbig, cbig).reshape(E, W16)
    exps, ssum = _sc_pass1(src, dst, ae16, au16, av16, zeros16)
    rsum = _combine(ssum)
    agg = _sc_pass2(src, dst, exps, rsum, xp, zeros128)
    return _ff(agg, W_ff1.T, b_ff1.reshape(1, HID), W_ff2.T,
               b_ff2.reshape(1, DIM))

# --- scband reference (transcript-rebuilt; emitter-appended) ---
"""Pipeline reference for scband-dgatmodule-47467978555681 (READ-ONLY COPY).

The authoritative reference and input builder live on the scoring server;
editing this copy changes nothing except your own understanding.
"""

import jax, jax.numpy as jnp
import numpy as np

N = 10000
E = 320000
DIM = 128
H = 8
HD = DIM // H
HID = DIM * 2


def setup_inputs(seed: int = 0) -> dict:
    key = jax.random.key(seed)
    ks = jax.random.split(key, 18)
    s = 0.05
    return {
        'x': jax.random.normal(ks[0], (N, DIM), dtype=jnp.float32),
        'edge_index': jax.random.randint(ks[1], (2, E), 0, N, dtype=jnp.int64),
        'edge_feat': jax.random.normal(ks[2], (E, 2), dtype=jnp.float32),
        'W_in': jax.random.normal(ks[3], (DIM, DIM), dtype=jnp.float32) * s,
        'b_in': jnp.zeros((DIM,), dtype=jnp.float32),
        'W_e': jax.random.normal(ks[4], (DIM, 2), dtype=jnp.float32) * s,
        'b_e': jnp.zeros((DIM,), dtype=jnp.float32),
        'W_u': jax.random.normal(ks[5], (H, DIM), dtype=jnp.float32) * s,
        'b_u': jnp.zeros((H,), dtype=jnp.float32),
        'W_v': jax.random.normal(ks[6], (H, DIM), dtype=jnp.float32) * s,
        'W_ae': jax.random.normal(ks[7], (H, DIM), dtype=jnp.float32) * s,
        'b_ae': jnp.zeros((H,), dtype=jnp.float32),
        'W_ff1': jax.random.normal(ks[8], (HID, DIM), dtype=jnp.float32) * s,
        'b_ff1': jnp.zeros((HID,), dtype=jnp.float32),
        'W_ff2': jax.random.normal(ks[9], (DIM, HID), dtype=jnp.float32) * s,
        'b_ff2': jnp.zeros((DIM,), dtype=jnp.float32),
    }


def reference(x, edge_index, edge_feat, W_in, b_in, W_e, b_e, W_u, b_u, W_v, W_ae, b_ae, W_ff1, b_ff1, W_ff2, b_ff2):
    src = edge_index[0]
    dst = edge_index[1]
    # input linear
    x = x @ W_in.T + b_in
    # edge linear
    ea = edge_feat @ W_e.T + b_e
    # attention scores
    au = x @ W_u.T + b_u            # [N, H]
    av = x @ W_v.T                  # [N, H] (no bias)
    ae = ea @ W_ae.T + b_ae         # [E, H]
    # u_add_v: score per edge = au[src] + av[dst], then add edge scores
    scores = au[src] + av[dst] + ae  # [E, H]
    # LeakyReLU(0.2)
    scores = jnp.where(scores >= 0, scores, 0.2 * scores)
    # edge_softmax over incoming edges grouped by destination node
    smax = jax.ops.segment_max(scores, dst, num_segments=N)
    smax = jnp.where(jnp.isfinite(smax), smax, 0.0)
    ex = jnp.exp(scores - smax[dst])
    ssum = jax.ops.segment_sum(ex, dst, num_segments=N)
    probs = ex / (ssum[dst] + 1e-16)  # [E, H]
    # u_mul_e_sum: weighted message aggregation
    xh = x.reshape(N, HD, H)
    msg = xh[src] * probs[:, None, :]  # [E, HD, H]
    agg = jax.ops.segment_sum(msg, dst, num_segments=N)
    out = agg.reshape(N, DIM)
    # feed forward module (dropout=0)
    h = out @ W_ff1.T + b_ff1
    h = jax.nn.gelu(h)
    out = h @ W_ff2.T + b_ff2
    return out

if __name__ == "__main__":
    import jax
    _d = setup_inputs()
    print(jax.jit(kernel)(*tuple(_d.values())))

</pallas_src>

<mosaic_0001>
#map = affine_map<(d0, d1) -> (0)>
#map1 = affine_map<(d0, d1) -> (0, 0)>
#map2 = affine_map<(d0, d1) -> (0, 0, 0)>
module attributes {stable_mosaic.version = 14 : i64} {
  func.func @body(%arg0: i32, %arg1: i32, %arg2: memref<320000xi32, #tpu.memory_space<hbm>>, %arg3: memref<320000xi32, #tpu.memory_space<hbm>>, %arg4: memref<320000x16xf32, #tpu.memory_space<hbm>>, %arg5: memref<10000x16xf32, #tpu.memory_space<hbm>>, %arg6: memref<10000x16xf32, #tpu.memory_space<hbm>>, %arg7: memref<640x16xf32, #tpu.memory_space<hbm>>, %arg8: memref<320000x16xf32, #tpu.memory_space<hbm>>, %arg9: memref<2x10240x16xf32, #tpu.memory_space<hbm>>, %arg10: memref<200xi32, #tpu.memory_space<vmem>>, %arg11: memref<200xi32, #tpu.memory_space<vmem>>, %arg12: memref<200xi32, #tpu.memory_space<vmem>>, %arg13: memref<200xi32, #tpu.memory_space<vmem>>, %arg14: memref<200x16xf32, #tpu.memory_space<vmem>>, %arg15: memref<200x16xf32, #tpu.memory_space<vmem>>, %arg16: memref<200x16xf32, #tpu.memory_space<vmem>>, %arg17: memref<200x16xf32, #tpu.memory_space<vmem>>, %arg18: memref<200x16xf32, #tpu.memory_space<vmem>>, %arg19: memref<200x16xf32, #tpu.memory_space<vmem>>, %arg20: memref<10240x16xf32, #tpu.memory_space<vmem_shared>>, %arg21: memref<!tpu.dma_semaphore, #tpu.memory_space<semaphore_mem>>, %arg22: memref<!tpu.dma_semaphore, #tpu.memory_space<semaphore_mem>>, %arg23: memref<!tpu.dma_semaphore, #tpu.memory_space<semaphore_mem>>, %arg24: memref<!tpu.dma_semaphore, #tpu.memory_space<semaphore_mem>>) attributes {dimension_semantics = [#tpu.dimension_semantics<core_parallel>, #tpu.dimension_semantics<subcore_parallel>], iteration_bounds = array<i64: 2, 16>, scalar_prefetch = 0 : i64, scratch_operands = 15 : i64, tpu.core_type = #tpu.core_type<sc_vector_subcore>, window_params = [{transform_indices = #map}, {transform_indices = #map}, {transform_indices = #map1}, {transform_indices = #map1}, {transform_indices = #map1}, {transform_indices = #map1}, {transform_indices = #map1}, {transform_indices = #map2}]} {
    %mul3A = arith.constant 640 : i32
    %mul3A_0 = arith.muli %arg1, %mul3A : i32
    "tpu.region"() ({
      %run_scoped3A = tpu.sem_alloc : memref<!tpu.dma_semaphore, #tpu.memory_space<semaphore_mem>>
      %dma_start3A_308 = arith.constant 0 : i32
      %dma_start3A_309 = tpu.memref_slice %arg20[%mul3A_0, %dma_start3A_308] : memref<10240x16xf32, #tpu.memory_space<vmem_shared>> -> memref<640x16xf32, #tpu.memory_space<vmem_shared>>
      tpu.enqueue_dma source(%arg7 : memref<640x16xf32, #tpu.memory_space<hbm>>) target(%dma_start3A_309 : memref<640x16xf32, #tpu.memory_space<vmem_shared>>) target_semaphore(%run_scoped3A : memref<!tpu.dma_semaphore, #tpu.memory_space<semaphore_mem>>)
      %dma_wait3A_310 = arith.constant 0 : i32
      %dma_wait3A_311 = tpu.memref_slice %arg20[%mul3A_0, %dma_wait3A_310] : memref<10240x16xf32, #tpu.memory_space<vmem_shared>> -> memref<640x16xf32, #tpu.memory_space<vmem_shared>>
      tpu.wait_dma2 semaphore(%run_scoped3A : memref<!tpu.dma_semaphore, #tpu.memory_space<semaphore_mem>>) src(%arg7 : memref<640x16xf32, #tpu.memory_space<hbm>>) dst(%dma_wait3A_311 : memref<640x16xf32, #tpu.memory_space<vmem_shared>>)
      tpu.yield
    }) : () -> ()
    %barrier3A = arith.constant 0 : index
    tpu.barrier barrier_id(%barrier3A)
    %mul3A_1 = arith.constant 160000 : i32
    %mul3A_2 = arith.muli %arg0, %mul3A_1 : i32
    %mul3A_3 = arith.constant 10000 : i32
    %mul3A_4 = arith.muli %arg1, %mul3A_3 : i32
    %add3A = arith.addi %mul3A_2, %mul3A_4 : i32
    %multiple_of3A = tpu.assume_multiple %add3A, 8 : i32
    %min3A = arith.constant 0 : i32
    %min3A_5 = arith.constant 49 : i32
    %min3A_6 = arith.minsi %min3A, %min3A_5 : i32
    %mul3A_7 = arith.constant 200 : i32
    %mul3A_8 = arith.muli %min3A_6, %mul3A_7 : i32
    %add3A_9 = arith.addi %multiple_of3A, %mul3A_8 : i32
    %dma_start3A = tpu.memref_slice %arg2[%add3A_9] : memref<320000xi32, #tpu.memory_space<hbm>> -> memref<200xi32, #tpu.memory_space<hbm>>
    %dma_start3A_10 = tpu.memref_slice %arg2[%add3A_9] : memref<320000xi32, #tpu.memory_space<hbm>> -> memref<200xi32, #tpu.memory_space<hbm>>
    tpu.enqueue_dma source(%dma_start3A_10 : memref<200xi32, #tpu.memory_space<hbm>>) target(%arg10 : memref<200xi32, #tpu.memory_space<vmem>>) target_semaphore(%arg21 : memref<!tpu.dma_semaphore, #tpu.memory_space<semaphore_mem>>)
    %dma_start3A_11 = tpu.memref_slice %arg3[%add3A_9] : memref<320000xi32, #tpu.memory_space<hbm>> -> memref<200xi32, #tpu.memory_space<hbm>>
    %dma_start3A_12 = tpu.memref_slice %arg3[%add3A_9] : memref<320000xi32, #tpu.memory_space<hbm>> -> memref<200xi32, #tpu.memory_space<hbm>>
    tpu.enqueue_dma source(%dma_start3A_12 : memref<200xi32, #tpu.memory_space<hbm>>) target(%arg12 : memref<200xi32, #tpu.memory_space<vmem>>) target_semaphore(%arg21 : memref<!tpu.dma_semaphore, #tpu.memory_space<semaphore_mem>>)
    %dma_wait3A = arith.constant 0 : i32
    %dma_wait3A_13 = tpu.memref_slice %arg2[%dma_wait3A] : memref<320000xi32, #tpu.memory_space<hbm>> -> memref<200xi32, #tpu.memory_space<hbm>>
    %dma_wait3A_14 = arith.constant 0 : i32
    %dma_wait3A_15 = tpu.memref_slice %arg2[%dma_wait3A_14] : memref<320000xi32, #tpu.memory_space<hbm>> -> memref<200xi32, #tpu.memory_space<hbm>>
    tpu.wait_dma2 semaphore(%arg21 : memref<!tpu.dma_semaphore, #tpu.memory_space<semaphore_mem>>) src(%dma_wait3A_15 : memref<200xi32, #tpu.memory_space<hbm>>) dst(%arg10 : memref<200xi32, #tpu.memory_space<vmem>>)
    %dma_wait3A_16 = arith.constant 0 : i32
    %dma_wait3A_17 = tpu.memref_slice %arg3[%dma_wait3A_16] : memref<320000xi32, #tpu.memory_space<hbm>> -> memref<200xi32, #tpu.memory_space<hbm>>
    %dma_wait3A_18 = arith.constant 0 : i32
    %dma_wait3A_19 = tpu.memref_slice %arg3[%dma_wait3A_18] : memref<320000xi32, #tpu.memory_space<hbm>> -> memref<200xi32, #tpu.memory_space<hbm>>
    tpu.wait_dma2 semaphore(%arg21 : memref<!tpu.dma_semaphore, #tpu.memory_space<semaphore_mem>>) src(%dma_wait3A_19 : memref<200xi32, #tpu.memory_space<hbm>>) dst(%arg12 : memref<200xi32, #tpu.memory_space<vmem>>)
    %multiple_of3A_20 = tpu.assume_multiple %add3A, 8 : i32
    %min3A_21 = arith.constant 0 : i32
    %min3A_22 = arith.constant 49 : i32
    %min3A_23 = arith.minsi %min3A_21, %min3A_22 : i32
    %mul3A_24 = arith.constant 200 : i32
    %mul3A_25 = arith.muli %min3A_23, %mul3A_24 : i32
    %add3A_26 = arith.addi %multiple_of3A_20, %mul3A_25 : i32
    %dma_start3A_27 = arith.constant 0 : i32
    %dma_start3A_28 = tpu.memref_slice %arg4[%add3A_26, %dma_start3A_27] : memref<320000x16xf32, #tpu.memory_space<hbm>> -> memref<200x16xf32, #tpu.memory_space<hbm>>
    %dma_start3A_29 = arith.constant 0 : i32
    %dma_start3A_30 = tpu.memref_slice %arg4[%add3A_26, %dma_start3A_29] : memref<320000x16xf32, #tpu.memory_space<hbm>> -> memref<200x16xf32, #tpu.memory_space<hbm>>
    tpu.enqueue_dma source(%dma_start3A_30 : memref<200x16xf32, #tpu.memory_space<hbm>>) target(%arg18 : memref<200x16xf32, #tpu.memory_space<vmem>>) target_semaphore(%arg23 : memref<!tpu.dma_semaphore, #tpu.memory_space<semaphore_mem>>)
    %dma_start3A_31 = arith.constant 0 : i32
    %dma_start3A_32 = arith.constant 0 : i32
    %dma_start3A_33 = tpu.memref_slice %arg14[%dma_start3A_31, %dma_start3A_32] : memref<200x16xf32, #tpu.memory_space<vmem>> -> memref<40x16xf32, #tpu.memory_space<vmem>>
    %dma_start3A_34 = arith.constant 0 : i32
    %dma_start3A_35 = tpu.memref_slice %arg10[%dma_start3A_34] : memref<200xi32, #tpu.memory_space<vmem>> -> memref<40xi32, #tpu.memory_space<vmem>>
    %dma_start3A_36 = arith.constant 0 : i32
    %dma_start3A_37 = arith.constant 0 : i32
    %dma_start3A_38 = tpu.memref_slice %arg5[%dma_start3A_36, %dma_start3A_37] : memref<10000x16xf32, #tpu.memory_space<hbm>> -> memref<10000x16xf32, #tpu.memory_space<hbm>>
    tpu.enqueue_indirect_dma source(%dma_start3A_38 : memref<10000x16xf32, #tpu.memory_space<hbm>>) target(%dma_start3A_33 : memref<40x16xf32, #tpu.memory_space<vmem>>) offsets(%dma_start3A_35 : memref<40xi32, #tpu.memory_space<vmem>>) semaphore(%arg23 : memref<!tpu.dma_semaphore, #tpu.memory_space<semaphore_mem>>)
    %dma_start3A_39 = arith.constant 0 : i32
    %dma_start3A_40 = arith.constant 0 : i32
    %dma_start3A_41 = tpu.memref_slice %arg16[%dma_start3A_39, %dma_start3A_40] : memref<200x16xf32, #tpu.memory_space<vmem>> -> memref<40x16xf32, #tpu.memory_space<vmem>>
    %dma_start3A_42 = arith.constant 0 : i32
    %dma_start3A_43 = tpu.memref_slice %arg12[%dma_start3A_42] : memref<200xi32, #tpu.memory_space<vmem>> -> memref<40xi32, #tpu.memory_space<vmem>>
    %dma_start3A_44 = arith.constant 0 : i32
    %dma_start3A_45 = arith.constant 0 : i32
    %dma_start3A_46 = tpu.memref_slice %arg6[%dma_start3A_44, %dma_start3A_45] : memref<10000x16xf32, #tpu.memory_space<hbm>> -> memref<10000x16xf32, #tpu.memory_space<hbm>>
    tpu.enqueue_indirect_dma source(%dma_start3A_46 : memref<10000x16xf32, #tpu.memory_space<hbm>>) target(%dma_start3A_41 : memref<40x16xf32, #tpu.memory_space<vmem>>) offsets(%dma_start3A_43 : memref<40xi32, #tpu.memory_space<vmem>>) semaphore(%arg23 : memref<!tpu.dma_semaphore, #tpu.memory_space<semaphore_mem>>)
    %dma_start3A_47 = arith.constant 40 : i32
    %dma_start3A_48 = arith.constant 0 : i32
    %dma_start3A_49 = tpu.memref_slice %arg14[%dma_start3A_47, %dma_start3A_48] : memref<200x16xf32, #tpu.memory_space<vmem>> -> memref<40x16xf32, #tpu.memory_space<vmem>>
    %dma_start3A_50 = arith.constant 40 : i32
    %dma_start3A_51 = tpu.memref_slice %arg10[%dma_start3A_50] : memref<200xi32, #tpu.memory_space<vmem>> -> memref<40xi32, #tpu.memory_space<vmem>>
    %dma_start3A_52 = arith.constant 0 : i32
    %dma_start3A_53 = arith.constant 0 : i32
    %dma_start3A_54 = tpu.memref_slice %arg5[%dma_start3A_52, %dma_start3A_53] : memref<10000x16xf32, #tpu.memory_space<hbm>> -> memref<10000x16xf32, #tpu.memory_space<hbm>>
    tpu.enqueue_indirect_dma source(%dma_start3A_54 : memref<10000x16xf32, #tpu.memory_space<hbm>>) target(%dma_start3A_49 : memref<40x16xf32, #tpu.memory_space<vmem>>) offsets(%dma_start3A_51 : memref<40xi32, #tpu.memory_space<vmem>>) semaphore(%arg23 : memref<!tpu.dma_semaphore, #tpu.memory_space<semaphore_mem>>)
    %dma_start3A_55 = arith.constant 40 : i32
    %dma_start3A_56 = arith.constant 0 : i32
    %dma_start3A_57 = tpu.memref_slice %arg16[%dma_start3A_55, %dma_start3A_56] : memref<200x16xf32, #tpu.memory_space<vmem>> -> memref<40x16xf32, #tpu.memory_space<vmem>>
    %dma_start3A_58 = arith.constant 40 : i32
    %dma_start3A_59 = tpu.memref_slice %arg12[%dma_start3A_58] : memref<200xi32, #tpu.memory_space<vmem>> -> memref<40xi32, #tpu.memory_space<vmem>>
    %dma_start3A_60 = arith.constant 0 : i32
    %dma_start3A_61 = arith.constant 0 : i32
    %dma_start3A_62 = tpu.memref_slice %arg6[%dma_start3A_60, %dma_start3A_61] : memref<10000x16xf32, #tpu.memory_space<hbm>> -> memref<10000x16xf32, #tpu.memory_space<hbm>>
    tpu.enqueue_indirect_dma source(%dma_start3A_62 : memref<10000x16xf32, #tpu.memory_space<hbm>>) target(%dma_start3A_57 : memref<40x16xf32, #tpu.memory_space<vmem>>) offsets(%dma_start3A_59 : memref<40xi32, #tpu.memory_space<vmem>>) semaphore(%arg23 : memref<!tpu.dma_semaphore, #tpu.memory_space<semaphore_mem>>)
    %dma_start3A_63 = arith.constant 80 : i32
    %dma_start3A_64 = arith.constant 0 : i32
    %dma_start3A_65 = tpu.memref_slice %arg14[%dma_start3A_63, %dma_start3A_64] : memref<200x16xf32, #tpu.memory_space<vmem>> -> memref<40x16xf32, #tpu.memory_space<vmem>>
    %dma_start3A_66 = arith.constant 80 : i32
    %dma_start3A_67 = tpu.memref_slice %arg10[%dma_start3A_66] : memref<200xi32, #tpu.memory_space<vmem>> -> memref<40xi32, #tpu.memory_space<vmem>>
    %dma_start3A_68 = arith.constant 0 : i32
    %dma_start3A_69 = arith.constant 0 : i32
    %dma_start3A_70 = tpu.memref_slice %arg5[%dma_start3A_68, %dma_start3A_69] : memref<10000x16xf32, #tpu.memory_space<hbm>> -> memref<10000x16xf32, #tpu.memory_space<hbm>>
    tpu.enqueue_indirect_dma source(%dma_start3A_70 : memref<10000x16xf32, #tpu.memory_space<hbm>>) target(%dma_start3A_65 : memref<40x16xf32, #tpu.memory_space<vmem>>) offsets(%dma_start3A_67 : memref<40xi32, #tpu.memory_space<vmem>>) semaphore(%arg23 : memref<!tpu.dma_semaphore, #tpu.memory_space<semaphore_mem>>)
    %dma_start3A_71 = arith.constant 80 : i32
    %dma_start3A_72 = arith.constant 0 : i32
    %dma_start3A_73 = tpu.memref_slice %arg16[%dma_start3A_71, %dma_start3A_72] : memref<200x16xf32, #tpu.memory_space<vmem>> -> memref<40x16xf32, #tpu.memory_space<vmem>>
    %dma_start3A_74 = arith.constant 80 : i32
    %dma_start3A_75 = tpu.memref_slice %arg12[%dma_start3A_74] : memref<200xi32, #tpu.memory_space<vmem>> -> memref<40xi32, #tpu.memory_space<vmem>>
    %dma_start3A_76 = arith.constant 0 : i32
    %dma_start3A_77 = arith.constant 0 : i32
    %dma_start3A_78 = tpu.memref_slice %arg6[%dma_start3A_76, %dma_start3A_77] : memref<10000x16xf32, #tpu.memory_space<hbm>> -> memref<10000x16xf32, #tpu.memory_space<hbm>>
    tpu.enqueue_indirect_dma source(%dma_start3A_78 : memref<10000x16xf32, #tpu.memory_space<hbm>>) target(%dma_start3A_73 : memref<40x16xf32, #tpu.memory_space<vmem>>) offsets(%dma_start3A_75 : memref<40xi32, #tpu.memory_space<vmem>>) semaphore(%arg23 : memref<!tpu.dma_semaphore, #tpu.memory_space<semaphore_mem>>)
    %dma_start3A_79 = arith.constant 120 : i32
    %dma_start3A_80 = arith.constant 0 : i32
    %dma_start3A_81 = tpu.memref_slice %arg14[%dma_start3A_79, %dma_start3A_80] : memref<200x16xf32, #tpu.memory_space<vmem>> -> memref<40x16xf32, #tpu.memory_space<vmem>>
    %dma_start3A_82 = arith.constant 120 : i32
    %dma_start3A_83 = tpu.memref_slice %arg10[%dma_start3A_82] : memref<200xi32, #tpu.memory_space<vmem>> -> memref<40xi32, #tpu.memory_space<vmem>>
    %dma_start3A_84 = arith.constant 0 : i32
    %dma_start3A_85 = arith.constant 0 : i32
    %dma_start3A_86 = tpu.memref_slice %arg5[%dma_start3A_84, %dma_start3A_85] : memref<10000x16xf32, #tpu.memory_space<hbm>> -> memref<10000x16xf32, #tpu.memory_space<hbm>>
    tpu.enqueue_indirect_dma source(%dma_start3A_86 : memref<10000x16xf32, #tpu.memory_space<hbm>>) target(%dma_start3A_81 : memref<40x16xf32, #tpu.memory_space<vmem>>) offsets(%dma_start3A_83 : memref<40xi32, #tpu.memory_space<vmem>>) semaphore(%arg23 : memref<!tpu.dma_semaphore, #tpu.memory_space<semaphore_mem>>)
    %dma_start3A_87 = arith.constant 120 : i32
    %dma_start3A_88 = arith.constant 0 : i32
    %dma_start3A_89 = tpu.memref_slice %arg16[%dma_start3A_87, %dma_start3A_88] : memref<200x16xf32, #tpu.memory_space<vmem>> -> memref<40x16xf32, #tpu.memory_space<vmem>>
    %dma_start3A_90 = arith.constant 120 : i32
    %dma_start3A_91 = tpu.memref_slice %arg12[%dma_start3A_90] : memref<200xi32, #tpu.memory_space<vmem>> -> memref<40xi32, #tpu.memory_space<vmem>>
    %dma_start3A_92 = arith.constant 0 : i32
    %dma_start3A_93 = arith.constant 0 : i32
    %dma_start3A_94 = tpu.memref_slice %arg6[%dma_start3A_92, %dma_start3A_93] : memref<10000x16xf32, #tpu.memory_space<hbm>> -> memref<10000x16xf32, #tpu.memory_space<hbm>>
    tpu.enqueue_indirect_dma source(%dma_start3A_94 : memref<10000x16xf32, #tpu.memory_space<hbm>>) target(%dma_start3A_89 : memref<40x16xf32, #tpu.memory_space<vmem>>) offsets(%dma_start3A_91 : memref<40xi32, #tpu.memory_space<vmem>>) semaphore(%arg23 : memref<!tpu.dma_semaphore, #tpu.memory_space<semaphore_mem>>)
    %dma_start3A_95 = arith.constant 160 : i32
    %dma_start3A_96 = arith.constant 0 : i32
    %dma_start3A_97 = tpu.memref_slice %arg14[%dma_start3A_95, %dma_start3A_96] : memref<200x16xf32, #tpu.memory_space<vmem>> -> memref<40x16xf32, #tpu.memory_space<vmem>>
    %dma_start3A_98 = arith.constant 160 : i32
    %dma_start3A_99 = tpu.memref_slice %arg10[%dma_start3A_98] : memref<200xi32, #tpu.memory_space<vmem>> -> memref<40xi32, #tpu.memory_space<vmem>>
    %dma_start3A_100 = arith.constant 0 : i32
    %dma_start3A_101 = arith.constant 0 : i32
    %dma_start3A_102 = tpu.memref_slice %arg5[%dma_start3A_100, %dma_start3A_101] : memref<10000x16xf32, #tpu.memory_space<hbm>> -> memref<10000x16xf32, #tpu.memory_space<hbm>>
    tpu.enqueue_indirect_dma source(%dma_start3A_102 : memref<10000x16xf32, #tpu.memory_space<hbm>>) target(%dma_start3A_97 : memref<40x16xf32, #tpu.memory_space<vmem>>) offsets(%dma_start3A_99 : memref<40xi32, #tpu.memory_space<vmem>>) semaphore(%arg23 : memref<!tpu.dma_semaphore, #tpu.memory_space<semaphore_mem>>)
    %dma_start3A_103 = arith.constant 160 : i32
    %dma_start3A_104 = arith.constant 0 : i32
    %dma_start3A_105 = tpu.memref_slice %arg16[%dma_start3A_103, %dma_start3A_104] : memref<200x16xf32, #tpu.memory_space<vmem>> -> memref<40x16xf32, #tpu.memory_space<vmem>>
    %dma_start3A_106 = arith.constant 160 : i32
    %dma_start3A_107 = tpu.memref_slice %arg12[%dma_start3A_106] : memref<200xi32, #tpu.memory_space<vmem>> -> memref<40xi32, #tpu.memory_space<vmem>>
    %dma_start3A_108 = arith.constant 0 : i32
    %dma_start3A_109 = arith.constant 0 : i32
    %dma_start3A_110 = tpu.memref_slice %arg6[%dma_start3A_108, %dma_start3A_109] : memref<10000x16xf32, #tpu.memory_space<hbm>> -> memref<10000x16xf32, #tpu.memory_space<hbm>>
    tpu.enqueue_indirect_dma source(%dma_start3A_110 : memref<10000x16xf32, #tpu.memory_space<hbm>>) target(%dma_start3A_105 : memref<40x16xf32, #tpu.memory_space<vmem>>) offsets(%dma_start3A_107 : memref<40xi32, #tpu.memory_space<vmem>>) semaphore(%arg23 : memref<!tpu.dma_semaphore, #tpu.memory_space<semaphore_mem>>)
    %multiple_of3A_111 = tpu.assume_multiple %add3A, 8 : i32
    %min3A_112 = arith.constant 1 : i32
    %min3A_113 = arith.constant 49 : i32
    %min3A_114 = arith.minsi %min3A_112, %min3A_113 : i32
    %mul3A_115 = arith.constant 200 : i32
    %mul3A_116 = arith.muli %min3A_114, %mul3A_115 : i32
    %add3A_117 = arith.addi %multiple_of3A_111, %mul3A_116 : i32
    %dma_start3A_118 = tpu.memref_slice %arg2[%add3A_117] : memref<320000xi32, #tpu.memory_space<hbm>> -> memref<200xi32, #tpu.memory_space<hbm>>
    %dma_start3A_119 = tpu.memref_slice %arg2[%add3A_117] : memref<320000xi32, #tpu.memory_space<hbm>> -> memref<200xi32, #tpu.memory_space<hbm>>
    tpu.enqueue_dma source(%dma_start3A_119 : memref<200xi32, #tpu.memory_space<hbm>>) target(%arg11 : memref<200xi32, #tpu.memory_space<vmem>>) target_semaphore(%arg22 : memref<!tpu.dma_semaphore, #tpu.memory_space<semaphore_mem>>)
    %dma_start3A_120 = tpu.memref_slice %arg3[%add3A_117] : memref<320000xi32, #tpu.memory_space<hbm>> -> memref<200xi32, #tpu.memory_space<hbm>>
    %dma_start3A_121 = tpu.memref_slice %arg3[%add3A_117] : memref<320000xi32, #tpu.memory_space<hbm>> -> memref<200xi32, #tpu.memory_space<hbm>>
    tpu.enqueue_dma source(%dma_start3A_121 : memref<200xi32, #tpu.memory_space<hbm>>) target(%arg13 : memref<200xi32, #tpu.memory_space<vmem>>) target_semaphore(%arg22 : memref<!tpu.dma_semaphore, #tpu.memory_space<semaphore_mem>>)
    %scan3A = arith.constant 0 : i32
    %scan3A_122 = arith.constant 0 : i32
    %scan3A_123 = arith.constant 24 : i32
    %scan3A_124 = arith.addi %scan3A_122, %scan3A_123 : i32
    %scan3A_125 = arith.constant 1 : i32
    %scan3A_126 = scf.for %scan3A_308 = %scan3A_122 to %scan3A_124 step %scan3A_125 iter_args(%scan3A_309 = %scan3A) -> (i32)  : i32 {
      %mul3A_310 = arith.constant 2 : i32
      %mul3A_311 = arith.muli %mul3A_310, %scan3A_308 : i32
      %dma_wait3A_312 = arith.constant 0 : i32
      %dma_wait3A_313 = tpu.memref_slice %arg2[%dma_wait3A_312] : memref<320000xi32, #tpu.memory_space<hbm>> -> memref<200xi32, #tpu.memory_space<hbm>>
      %dma_wait3A_314 = arith.constant 0 : i32
      %dma_wait3A_315 = tpu.memref_slice %arg2[%dma_wait3A_314] : memref<320000xi32, #tpu.memory_space<hbm>> -> memref<200xi32, #tpu.memory_space<hbm>>
      tpu.wait_dma2 semaphore(%arg22 : memref<!tpu.dma_semaphore, #tpu.memory_space<semaphore_mem>>) src(%dma_wait3A_315 : memref<200xi32, #tpu.memory_space<hbm>>) dst(%arg11 : memref<200xi32, #tpu.memory_space<vmem>>)
      %dma_wait3A_316 = arith.constant 0 : i32
      %dma_wait3A_317 = tpu.memref_slice %arg3[%dma_wait3A_316] : memref<320000xi32, #tpu.memory_space<hbm>> -> memref<200xi32, #tpu.memory_space<hbm>>
      %dma_wait3A_318 = arith.constant 0 : i32
      %dma_wait3A_319 = tpu.memref_slice %arg3[%dma_wait3A_318] : memref<320000xi32, #tpu.memory_space<hbm>> -> memref<200xi32, #tpu.memory_space<hbm>>
      tpu.wait_dma2 semaphore(%arg22 : memref<!tpu.dma_semaphore, #tpu.memory_space<semaphore_mem>>) src(%dma_wait3A_319 : memref<200xi32, #tpu.memory_space<hbm>>) dst(%arg13 : memref<200xi32, #tpu.memory_space<vmem>>)
      %add3A_320 = arith.constant 1 : i32
      %add3A_321 = arith.addi %mul3A_311, %add3A_320 : i32
      %multiple_of3A_322 = tpu.assume_multiple %add3A, 8 : i32
      %min3A_323 = arith.constant 49 : i32
      %min3A_324 = arith.minsi %add3A_321, %min3A_323 : i32
      %mul3A_325 = arith.constant 200 : i32
      %mul3A_326 = arith.muli %min3A_324, %mul3A_325 : i32
      %add3A_327 = arith.addi %multiple_of3A_322, %mul3A_326 : i32
      %dma_start3A_328 = arith.constant 0 : i32
      %dma_start3A_329 = tpu.memref_slice %arg4[%add3A_327, %dma_start3A_328] : memref<320000x16xf32, #tpu.memory_space<hbm>> -> memref<200x16xf32, #tpu.memory_space<hbm>>
      %dma_start3A_330 = arith.constant 0 : i32
      %dma_start3A_331 = tpu.memref_slice %arg4[%add3A_327, %dma_start3A_330] : memref<320000x16xf32, #tpu.memory_space<hbm>> -> memref<200x16xf32, #tpu.memory_space<hbm>>
      tpu.enqueue_dma source(%dma_start3A_331 : memref<200x16xf32, #tpu.memory_space<hbm>>) target(%arg19 : memref<200x16xf32, #tpu.memory_space<vmem>>) target_semaphore(%arg24 : memref<!tpu.dma_semaphore, #tpu.memory_space<semaphore_mem>>)
      %dma_start3A_332 = arith.constant 0 : i32
      %dma_start3A_333 = arith.constant 0 : i32
      %dma_start3A_334 = tpu.memref_slice %arg15[%dma_start3A_332, %dma_start3A_333] : memref<200x16xf32, #tpu.memory_space<vmem>> -> memref<40x16xf32, #tpu.memory_space<vmem>>
      %dma_start3A_335 = arith.constant 0 : i32
      %dma_start3A_336 = tpu.memref_slice %arg11[%dma_start3A_335] : memref<200xi32, #tpu.memory_space<vmem>> -> memref<40xi32, #tpu.memory_space<vmem>>
      %dma_start3A_337 = arith.constant 0 : i32
      %dma_start3A_338 = arith.constant 0 : i32
      %dma_start3A_339 = tpu.memref_slice %arg5[%dma_start3A_337, %dma_start3A_338] : memref<10000x16xf32, #tpu.memory_space<hbm>> -> memref<10000x16xf32, #tpu.memory_space<hbm>>
      tpu.enqueue_indirect_dma source(%dma_start3A_339 : memref<10000x16xf32, #tpu.memory_space<hbm>>) target(%dma_start3A_334 : memref<40x16xf32, #tpu.memory_space<vmem>>) offsets(%dma_start3A_336 : memref<40xi32, #tpu.memory_space<vmem>>) semaphore(%arg24 : memref<!tpu.dma_semaphore, #tpu.memory_space<semaphore_mem>>)
      %dma_start3A_340 = arith.constant 0 : i32
      %dma_start3A_341 = arith.constant 0 : i32
      %dma_start3A_342 = tpu.memref_slice %arg17[%dma_start3A_340, %dma_start3A_341] : memref<200x16xf32, #tpu.memory_space<vmem>> -> memref<40x16xf32, #tpu.memory_space<vmem>>
      %dma_start3A_343 = arith.constant 0 : i32
      %dma_start3A_344 = tpu.memref_slice %arg13[%dma_start3A_343] : memref<200xi32, #tpu.memory_space<vmem>> -> memref<40xi32, #tpu.memory_space<vmem>>
      %dma_start3A_345 = arith.constant 0 : i32
      %dma_start3A_346 = arith.constant 0 : i32
      %dma_start3A_347 = tpu.memref_slice %arg6[%dma_start3A_345, %dma_start3A_346] : memref<10000x16xf32, #tpu.memory_space<hbm>> -> memref<10000x16xf32, #tpu.memory_space<hbm>>
      tpu.enqueue_indirect_dma source(%dma_start3A_347 : memref<10000x16xf32, #tpu.memory_space<hbm>>) target(%dma_start3A_342 : memref<40x16xf32, #tpu.memory_space<vmem>>) offsets(%dma_start3A_344 : memref<40xi32, #tpu.memory_space<vmem>>) semaphore(%arg24 : memref<!tpu.dma_semaphore, #tpu.memory_space<semaphore_mem>>)
      %dma_start3A_348 = arith.constant 40 : i32
      %dma_start3A_349 = arith.constant 0 : i32
      %dma_start3A_350 = tpu.memref_slice %arg15[%dma_start3A_348, %dma_start3A_349] : memref<200x16xf32, #tpu.memory_space<vmem>> -> memref<40x16xf32, #tpu.memory_space<vmem>>
      %dma_start3A_351 = arith.constant 40 : i32
      %dma_start3A_352 = tpu.memref_slice %arg11[%dma_start3A_351] : memref<200xi32, #tpu.memory_space<vmem>> -> memref<40xi32, #tpu.memory_space<vmem>>
      %dma_start3A_353 = arith.constant 0 : i32
      %dma_start3A_354 = arith.constant 0 : i32
      %dma_start3A_355 = tpu.memref_slice %arg5[%dma_start3A_353, %dma_start3A_354] : memref<10000x16xf32, #tpu.memory_space<hbm>> -> memref<10000x16xf32, #tpu.memory_space<hbm>>
      tpu.enqueue_indirect_dma source(%dma_start3A_355 : memref<10000x16xf32, #tpu.memory_space<hbm>>) target(%dma_start3A_350 : memref<40x16xf32, #tpu.memory_space<vmem>>) offsets(%dma_start3A_352 : memref<40xi32, #tpu.memory_space<vmem>>) semaphore(%arg24 : memref<!tpu.dma_semaphore, #tpu.memory_space<semaphore_mem>>)
      %dma_start3A_356 = arith.constant 40 : i32
      %dma_start3A_357 = arith.constant 0 : i32
      %dma_start3A_358 = tpu.memref_slice %arg17[%dma_start3A_356, %dma_start3A_357] : memref<200x16xf32, #tpu.memory_space<vmem>> -> memref<40x16xf32, #tpu.memory_space<vmem>>
      %dma_start3A_359 = arith.constant 40 : i32
      %dma_start3A_360 = tpu.memref_slice %arg13[%dma_start3A_359] : memref<200xi32, #tpu.memory_space<vmem>> -> memref<40xi32, #tpu.memory_space<vmem>>
      %dma_start3A_361 = arith.constant 0 : i32
      %dma_start3A_362 = arith.constant 0 : i32
      %dma_start3A_363 = tpu.memref_slice %arg6[%dma_start3A_361, %dma_start3A_362] : memref<10000x16xf32, #tpu.memory_space<hbm>> -> memref<10000x16xf32, #tpu.memory_space<hbm>>
      tpu.enqueue_indirect_dma source(%dma_start3A_363 : memref<10000x16xf32, #tpu.memory_space<hbm>>) target(%dma_start3A_358 : memref<40x16xf32, #tpu.memory_space<vmem>>) offsets(%dma_start3A_360 : memref<40xi32, #tpu.memory_space<vmem>>) semaphore(%arg24 : memref<!tpu.dma_semaphore, #tpu.memory_space<semaphore_mem>>)
      %dma_start3A_364 = arith.constant 80 : i32
      %dma_start3A_365 = arith.constant 0 : i32
      %dma_start3A_366 = tpu.memref_slice %arg15[%dma_start3A_364, %dma_start3A_365] : memref<200x16xf32, #tpu.memory_space<vmem>> -> memref<40x16xf32, #tpu.memory_space<vmem>>
      %dma_start3A_367 = arith.constant 80 : i32
      %dma_start3A_368 = tpu.memref_slice %arg11[%dma_start3A_367] : memref<200xi32, #tpu.memory_space<vmem>> -> memref<40xi32, #tpu.memory_space<vmem>>
      %dma_start3A_369 = arith.constant 0 : i32
      %dma_start3A_370 = arith.constant 0 : i32
      %dma_start3A_371 = tpu.memref_slice %arg5[%dma_start3A_369, %dma_start3A_370] : memref<10000x16xf32, #tpu.memory_space<hbm>> -> memref<10000x16xf32, #tpu.memory_space<hbm>>
      tpu.enqueue_indirect_dma source(%dma_start3A_371 : memref<10000x16xf32, #tpu.memory_space<hbm>>) target(%dma_start3A_366 : memref<40x16xf32, #tpu.memory_space<vmem>>) offsets(%dma_start3A_368 : memref<40xi32, #tpu.memory_space<vmem>>) semaphore(%arg24 : memref<!tpu.dma_semaphore, #tpu.memory_space<semaphore_mem>>)
      %dma_start3A_372 = arith.constant 80 : i32
      %dma_start3A_373 = arith.constant 0 : i32
      %dma_start3A_374 = tpu.memref_slice %arg17[%dma_start3A_372, %dma_start3A_373] : memref<200x16xf32, #tpu.memory_space<vmem>> -> memref<40x16xf32, #tpu.memory_space<vmem>>
      %dma_start3A_375 = arith.constant 80 : i32
      %dma_start3A_376 = tpu.memref_slice %arg13[%dma_start3A_375] : memref<200xi32, #tpu.memory_space<vmem>> -> memref<40xi32, #tpu.memory_space<vmem>>
      %dma_start3A_377 = arith.constant 0 : i32
      %dma_start3A_378 = arith.constant 0 : i32
      %dma_start3A_379 = tpu.memref_slice %arg6[%dma_start3A_377, %dma_start3A_378] : memref<10000x16xf32, #tpu.memory_space<hbm>> -> memref<10000x16xf32, #tpu.memory_space<hbm>>
      tpu.enqueue_indirect_dma source(%dma_start3A_379 : memref<10000x16xf32, #tpu.memory_space<hbm>>) target(%dma_start3A_374 : memref<40x16xf32, #tpu.memory_space<vmem>>) offsets(%dma_start3A_376 : memref<40xi32, #tpu.memory_space<vmem>>) semaphore(%arg24 : memref<!tpu.dma_semaphore, #tpu.memory_space<semaphore_mem>>)
      %dma_start3A_380 = arith.constant 120 : i32
      %dma_start3A_381 = arith.constant 0 : i32
      %dma_start3A_382 = tpu.memref_slice %arg15[%dma_start3A_380, %dma_start3A_381] : memref<200x16xf32, #tpu.memory_space<vmem>> -> memref<40x16xf32, #tpu.memory_space<vmem>>
      %dma_start3A_383 = arith.constant 120 : i32
      %dma_start3A_384 = tpu.memref_slice %arg11[%dma_start3A_383] : memref<200xi32, #tpu.memory_space<vmem>> -> memref<40xi32, #tpu.memory_space<vmem>>
      %dma_start3A_385 = arith.constant 0 : i32
      %dma_start3A_386 = arith.constant 0 : i32
      %dma_start3A_387 = tpu.memref_slice %arg5[%dma_start3A_385, %dma_start3A_386] : memref<10000x16xf32, #tpu.memory_space<hbm>> -> memref<10000x16xf32, #tpu.memory_space<hbm>>
      tpu.enqueue_indirect_dma source(%dma_start3A_387 : memref<10000x16xf32, #tpu.memory_space<hbm>>) target(%dma_start3A_382 : memref<40x16xf32, #tpu.memory_space<vmem>>) offsets(%dma_start3A_384 : memref<40xi32, #tpu.memory_space<vmem>>) semaphore(%arg24 : memref<!tpu.dma_semaphore, #tpu.memory_space<semaphore_mem>>)
      %dma_start3A_388 = arith.constant 120 : i32
      %dma_start3A_389 = arith.constant 0 : i32
      %dma_start3A_390 = tpu.memref_slice %arg17[%dma_start3A_388, %dma_start3A_389] : memref<200x16xf32, #tpu.memory_space<vmem>> -> memref<40x16xf32, #tpu.memory_space<vmem>>
      %dma_start3A_391 = arith.constant 120 : i32
      %dma_start3A_392 = tpu.memref_slice %arg13[%dma_start3A_391] : memref<200xi32, #tpu.memory_space<vmem>> -> memref<40xi32, #tpu.memory_space<vmem>>
      %dma_start3A_393 = arith.constant 0 : i32
      %dma_start3A_394 = arith.constant 0 : i32
      %dma_start3A_395 = tpu.memref_slice %arg6[%dma_start3A_393, %dma_start3A_394] : memref<10000x16xf32, #tpu.memory_space<hbm>> -> memref<10000x16xf32, #tpu.memory_space<hbm>>
      tpu.enqueue_indirect_dma source(%dma_start3A_395 : memref<10000x16xf32, #tpu.memory_space<hbm>>) target(%dma_start3A_390 : memref<40x16xf32, #tpu.memory_space<vmem>>) offsets(%dma_start3A_392 : memref<40xi32, #tpu.memory_space<vmem>>) semaphore(%arg24 : memref<!tpu.dma_semaphore, #tpu.memory_space<semaphore_mem>>)
      %dma_start3A_396 = arith.constant 160 : i32
      %dma_start3A_397 = arith.constant 0 : i32
      %dma_start3A_398 = tpu.memref_slice %arg15[%dma_start3A_396, %dma_start3A_397] : memref<200x16xf32, #tpu.memory_space<vmem>> -> memref<40x16xf32, #tpu.memory_space<vmem>>
      %dma_start3A_399 = arith.constant 160 : i32
      %dma_start3A_400 = tpu.memref_slice %arg11[%dma_start3A_399] : memref<200xi32, #tpu.memory_space<vmem>> -> memref<40xi32, #tpu.memory_space<vmem>>
      %dma_start3A_401 = arith.constant 0 : i32
      %dma_start3A_402 = arith.constant 0 : i32
      %dma_start3A_403 = tpu.memref_slice %arg5[%dma_start3A_401, %dma_start3A_402] : memref<10000x16xf32, #tpu.memory_space<hbm>> -> memref<10000x16xf32, #tpu.memory_space<hbm>>
      tpu.enqueue_indirect_dma source(%dma_start3A_403 : memref<10000x16xf32, #tpu.memory_space<hbm>>) target(%dma_start3A_398 : memref<40x16xf32, #tpu.memory_space<vmem>>) offsets(%dma_start3A_400 : memref<40xi32, #tpu.memory_space<vmem>>) semaphore(%arg24 : memref<!tpu.dma_semaphore, #tpu.memory_space<semaphore_mem>>)
      %dma_start3A_404 = arith.constant 160 : i32
      %dma_start3A_405 = arith.constant 0 : i32
      %dma_start3A_406 = tpu.memref_slice %arg17[%dma_start3A_404, %dma_start3A_405] : memref<200x16xf32, #tpu.memory_space<vmem>> -> memref<40x16xf32, #tpu.memory_space<vmem>>
      %dma_start3A_407 = arith.constant 160 : i32
      %dma_start3A_408 = tpu.memref_slice %arg13[%dma_start3A_407] : memref<200xi32, #tpu.memory_space<vmem>> -> memref<40xi32, #tpu.memory_space<vmem>>
      %dma_start3A_409 = arith.constant 0 : i32
      %dma_start3A_410 = arith.constant 0 : i32
      %dma_start3A_411 = tpu.memref_slice %arg6[%dma_start3A_409, %dma_start3A_410] : memref<10000x16xf32, #tpu.memory_space<hbm>> -> memref<10000x16xf32, #tpu.memory_space<hbm>>
      tpu.enqueue_indirect_dma source(%dma_start3A_411 : memref<10000x16xf32, #tpu.memory_space<hbm>>) target(%dma_start3A_406 : memref<40x16xf32, #tpu.memory_space<vmem>>) offsets(%dma_start3A_408 : memref<40xi32, #tpu.memory_space<vmem>>) semaphore(%arg24 : memref<!tpu.dma_semaphore, #tpu.memory_space<semaphore_mem>>)
      %dma_wait3A_412 = arith.constant 0 : i32
      %dma_wait3A_413 = arith.constant 0 : i32
      %dma_wait3A_414 = tpu.memref_slice %arg4[%dma_wait3A_412, %dma_wait3A_413] : memref<320000x16xf32, #tpu.memory_space<hbm>> -> memref<200x16xf32, #tpu.memory_space<hbm>>
      %dma_wait3A_415 = arith.constant 0 : i32
      %dma_wait3A_416 = arith.constant 0 : i32
      %dma_wait3A_417 = tpu.memref_slice %arg4[%dma_wait3A_415, %dma_wait3A_416] : memref<320000x16xf32, #tpu.memory_space<hbm>> -> memref<200x16xf32, #tpu.memory_space<hbm>>
      tpu.wait_dma2 semaphore(%arg23 : memref<!tpu.dma_semaphore, #tpu.memory_space<semaphore_mem>>) src(%dma_wait3A_417 : memref<200x16xf32, #tpu.memory_space<hbm>>) dst(%arg18 : memref<200x16xf32, #tpu.memory_space<vmem>>)
      %dma_wait3A_418 = arith.constant 0 : i32
      %dma_wait3A_419 = arith.constant 0 : i32
      %dma_wait3A_420 = tpu.memref_slice %arg4[%dma_wait3A_418, %dma_wait3A_419] : memref<320000x16xf32, #tpu.memory_space<hbm>> -> memref<200x16xf32, #tpu.memory_space<hbm>>
      %dma_wait3A_421 = arith.constant 0 : i32
      %dma_wait3A_422 = arith.constant 0 : i32
      %dma_wait3A_423 = tpu.memref_slice %arg4[%dma_wait3A_421, %dma_wait3A_422] : memref<320000x16xf32, #tpu.memory_space<hbm>> -> memref<200x16xf32, #tpu.memory_space<hbm>>
      tpu.wait_dma2 semaphore(%arg23 : memref<!tpu.dma_semaphore, #tpu.memory_space<semaphore_mem>>) src(%dma_wait3A_423 : memref<200x16xf32, #tpu.memory_space<hbm>>) dst(%arg14 : memref<200x16xf32, #tpu.memory_space<vmem>>)
      %dma_wait3A_424 = arith.constant 0 : i32
      %dma_wait3A_425 = arith.constant 0 : i32
      %dma_wait3A_426 = tpu.memref_slice %arg4[%dma_wait3A_424, %dma_wait3A_425] : memref<320000x16xf32, #tpu.memory_space<hbm>> -> memref<200x16xf32, #tpu.memory_space<hbm>>
      %dma_wait3A_427 = arith.constant 0 : i32
      %dma_wait3A_428 = arith.constant 0 : i32
      %dma_wait3A_429 = tpu.memref_slice %arg4[%dma_wait3A_427, %dma_wait3A_428] : memref<320000x16xf32, #tpu.memory_space<hbm>> -> memref<200x16xf32, #tpu.memory_space<hbm>>
      tpu.wait_dma2 semaphore(%arg23 : memref<!tpu.dma_semaphore, #tpu.memory_space<semaphore_mem>>) src(%dma_wait3A_429 : memref<200x16xf32, #tpu.memory_space<hbm>>) dst(%arg16 : memref<200x16xf32, #tpu.memory_space<vmem>>)
      %multiple_of3A_430 = tpu.assume_multiple %add3A, 8 : i32
      %min3A_431 = arith.constant 49 : i32
      %min3A_432 = arith.minsi %mul3A_311, %min3A_431 : i32
      %mul3A_433 = arith.constant 200 : i32
      %mul3A_434 = arith.muli %min3A_432, %mul3A_433 : i32
      %add3A_435 = arith.addi %multiple_of3A_430, %mul3A_434 : i32
      %scan3A_436 = arith.constant 0 : i32
      %scan3A_437 = arith.constant 0 : i32
      %scan3A_438 = arith.constant 50 : i32
      %scan3A_439 = arith.addi %scan3A_437, %scan3A_438 : i32
      %scan3A_440 = arith.constant 1 : i32
      %scan3A_441 = scf.for %scan3A_617 = %scan3A_437 to %scan3A_439 step %scan3A_440 iter_args(%scan3A_618 = %scan3A_436) -> (i32)  : i32 {
        %mul3A_619 = arith.constant 4 : i32
        %mul3A_620 = arith.muli %scan3A_617, %mul3A_619 : i32
        %add3A_621 = arith.constant 0 : i32
        %add3A_622 = arith.addi %mul3A_620, %add3A_621 : i32
        %get3A = arith.index_cast %add3A_622 : i32 to index
        %get3A_623 = arith.constant 0 : index
        %get3A_624 = tpu.vector_load %arg14[%get3A, %get3A_623] {strides = array<i32>} : memref<200x16xf32, #tpu.memory_space<vmem>>, vector<1x16xf32>,
        %get3A_625 = vector.shape_cast %get3A_624 : vector<1x16xf32> to vector<16xf32>
        %get3A_626 = arith.index_cast %add3A_622 : i32 to index
        %get3A_627 = arith.constant 0 : index
        %get3A_628 = tpu.vector_load %arg16[%get3A_626, %get3A_627] {strides = array<i32>} : memref<200x16xf32, #tpu.memory_space<vmem>>, vector<1x16xf32>,
        %get3A_629 = vector.shape_cast %get3A_628 : vector<1x16xf32> to vector<16xf32>
        %add3A_630 = arith.addf %get3A_625, %get3A_629 : vector<16xf32>
        %get3A_631 = arith.index_cast %add3A_622 : i32 to index
        %get3A_632 = arith.constant 0 : index
        %get3A_633 = tpu.vector_load %arg18[%get3A_631, %get3A_632] {strides = array<i32>} : memref<200x16xf32, #tpu.memory_space<vmem>>, vector<1x16xf32>,
        %get3A_634 = vector.shape_cast %get3A_633 : vector<1x16xf32> to vector<16xf32>
        %add3A_635 = arith.addf %add3A_630, %get3A_634 : vector<16xf32>
        %ge3A = arith.constant 0.000000e+00 : f32
        %ge3A_636 = vector.broadcast %ge3A : f32 to vector<16xf32>
        %ge3A_637 = arith.cmpf oge, %add3A_635, %ge3A_636 : vector<16xf32>
        %mul3A_638 = arith.constant 2.000000e-01 : f32
        %mul3A_639 = vector.broadcast %mul3A_638 : f32 to vector<16xf32>
        %mul3A_640 = arith.mulf %mul3A_639, %add3A_635 : vector<16xf32>
        %select_n3A = arith.select %ge3A_637, %add3A_635, %mul3A_640 : vector<16xi1>, vector<16xf32>
        %exp3A = math.exp %select_n3A : vector<16xf32>
        %swap3A = arith.index_cast %add3A_622 : i32 to index
        %swap3A_641 = arith.constant 0 : index
        %swap3A_642 = tpu.vector_load %arg18[%swap3A, %swap3A_641] {strides = array<i32>} : memref<200x16xf32, #tpu.memory_space<vmem>>, vector<1x16xf32>,
        %swap3A_643 = vector.shape_cast %swap3A_642 : vector<1x16xf32> to vector<16xf32>
        %swap3A_644 = vector.shape_cast %exp3A : vector<16xf32> to vector<1x16xf32>
        tpu.vector_store %arg18[%swap3A, %swap3A_641], %swap3A_644 {strides = array<i32>} : memref<200x16xf32, #tpu.memory_space<vmem>>, vector<1x16xf32>,
        %mul3A_645 = arith.constant 4 : i32
        %mul3A_646 = arith.muli %scan3A_617, %mul3A_645 : i32
        %add3A_647 = arith.constant 1 : i32
        %add3A_648 = arith.addi %mul3A_646, %add3A_647 : i32
        %get3A_649 = arith.index_cast %add3A_648 : i32 to index
        %get3A_650 = arith.constant 0 : index
        %get3A_651 = tpu.vector_load %arg14[%get3A_649, %get3A_650] {strides = array<i32>} : memref<200x16xf32, #tpu.memory_space<vmem>>, vector<1x16xf32>,
        %get3A_652 = vector.shape_cast %get3A_651 : vector<1x16xf32> to vector<16xf32>
        %get3A_653 = arith.index_cast %add3A_648 : i32 to index
        %get3A_654 = arith.constant 0 : index
        %get3A_655 = tpu.vector_load %arg16[%get3A_653, %get3A_654] {strides = array<i32>} : memref<200x16xf32, #tpu.memory_space<vmem>>, vector<1x16xf32>,
        %get3A_656 = vector.shape_cast %get3A_655 : vector<1x16xf32> to vector<16xf32>
        %add3A_657 = arith.addf %get3A_652, %get3A_656 : vector<16xf32>
        %get3A_658 = arith.index_cast %add3A_648 : i32 to index
        %get3A_659 = arith.constant 0 : index
        %get3A_660 = tpu.vector_load %arg18[%get3A_658, %get3A_659] {strides = array<i32>} : memref<200x16xf32, #tpu.memory_space<vmem>>, vector<1x16xf32>,
        %get3A_661 = vector.shape_cast %get3A_660 : vector<1x16xf32> to vector<16xf32>
        %add3A_662 = arith.addf %add3A_657, %get3A_661 : vector<16xf32>
        %ge3A_663 = arith.constant 0.000000e+00 : f32
        %ge3A_664 = vector.broadcast %ge3A_663 : f32 to vector<16xf32>
        %ge3A_665 = arith.cmpf oge, %add3A_662, %ge3A_664 : vector<16xf32>
        %mul3A_666 = arith.constant 2.000000e-01 : f32
        %mul3A_667 = vector.broadcast %mul3A_666 : f32 to vector<16xf32>
        %mul3A_668 = arith.mulf %mul3A_667, %add3A_662 : vector<16xf32>
        %select_n3A_669 = arith.select %ge3A_665, %add3A_662, %mul3A_668 : vector<16xi1>, vector<16xf32>
        %exp3A_670 = math.exp %select_n3A_669 : vector<16xf32>
        %swap3A_671 = arith.index_cast %add3A_648 : i32 to index
        %swap3A_672 = arith.constant 0 : index
        %swap3A_673 = tpu.vector_load %arg18[%swap3A_671, %swap3A_672] {strides = array<i32>} : memref<200x16xf32, #tpu.memory_space<vmem>>, vector<1x16xf32>,
        %swap3A_674 = vector.shape_cast %swap3A_673 : vector<1x16xf32> to vector<16xf32>
        %swap3A_675 = vector.shape_cast %exp3A_670 : vector<16xf32> to vector<1x16xf32>
        tpu.vector_store %arg18[%swap3A_671, %swap3A_672], %swap3A_675 {strides = array<i32>} : memref<200x16xf32, #tpu.memory_space<vmem>>, vector<1x16xf32>,
        %mul3A_676 = arith.constant 4 : i32
        %mul3A_677 = arith.muli %scan3A_617, %mul3A_676 : i32
        %add3A_678 = arith.constant 2 : i32
        %add3A_679 = arith.addi %mul3A_677, %add3A_678 : i32
        %get3A_680 = arith.index_cast %add3A_679 : i32 to index
        %get3A_681 = arith.constant 0 : index
        %get3A_682 = tpu.vector_load %arg14[%get3A_680, %get3A_681] {strides = array<i32>} : memref<200x16xf32, #tpu.memory_space<vmem>>, vector<1x16xf32>,
        %get3A_683 = vector.shape_cast %get3A_682 : vector<1x16xf32> to vector<16xf32>
        %get3A_684 = arith.index_cast %add3A_679 : i32 to index
        %get3A_685 = arith.constant 0 : index
        %get3A_686 = tpu.vector_load %arg16[%get3A_684, %get3A_685] {strides = array<i32>} : memref<200x16xf32, #tpu.memory_space<vmem>>, vector<1x16xf32>,
        %get3A_687 = vector.shape_cast %get3A_686 : vector<1x16xf32> to vector<16xf32>
        %add3A_688 = arith.addf %get3A_683, %get3A_687 : vector<16xf32>
        %get3A_689 = arith.index_cast %add3A_679 : i32 to index
        %get3A_690 = arith.constant 0 : index
        %get3A_691 = tpu.vector_load %arg18[%get3A_689, %get3A_690] {strides = array<i32>} : memref<200x16xf32, #tpu.memory_space<vmem>>, vector<1x16xf32>,
        %get3A_692 = vector.shape_cast %get3A_691 : vector<1x16xf32> to vector<16xf32>
        %add3A_693 = arith.addf %add3A_688, %get3A_692 : vector<16xf32>
        %ge3A_694 = arith.constant 0.000000e+00 : f32
        %ge3A_695 = vector.broadcast %ge3A_694 : f32 to vector<16xf32>
        %ge3A_696 = arith.cmpf oge, %add3A_693, %ge3A_695 : vector<16xf32>
        %mul3A_697 = arith.constant 2.000000e-01 : f32
        %mul3A_698 = vector.broadcast %mul3A_697 : f32 to vector<16xf32>
        %mul3A_699 = arith.mulf %mul3A_698, %add3A_693 : vector<16xf32>
        %select_n3A_700 = arith.select %ge3A_696, %add3A_693, %mul3A_699 : vector<16xi1>, vector<16xf32>
        %exp3A_701 = math.exp %select_n3A_700 : vector<16xf32>
        %swap3A_702 = arith.index_cast %add3A_679 : i32 to index
        %swap3A_703 = arith.constant 0 : index
        %swap3A_704 = tpu.vector_load %arg18[%swap3A_702, %swap3A_703] {strides = array<i32>} : memref<200x16xf32, #tpu.memory_space<vmem>>, vector<1x16xf32>,
        %swap3A_705 = vector.shape_cast %swap3A_704 : vector<1x16xf32> to vector<16xf32>
        %swap3A_706 = vector.shape_cast %exp3A_701 : vector<16xf32> to vector<1x16xf32>
        tpu.vector_store %arg18[%swap3A_702, %swap3A_703], %swap3A_706 {strides = array<i32>} : memref<200x16xf32, #tpu.memory_space<vmem>>, vector<1x16xf32>,
        %mul3A_707 = arith.constant 4 : i32
        %mul3A_708 = arith.muli %scan3A_617, %mul3A_707 : i32
        %add3A_709 = arith.constant 3 : i32
        %add3A_710 = arith.addi %mul3A_708, %add3A_709 : i32
        %get3A_711 = arith.index_cast %add3A_710 : i32 to index
        %get3A_712 = arith.constant 0 : index
        %get3A_713 = tpu.vector_load %arg14[%get3A_711, %get3A_712] {strides = array<i32>} : memref<200x16xf32, #tpu.memory_space<vmem>>, vector<1x16xf32>,
        %get3A_714 = vector.shape_cast %get3A_713 : vector<1x16xf32> to vector<16xf32>
        %get3A_715 = arith.index_cast %add3A_710 : i32 to index
        %get3A_716 = arith.constant 0 : index
        %get3A_717 = tpu.vector_load %arg16[%get3A_715, %get3A_716] {strides = array<i32>} : memref<200x16xf32, #tpu.memory_space<vmem>>, vector<1x16xf32>,
        %get3A_718 = vector.shape_cast %get3A_717 : vector<1x16xf32> to vector<16xf32>
        %add3A_719 = arith.addf %get3A_714, %get3A_718 : vector<16xf32>
        %get3A_720 = arith.index_cast %add3A_710 : i32 to index
        %get3A_721 = arith.constant 0 : index
        %get3A_722 = tpu.vector_load %arg18[%get3A_720, %get3A_721] {strides = array<i32>} : memref<200x16xf32, #tpu.memory_space<vmem>>, vector<1x16xf32>,
        %get3A_723 = vector.shape_cast %get3A_722 : vector<1x16xf32> to vector<16xf32>
        %add3A_724 = arith.addf %add3A_719, %get3A_723 : vector<16xf32>
        %ge3A_725 = arith.constant 0.000000e+00 : f32
        %ge3A_726 = vector.broadcast %ge3A_725 : f32 to vector<16xf32>
        %ge3A_727 = arith.cmpf oge, %add3A_724, %ge3A_726 : vector<16xf32>
        %mul3A_728 = arith.constant 2.000000e-01 : f32
        %mul3A_729 = vector.broadcast %mul3A_728 : f32 to vector<16xf32>
        %mul3A_730 = arith.mulf %mul3A_729, %add3A_724 : vector<16xf32>
        %select_n3A_731 = arith.select %ge3A_727, %add3A_724, %mul3A_730 : vector<16xi1>, vector<16xf32>
        %exp3A_732 = math.exp %select_n3A_731 : vector<16xf32>
        %swap3A_733 = arith.index_cast %add3A_710 : i32 to index
        %swap3A_734 = arith.constant 0 : index
        %swap3A_735 = tpu.vector_load %arg18[%swap3A_733, %swap3A_734] {strides = array<i32>} : memref<200x16xf32, #tpu.memory_space<vmem>>, vector<1x16xf32>,
        %swap3A_736 = vector.shape_cast %swap3A_735 : vector<1x16xf32> to vector<16xf32>
        %swap3A_737 = vector.shape_cast %exp3A_732 : vector<16xf32> to vector<1x16xf32>
        tpu.vector_store %arg18[%swap3A_733, %swap3A_734], %swap3A_737 {strides = array<i32>} : memref<200x16xf32, #tpu.memory_space<vmem>>, vector<1x16xf32>,
        %scan3A_738 = arith.constant 0 : i32
        scf.yield %scan3A_738 : i32
      }
      %scan3A_442 = arith.constant 50 : i32
      %dma_start3A_443 = arith.constant 0 : i32
      %dma_start3A_444 = tpu.memref_slice %arg8[%add3A_435, %dma_start3A_443] : memref<320000x16xf32, #tpu.memory_space<hbm>> -> memref<200x16xf32, #tpu.memory_space<hbm>>
      %dma_start3A_445 = arith.constant 0 : i32
      %dma_start3A_446 = tpu.memref_slice %arg8[%add3A_435, %dma_start3A_445] : memref<320000x16xf32, #tpu.memory_space<hbm>> -> memref<200x16xf32, #tpu.memory_space<hbm>>
      tpu.enqueue_dma source(%arg18 : memref<200x16xf32, #tpu.memory_space<vmem>>) target(%dma_start3A_446 : memref<200x16xf32, #tpu.memory_space<hbm>>) target_semaphore(%arg21 : memref<!tpu.dma_semaphore, #tpu.memory_space<semaphore_mem>>)
      "tpu.region"() ({
        %run_scoped3A = tpu.sem_alloc : memref<!tpu.dma_semaphore, #tpu.memory_space<semaphore_mem>>
        %dma_start3A_617 = arith.constant 0 : i32
        %dma_start3A_618 = arith.constant 0 : i32
        %dma_start3A_619 = tpu.memref_slice %arg20[%dma_start3A_617, %dma_start3A_618] : memref<10240x16xf32, #tpu.memory_space<vmem_shared>> -> memref<10240x16xf32, #tpu.memory_space<vmem_shared>>
        tpu.enqueue_indirect_dma source(%arg18 : memref<200x16xf32, #tpu.memory_space<vmem>>) target(%dma_start3A_619 : memref<10240x16xf32, #tpu.memory_space<vmem_shared>>) offsets(%arg12 : memref<200xi32, #tpu.memory_space<vmem>>) semaphore(%run_scoped3A : memref<!tpu.dma_semaphore, #tpu.memory_space<semaphore_mem>>) {add = true}
        %dma_wait3A_620 = arith.constant 0 : i32
        %dma_wait3A_621 = arith.constant 0 : i32
        %dma_wait3A_622 = tpu.memref_slice %arg20[%dma_wait3A_620, %dma_wait3A_621] : memref<10240x16xf32, #tpu.memory_space<vmem_shared>> -> memref<10240x16xf32, #tpu.memory_space<vmem_shared>>
        tpu.wait_indirect_dma semaphore(%run_scoped3A : memref<!tpu.dma_semaphore, #tpu.memory_space<semaphore_mem>>) src(%arg18 : memref<200x16xf32, #tpu.memory_space<vmem>>) dst(%dma_wait3A_622 : memref<10240x16xf32, #tpu.memory_space<vmem_shared>>)
        tpu.yield
      }) : () -> ()
      %dma_wait3A_447 = arith.constant 0 : i32
      %dma_wait3A_448 = tpu.memref_slice %arg8[%add3A_435, %dma_wait3A_447] : memref<320000x16xf32, #tpu.memory_space<hbm>> -> memref<200x16xf32, #tpu.memory_space<hbm>>
      %dma_wait3A_449 = arith.constant 0 : i32
      %dma_wait3A_450 = tpu.memref_slice %arg8[%add3A_435, %dma_wait3A_449] : memref<320000x16xf32, #tpu.memory_space<hbm>> -> memref<200x16xf32, #tpu.memory_space<hbm>>
      tpu.wait_dma2 semaphore(%arg21 : memref<!tpu.dma_semaphore, #tpu.memory_space<semaphore_mem>>) src(%arg18 : memref<200x16xf32, #tpu.memory_space<vmem>>) dst(%dma_wait3A_450 : memref<200x16xf32, #tpu.memory_space<hbm>>)
      %add3A_451 = arith.constant 2 : i32
      %add3A_452 = arith.addi %mul3A_311, %add3A_451 : i32
      %multiple_of3A_453 = tpu.assume_multiple %add3A, 8 : i32
      %min3A_454 = arith.constant 49 : i32
      %min3A_455 = arith.minsi %add3A_452, %min3A_454 : i32
      %mul3A_456 = arith.constant 200 : i32
      %mul3A_457 = arith.muli %min3A_455, %mul3A_456 : i32
      %add3A_458 = arith.addi %multiple_of3A_453, %mul3A_457 : i32
      %dma_start3A_459 = tpu.memref_slice %arg2[%add3A_458] : memref<320000xi32, #tpu.memory_space<hbm>> -> memref<200xi32, #tpu.memory_space<hbm>>
      %dma_start3A_460 = tpu.memref_slice %arg2[%add3A_458] : memref<320000xi32, #tpu.memory_space<hbm>> -> memref<200xi32, #tpu.memory_space<hbm>>
      tpu.enqueue_dma source(%dma_start3A_460 : memref<200xi32, #tpu.memory_space<hbm>>) target(%arg10 : memref<200xi32, #tpu.memory_space<vmem>>) target_semaphore(%arg21 : memref<!tpu.dma_semaphore, #tpu.memory_space<semaphore_mem>>)
      %dma_start3A_461 = tpu.memref_slice %arg3[%add3A_458] : memref<320000xi32, #tpu.memory_space<hbm>> -> memref<200xi32, #tpu.memory_space<hbm>>
      %dma_start3A_462 = tpu.memref_slice %arg3[%add3A_458] : memref<320000xi32, #tpu.memory_space<hbm>> -> memref<200xi32, #tpu.memory_space<hbm>>
      tpu.enqueue_dma source(%dma_start3A_462 : memref<200xi32, #tpu.memory_space<hbm>>) target(%arg12 : memref<200xi32, #tpu.memory_space<vmem>>) target_semaphore(%arg21 : memref<!tpu.dma_semaphore, #tpu.memory_space<semaphore_mem>>)
      %dma_wait3A_463 = arith.constant 0 : i32
      %dma_wait3A_464 = tpu.memref_slice %arg2[%dma_wait3A_463] : memref<320000xi32, #tpu.memory_space<hbm>> -> memref<200xi32, #tpu.memory_space<hbm>>
      %dma_wait3A_465 = arith.constant 0 : i32
      %dma_wait3A_466 = tpu.memref_slice %arg2[%dma_wait3A_465] : memref<320000xi32, #tpu.memory_space<hbm>> -> memref<200xi32, #tpu.memory_space<hbm>>
      tpu.wait_dma2 semaphore(%arg21 : memref<!tpu.dma_semaphore, #tpu.memory_space<semaphore_mem>>) src(%dma_wait3A_466 : memref<200xi32, #tpu.memory_space<hbm>>) dst(%arg10 : memref<200xi32, #tpu.memory_space<vmem>>)
      %dma_wait3A_467 = arith.constant 0 : i32
      %dma_wait3A_468 = tpu.memref_slice %arg3[%dma_wait3A_467] : memref<320000xi32, #tpu.memory_space<hbm>> -> memref<200xi32, #tpu.memory_space<hbm>>
      %dma_wait3A_469 = arith.constant 0 : i32
      %dma_wait3A_470 = tpu.memref_slice %arg3[%dma_wait3A_469] : memref<320000xi32, #tpu.memory_space<hbm>> -> memref<200xi32, #tpu.memory_space<hbm>>
      tpu.wait_dma2 semaphore(%arg21 : memref<!tpu.dma_semaphore, #tpu.memory_space<semaphore_mem>>) src(%dma_wait3A_470 : memref<200xi32, #tpu.memory_space<hbm>>) dst(%arg12 : memref<200xi32, #tpu.memory_space<vmem>>)
      %dma_wait3A_471 = arith.constant 0 : i32
      %dma_wait3A_472 = arith.constant 0 : i32
      %dma_wait3A_473 = tpu.memref_slice %arg4[%dma_wait3A_471, %dma_wait3A_472] : memref<320000x16xf32, #tpu.memory_space<hbm>> -> memref<200x16xf32, #tpu.memory_space<hbm>>
      %dma_wait3A_474 = arith.constant 0 : i32
      %dma_wait3A_475 = arith.constant 0 : i32
      %dma_wait3A_476 = tpu.memref_slice %arg4[%dma_wait3A_474, %dma_wait3A_475] : memref<320000x16xf32, #tpu.memory_space<hbm>> -> memref<200x16xf32, #tpu.memory_space<hbm>>
      tpu.wait_dma2 semaphore(%arg24 : memref<!tpu.dma_semaphore, #tpu.memory_space<semaphore_mem>>) src(%dma_wait3A_476 : memref<200x16xf32, #tpu.memory_space<hbm>>) dst(%arg19 : memref<200x16xf32, #tpu.memory_space<vmem>>)
      %dma_wait3A_477 = arith.constant 0 : i32
      %dma_wait3A_478 = arith.constant 0 : i32
      %dma_wait3A_479 = tpu.memref_slice %arg4[%dma_wait3A_477, %dma_wait3A_478] : memref<320000x16xf32, #tpu.memory_space<hbm>> -> memref<200x16xf32, #tpu.memory_space<hbm>>
      %dma_wait3A_480 = arith.constant 0 : i32
      %dma_wait3A_481 = arith.constant 0 : i32
      %dma_wait3A_482 = tpu.memref_slice %arg4[%dma_wait3A_480, %dma_wait3A_481] : memref<320000x16xf32, #tpu.memory_space<hbm>> -> memref<200x16xf32, #tpu.memory_space<hbm>>
      tpu.wait_dma2 semaphore(%arg24 : memref<!tpu.dma_semaphore, #tpu.memory_space<semaphore_mem>>) src(%dma_wait3A_482 : memref<200x16xf32, #tpu.memory_space<hbm>>) dst(%arg15 : memref<200x16xf32, #tpu.memory_space<vmem>>)
      %dma_wait3A_483 = arith.constant 0 : i32
      %dma_wait3A_484 = arith.constant 0 : i32
      %dma_wait3A_485 = tpu.memref_slice %arg4[%dma_wait3A_483, %dma_wait3A_484] : memref<320000x16xf32, #tpu.memory_space<hbm>> -> memref<200x16xf32, #tpu.memory_space<hbm>>
      %dma_wait3A_486 = arith.constant 0 : i32
      %dma_wait3A_487 = arith.constant 0 : i32
      %dma_wait3A_488 = tpu.memref_slice %arg4[%dma_wait3A_486, %dma_wait3A_487] : memref<320000x16xf32, #tpu.memory_space<hbm>> -> memref<200x16xf32, #tpu.memory_space<hbm>>
      tpu.wait_dma2 semaphore(%arg24 : memref<!tpu.dma_semaphore, #tpu.memory_space<semaphore_mem>>) src(%dma_wait3A_488 : memref<200x16xf32, #tpu.memory_space<hbm>>) dst(%arg17 : memref<200x16xf32, #tpu.memory_space<vmem>>)
      %add3A_489 = arith.constant 2 : i32
      %add3A_490 = arith.addi %mul3A_311, %add3A_489 : i32
      %multiple_of3A_491 = tpu.assume_multiple %add3A, 8 : i32
      %min3A_492 = arith.constant 49 : i32
      %min3A_493 = arith.minsi %add3A_490, %min3A_492 : i32
      %mul3A_494 = arith.constant 200 : i32
      %mul3A_495 = arith.muli %min3A_493, %mul3A_494 : i32
      %add3A_496 = arith.addi %multiple_of3A_491, %mul3A_495 : i32
      %dma_start3A_497 = arith.constant 0 : i32
      %dma_start3A_498 = tpu.memref_slice %arg4[%add3A_496, %dma_start3A_497] : memref<320000x16xf32, #tpu.memory_space<hbm>> -> memref<200x16xf32, #tpu.memory_space<hbm>>
      %dma_start3A_499 = arith.constant 0 : i32
      %dma_start3A_500 = tpu.memref_slice %arg4[%add3A_496, %dma_start3A_499] : memref<320000x16xf32, #tpu.memory_space<hbm>> -> memref<200x16xf32, #tpu.memory_space<hbm>>
      tpu.enqueue_dma source(%dma_start3A_500 : memref<200x16xf32, #tpu.memory_space<hbm>>) target(%arg18 : memref<200x16xf32, #tpu.memory_space<vmem>>) target_semaphore(%arg23 : memref<!tpu.dma_semaphore, #tpu.memory_space<semaphore_mem>>)
      %dma_start3A_501 = arith.constant 0 : i32
      %dma_start3A_502 = arith.constant 0 : i32
      %dma_start3A_503 = tpu.memref_slice %arg14[%dma_start3A_501, %dma_start3A_502] : memref<200x16xf32, #tpu.memory_space<vmem>> -> memref<40x16xf32, #tpu.memory_space<vmem>>
      %dma_start3A_504 = arith.constant 0 : i32
      %dma_start3A_505 = tpu.memref_slice %arg10[%dma_start3A_504] : memref<200xi32, #tpu.memory_space<vmem>> -> memref<40xi32, #tpu.memory_space<vmem>>
      %dma_start3A_506 = arith.constant 0 : i32
      %dma_start3A_507 = arith.constant 0 : i32
      %dma_start3A_508 = tpu.memref_slice %arg5[%dma_start3A_506, %dma_start3A_507] : memref<10000x16xf32, #tpu.memory_space<hbm>> -> memref<10000x16xf32, #tpu.memory_space<hbm>>
      tpu.enqueue_indirect_dma source(%dma_start3A_508 : memref<10000x16xf32, #tpu.memory_space<hbm>>) target(%dma_start3A_503 : memref<40x16xf32, #tpu.memory_space<vmem>>) offsets(%dma_start3A_505 : memref<40xi32, #tpu.memory_space<vmem>>) semaphore(%arg23 : memref<!tpu.dma_semaphore, #tpu.memory_space<semaphore_mem>>)
      %dma_start3A_509 = arith.constant 0 : i32
      %dma_start3A_510 = arith.constant 0 : i32
      %dma_start3A_511 = tpu.memref_slice %arg16[%dma_start3A_509, %dma_start3A_510] : memref<200x16xf32, #tpu.memory_space<vmem>> -> memref<40x16xf32, #tpu.memory_space<vmem>>
      %dma_start3A_512 = arith.constant 0 : i32
      %dma_start3A_513 = tpu.memref_slice %arg12[%dma_start3A_512] : memref<200xi32, #tpu.memory_space<vmem>> -> memref<40xi32, #tpu.memory_space<vmem>>
      %dma_start3A_514 = arith.constant 0 : i32
      %dma_start3A_515 = arith.constant 0 : i32
      %dma_start3A_516 = tpu.memref_slice %arg6[%dma_start3A_514, %dma_start3A_515] : memref<10000x16xf32, #tpu.memory_space<hbm>> -> memref<10000x16xf32, #tpu.memory_space<hbm>>
      tpu.enqueue_indirect_dma source(%dma_start3A_516 : memref<10000x16xf32, #tpu.memory_space<hbm>>) target(%dma_start3A_511 : memref<40x16xf32, #tpu.memory_space<vmem>>) offsets(%dma_start3A_513 : memref<40xi32, #tpu.memory_space<vmem>>) semaphore(%arg23 : memref<!tpu.dma_semaphore, #tpu.memory_space<semaphore_mem>>)
      %dma_start3A_517 = arith.constant 40 : i32
      %dma_start3A_518 = arith.constant 0 : i32
      %dma_start3A_519 = tpu.memref_slice %arg14[%dma_start3A_517, %dma_start3A_518] : memref<200x16xf32, #tpu.memory_space<vmem>> -> memref<40x16xf32, #tpu.memory_space<vmem>>
      %dma_start3A_520 = arith.constant 40 : i32
      %dma_start3A_521 = tpu.memref_slice %arg10[%dma_start3A_520] : memref<200xi32, #tpu.memory_space<vmem>> -> memref<40xi32, #tpu.memory_space<vmem>>
      %dma_start3A_522 = arith.constant 0 : i32
      %dma_start3A_523 = arith.constant 0 : i32
      %dma_start3A_524 = tpu.memref_slice %arg5[%dma_start3A_522, %dma_start3A_523] : memref<10000x16xf32, #tpu.memory_space<hbm>> -> memref<10000x16xf32, #tpu.memory_space<hbm>>
      tpu.enqueue_indirect_dma source(%dma_start3A_524 : memref<10000x16xf32, #tpu.memory_space<hbm>>) target(%dma_start3A_519 : memref<40x16xf32, #tpu.memory_space<vmem>>) offsets(%dma_start3A_521 : memref<40xi32, #tpu.memory_space<vmem>>) semaphore(%arg23 : memref<!tpu.dma_semaphore, #tpu.memory_space<semaphore_mem>>)
      %dma_start3A_525 = arith.constant 40 : i32
      %dma_start3A_526 = arith.constant 0 : i32
      %dma_start3A_527 = tpu.memref_slice %arg16[%dma_start3A_525, %dma_start3A_526] : memref<200x16xf32, #tpu.memory_space<vmem>> -> memref<40x16xf32, #tpu.memory_space<vmem>>
      %dma_start3A_528 = arith.constant 40 : i32
      %dma_start3A_529 = tpu.memref_slice %arg12[%dma_start3A_528] : memref<200xi32, #tpu.memory_space<vmem>> -> memref<40xi32, #tpu.memory_space<vmem>>
      %dma_start3A_530 = arith.constant 0 : i32
      %dma_start3A_531 = arith.constant 0 : i32
      %dma_start3A_532 = tpu.memref_slice %arg6[%dma_start3A_530, %dma_start3A_531] : memref<10000x16xf32, #tpu.memory_space<hbm>> -> memref<10000x16xf32, #tpu.memory_space<hbm>>
      tpu.enqueue_indirect_dma source(%dma_start3A_532 : memref<10000x16xf32, #tpu.memory_space<hbm>>) target(%dma_start3A_527 : memref<40x16xf32, #tpu.memory_space<vmem>>) offsets(%dma_start3A_529 : memref<40xi32, #tpu.memory_space<vmem>>) semaphore(%arg23 : memref<!tpu.dma_semaphore, #tpu.memory_space<semaphore_mem>>)
      %dma_start3A_533 = arith.constant 80 : i32
      %dma_start3A_534 = arith.constant 0 : i32
      %dma_start3A_535 = tpu.memref_slice %arg14[%dma_start3A_533, %dma_start3A_534] : memref<200x16xf32, #tpu.memory_space<vmem>> -> memref<40x16xf32, #tpu.memory_space<vmem>>
      %dma_start3A_536 = arith.constant 80 : i32
      %dma_start3A_537 = tpu.memref_slice %arg10[%dma_start3A_536] : memref<200xi32, #tpu.memory_space<vmem>> -> memref<40xi32, #tpu.memory_space<vmem>>
      %dma_start3A_538 = arith.constant 0 : i32
      %dma_start3A_539 = arith.constant 0 : i32
      %dma_start3A_540 = tpu.memref_slice %arg5[%dma_start3A_538, %dma_start3A_539] : memref<10000x16xf32, #tpu.memory_space<hbm>> -> memref<10000x16xf32, #tpu.memory_space<hbm>>
      tpu.enqueue_indirect_dma source(%dma_start3A_540 : memref<10000x16xf32, #tpu.memory_space<hbm>>) target(%dma_start3A_535 : memref<40x16xf32, #tpu.memory_space<vmem>>) offsets(%dma_start3A_537 : memref<40xi32, #tpu.memory_space<vmem>>) semaphore(%arg23 : memref<!tpu.dma_semaphore, #tpu.memory_space<semaphore_mem>>)
      %dma_start3A_541 = arith.constant 80 : i32
      %dma_start3A_542 = arith.constant 0 : i32
      %dma_start3A_543 = tpu.memref_slice %arg16[%dma_start3A_541, %dma_start3A_542] : memref<200x16xf32, #tpu.memory_space<vmem>> -> memref<40x16xf32, #tpu.memory_space<vmem>>
      %dma_start3A_544 = arith.constant 80 : i32
      %dma_start3A_545 = tpu.memref_slice %arg12[%dma_start3A_544] : memref<200xi32, #tpu.memory_space<vmem>> -> memref<40xi32, #tpu.memory_space<vmem>>
      %dma_start3A_546 = arith.constant 0 : i32
      %dma_start3A_547 = arith.constant 0 : i32
      %dma_start3A_548 = tpu.memref_slice %arg6[%dma_start3A_546, %dma_start3A_547] : memref<10000x16xf32, #tpu.memory_space<hbm>> -> memref<10000x16xf32, #tpu.memory_space<hbm>>
      tpu.enqueue_indirect_dma source(%dma_start3A_548 : memref<10000x16xf32, #tpu.memory_space<hbm>>) target(%dma_start3A_543 : memref<40x16xf32, #tpu.memory_space<vmem>>) offsets(%dma_start3A_545 : memref<40xi32, #tpu.memory_space<vmem>>) semaphore(%arg23 : memref<!tpu.dma_semaphore, #tpu.memory_space<semaphore_mem>>)
      %dma_start3A_549 = arith.constant 120 : i32
      %dma_start3A_550 = arith.constant 0 : i32
      %dma_start3A_551 = tpu.memref_slice %arg14[%dma_start3A_549, %dma_start3A_550] : memref<200x16xf32, #tpu.memory_space<vmem>> -> memref<40x16xf32, #tpu.memory_space<vmem>>
      %dma_start3A_552 = arith.constant 120 : i32
      %dma_start3A_553 = tpu.memref_slice %arg10[%dma_start3A_552] : memref<200xi32, #tpu.memory_space<vmem>> -> memref<40xi32, #tpu.memory_space<vmem>>
      %dma_start3A_554 = arith.constant 0 : i32
      %dma_start3A_555 = arith.constant 0 : i32
      %dma_start3A_556 = tpu.memref_slice %arg5[%dma_start3A_554, %dma_start3A_555] : memref<10000x16xf32, #tpu.memory_space<hbm>> -> memref<10000x16xf32, #tpu.memory_space<hbm>>
      tpu.enqueue_indirect_dma source(%dma_start3A_556 : memref<10000x16xf32, #tpu.memory_space<hbm>>) target(%dma_start3A_551 : memref<40x16xf32, #tpu.memory_space<vmem>>) offsets(%dma_start3A_553 : memref<40xi32, #tpu.memory_space<vmem>>) semaphore(%arg23 : memref<!tpu.dma_semaphore, #tpu.memory_space<semaphore_mem>>)
      %dma_start3A_557 = arith.constant 120 : i32
      %dma_start3A_558 = arith.constant 0 : i32
      %dma_start3A_559 = tpu.memref_slice %arg16[%dma_start3A_557, %dma_start3A_558] : memref<200x16xf32, #tpu.memory_space<vmem>> -> memref<40x16xf32, #tpu.memory_space<vmem>>
      %dma_start3A_560 = arith.constant 120 : i32
      %dma_start3A_561 = tpu.memref_slice %arg12[%dma_start3A_560] : memref<200xi32, #tpu.memory_space<vmem>> -> memref<40xi32, #tpu.memory_space<vmem>>
      %dma_start3A_562 = arith.constant 0 : i32
      %dma_start3A_563 = arith.constant 0 : i32
      %dma_start3A_564 = tpu.memref_slice %arg6[%dma_start3A_562, %dma_start3A_563] : memref<10000x16xf32, #tpu.memory_space<hbm>> -> memref<10000x16xf32, #tpu.memory_space<hbm>>
      tpu.enqueue_indirect_dma source(%dma_start3A_564 : memref<10000x16xf32, #tpu.memory_space<hbm>>) target(%dma_start3A_559 : memref<40x16xf32, #tpu.memory_space<vmem>>) offsets(%dma_start3A_561 : memref<40xi32, #tpu.memory_space<vmem>>) semaphore(%arg23 : memref<!tpu.dma_semaphore, #tpu.memory_space<semaphore_mem>>)
      %dma_start3A_565 = arith.constant 160 : i32
      %dma_start3A_566 = arith.constant 0 : i32
      %dma_start3A_567 = tpu.memref_slice %arg14[%dma_start3A_565, %dma_start3A_566] : memref<200x16xf32, #tpu.memory_space<vmem>> -> memref<40x16xf32, #tpu.memory_space<vmem>>
      %dma_start3A_568 = arith.constant 160 : i32
      %dma_start3A_569 = tpu.memref_slice %arg10[%dma_start3A_568] : memref<200xi32, #tpu.memory_space<vmem>> -> memref<40xi32, #tpu.memory_space<vmem>>
      %dma_start3A_570 = arith.constant 0 : i32
      %dma_start3A_571 = arith.constant 0 : i32
      %dma_start3A_572 = tpu.memref_slice %arg5[%dma_start3A_570, %dma_start3A_571] : memref<10000x16xf32, #tpu.memory_space<hbm>> -> memref<10000x16xf32, #tpu.memory_space<hbm>>
      tpu.enqueue_indirect_dma source(%dma_start3A_572 : memref<10000x16xf32, #tpu.memory_space<hbm>>) target(%dma_start3A_567 : memref<40x16xf32, #tpu.memory_space<vmem>>) offsets(%dma_start3A_569 : memref<40xi32, #tpu.memory_space<vmem>>) semaphore(%arg23 : memref<!tpu.dma_semaphore, #tpu.memory_space<semaphore_mem>>)
      %dma_start3A_573 = arith.constant 160 : i32
      %dma_start3A_574 = arith.constant 0 : i32
      %dma_start3A_575 = tpu.memref_slice %arg16[%dma_start3A_573, %dma_start3A_574] : memref<200x16xf32, #tpu.memory_space<vmem>> -> memref<40x16xf32, #tpu.memory_space<vmem>>
      %dma_start3A_576 = arith.constant 160 : i32
      %dma_start3A_577 = tpu.memref_slice %arg12[%dma_start3A_576] : memref<200xi32, #tpu.memory_space<vmem>> -> memref<40xi32, #tpu.memory_space<vmem>>
      %dma_start3A_578 = arith.constant 0 : i32
      %dma_start3A_579 = arith.constant 0 : i32
      %dma_start3A_580 = tpu.memref_slice %arg6[%dma_start3A_578, %dma_start3A_579] : memref<10000x16xf32, #tpu.memory_space<hbm>> -> memref<10000x16xf32, #tpu.memory_space<hbm>>
      tpu.enqueue_indirect_dma source(%dma_start3A_580 : memref<10000x16xf32, #tpu.memory_space<hbm>>) target(%dma_start3A_575 : memref<40x16xf32, #tpu.memory_space<vmem>>) offsets(%dma_start3A_577 : memref<40xi32, #tpu.memory_space<vmem>>) semaphore(%arg23 : memref<!tpu.dma_semaphore, #tpu.memory_space<semaphore_mem>>)
      %add3A_581 = arith.constant 1 : i32
      %add3A_582 = arith.addi %mul3A_311, %add3A_581 : i32
      %multiple_of3A_583 = tpu.assume_multiple %add3A, 8 : i32
      %min3A_584 = arith.constant 49 : i32
      %min3A_585 = arith.minsi %add3A_582, %min3A_584 : i32
      %mul3A_586 = arith.constant 200 : i32
      %mul3A_587 = arith.muli %min3A_585, %mul3A_586 : i32
      %add3A_588 = arith.addi %multiple_of3A_583, %mul3A_587 : i32
      %scan3A_589 = arith.constant 0 : i32
      %scan3A_590 = arith.constant 0 : i32
      %scan3A_591 = arith.constant 50 : i32
      %scan3A_592 = arith.addi %scan3A_590, %scan3A_591 : i32
      %scan3A_593 = arith.constant 1 : i32
      %scan3A_594 = scf.for %scan3A_617 = %scan3A_590 to %scan3A_592 step %scan3A_593 iter_args(%scan3A_618 = %scan3A_589) -> (i32)  : i32 {
        %mul3A_619 = arith.constant 4 : i32
        %mul3A_620 = arith.muli %scan3A_617, %mul3A_619 : i32
        %add3A_621 = arith.constant 0 : i32
        %add3A_622 = arith.addi %mul3A_620, %add3A_621 : i32
        %get3A = arith.index_cast %add3A_622 : i32 to index
        %get3A_623 = arith.constant 0 : index
        %get3A_624 = tpu.vector_load %arg15[%get3A, %get3A_623] {strides = array<i32>} : memref<200x16xf32, #tpu.memory_space<vmem>>, vector<1x16xf32>,
        %get3A_625 = vector.shape_cast %get3A_624 : vector<1x16xf32> to vector<16xf32>
        %get3A_626 = arith.index_cast %add3A_622 : i32 to index
        %get3A_627 = arith.constant 0 : index
        %get3A_628 = tpu.vector_load %arg17[%get3A_626, %get3A_627] {strides = array<i32>} : memref<200x16xf32, #tpu.memory_space<vmem>>, vector<1x16xf32>,
        %get3A_629 = vector.shape_cast %get3A_628 : vector<1x16xf32> to vector<16xf32>
        %add3A_630 = arith.addf %get3A_625, %get3A_629 : vector<16xf32>
        %get3A_631 = arith.index_cast %add3A_622 : i32 to index
        %get3A_632 = arith.constant 0 : index
        %get3A_633 = tpu.vector_load %arg19[%get3A_631, %get3A_632] {strides = array<i32>} : memref<200x16xf32, #tpu.memory_space<vmem>>, vector<1x16xf32>,
        %get3A_634 = vector.shape_cast %get3A_633 : vector<1x16xf32> to vector<16xf32>
        %add3A_635 = arith.addf %add3A_630, %get3A_634 : vector<16xf32>
        %ge3A = arith.constant 0.000000e+00 : f32
        %ge3A_636 = vector.broadcast %ge3A : f32 to vector<16xf32>
        %ge3A_637 = arith.cmpf oge, %add3A_635, %ge3A_636 : vector<16xf32>
        %mul3A_638 = arith.constant 2.000000e-01 : f32
        %mul3A_639 = vector.broadcast %mul3A_638 : f32 to vector<16xf32>
        %mul3A_640 = arith.mulf %mul3A_639, %add3A_635 : vector<16xf32>
        %select_n3A = arith.select %ge3A_637, %add3A_635, %mul3A_640 : vector<16xi1>, vector<16xf32>
        %exp3A = math.exp %select_n3A : vector<16xf32>
        %swap3A = arith.index_cast %add3A_622 : i32 to index
        %swap3A_641 = arith.constant 0 : index
        %swap3A_642 = tpu.vector_load %arg19[%swap3A, %swap3A_641] {strides = array<i32>} : memref<200x16xf32, #tpu.memory_space<vmem>>, vector<1x16xf32>,
        %swap3A_643 = vector.shape_cast %swap3A_642 : vector<1x16xf32> to vector<16xf32>
        %swap3A_644 = vector.shape_cast %exp3A : vector<16xf32> to vector<1x16xf32>
        tpu.vector_store %arg19[%swap3A, %swap3A_641], %swap3A_644 {strides = array<i32>} : memref<200x16xf32, #tpu.memory_space<vmem>>, vector<1x16xf32>,
        %mul3A_645 = arith.constant 4 : i32
        %mul3A_646 = arith.muli %scan3A_617, %mul3A_645 : i32
        %add3A_647 = arith.constant 1 : i32
        %add3A_648 = arith.addi %mul3A_646, %add3A_647 : i32
        %get3A_649 = arith.index_cast %add3A_648 : i32 to index
        %get3A_650 = arith.constant 0 : index
        %get3A_651 = tpu.vector_load %arg15[%get3A_649, %get3A_650] {strides = array<i32>} : memref<200x16xf32, #tpu.memory_space<vmem>>, vector<1x16xf32>,
        %get3A_652 = vector.shape_cast %get3A_651 : vector<1x16xf32> to vector<16xf32>
        %get3A_653 = arith.index_cast %add3A_648 : i32 to index
        %get3A_654 = arith.constant 0 : index
        %get3A_655 = tpu.vector_load %arg17[%get3A_653, %get3A_654] {strides = array<i32>} : memref<200x16xf32, #tpu.memory_space<vmem>>, vector<1x16xf32>,
        %get3A_656 = vector.shape_cast %get3A_655 : vector<1x16xf32> to vector<16xf32>
        %add3A_657 = arith.addf %get3A_652, %get3A_656 : vector<16xf32>
        %get3A_658 = arith.index_cast %add3A_648 : i32 to index
        %get3A_659 = arith.constant 0 : index
        %get3A_660 = tpu.vector_load %arg19[%get3A_658, %get3A_659] {strides = array<i32>} : memref<200x16xf32, #tpu.memory_space<vmem>>, vector<1x16xf32>,
        %get3A_661 = vector.shape_cast %get3A_660 : vector<1x16xf32> to vector<16xf32>
        %add3A_662 = arith.addf %add3A_657, %get3A_661 : vector<16xf32>
        %ge3A_663 = arith.constant 0.000000e+00 : f32
        %ge3A_664 = vector.broadcast %ge3A_663 : f32 to vector<16xf32>
        %ge3A_665 = arith.cmpf oge, %add3A_662, %ge3A_664 : vector<16xf32>
        %mul3A_666 = arith.constant 2.000000e-01 : f32
        %mul3A_667 = vector.broadcast %mul3A_666 : f32 to vector<16xf32>
        %mul3A_668 = arith.mulf %mul3A_667, %add3A_662 : vector<16xf32>
        %select_n3A_669 = arith.select %ge3A_665, %add3A_662, %mul3A_668 : vector<16xi1>, vector<16xf32>
        %exp3A_670 = math.exp %select_n3A_669 : vector<16xf32>
        %swap3A_671 = arith.index_cast %add3A_648 : i32 to index
        %swap3A_672 = arith.constant 0 : index
        %swap3A_673 = tpu.vector_load %arg19[%swap3A_671, %swap3A_672] {strides = array<i32>} : memref<200x16xf32, #tpu.memory_space<vmem>>, vector<1x16xf32>,
        %swap3A_674 = vector.shape_cast %swap3A_673 : vector<1x16xf32> to vector<16xf32>
        %swap3A_675 = vector.shape_cast %exp3A_670 : vector<16xf32> to vector<1x16xf32>
        tpu.vector_store %arg19[%swap3A_671, %swap3A_672], %swap3A_675 {strides = array<i32>} : memref<200x16xf32, #tpu.memory_space<vmem>>, vector<1x16xf32>,
        %mul3A_676 = arith.constant 4 : i32
        %mul3A_677 = arith.muli %scan3A_617, %mul3A_676 : i32
        %add3A_678 = arith.constant 2 : i32
        %add3A_679 = arith.addi %mul3A_677, %add3A_678 : i32
        %get3A_680 = arith.index_cast %add3A_679 : i32 to index
        %get3A_681 = arith.constant 0 : index
        %get3A_682 = tpu.vector_load %arg15[%get3A_680, %get3A_681] {strides = array<i32>} : memref<200x16xf32, #tpu.memory_space<vmem>>, vector<1x16xf32>,
        %get3A_683 = vector.shape_cast %get3A_682 : vector<1x16xf32> to vector<16xf32>
        %get3A_684 = arith.index_cast %add3A_679 : i32 to index
        %get3A_685 = arith.constant 0 : index
        %get3A_686 = tpu.vector_load %arg17[%get3A_684, %get3A_685] {strides = array<i32>} : memref<200x16xf32, #tpu.memory_space<vmem>>, vector<1x16xf32>,
        %get3A_687 = vector.shape_cast %get3A_686 : vector<1x16xf32> to vector<16xf32>
        %add3A_688 = arith.addf %get3A_683, %get3A_687 : vector<16xf32>
        %get3A_689 = arith.index_cast %add3A_679 : i32 to index
        %get3A_690 = arith.constant 0 : index
        %get3A_691 = tpu.vector_load %arg19[%get3A_689, %get3A_690] {strides = array<i32>} : memref<200x16xf32, #tpu.memory_space<vmem>>, vector<1x16xf32>,
        %get3A_692 = vector.shape_cast %get3A_691 : vector<1x16xf32> to vector<16xf32>
        %add3A_693 = arith.addf %add3A_688, %get3A_692 : vector<16xf32>
        %ge3A_694 = arith.constant 0.000000e+00 : f32
        %ge3A_695 = vector.broadcast %ge3A_694 : f32 to vector<16xf32>
        %ge3A_696 = arith.cmpf oge, %add3A_693, %ge3A_695 : vector<16xf32>
        %mul3A_697 = arith.constant 2.000000e-01 : f32
        %mul3A_698 = vector.broadcast %mul3A_697 : f32 to vector<16xf32>
        %mul3A_699 = arith.mulf %mul3A_698, %add3A_693 : vector<16xf32>
        %select_n3A_700 = arith.select %ge3A_696, %add3A_693, %mul3A_699 : vector<16xi1>, vector<16xf32>
        %exp3A_701 = math.exp %select_n3A_700 : vector<16xf32>
        %swap3A_702 = arith.index_cast %add3A_679 : i32 to index
        %swap3A_703 = arith.constant 0 : index
        %swap3A_704 = tpu.vector_load %arg19[%swap3A_702, %swap3A_703] {strides = array<i32>} : memref<200x16xf32, #tpu.memory_space<vmem>>, vector<1x16xf32>,
        %swap3A_705 = vector.shape_cast %swap3A_704 : vector<1x16xf32> to vector<16xf32>
        %swap3A_706 = vector.shape_cast %exp3A_701 : vector<16xf32> to vector<1x16xf32>
        tpu.vector_store %arg19[%swap3A_702, %swap3A_703], %swap3A_706 {strides = array<i32>} : memref<200x16xf32, #tpu.memory_space<vmem>>, vector<1x16xf32>,
        %mul3A_707 = arith.constant 4 : i32
        %mul3A_708 = arith.muli %scan3A_617, %mul3A_707 : i32
        %add3A_709 = arith.constant 3 : i32
        %add3A_710 = arith.addi %mul3A_708, %add3A_709 : i32
        %get3A_711 = arith.index_cast %add3A_710 : i32 to index
        %get3A_712 = arith.constant 0 : index
        %get3A_713 = tpu.vector_load %arg15[%get3A_711, %get3A_712] {strides = array<i32>} : memref<200x16xf32, #tpu.memory_space<vmem>>, vector<1x16xf32>,
        %get3A_714 = vector.shape_cast %get3A_713 : vector<1x16xf32> to vector<16xf32>
        %get3A_715 = arith.index_cast %add3A_710 : i32 to index
        %get3A_716 = arith.constant 0 : index
        %get3A_717 = tpu.vector_load %arg17[%get3A_715, %get3A_716] {strides = array<i32>} : memref<200x16xf32, #tpu.memory_space<vmem>>, vector<1x16xf32>,
        %get3A_718 = vector.shape_cast %get3A_717 : vector<1x16xf32> to vector<16xf32>
        %add3A_719 = arith.addf %get3A_714, %get3A_718 : vector<16xf32>
        %get3A_720 = arith.index_cast %add3A_710 : i32 to index
        %get3A_721 = arith.constant 0 : index
        %get3A_722 = tpu.vector_load %arg19[%get3A_720, %get3A_721] {strides = array<i32>} : memref<200x16xf32, #tpu.memory_space<vmem>>, vector<1x16xf32>,
        %get3A_723 = vector.shape_cast %get3A_722 : vector<1x16xf32> to vector<16xf32>
        %add3A_724 = arith.addf %add3A_719, %get3A_723 : vector<16xf32>
        %ge3A_725 = arith.constant 0.000000e+00 : f32
        %ge3A_726 = vector.broadcast %ge3A_725 : f32 to vector<16xf32>
        %ge3A_727 = arith.cmpf oge, %add3A_724, %ge3A_726 : vector<16xf32>
        %mul3A_728 = arith.constant 2.000000e-01 : f32
        %mul3A_729 = vector.broadcast %mul3A_728 : f32 to vector<16xf32>
        %mul3A_730 = arith.mulf %mul3A_729, %add3A_724 : vector<16xf32>
        %select_n3A_731 = arith.select %ge3A_727, %add3A_724, %mul3A_730 : vector<16xi1>, vector<16xf32>
        %exp3A_732 = math.exp %select_n3A_731 : vector<16xf32>
        %swap3A_733 = arith.index_cast %add3A_710 : i32 to index
        %swap3A_734 = arith.constant 0 : index
        %swap3A_735 = tpu.vector_load %arg19[%swap3A_733, %swap3A_734] {strides = array<i32>} : memref<200x16xf32, #tpu.memory_space<vmem>>, vector<1x16xf32>,
        %swap3A_736 = vector.shape_cast %swap3A_735 : vector<1x16xf32> to vector<16xf32>
        %swap3A_737 = vector.shape_cast %exp3A_732 : vector<16xf32> to vector<1x16xf32>
        tpu.vector_store %arg19[%swap3A_733, %swap3A_734], %swap3A_737 {strides = array<i32>} : memref<200x16xf32, #tpu.memory_space<vmem>>, vector<1x16xf32>,
        %scan3A_738 = arith.constant 0 : i32
        scf.yield %scan3A_738 : i32
      }
      %scan3A_595 = arith.constant 50 : i32
      %dma_start3A_596 = arith.constant 0 : i32
      %dma_start3A_597 = tpu.memref_slice %arg8[%add3A_588, %dma_start3A_596] : memref<320000x16xf32, #tpu.memory_space<hbm>> -> memref<200x16xf32, #tpu.memory_space<hbm>>
      %dma_start3A_598 = arith.constant 0 : i32
      %dma_start3A_599 = tpu.memref_slice %arg8[%add3A_588, %dma_start3A_598] : memref<320000x16xf32, #tpu.memory_space<hbm>> -> memref<200x16xf32, #tpu.memory_space<hbm>>
      tpu.enqueue_dma source(%arg19 : memref<200x16xf32, #tpu.memory_space<vmem>>) target(%dma_start3A_599 : memref<200x16xf32, #tpu.memory_space<hbm>>) target_semaphore(%arg22 : memref<!tpu.dma_semaphore, #tpu.memory_space<semaphore_mem>>)
      "tpu.region"() ({
        %run_scoped3A = tpu.sem_alloc : memref<!tpu.dma_semaphore, #tpu.memory_space<semaphore_mem>>
        %dma_start3A_617 = arith.constant 0 : i32
        %dma_start3A_618 = arith.constant 0 : i32
        %dma_start3A_619 = tpu.memref_slice %arg20[%dma_start3A_617, %dma_start3A_618] : memref<10240x16xf32, #tpu.memory_space<vmem_shared>> -> memref<10240x16xf32, #tpu.memory_space<vmem_shared>>
        tpu.enqueue_indirect_dma source(%arg19 : memref<200x16xf32, #tpu.memory_space<vmem>>) target(%dma_start3A_619 : memref<10240x16xf32, #tpu.memory_space<vmem_shared>>) offsets(%arg13 : memref<200xi32, #tpu.memory_space<vmem>>) semaphore(%run_scoped3A : memref<!tpu.dma_semaphore, #tpu.memory_space<semaphore_mem>>) {add = true}
        %dma_wait3A_620 = arith.constant 0 : i32
        %dma_wait3A_621 = arith.constant 0 : i32
        %dma_wait3A_622 = tpu.memref_slice %arg20[%dma_wait3A_620, %dma_wait3A_621] : memref<10240x16xf32, #tpu.memory_space<vmem_shared>> -> memref<10240x16xf32, #tpu.memory_space<vmem_shared>>
        tpu.wait_indirect_dma semaphore(%run_scoped3A : memref<!tpu.dma_semaphore, #tpu.memory_space<semaphore_mem>>) src(%arg19 : memref<200x16xf32, #tpu.memory_space<vmem>>) dst(%dma_wait3A_622 : memref<10240x16xf32, #tpu.memory_space<vmem_shared>>)
        tpu.yield
      }) : () -> ()
      %dma_wait3A_600 = arith.constant 0 : i32
      %dma_wait3A_601 = tpu.memref_slice %arg8[%add3A_588, %dma_wait3A_600] : memref<320000x16xf32, #tpu.memory_space<hbm>> -> memref<200x16xf32, #tpu.memory_space<hbm>>
      %dma_wait3A_602 = arith.constant 0 : i32
      %dma_wait3A_603 = tpu.memref_slice %arg8[%add3A_588, %dma_wait3A_602] : memref<320000x16xf32, #tpu.memory_space<hbm>> -> memref<200x16xf32, #tpu.memory_space<hbm>>
      tpu.wait_dma2 semaphore(%arg22 : memref<!tpu.dma_semaphore, #tpu.memory_space<semaphore_mem>>) src(%arg19 : memref<200x16xf32, #tpu.memory_space<vmem>>) dst(%dma_wait3A_603 : memref<200x16xf32, #tpu.memory_space<hbm>>)
      %add3A_604 = arith.constant 3 : i32
      %add3A_605 = arith.addi %mul3A_311, %add3A_604 : i32
      %multiple_of3A_606 = tpu.assume_multiple %add3A, 8 : i32
      %min3A_607 = arith.constant 49 : i32
      %min3A_608 = arith.minsi %add3A_605, %min3A_607 : i32
      %mul3A_609 = arith.constant 200 : i32
      %mul3A_610 = arith.muli %min3A_608, %mul3A_609 : i32
      %add3A_611 = arith.addi %multiple_of3A_606, %mul3A_610 : i32
      %dma_start3A_612 = tpu.memref_slice %arg2[%add3A_611] : memref<320000xi32, #tpu.memory_space<hbm>> -> memref<200xi32, #tpu.memory_space<hbm>>
      %dma_start3A_613 = tpu.memref_slice %arg2[%add3A_611] : memref<320000xi32, #tpu.memory_space<hbm>> -> memref<200xi32, #tpu.memory_space<hbm>>
      tpu.enqueue_dma source(%dma_start3A_613 : memref<200xi32, #tpu.memory_space<hbm>>) target(%arg11 : memref<200xi32, #tpu.memory_space<vmem>>) target_semaphore(%arg22 : memref<!tpu.dma_semaphore, #tpu.memory_space<semaphore_mem>>)
      %dma_start3A_614 = tpu.memref_slice %arg3[%add3A_611] : memref<320000xi32, #tpu.memory_space<hbm>> -> memref<200xi32, #tpu.memory_space<hbm>>
      %dma_start3A_615 = tpu.memref_slice %arg3[%add3A_611] : memref<320000xi32, #tpu.memory_space<hbm>> -> memref<200xi32, #tpu.memory_space<hbm>>
      tpu.enqueue_dma source(%dma_start3A_615 : memref<200xi32, #tpu.memory_space<hbm>>) target(%arg13 : memref<200xi32, #tpu.memory_space<vmem>>) target_semaphore(%arg22 : memref<!tpu.dma_semaphore, #tpu.memory_space<semaphore_mem>>)
      %scan3A_616 = arith.constant 0 : i32
      scf.yield %scan3A_616 : i32
    }
    %scan3A_127 = arith.constant 24 : i32
    %dma_wait3A_128 = arith.constant 0 : i32
    %dma_wait3A_129 = tpu.memref_slice %arg2[%dma_wait3A_128] : memref<320000xi32, #tpu.memory_space<hbm>> -> memref<200xi32, #tpu.memory_space<hbm>>
    %dma_wait3A_130 = arith.constant 0 : i32
    %dma_wait3A_131 = tpu.memref_slice %arg2[%dma_wait3A_130] : memref<320000xi32, #tpu.memory_space<hbm>> -> memref<200xi32, #tpu.memory_space<hbm>>
    tpu.wait_dma2 semaphore(%arg22 : memref<!tpu.dma_semaphore, #tpu.memory_space<semaphore_mem>>) src(%dma_wait3A_131 : memref<200xi32, #tpu.memory_space<hbm>>) dst(%arg11 : memref<200xi32, #tpu.memory_space<vmem>>)
    %dma_wait3A_132 = arith.constant 0 : i32
    %dma_wait3A_133 = tpu.memref_slice %arg3[%dma_wait3A_132] : memref<320000xi32, #tpu.memory_space<hbm>> -> memref<200xi32, #tpu.memory_space<hbm>>
    %dma_wait3A_134 = arith.constant 0 : i32
    %dma_wait3A_135 = tpu.memref_slice %arg3[%dma_wait3A_134] : memref<320000xi32, #tpu.memory_space<hbm>> -> memref<200xi32, #tpu.memory_space<hbm>>
    tpu.wait_dma2 semaphore(%arg22 : memref<!tpu.dma_semaphore, #tpu.memory_space<semaphore_mem>>) src(%dma_wait3A_135 : memref<200xi32, #tpu.memory_space<hbm>>) dst(%arg13 : memref<200xi32, #tpu.memory_space<vmem>>)
    %multiple_of3A_136 = tpu.assume_multiple %add3A, 8 : i32
    %min3A_137 = arith.constant 49 : i32
    %min3A_138 = arith.constant 49 : i32
    %min3A_139 = arith.minsi %min3A_137, %min3A_138 : i32
    %mul3A_140 = arith.constant 200 : i32
    %mul3A_141 = arith.muli %min3A_139, %mul3A_140 : i32
    %add3A_142 = arith.addi %multiple_of3A_136, %mul3A_141 : i32
    %dma_start3A_143 = arith.constant 0 : i32
    %dma_start3A_144 = tpu.memref_slice %arg4[%add3A_142, %dma_start3A_143] : memref<320000x16xf32, #tpu.memory_space<hbm>> -> memref<200x16xf32, #tpu.memory_space<hbm>>
    %dma_start3A_145 = arith.constant 0 : i32
    %dma_start3A_146 = tpu.memref_slice %arg4[%add3A_142, %dma_start3A_145] : memref<320000x16xf32, #tpu.memory_space<hbm>> -> memref<200x16xf32, #tpu.memory_space<hbm>>
    tpu.enqueue_dma source(%dma_start3A_146 : memref<200x16xf32, #tpu.memory_space<hbm>>) target(%arg19 : memref<200x16xf32, #tpu.memory_space<vmem>>) target_semaphore(%arg24 : memref<!tpu.dma_semaphore, #tpu.memory_space<semaphore_mem>>)
    %dma_start3A_147 = arith.constant 0 : i32
    %dma_start3A_148 = arith.constant 0 : i32
    %dma_start3A_149 = tpu.memref_slice %arg15[%dma_start3A_147, %dma_start3A_148] : memref<200x16xf32, #tpu.memory_space<vmem>> -> memref<40x16xf32, #tpu.memory_space<vmem>>
    %dma_start3A_150 = arith.constant 0 : i32
    %dma_start3A_151 = tpu.memref_slice %arg11[%dma_start3A_150] : memref<200xi32, #tpu.memory_space<vmem>> -> memref<40xi32, #tpu.memory_space<vmem>>
    %dma_start3A_152 = arith.constant 0 : i32
    %dma_start3A_153 = arith.constant 0 : i32
    %dma_start3A_154 = tpu.memref_slice %arg5[%dma_start3A_152, %dma_start3A_153] : memref<10000x16xf32, #tpu.memory_space<hbm>> -> memref<10000x16xf32, #tpu.memory_space<hbm>>
    tpu.enqueue_indirect_dma source(%dma_start3A_154 : memref<10000x16xf32, #tpu.memory_space<hbm>>) target(%dma_start3A_149 : memref<40x16xf32, #tpu.memory_space<vmem>>) offsets(%dma_start3A_151 : memref<40xi32, #tpu.memory_space<vmem>>) semaphore(%arg24 : memref<!tpu.dma_semaphore, #tpu.memory_space<semaphore_mem>>)
    %dma_start3A_155 = arith.constant 0 : i32
    %dma_start3A_156 = arith.constant 0 : i32
    %dma_start3A_157 = tpu.memref_slice %arg17[%dma_start3A_155, %dma_start3A_156] : memref<200x16xf32, #tpu.memory_space<vmem>> -> memref<40x16xf32, #tpu.memory_space<vmem>>
    %dma_start3A_158 = arith.constant 0 : i32
    %dma_start3A_159 = tpu.memref_slice %arg13[%dma_start3A_158] : memref<200xi32, #tpu.memory_space<vmem>> -> memref<40xi32, #tpu.memory_space<vmem>>
    %dma_start3A_160 = arith.constant 0 : i32
    %dma_start3A_161 = arith.constant 0 : i32
    %dma_start3A_162 = tpu.memref_slice %arg6[%dma_start3A_160, %dma_start3A_161] : memref<10000x16xf32, #tpu.memory_space<hbm>> -> memref<10000x16xf32, #tpu.memory_space<hbm>>
    tpu.enqueue_indirect_dma source(%dma_start3A_162 : memref<10000x16xf32, #tpu.memory_space<hbm>>) target(%dma_start3A_157 : memref<40x16xf32, #tpu.memory_space<vmem>>) offsets(%dma_start3A_159 : memref<40xi32, #tpu.memory_space<vmem>>) semaphore(%arg24 : memref<!tpu.dma_semaphore, #tpu.memory_space<semaphore_mem>>)
    %dma_start3A_163 = arith.constant 40 : i32
    %dma_start3A_164 = arith.constant 0 : i32
    %dma_start3A_165 = tpu.memref_slice %arg15[%dma_start3A_163, %dma_start3A_164] : memref<200x16xf32, #tpu.memory_space<vmem>> -> memref<40x16xf32, #tpu.memory_space<vmem>>
    %dma_start3A_166 = arith.constant 40 : i32
    %dma_start3A_167 = tpu.memref_slice %arg11[%dma_start3A_166] : memref<200xi32, #tpu.memory_space<vmem>> -> memref<40xi32, #tpu.memory_space<vmem>>
    %dma_start3A_168 = arith.constant 0 : i32
    %dma_start3A_169 = arith.constant 0 : i32
    %dma_start3A_170 = tpu.memref_slice %arg5[%dma_start3A_168, %dma_start3A_169] : memref<10000x16xf32, #tpu.memory_space<hbm>> -> memref<10000x16xf32, #tpu.memory_space<hbm>>
    tpu.enqueue_indirect_dma source(%dma_start3A_170 : memref<10000x16xf32, #tpu.memory_space<hbm>>) target(%dma_start3A_165 : memref<40x16xf32, #tpu.memory_space<vmem>>) offsets(%dma_start3A_167 : memref<40xi32, #tpu.memory_space<vmem>>) semaphore(%arg24 : memref<!tpu.dma_semaphore, #tpu.memory_space<semaphore_mem>>)
    %dma_start3A_171 = arith.constant 40 : i32
    %dma_start3A_172 = arith.constant 0 : i32
    %dma_start3A_173 = tpu.memref_slice %arg17[%dma_start3A_171, %dma_start3A_172] : memref<200x16xf32, #tpu.memory_space<vmem>> -> memref<40x16xf32, #tpu.memory_space<vmem>>
    %dma_start3A_174 = arith.constant 40 : i32
    %dma_start3A_175 = tpu.memref_slice %arg13[%dma_start3A_174] : memref<200xi32, #tpu.memory_space<vmem>> -> memref<40xi32, #tpu.memory_space<vmem>>
    %dma_start3A_176 = arith.constant 0 : i32
    %dma_start3A_177 = arith.constant 0 : i32
    %dma_start3A_178 = tpu.memref_slice %arg6[%dma_start3A_176, %dma_start3A_177] : memref<10000x16xf32, #tpu.memory_space<hbm>> -> memref<10000x16xf32, #tpu.memory_space<hbm>>
    tpu.enqueue_indirect_dma source(%dma_start3A_178 : memref<10000x16xf32, #tpu.memory_space<hbm>>) target(%dma_start3A_173 : memref<40x16xf32, #tpu.memory_space<vmem>>) offsets(%dma_start3A_175 : memref<40xi32, #tpu.memory_space<vmem>>) semaphore(%arg24 : memref<!tpu.dma_semaphore, #tpu.memory_space<semaphore_mem>>)
    %dma_start3A_179 = arith.constant 80 : i32
    %dma_start3A_180 = arith.constant 0 : i32
    %dma_start3A_181 = tpu.memref_slice %arg15[%dma_start3A_179, %dma_start3A_180] : memref<200x16xf32, #tpu.memory_space<vmem>> -> memref<40x16xf32, #tpu.memory_space<vmem>>
    %dma_start3A_182 = arith.constant 80 : i32
    %dma_start3A_183 = tpu.memref_slice %arg11[%dma_start3A_182] : memref<200xi32, #tpu.memory_space<vmem>> -> memref<40xi32, #tpu.memory_space<vmem>>
    %dma_start3A_184 = arith.constant 0 : i32
    %dma_start3A_185 = arith.constant 0 : i32
    %dma_start3A_186 = tpu.memref_slice %arg5[%dma_start3A_184, %dma_start3A_185] : memref<10000x16xf32, #tpu.memory_space<hbm>> -> memref<10000x16xf32, #tpu.memory_space<hbm>>
    tpu.enqueue_indirect_dma source(%dma_start3A_186 : memref<10000x16xf32, #tpu.memory_space<hbm>>) target(%dma_start3A_181 : memref<40x16xf32, #tpu.memory_space<vmem>>) offsets(%dma_start3A_183 : memref<40xi32, #tpu.memory_space<vmem>>) semaphore(%arg24 : memref<!tpu.dma_semaphore, #tpu.memory_space<semaphore_mem>>)
    %dma_start3A_187 = arith.constant 80 : i32
    %dma_start3A_188 = arith.constant 0 : i32
    %dma_start3A_189 = tpu.memref_slice %arg17[%dma_start3A_187, %dma_start3A_188] : memref<200x16xf32, #tpu.memory_space<vmem>> -> memref<40x16xf32, #tpu.memory_space<vmem>>
    %dma_start3A_190 = arith.constant 80 : i32
    %dma_start3A_191 = tpu.memref_slice %arg13[%dma_start3A_190] : memref<200xi32, #tpu.memory_space<vmem>> -> memref<40xi32, #tpu.memory_space<vmem>>
    %dma_start3A_192 = arith.constant 0 : i32
    %dma_start3A_193 = arith.constant 0 : i32
    %dma_start3A_194 = tpu.memref_slice %arg6[%dma_start3A_192, %dma_start3A_193] : memref<10000x16xf32, #tpu.memory_space<hbm>> -> memref<10000x16xf32, #tpu.memory_space<hbm>>
    tpu.enqueue_indirect_dma source(%dma_start3A_194 : memref<10000x16xf32, #tpu.memory_space<hbm>>) target(%dma_start3A_189 : memref<40x16xf32, #tpu.memory_space<vmem>>) offsets(%dma_start3A_191 : memref<40xi32, #tpu.memory_space<vmem>>) semaphore(%arg24 : memref<!tpu.dma_semaphore, #tpu.memory_space<semaphore_mem>>)
    %dma_start3A_195 = arith.constant 120 : i32
    %dma_start3A_196 = arith.constant 0 : i32
    %dma_start3A_197 = tpu.memref_slice %arg15[%dma_start3A_195, %dma_start3A_196] : memref<200x16xf32, #tpu.memory_space<vmem>> -> memref<40x16xf32, #tpu.memory_space<vmem>>
    %dma_start3A_198 = arith.constant 120 : i32
    %dma_start3A_199 = tpu.memref_slice %arg11[%dma_start3A_198] : memref<200xi32, #tpu.memory_space<vmem>> -> memref<40xi32, #tpu.memory_space<vmem>>
    %dma_start3A_200 = arith.constant 0 : i32
    %dma_start3A_201 = arith.constant 0 : i32
    %dma_start3A_202 = tpu.memref_slice %arg5[%dma_start3A_200, %dma_start3A_201] : memref<10000x16xf32, #tpu.memory_space<hbm>> -> memref<10000x16xf32, #tpu.memory_space<hbm>>
    tpu.enqueue_indirect_dma source(%dma_start3A_202 : memref<10000x16xf32, #tpu.memory_space<hbm>>) target(%dma_start3A_197 : memref<40x16xf32, #tpu.memory_space<vmem>>) offsets(%dma_start3A_199 : memref<40xi32, #tpu.memory_space<vmem>>) semaphore(%arg24 : memref<!tpu.dma_semaphore, #tpu.memory_space<semaphore_mem>>)
    %dma_start3A_203 = arith.constant 120 : i32
    %dma_start3A_204 = arith.constant 0 : i32
    %dma_start3A_205 = tpu.memref_slice %arg17[%dma_start3A_203, %dma_start3A_204] : memref<200x16xf32, #tpu.memory_space<vmem>> -> memref<40x16xf32, #tpu.memory_space<vmem>>
    %dma_start3A_206 = arith.constant 120 : i32
    %dma_start3A_207 = tpu.memref_slice %arg13[%dma_start3A_206] : memref<200xi32, #tpu.memory_space<vmem>> -> memref<40xi32, #tpu.memory_space<vmem>>
    %dma_start3A_208 = arith.constant 0 : i32
    %dma_start3A_209 = arith.constant 0 : i32
    %dma_start3A_210 = tpu.memref_slice %arg6[%dma_start3A_208, %dma_start3A_209] : memref<10000x16xf32, #tpu.memory_space<hbm>> -> memref<10000x16xf32, #tpu.memory_space<hbm>>
    tpu.enqueue_indirect_dma source(%dma_start3A_210 : memref<10000x16xf32, #tpu.memory_space<hbm>>) target(%dma_start3A_205 : memref<40x16xf32, #tpu.memory_space<vmem>>) offsets(%dma_start3A_207 : memref<40xi32, #tpu.memory_space<vmem>>) semaphore(%arg24 : memref<!tpu.dma_semaphore, #tpu.memory_space<semaphore_mem>>)
    %dma_start3A_211 = arith.constant 160 : i32
    %dma_start3A_212 = arith.constant 0 : i32
    %dma_start3A_213 = tpu.memref_slice %arg15[%dma_start3A_211, %dma_start3A_212] : memref<200x16xf32, #tpu.memory_space<vmem>> -> memref<40x16xf32, #tpu.memory_space<vmem>>
    %dma_start3A_214 = arith.constant 160 : i32
    %dma_start3A_215 = tpu.memref_slice %arg11[%dma_start3A_214] : memref<200xi32, #tpu.memory_space<vmem>> -> memref<40xi32, #tpu.memory_space<vmem>>
    %dma_start3A_216 = arith.constant 0 : i32
    %dma_start3A_217 = arith.constant 0 : i32
    %dma_start3A_218 = tpu.memref_slice %arg5[%dma_start3A_216, %dma_start3A_217] : memref<10000x16xf32, #tpu.memory_space<hbm>> -> memref<10000x16xf32, #tpu.memory_space<hbm>>
    tpu.enqueue_indirect_dma source(%dma_start3A_218 : memref<10000x16xf32, #tpu.memory_space<hbm>>) target(%dma_start3A_213 : memref<40x16xf32, #tpu.memory_space<vmem>>) offsets(%dma_start3A_215 : memref<40xi32, #tpu.memory_space<vmem>>) semaphore(%arg24 : memref<!tpu.dma_semaphore, #tpu.memory_space<semaphore_mem>>)
    %dma_start3A_219 = arith.constant 160 : i32
    %dma_start3A_220 = arith.constant 0 : i32
    %dma_start3A_221 = tpu.memref_slice %arg17[%dma_start3A_219, %dma_start3A_220] : memref<200x16xf32, #tpu.memory_space<vmem>> -> memref<40x16xf32, #tpu.memory_space<vmem>>
    %dma_start3A_222 = arith.constant 160 : i32
    %dma_start3A_223 = tpu.memref_slice %arg13[%dma_start3A_222] : memref<200xi32, #tpu.memory_space<vmem>> -> memref<40xi32, #tpu.memory_space<vmem>>
    %dma_start3A_224 = arith.constant 0 : i32
    %dma_start3A_225 = arith.constant 0 : i32
    %dma_start3A_226 = tpu.memref_slice %arg6[%dma_start3A_224, %dma_start3A_225] : memref<10000x16xf32, #tpu.memory_space<hbm>> -> memref<10000x16xf32, #tpu.memory_space<hbm>>
    tpu.enqueue_indirect_dma source(%dma_start3A_226 : memref<10000x16xf32, #tpu.memory_space<hbm>>) target(%dma_start3A_221 : memref<40x16xf32, #tpu.memory_space<vmem>>) offsets(%dma_start3A_223 : memref<40xi32, #tpu.memory_space<vmem>>) semaphore(%arg24 : memref<!tpu.dma_semaphore, #tpu.memory_space<semaphore_mem>>)
    %dma_wait3A_227 = arith.constant 0 : i32
    %dma_wait3A_228 = arith.constant 0 : i32
    %dma_wait3A_229 = tpu.memref_slice %arg4[%dma_wait3A_227, %dma_wait3A_228] : memref<320000x16xf32, #tpu.memory_space<hbm>> -> memref<200x16xf32, #tpu.memory_space<hbm>>
    %dma_wait3A_230 = arith.constant 0 : i32
    %dma_wait3A_231 = arith.constant 0 : i32
    %dma_wait3A_232 = tpu.memref_slice %arg4[%dma_wait3A_230, %dma_wait3A_231] : memref<320000x16xf32, #tpu.memory_space<hbm>> -> memref<200x16xf32, #tpu.memory_space<hbm>>
    tpu.wait_dma2 semaphore(%arg23 : memref<!tpu.dma_semaphore, #tpu.memory_space<semaphore_mem>>) src(%dma_wait3A_232 : memref<200x16xf32, #tpu.memory_space<hbm>>) dst(%arg18 : memref<200x16xf32, #tpu.memory_space<vmem>>)
    %dma_wait3A_233 = arith.constant 0 : i32
    %dma_wait3A_234 = arith.constant 0 : i32
    %dma_wait3A_235 = tpu.memref_slice %arg4[%dma_wait3A_233, %dma_wait3A_234] : memref<320000x16xf32, #tpu.memory_space<hbm>> -> memref<200x16xf32, #tpu.memory_space<hbm>>
    %dma_wait3A_236 = arith.constant 0 : i32
    %dma_wait3A_237 = arith.constant 0 : i32
    %dma_wait3A_238 = tpu.memref_slice %arg4[%dma_wait3A_236, %dma_wait3A_237] : memref<320000x16xf32, #tpu.memory_space<hbm>> -> memref<200x16xf32, #tpu.memory_space<hbm>>
    tpu.wait_dma2 semaphore(%arg23 : memref<!tpu.dma_semaphore, #tpu.memory_space<semaphore_mem>>) src(%dma_wait3A_238 : memref<200x16xf32, #tpu.memory_space<hbm>>) dst(%arg14 : memref<200x16xf32, #tpu.memory_space<vmem>>)
    %dma_wait3A_239 = arith.constant 0 : i32
    %dma_wait3A_240 = arith.constant 0 : i32
    %dma_wait3A_241 = tpu.memref_slice %arg4[%dma_wait3A_239, %dma_wait3A_240] : memref<320000x16xf32, #tpu.memory_space<hbm>> -> memref<200x16xf32, #tpu.memory_space<hbm>>
    %dma_wait3A_242 = arith.constant 0 : i32
    %dma_wait3A_243 = arith.constant 0 : i32
    %dma_wait3A_244 = tpu.memref_slice %arg4[%dma_wait3A_242, %dma_wait3A_243] : memref<320000x16xf32, #tpu.memory_space<hbm>> -> memref<200x16xf32, #tpu.memory_space<hbm>>
    tpu.wait_dma2 semaphore(%arg23 : memref<!tpu.dma_semaphore, #tpu.memory_space<semaphore_mem>>) src(%dma_wait3A_244 : memref<200x16xf32, #tpu.memory_space<hbm>>) dst(%arg16 : memref<200x16xf32, #tpu.memory_space<vmem>>)
    %multiple_of3A_245 = tpu.assume_multiple %add3A, 8 : i32
    %min3A_246 = arith.constant 48 : i32
    %min3A_247 = arith.constant 49 : i32
    %min3A_248 = arith.minsi %min3A_246, %min3A_247 : i32
    %mul3A_249 = arith.constant 200 : i32
    %mul3A_250 = arith.muli %min3A_248, %mul3A_249 : i32
    %add3A_251 = arith.addi %multiple_of3A_245, %mul3A_250 : i32
    %scan3A_252 = arith.constant 0 : i32
    %scan3A_253 = arith.constant 0 : i32
    %scan3A_254 = arith.constant 50 : i32
    %scan3A_255 = arith.addi %scan3A_253, %scan3A_254 : i32
    %scan3A_256 = arith.constant 1 : i32
    %scan3A_257 = scf.for %scan3A_308 = %scan3A_253 to %scan3A_255 step %scan3A_256 iter_args(%scan3A_309 = %scan3A_252) -> (i32)  : i32 {
      %mul3A_310 = arith.constant 4 : i32
      %mul3A_311 = arith.muli %scan3A_308, %mul3A_310 : i32
      %add3A_312 = arith.constant 0 : i32
      %add3A_313 = arith.addi %mul3A_311, %add3A_312 : i32
      %get3A = arith.index_cast %add3A_313 : i32 to index
      %get3A_314 = arith.constant 0 : index
      %get3A_315 = tpu.vector_load %arg14[%get3A, %get3A_314] {strides = array<i32>} : memref<200x16xf32, #tpu.memory_space<vmem>>, vector<1x16xf32>,
      %get3A_316 = vector.shape_cast %get3A_315 : vector<1x16xf32> to vector<16xf32>
      %get3A_317 = arith.index_cast %add3A_313 : i32 to index
      %get3A_318 = arith.constant 0 : index
      %get3A_319 = tpu.vector_load %arg16[%get3A_317, %get3A_318] {strides = array<i32>} : memref<200x16xf32, #tpu.memory_space<vmem>>, vector<1x16xf32>,
      %get3A_320 = vector.shape_cast %get3A_319 : vector<1x16xf32> to vector<16xf32>
      %add3A_321 = arith.addf %get3A_316, %get3A_320 : vector<16xf32>
      %get3A_322 = arith.index_cast %add3A_313 : i32 to index
      %get3A_323 = arith.constant 0 : index
      %get3A_324 = tpu.vector_load %arg18[%get3A_322, %get3A_323] {strides = array<i32>} : memref<200x16xf32, #tpu.memory_space<vmem>>, vector<1x16xf32>,
      %get3A_325 = vector.shape_cast %get3A_324 : vector<1x16xf32> to vector<16xf32>
      %add3A_326 = arith.addf %add3A_321, %get3A_325 : vector<16xf32>
      %ge3A = arith.constant 0.000000e+00 : f32
      %ge3A_327 = vector.broadcast %ge3A : f32 to vector<16xf32>
      %ge3A_328 = arith.cmpf oge, %add3A_326, %ge3A_327 : vector<16xf32>
      %mul3A_329 = arith.constant 2.000000e-01 : f32
      %mul3A_330 = vector.broadcast %mul3A_329 : f32 to vector<16xf32>
      %mul3A_331 = arith.mulf %mul3A_330, %add3A_326 : vector<16xf32>
      %select_n3A = arith.select %ge3A_328, %add3A_326, %mul3A_331 : vector<16xi1>, vector<16xf32>
      %exp3A = math.exp %select_n3A : vector<16xf32>
      %swap3A = arith.index_cast %add3A_313 : i32 to index
      %swap3A_332 = arith.constant 0 : index
      %swap3A_333 = tpu.vector_load %arg18[%swap3A, %swap3A_332] {strides = array<i32>} : memref<200x16xf32, #tpu.memory_space<vmem>>, vector<1x16xf32>,
      %swap3A_334 = vector.shape_cast %swap3A_333 : vector<1x16xf32> to vector<16xf32>
      %swap3A_335 = vector.shape_cast %exp3A : vector<16xf32> to vector<1x16xf32>
      tpu.vector_store %arg18[%swap3A, %swap3A_332], %swap3A_335 {strides = array<i32>} : memref<200x16xf32, #tpu.memory_space<vmem>>, vector<1x16xf32>,
      %mul3A_336 = arith.constant 4 : i32
      %mul3A_337 = arith.muli %scan3A_308, %mul3A_336 : i32
      %add3A_338 = arith.constant 1 : i32
      %add3A_339 = arith.addi %mul3A_337, %add3A_338 : i32
      %get3A_340 = arith.index_cast %add3A_339 : i32 to index
      %get3A_341 = arith.constant 0 : index
      %get3A_342 = tpu.vector_load %arg14[%get3A_340, %get3A_341] {strides = array<i32>} : memref<200x16xf32, #tpu.memory_space<vmem>>, vector<1x16xf32>,
      %get3A_343 = vector.shape_cast %get3A_342 : vector<1x16xf32> to vector<16xf32>
      %get3A_344 = arith.index_cast %add3A_339 : i32 to index
      %get3A_345 = arith.constant 0 : index
      %get3A_346 = tpu.vector_load %arg16[%get3A_344, %get3A_345] {strides = array<i32>} : memref<200x16xf32, #tpu.memory_space<vmem>>, vector<1x16xf32>,
      %get3A_347 = vector.shape_cast %get3A_346 : vector<1x16xf32> to vector<16xf32>
      %add3A_348 = arith.addf %get3A_343, %get3A_347 : vector<16xf32>
      %get3A_349 = arith.index_cast %add3A_339 : i32 to index
      %get3A_350 = arith.constant 0 : index
      %get3A_351 = tpu.vector_load %arg18[%get3A_349, %get3A_350] {strides = array<i32>} : memref<200x16xf32, #tpu.memory_space<vmem>>, vector<1x16xf32>,
      %get3A_352 = vector.shape_cast %get3A_351 : vector<1x16xf32> to vector<16xf32>
      %add3A_353 = arith.addf %add3A_348, %get3A_352 : vector<16xf32>
      %ge3A_354 = arith.constant 0.000000e+00 : f32
      %ge3A_355 = vector.broadcast %ge3A_354 : f32 to vector<16xf32>
      %ge3A_356 = arith.cmpf oge, %add3A_353, %ge3A_355 : vector<16xf32>
      %mul3A_357 = arith.constant 2.000000e-01 : f32
      %mul3A_358 = vector.broadcast %mul3A_357 : f32 to vector<16xf32>
      %mul3A_359 = arith.mulf %mul3A_358, %add3A_353 : vector<16xf32>
      %select_n3A_360 = arith.select %ge3A_356, %add3A_353, %mul3A_359 : vector<16xi1>, vector<16xf32>
      %exp3A_361 = math.exp %select_n3A_360 : vector<16xf32>
      %swap3A_362 = arith.index_cast %add3A_339 : i32 to index
      %swap3A_363 = arith.constant 0 : index
      %swap3A_364 = tpu.vector_load %arg18[%swap3A_362, %swap3A_363] {strides = array<i32>} : memref<200x16xf32, #tpu.memory_space<vmem>>, vector<1x16xf32>,
      %swap3A_365 = vector.shape_cast %swap3A_364 : vector<1x16xf32> to vector<16xf32>
      %swap3A_366 = vector.shape_cast %exp3A_361 : vector<16xf32> to vector<1x16xf32>
      tpu.vector_store %arg18[%swap3A_362, %swap3A_363], %swap3A_366 {strides = array<i32>} : memref<200x16xf32, #tpu.memory_space<vmem>>, vector<1x16xf32>,
      %mul3A_367 = arith.constant 4 : i32
      %mul3A_368 = arith.muli %scan3A_308, %mul3A_367 : i32
      %add3A_369 = arith.constant 2 : i32
      %add3A_370 = arith.addi %mul3A_368, %add3A_369 : i32
      %get3A_371 = arith.index_cast %add3A_370 : i32 to index
      %get3A_372 = arith.constant 0 : index
      %get3A_373 = tpu.vector_load %arg14[%get3A_371, %get3A_372] {strides = array<i32>} : memref<200x16xf32, #tpu.memory_space<vmem>>, vector<1x16xf32>,
      %get3A_374 = vector.shape_cast %get3A_373 : vector<1x16xf32> to vector<16xf32>
      %get3A_375 = arith.index_cast %add3A_370 : i32 to index
      %get3A_376 = arith.constant 0 : index
      %get3A_377 = tpu.vector_load %arg16[%get3A_375, %get3A_376] {strides = array<i32>} : memref<200x16xf32, #tpu.memory_space<vmem>>, vector<1x16xf32>,
      %get3A_378 = vector.shape_cast %get3A_377 : vector<1x16xf32> to vector<16xf32>
      %add3A_379 = arith.addf %get3A_374, %get3A_378 : vector<16xf32>
      %get3A_380 = arith.index_cast %add3A_370 : i32 to index
      %get3A_381 = arith.constant 0 : index
      %get3A_382 = tpu.vector_load %arg18[%get3A_380, %get3A_381] {strides = array<i32>} : memref<200x16xf32, #tpu.memory_space<vmem>>, vector<1x16xf32>,
      %get3A_383 = vector.shape_cast %get3A_382 : vector<1x16xf32> to vector<16xf32>
      %add3A_384 = arith.addf %add3A_379, %get3A_383 : vector<16xf32>
      %ge3A_385 = arith.constant 0.000000e+00 : f32
      %ge3A_386 = vector.broadcast %ge3A_385 : f32 to vector<16xf32>
      %ge3A_387 = arith.cmpf oge, %add3A_384, %ge3A_386 : vector<16xf32>
      %mul3A_388 = arith.constant 2.000000e-01 : f32
      %mul3A_389 = vector.broadcast %mul3A_388 : f32 to vector<16xf32>
      %mul3A_390 = arith.mulf %mul3A_389, %add3A_384 : vector<16xf32>
      %select_n3A_391 = arith.select %ge3A_387, %add3A_384, %mul3A_390 : vector<16xi1>, vector<16xf32>
      %exp3A_392 = math.exp %select_n3A_391 : vector<16xf32>
      %swap3A_393 = arith.index_cast %add3A_370 : i32 to index
      %swap3A_394 = arith.constant 0 : index
      %swap3A_395 = tpu.vector_load %arg18[%swap3A_393, %swap3A_394] {strides = array<i32>} : memref<200x16xf32, #tpu.memory_space<vmem>>, vector<1x16xf32>,
      %swap3A_396 = vector.shape_cast %swap3A_395 : vector<1x16xf32> to vector<16xf32>
      %swap3A_397 = vector.shape_cast %exp3A_392 : vector<16xf32> to vector<1x16xf32>
      tpu.vector_store %arg18[%swap3A_393, %swap3A_394], %swap3A_397 {strides = array<i32>} : memref<200x16xf32, #tpu.memory_space<vmem>>, vector<1x16xf32>,
      %mul3A_398 = arith.constant 4 : i32
      %mul3A_399 = arith.muli %scan3A_308, %mul3A_398 : i32
      %add3A_400 = arith.constant 3 : i32
      %add3A_401 = arith.addi %mul3A_399, %add3A_400 : i32
      %get3A_402 = arith.index_cast %add3A_401 : i32 to index
      %get3A_403 = arith.constant 0 : index
      %get3A_404 = tpu.vector_load %arg14[%get3A_402, %get3A_403] {strides = array<i32>} : memref<200x16xf32, #tpu.memory_space<vmem>>, vector<1x16xf32>,
      %get3A_405 = vector.shape_cast %get3A_404 : vector<1x16xf32> to vector<16xf32>
      %get3A_406 = arith.index_cast %add3A_401 : i32 to index
      %get3A_407 = arith.constant 0 : index
      %get3A_408 = tpu.vector_load %arg16[%get3A_406, %get3A_407] {strides = array<i32>} : memref<200x16xf32, #tpu.memory_space<vmem>>, vector<1x16xf32>,
      %get3A_409 = vector.shape_cast %get3A_408 : vector<1x16xf32> to vector<16xf32>
      %add3A_410 = arith.addf %get3A_405, %get3A_409 : vector<16xf32>
      %get3A_411 = arith.index_cast %add3A_401 : i32 to index
      %get3A_412 = arith.constant 0 : index
      %get3A_413 = tpu.vector_load %arg18[%get3A_411, %get3A_412] {strides = array<i32>} : memref<200x16xf32, #tpu.memory_space<vmem>>, vector<1x16xf32>,
      %get3A_414 = vector.shape_cast %get3A_413 : vector<1x16xf32> to vector<16xf32>
      %add3A_415 = arith.addf %add3A_410, %get3A_414 : vector<16xf32>
      %ge3A_416 = arith.constant 0.000000e+00 : f32
      %ge3A_417 = vector.broadcast %ge3A_416 : f32 to vector<16xf32>
      %ge3A_418 = arith.cmpf oge, %add3A_415, %ge3A_417 : vector<16xf32>
      %mul3A_419 = arith.constant 2.000000e-01 : f32
      %mul3A_420 = vector.broadcast %mul3A_419 : f32 to vector<16xf32>
      %mul3A_421 = arith.mulf %mul3A_420, %add3A_415 : vector<16xf32>
      %select_n3A_422 = arith.select %ge3A_418, %add3A_415, %mul3A_421 : vector<16xi1>, vector<16xf32>
      %exp3A_423 = math.exp %select_n3A_422 : vector<16xf32>
      %swap3A_424 = arith.index_cast %add3A_401 : i32 to index
      %swap3A_425 = arith.constant 0 : index
      %swap3A_426 = tpu.vector_load %arg18[%swap3A_424, %swap3A_425] {strides = array<i32>} : memref<200x16xf32, #tpu.memory_space<vmem>>, vector<1x16xf32>,
      %swap3A_427 = vector.shape_cast %swap3A_426 : vector<1x16xf32> to vector<16xf32>
      %swap3A_428 = vector.shape_cast %exp3A_423 : vector<16xf32> to vector<1x16xf32>
      tpu.vector_store %arg18[%swap3A_424, %swap3A_425], %swap3A_428 {strides = array<i32>} : memref<200x16xf32, #tpu.memory_space<vmem>>, vector<1x16xf32>,
      %scan3A_429 = arith.constant 0 : i32
      scf.yield %scan3A_429 : i32
    }
    %scan3A_258 = arith.constant 50 : i32
    %dma_start3A_259 = arith.constant 0 : i32
    %dma_start3A_260 = tpu.memref_slice %arg8[%add3A_251, %dma_start3A_259] : memref<320000x16xf32, #tpu.memory_space<hbm>> -> memref<200x16xf32, #tpu.memory_space<hbm>>
    %dma_start3A_261 = arith.constant 0 : i32
    %dma_start3A_262 = tpu.memref_slice %arg8[%add3A_251, %dma_start3A_261] : memref<320000x16xf32, #tpu.memory_space<hbm>> -> memref<200x16xf32, #tpu.memory_space<hbm>>
    tpu.enqueue_dma source(%arg18 : memref<200x16xf32, #tpu.memory_space<vmem>>) target(%dma_start3A_262 : memref<200x16xf32, #tpu.memory_space<hbm>>) target_semaphore(%arg21 : memref<!tpu.dma_semaphore, #tpu.memory_space<semaphore_mem>>)
    "tpu.region"() ({
      %run_scoped3A = tpu.sem_alloc : memref<!tpu.dma_semaphore, #tpu.memory_space<semaphore_mem>>
      %dma_start3A_308 = arith.constant 0 : i32
      %dma_start3A_309 = arith.constant 0 : i32
      %dma_start3A_310 = tpu.memref_slice %arg20[%dma_start3A_308, %dma_start3A_309] : memref<10240x16xf32, #tpu.memory_space<vmem_shared>> -> memref<10240x16xf32, #tpu.memory_space<vmem_shared>>
      tpu.enqueue_indirect_dma source(%arg18 : memref<200x16xf32, #tpu.memory_space<vmem>>) target(%dma_start3A_310 : memref<10240x16xf32, #tpu.memory_space<vmem_shared>>) offsets(%arg12 : memref<200xi32, #tpu.memory_space<vmem>>) semaphore(%run_scoped3A : memref<!tpu.dma_semaphore, #tpu.memory_space<semaphore_mem>>) {add = true}
      %dma_wait3A_311 = arith.constant 0 : i32
      %dma_wait3A_312 = arith.constant 0 : i32
      %dma_wait3A_313 = tpu.memref_slice %arg20[%dma_wait3A_311, %dma_wait3A_312] : memref<10240x16xf32, #tpu.memory_space<vmem_shared>> -> memref<10240x16xf32, #tpu.memory_space<vmem_shared>>
      tpu.wait_indirect_dma semaphore(%run_scoped3A : memref<!tpu.dma_semaphore, #tpu.memory_space<semaphore_mem>>) src(%arg18 : memref<200x16xf32, #tpu.memory_space<vmem>>) dst(%dma_wait3A_313 : memref<10240x16xf32, #tpu.memory_space<vmem_shared>>)
      tpu.yield
    }) : () -> ()
    %dma_wait3A_263 = arith.constant 0 : i32
    %dma_wait3A_264 = tpu.memref_slice %arg8[%add3A_251, %dma_wait3A_263] : memref<320000x16xf32, #tpu.memory_space<hbm>> -> memref<200x16xf32, #tpu.memory_space<hbm>>
    %dma_wait3A_265 = arith.constant 0 : i32
    %dma_wait3A_266 = tpu.memref_slice %arg8[%add3A_251, %dma_wait3A_265] : memref<320000x16xf32, #tpu.memory_space<hbm>> -> memref<200x16xf32, #tpu.memory_space<hbm>>
    tpu.wait_dma2 semaphore(%arg21 : memref<!tpu.dma_semaphore, #tpu.memory_space<semaphore_mem>>) src(%arg18 : memref<200x16xf32, #tpu.memory_space<vmem>>) dst(%dma_wait3A_266 : memref<200x16xf32, #tpu.memory_space<hbm>>)
    %dma_wait3A_267 = arith.constant 0 : i32
    %dma_wait3A_268 = arith.constant 0 : i32
    %dma_wait3A_269 = tpu.memref_slice %arg4[%dma_wait3A_267, %dma_wait3A_268] : memref<320000x16xf32, #tpu.memory_space<hbm>> -> memref<200x16xf32, #tpu.memory_space<hbm>>
    %dma_wait3A_270 = arith.constant 0 : i32
    %dma_wait3A_271 = arith.constant 0 : i32
    %dma_wait3A_272 = tpu.memref_slice %arg4[%dma_wait3A_270, %dma_wait3A_271] : memref<320000x16xf32, #tpu.memory_space<hbm>> -> memref<200x16xf32, #tpu.memory_space<hbm>>
    tpu.wait_dma2 semaphore(%arg24 : memref<!tpu.dma_semaphore, #tpu.memory_space<semaphore_mem>>) src(%dma_wait3A_272 : memref<200x16xf32, #tpu.memory_space<hbm>>) dst(%arg19 : memref<200x16xf32, #tpu.memory_space<vmem>>)
    %dma_wait3A_273 = arith.constant 0 : i32
    %dma_wait3A_274 = arith.constant 0 : i32
    %dma_wait3A_275 = tpu.memref_slice %arg4[%dma_wait3A_273, %dma_wait3A_274] : memref<320000x16xf32, #tpu.memory_space<hbm>> -> memref<200x16xf32, #tpu.memory_space<hbm>>
    %dma_wait3A_276 = arith.constant 0 : i32
    %dma_wait3A_277 = arith.constant 0 : i32
    %dma_wait3A_278 = tpu.memref_slice %arg4[%dma_wait3A_276, %dma_wait3A_277] : memref<320000x16xf32, #tpu.memory_space<hbm>> -> memref<200x16xf32, #tpu.memory_space<hbm>>
    tpu.wait_dma2 semaphore(%arg24 : memref<!tpu.dma_semaphore, #tpu.memory_space<semaphore_mem>>) src(%dma_wait3A_278 : memref<200x16xf32, #tpu.memory_space<hbm>>) dst(%arg15 : memref<200x16xf32, #tpu.memory_space<vmem>>)
    %dma_wait3A_279 = arith.constant 0 : i32
    %dma_wait3A_280 = arith.constant 0 : i32
    %dma_wait3A_281 = tpu.memref_slice %arg4[%dma_wait3A_279, %dma_wait3A_280] : memref<320000x16xf32, #tpu.memory_space<hbm>> -> memref<200x16xf32, #tpu.memory_space<hbm>>
    %dma_wait3A_282 = arith.constant 0 : i32
    %dma_wait3A_283 = arith.constant 0 : i32
    %dma_wait3A_284 = tpu.memref_slice %arg4[%dma_wait3A_282, %dma_wait3A_283] : memref<320000x16xf32, #tpu.memory_space<hbm>> -> memref<200x16xf32, #tpu.memory_space<hbm>>
    tpu.wait_dma2 semaphore(%arg24 : memref<!tpu.dma_semaphore, #tpu.memory_space<semaphore_mem>>) src(%dma_wait3A_284 : memref<200x16xf32, #tpu.memory_space<hbm>>) dst(%arg17 : memref<200x16xf32, #tpu.memory_space<vmem>>)
    %multiple_of3A_285 = tpu.assume_multiple %add3A, 8 : i32
    %min3A_286 = arith.constant 49 : i32
    %min3A_287 = arith.constant 49 : i32
    %min3A_288 = arith.minsi %min3A_286, %min3A_287 : i32
    %mul3A_289 = arith.constant 200 : i32
    %mul3A_290 = arith.muli %min3A_288, %mul3A_289 : i32
    %add3A_291 = arith.addi %multiple_of3A_285, %mul3A_290 : i32
    %scan3A_292 = arith.constant 0 : i32
    %scan3A_293 = arith.constant 0 : i32
    %scan3A_294 = arith.constant 50 : i32
    %scan3A_295 = arith.addi %scan3A_293, %scan3A_294 : i32
    %scan3A_296 = arith.constant 1 : i32
    %scan3A_297 = scf.for %scan3A_308 = %scan3A_293 to %scan3A_295 step %scan3A_296 iter_args(%scan3A_309 = %scan3A_292) -> (i32)  : i32 {
      %mul3A_310 = arith.constant 4 : i32
      %mul3A_311 = arith.muli %scan3A_308, %mul3A_310 : i32
      %add3A_312 = arith.constant 0 : i32
      %add3A_313 = arith.addi %mul3A_311, %add3A_312 : i32
      %get3A = arith.index_cast %add3A_313 : i32 to index
      %get3A_314 = arith.constant 0 : index
      %get3A_315 = tpu.vector_load %arg15[%get3A, %get3A_314] {strides = array<i32>} : memref<200x16xf32, #tpu.memory_space<vmem>>, vector<1x16xf32>,
      %get3A_316 = vector.shape_cast %get3A_315 : vector<1x16xf32> to vector<16xf32>
      %get3A_317 = arith.index_cast %add3A_313 : i32 to index
      %get3A_318 = arith.constant 0 : index
      %get3A_319 = tpu.vector_load %arg17[%get3A_317, %get3A_318] {strides = array<i32>} : memref<200x16xf32, #tpu.memory_space<vmem>>, vector<1x16xf32>,
      %get3A_320 = vector.shape_cast %get3A_319 : vector<1x16xf32> to vector<16xf32>
      %add3A_321 = arith.addf %get3A_316, %get3A_320 : vector<16xf32>
      %get3A_322 = arith.index_cast %add3A_313 : i32 to index
      %get3A_323 = arith.constant 0 : index
      %get3A_324 = tpu.vector_load %arg19[%get3A_322, %get3A_323] {strides = array<i32>} : memref<200x16xf32, #tpu.memory_space<vmem>>, vector<1x16xf32>,
      %get3A_325 = vector.shape_cast %get3A_324 : vector<1x16xf32> to vector<16xf32>
      %add3A_326 = arith.addf %add3A_321, %get3A_325 : vector<16xf32>
      %ge3A = arith.constant 0.000000e+00 : f32
      %ge3A_327 = vector.broadcast %ge3A : f32 to vector<16xf32>
      %ge3A_328 = arith.cmpf oge, %add3A_326, %ge3A_327 : vector<16xf32>
      %mul3A_329 = arith.constant 2.000000e-01 : f32
      %mul3A_330 = vector.broadcast %mul3A_329 : f32 to vector<16xf32>
      %mul3A_331 = arith.mulf %mul3A_330, %add3A_326 : vector<16xf32>
      %select_n3A = arith.select %ge3A_328, %add3A_326, %mul3A_331 : vector<16xi1>, vector<16xf32>
      %exp3A = math.exp %select_n3A : vector<16xf32>
      %swap3A = arith.index_cast %add3A_313 : i32 to index
      %swap3A_332 = arith.constant 0 : index
      %swap3A_333 = tpu.vector_load %arg19[%swap3A, %swap3A_332] {strides = array<i32>} : memref<200x16xf32, #tpu.memory_space<vmem>>, vector<1x16xf32>,
      %swap3A_334 = vector.shape_cast %swap3A_333 : vector<1x16xf32> to vector<16xf32>
      %swap3A_335 = vector.shape_cast %exp3A : vector<16xf32> to vector<1x16xf32>
      tpu.vector_store %arg19[%swap3A, %swap3A_332], %swap3A_335 {strides = array<i32>} : memref<200x16xf32, #tpu.memory_space<vmem>>, vector<1x16xf32>,
      %mul3A_336 = arith.constant 4 : i32
      %mul3A_337 = arith.muli %scan3A_308, %mul3A_336 : i32
      %add3A_338 = arith.constant 1 : i32
      %add3A_339 = arith.addi %mul3A_337, %add3A_338 : i32
      %get3A_340 = arith.index_cast %add3A_339 : i32 to index
      %get3A_341 = arith.constant 0 : index
      %get3A_342 = tpu.vector_load %arg15[%get3A_340, %get3A_341] {strides = array<i32>} : memref<200x16xf32, #tpu.memory_space<vmem>>, vector<1x16xf32>,
      %get3A_343 = vector.shape_cast %get3A_342 : vector<1x16xf32> to vector<16xf32>
      %get3A_344 = arith.index_cast %add3A_339 : i32 to index
      %get3A_345 = arith.constant 0 : index
      %get3A_346 = tpu.vector_load %arg17[%get3A_344, %get3A_345] {strides = array<i32>} : memref<200x16xf32, #tpu.memory_space<vmem>>, vector<1x16xf32>,
      %get3A_347 = vector.shape_cast %get3A_346 : vector<1x16xf32> to vector<16xf32>
      %add3A_348 = arith.addf %get3A_343, %get3A_347 : vector<16xf32>
      %get3A_349 = arith.index_cast %add3A_339 : i32 to index
      %get3A_350 = arith.constant 0 : index
      %get3A_351 = tpu.vector_load %arg19[%get3A_349, %get3A_350] {strides = array<i32>} : memref<200x16xf32, #tpu.memory_space<vmem>>, vector<1x16xf32>,
      %get3A_352 = vector.shape_cast %get3A_351 : vector<1x16xf32> to vector<16xf32>
      %add3A_353 = arith.addf %add3A_348, %get3A_352 : vector<16xf32>
      %ge3A_354 = arith.constant 0.000000e+00 : f32
      %ge3A_355 = vector.broadcast %ge3A_354 : f32 to vector<16xf32>
      %ge3A_356 = arith.cmpf oge, %add3A_353, %ge3A_355 : vector<16xf32>
      %mul3A_357 = arith.constant 2.000000e-01 : f32
      %mul3A_358 = vector.broadcast %mul3A_357 : f32 to vector<16xf32>
      %mul3A_359 = arith.mulf %mul3A_358, %add3A_353 : vector<16xf32>
      %select_n3A_360 = arith.select %ge3A_356, %add3A_353, %mul3A_359 : vector<16xi1>, vector<16xf32>
      %exp3A_361 = math.exp %select_n3A_360 : vector<16xf32>
      %swap3A_362 = arith.index_cast %add3A_339 : i32 to index
      %swap3A_363 = arith.constant 0 : index
      %swap3A_364 = tpu.vector_load %arg19[%swap3A_362, %swap3A_363] {strides = array<i32>} : memref<200x16xf32, #tpu.memory_space<vmem>>, vector<1x16xf32>,
      %swap3A_365 = vector.shape_cast %swap3A_364 : vector<1x16xf32> to vector<16xf32>
      %swap3A_366 = vector.shape_cast %exp3A_361 : vector<16xf32> to vector<1x16xf32>
      tpu.vector_store %arg19[%swap3A_362, %swap3A_363], %swap3A_366 {strides = array<i32>} : memref<200x16xf32, #tpu.memory_space<vmem>>, vector<1x16xf32>,
      %mul3A_367 = arith.constant 4 : i32
      %mul3A_368 = arith.muli %scan3A_308, %mul3A_367 : i32
      %add3A_369 = arith.constant 2 : i32
      %add3A_370 = arith.addi %mul3A_368, %add3A_369 : i32
      %get3A_371 = arith.index_cast %add3A_370 : i32 to index
      %get3A_372 = arith.constant 0 : index
      %get3A_373 = tpu.vector_load %arg15[%get3A_371, %get3A_372] {strides = array<i32>} : memref<200x16xf32, #tpu.memory_space<vmem>>, vector<1x16xf32>,
      %get3A_374 = vector.shape_cast %get3A_373 : vector<1x16xf32> to vector<16xf32>
      %get3A_375 = arith.index_cast %add3A_370 : i32 to index
      %get3A_376 = arith.constant 0 : index
      %get3A_377 = tpu.vector_load %arg17[%get3A_375, %get3A_376] {strides = array<i32>} : memref<200x16xf32, #tpu.memory_space<vmem>>, vector<1x16xf32>,
      %get3A_378 = vector.shape_cast %get3A_377 : vector<1x16xf32> to vector<16xf32>
      %add3A_379 = arith.addf %get3A_374, %get3A_378 : vector<16xf32>
      %get3A_380 = arith.index_cast %add3A_370 : i32 to index
      %get3A_381 = arith.constant 0 : index
      %get3A_382 = tpu.vector_load %arg19[%get3A_380, %get3A_381] {strides = array<i32>} : memref<200x16xf32, #tpu.memory_space<vmem>>, vector<1x16xf32>,
      %get3A_383 = vector.shape_cast %get3A_382 : vector<1x16xf32> to vector<16xf32>
      %add3A_384 = arith.addf %add3A_379, %get3A_383 : vector<16xf32>
      %ge3A_385 = arith.constant 0.000000e+00 : f32
      %ge3A_386 = vector.broadcast %ge3A_385 : f32 to vector<16xf32>
      %ge3A_387 = arith.cmpf oge, %add3A_384, %ge3A_386 : vector<16xf32>
      %mul3A_388 = arith.constant 2.000000e-01 : f32
      %mul3A_389 = vector.broadcast %mul3A_388 : f32 to vector<16xf32>
      %mul3A_390 = arith.mulf %mul3A_389, %add3A_384 : vector<16xf32>
      %select_n3A_391 = arith.select %ge3A_387, %add3A_384, %mul3A_390 : vector<16xi1>, vector<16xf32>
      %exp3A_392 = math.exp %select_n3A_391 : vector<16xf32>
      %swap3A_393 = arith.index_cast %add3A_370 : i32 to index
      %swap3A_394 = arith.constant 0 : index
      %swap3A_395 = tpu.vector_load %arg19[%swap3A_393, %swap3A_394] {strides = array<i32>} : memref<200x16xf32, #tpu.memory_space<vmem>>, vector<1x16xf32>,
      %swap3A_396 = vector.shape_cast %swap3A_395 : vector<1x16xf32> to vector<16xf32>
      %swap3A_397 = vector.shape_cast %exp3A_392 : vector<16xf32> to vector<1x16xf32>
      tpu.vector_store %arg19[%swap3A_393, %swap3A_394], %swap3A_397 {strides = array<i32>} : memref<200x16xf32, #tpu.memory_space<vmem>>, vector<1x16xf32>,
      %mul3A_398 = arith.constant 4 : i32
      %mul3A_399 = arith.muli %scan3A_308, %mul3A_398 : i32
      %add3A_400 = arith.constant 3 : i32
      %add3A_401 = arith.addi %mul3A_399, %add3A_400 : i32
      %get3A_402 = arith.index_cast %add3A_401 : i32 to index
      %get3A_403 = arith.constant 0 : index
      %get3A_404 = tpu.vector_load %arg15[%get3A_402, %get3A_403] {strides = array<i32>} : memref<200x16xf32, #tpu.memory_space<vmem>>, vector<1x16xf32>,
      %get3A_405 = vector.shape_cast %get3A_404 : vector<1x16xf32> to vector<16xf32>
      %get3A_406 = arith.index_cast %add3A_401 : i32 to index
      %get3A_407 = arith.constant 0 : index
      %get3A_408 = tpu.vector_load %arg17[%get3A_406, %get3A_407] {strides = array<i32>} : memref<200x16xf32, #tpu.memory_space<vmem>>, vector<1x16xf32>,
      %get3A_409 = vector.shape_cast %get3A_408 : vector<1x16xf32> to vector<16xf32>
      %add3A_410 = arith.addf %get3A_405, %get3A_409 : vector<16xf32>
      %get3A_411 = arith.index_cast %add3A_401 : i32 to index
      %get3A_412 = arith.constant 0 : index
      %get3A_413 = tpu.vector_load %arg19[%get3A_411, %get3A_412] {strides = array<i32>} : memref<200x16xf32, #tpu.memory_space<vmem>>, vector<1x16xf32>,
      %get3A_414 = vector.shape_cast %get3A_413 : vector<1x16xf32> to vector<16xf32>
      %add3A_415 = arith.addf %add3A_410, %get3A_414 : vector<16xf32>
      %ge3A_416 = arith.constant 0.000000e+00 : f32
      %ge3A_417 = vector.broadcast %ge3A_416 : f32 to vector<16xf32>
      %ge3A_418 = arith.cmpf oge, %add3A_415, %ge3A_417 : vector<16xf32>
      %mul3A_419 = arith.constant 2.000000e-01 : f32
      %mul3A_420 = vector.broadcast %mul3A_419 : f32 to vector<16xf32>
      %mul3A_421 = arith.mulf %mul3A_420, %add3A_415 : vector<16xf32>
      %select_n3A_422 = arith.select %ge3A_418, %add3A_415, %mul3A_421 : vector<16xi1>, vector<16xf32>
      %exp3A_423 = math.exp %select_n3A_422 : vector<16xf32>
      %swap3A_424 = arith.index_cast %add3A_401 : i32 to index
      %swap3A_425 = arith.constant 0 : index
      %swap3A_426 = tpu.vector_load %arg19[%swap3A_424, %swap3A_425] {strides = array<i32>} : memref<200x16xf32, #tpu.memory_space<vmem>>, vector<1x16xf32>,
      %swap3A_427 = vector.shape_cast %swap3A_426 : vector<1x16xf32> to vector<16xf32>
      %swap3A_428 = vector.shape_cast %exp3A_423 : vector<16xf32> to vector<1x16xf32>
      tpu.vector_store %arg19[%swap3A_424, %swap3A_425], %swap3A_428 {strides = array<i32>} : memref<200x16xf32, #tpu.memory_space<vmem>>, vector<1x16xf32>,
      %scan3A_429 = arith.constant 0 : i32
      scf.yield %scan3A_429 : i32
    }
    %scan3A_298 = arith.constant 50 : i32
    %dma_start3A_299 = arith.constant 0 : i32
    %dma_start3A_300 = tpu.memref_slice %arg8[%add3A_291, %dma_start3A_299] : memref<320000x16xf32, #tpu.memory_space<hbm>> -> memref<200x16xf32, #tpu.memory_space<hbm>>
    %dma_start3A_301 = arith.constant 0 : i32
    %dma_start3A_302 = tpu.memref_slice %arg8[%add3A_291, %dma_start3A_301] : memref<320000x16xf32, #tpu.memory_space<hbm>> -> memref<200x16xf32, #tpu.memory_space<hbm>>
    tpu.enqueue_dma source(%arg19 : memref<200x16xf32, #tpu.memory_space<vmem>>) target(%dma_start3A_302 : memref<200x16xf32, #tpu.memory_space<hbm>>) target_semaphore(%arg22 : memref<!tpu.dma_semaphore, #tpu.memory_space<semaphore_mem>>)
    "tpu.region"() ({
      %run_scoped3A = tpu.sem_alloc : memref<!tpu.dma_semaphore, #tpu.memory_space<semaphore_mem>>
      %dma_start3A_308 = arith.constant 0 : i32
      %dma_start3A_309 = arith.constant 0 : i32
      %dma_start3A_310 = tpu.memref_slice %arg20[%dma_start3A_308, %dma_start3A_309] : memref<10240x16xf32, #tpu.memory_space<vmem_shared>> -> memref<10240x16xf32, #tpu.memory_space<vmem_shared>>
      tpu.enqueue_indirect_dma source(%arg19 : memref<200x16xf32, #tpu.memory_space<vmem>>) target(%dma_start3A_310 : memref<10240x16xf32, #tpu.memory_space<vmem_shared>>) offsets(%arg13 : memref<200xi32, #tpu.memory_space<vmem>>) semaphore(%run_scoped3A : memref<!tpu.dma_semaphore, #tpu.memory_space<semaphore_mem>>) {add = true}
      %dma_wait3A_311 = arith.constant 0 : i32
      %dma_wait3A_312 = arith.constant 0 : i32
      %dma_wait3A_313 = tpu.memref_slice %arg20[%dma_wait3A_311, %dma_wait3A_312] : memref<10240x16xf32, #tpu.memory_space<vmem_shared>> -> memref<10240x16xf32, #tpu.memory_space<vmem_shared>>
      tpu.wait_indirect_dma semaphore(%run_scoped3A : memref<!tpu.dma_semaphore, #tpu.memory_space<semaphore_mem>>) src(%arg19 : memref<200x16xf32, #tpu.memory_space<vmem>>) dst(%dma_wait3A_313 : memref<10240x16xf32, #tpu.memory_space<vmem_shared>>)
      tpu.yield
    }) : () -> ()
    %dma_wait3A_303 = arith.constant 0 : i32
    %dma_wait3A_304 = tpu.memref_slice %arg8[%add3A_291, %dma_wait3A_303] : memref<320000x16xf32, #tpu.memory_space<hbm>> -> memref<200x16xf32, #tpu.memory_space<hbm>>
    %dma_wait3A_305 = arith.constant 0 : i32
    %dma_wait3A_306 = tpu.memref_slice %arg8[%add3A_291, %dma_wait3A_305] : memref<320000x16xf32, #tpu.memory_space<hbm>> -> memref<200x16xf32, #tpu.memory_space<hbm>>
    tpu.wait_dma2 semaphore(%arg22 : memref<!tpu.dma_semaphore, #tpu.memory_space<semaphore_mem>>) src(%arg19 : memref<200x16xf32, #tpu.memory_space<vmem>>) dst(%dma_wait3A_306 : memref<200x16xf32, #tpu.memory_space<hbm>>)
    %barrier3A_307 = arith.constant 0 : index
    tpu.barrier barrier_id(%barrier3A_307)
    "tpu.region"() ({
      %run_scoped3A = tpu.sem_alloc : memref<!tpu.dma_semaphore, #tpu.memory_space<semaphore_mem>>
      %dma_start3A_308 = arith.constant 0 : i32
      %dma_start3A_309 = tpu.memref_slice %arg9[%arg0, %mul3A_0, %dma_start3A_308] : memref<2x10240x16xf32, #tpu.memory_space<hbm>> -> memref<1x640x16xf32, #tpu.memory_space<hbm>>
      %dma_start3A_310 = tpu.memref_squeeze %dma_start3A_309 : memref<1x640x16xf32, #tpu.memory_space<hbm>> -> memref<640x16xf32, #tpu.memory_space<hbm>>
      %dma_start3A_311 = arith.constant 0 : i32
      %dma_start3A_312 = tpu.memref_slice %arg20[%mul3A_0, %dma_start3A_311] : memref<10240x16xf32, #tpu.memory_space<vmem_shared>> -> memref<640x16xf32, #tpu.memory_space<vmem_shared>>
      tpu.enqueue_dma source(%dma_start3A_312 : memref<640x16xf32, #tpu.memory_space<vmem_shared>>) target(%dma_start3A_310 : memref<640x16xf32, #tpu.memory_space<hbm>>) target_semaphore(%run_scoped3A : memref<!tpu.dma_semaphore, #tpu.memory_space<semaphore_mem>>)
      %dma_wait3A_313 = arith.constant 0 : i32
      %dma_wait3A_314 = tpu.memref_slice %arg9[%arg0, %mul3A_0, %dma_wait3A_313] : memref<2x10240x16xf32, #tpu.memory_space<hbm>> -> memref<1x640x16xf32, #tpu.memory_space<hbm>>
      %dma_wait3A_315 = tpu.memref_squeeze %dma_wait3A_314 : memref<1x640x16xf32, #tpu.memory_space<hbm>> -> memref<640x16xf32, #tpu.memory_space<hbm>>
      %dma_wait3A_316 = arith.constant 0 : i32
      %dma_wait3A_317 = tpu.memref_slice %arg20[%mul3A_0, %dma_wait3A_316] : memref<10240x16xf32, #tpu.memory_space<vmem_shared>> -> memref<640x16xf32, #tpu.memory_space<vmem_shared>>
      tpu.wait_dma2 semaphore(%run_scoped3A : memref<!tpu.dma_semaphore, #tpu.memory_space<semaphore_mem>>) src(%dma_wait3A_317 : memref<640x16xf32, #tpu.memory_space<vmem_shared>>) dst(%dma_wait3A_315 : memref<640x16xf32, #tpu.memory_space<hbm>>)
      tpu.yield
    }) : () -> ()
    return
  }
}

#map = affine_map<(d0, d1) -> (0)>
#map1 = affine_map<(d0, d1) -> (0, 0)>
#map2 = affine_map<(d0, d1) -> (0, 0, 0)>
module attributes {stable_mosaic.version = 14 : i64} {
  func.func @body(%arg0: i32, %arg1: i32, %arg2: memref<320000xi32, #tpu.memory_space<hbm>>, %arg3: memref<320000xi32, #tpu.memory_space<hbm>>, %arg4: memref<320000x16xf32, #tpu.memory_space<hbm>>, %arg5: memref<10000x16xf32, #tpu.memory_space<hbm>>, %arg6: memref<10000x128xf32, #tpu.memory_space<hbm>>, %arg7: memref<640x128xf32, #tpu.memory_space<hbm>>, %arg8: memref<2x10240x128xf32, #tpu.memory_space<hbm>>, %arg9: memref<80xi32, #tpu.memory_space<vmem>>, %arg10: memref<80xi32, #tpu.memory_space<vmem>>, %arg11: memref<80xi32, #tpu.memory_space<vmem>>, %arg12: memref<80xi32, #tpu.memory_space<vmem>>, %arg13: memref<80x16xf32, #tpu.memory_space<vmem>>, %arg14: memref<80x16xf32, #tpu.memory_space<vmem>>, %arg15: memref<80x16xf32, #tpu.memory_space<vmem>>, %arg16: memref<80x16xf32, #tpu.memory_space<vmem>>, %arg17: memref<80x128xf32, #tpu.memory_space<vmem>>, %arg18: memref<80x128xf32, #tpu.memory_space<vmem>>, %arg19: memref<10240x128xf32, #tpu.memory_space<vmem_shared>>, %arg20: memref<!tpu.dma_semaphore, #tpu.memory_space<semaphore_mem>>, %arg21: memref<!tpu.dma_semaphore, #tpu.memory_space<semaphore_mem>>, %arg22: memref<!tpu.dma_semaphore, #tpu.memory_space<semaphore_mem>>, %arg23: memref<!tpu.dma_semaphore, #tpu.memory_space<semaphore_mem>>) attributes {dimension_semantics = [#tpu.dimension_semantics<core_parallel>, #tpu.dimension_semantics<subcore_parallel>], iteration_bounds = array<i64: 2, 16>, scalar_prefetch = 0 : i64, scratch_operands = 15 : i64, tpu.core_type = #tpu.core_type<sc_vector_subcore>, window_params = [{transform_indices = #map}, {transform_indices = #map}, {transform_indices = #map1}, {transform_indices = #map1}, {transform_indices = #map1}, {transform_indices = #map1}, {transform_indices = #map2}]} {
    %mul3A = arith.constant 640 : i32
    %mul3A_0 = arith.muli %arg1, %mul3A : i32
    "tpu.region"() ({
      %run_scoped3A = tpu.sem_alloc : memref<!tpu.dma_semaphore, #tpu.memory_space<semaphore_mem>>
      %dma_start3A_88 = arith.constant 0 : i32
      %dma_start3A_89 = tpu.memref_slice %arg19[%mul3A_0, %dma_start3A_88] : memref<10240x128xf32, #tpu.memory_space<vmem_shared>> -> memref<640x128xf32, #tpu.memory_space<vmem_shared>>
      tpu.enqueue_dma source(%arg7 : memref<640x128xf32, #tpu.memory_space<hbm>>) target(%dma_start3A_89 : memref<640x128xf32, #tpu.memory_space<vmem_shared>>) target_semaphore(%run_scoped3A : memref<!tpu.dma_semaphore, #tpu.memory_space<semaphore_mem>>)
      %dma_wait3A_90 = arith.constant 0 : i32
      %dma_wait3A_91 = tpu.memref_slice %arg19[%mul3A_0, %dma_wait3A_90] : memref<10240x128xf32, #tpu.memory_space<vmem_shared>> -> memref<640x128xf32, #tpu.memory_space<vmem_shared>>
      tpu.wait_dma2 semaphore(%run_scoped3A : memref<!tpu.dma_semaphore, #tpu.memory_space<semaphore_mem>>) src(%arg7 : memref<640x128xf32, #tpu.memory_space<hbm>>) dst(%dma_wait3A_91 : memref<640x128xf32, #tpu.memory_space<vmem_shared>>)
      tpu.yield
    }) : () -> ()
    %barrier3A = arith.constant 0 : index
    tpu.barrier barrier_id(%barrier3A)
    %mul3A_1 = arith.constant 160000 : i32
    %mul3A_2 = arith.muli %arg0, %mul3A_1 : i32
    %mul3A_3 = arith.constant 10000 : i32
    %mul3A_4 = arith.muli %arg1, %mul3A_3 : i32
    %add3A = arith.addi %mul3A_2, %mul3A_4 : i32
    %multiple_of3A = tpu.assume_multiple %add3A, 8 : i32
    %min3A = arith.constant 0 : i32
    %min3A_5 = arith.constant 124 : i32
    %min3A_6 = arith.minsi %min3A, %min3A_5 : i32
    %mul3A_7 = arith.constant 80 : i32
    %mul3A_8 = arith.muli %min3A_6, %mul3A_7 : i32
    %add3A_9 = arith.addi %multiple_of3A, %mul3A_8 : i32
    %dma_start3A = tpu.memref_slice %arg2[%add3A_9] : memref<320000xi32, #tpu.memory_space<hbm>> -> memref<80xi32, #tpu.memory_space<hbm>>
    %dma_start3A_10 = tpu.memref_slice %arg2[%add3A_9] : memref<320000xi32, #tpu.memory_space<hbm>> -> memref<80xi32, #tpu.memory_space<hbm>>
    tpu.enqueue_dma source(%dma_start3A_10 : memref<80xi32, #tpu.memory_space<hbm>>) target(%arg9 : memref<80xi32, #tpu.memory_space<vmem>>) target_semaphore(%arg20 : memref<!tpu.dma_semaphore, #tpu.memory_space<semaphore_mem>>)
    %dma_start3A_11 = tpu.memref_slice %arg3[%add3A_9] : memref<320000xi32, #tpu.memory_space<hbm>> -> memref<80xi32, #tpu.memory_space<hbm>>
    %dma_start3A_12 = tpu.memref_slice %arg3[%add3A_9] : memref<320000xi32, #tpu.memory_space<hbm>> -> memref<80xi32, #tpu.memory_space<hbm>>
    tpu.enqueue_dma source(%dma_start3A_12 : memref<80xi32, #tpu.memory_space<hbm>>) target(%arg11 : memref<80xi32, #tpu.memory_space<vmem>>) target_semaphore(%arg20 : memref<!tpu.dma_semaphore, #tpu.memory_space<semaphore_mem>>)
    %dma_wait3A = arith.constant 0 : i32
    %dma_wait3A_13 = tpu.memref_slice %arg2[%dma_wait3A] : memref<320000xi32, #tpu.memory_space<hbm>> -> memref<80xi32, #tpu.memory_space<hbm>>
    %dma_wait3A_14 = arith.constant 0 : i32
    %dma_wait3A_15 = tpu.memref_slice %arg2[%dma_wait3A_14] : memref<320000xi32, #tpu.memory_space<hbm>> -> memref<80xi32, #tpu.memory_space<hbm>>
    tpu.wait_dma2 semaphore(%arg20 : memref<!tpu.dma_semaphore, #tpu.memory_space<semaphore_mem>>) src(%dma_wait3A_15 : memref<80xi32, #tpu.memory_space<hbm>>) dst(%arg9 : memref<80xi32, #tpu.memory_space<vmem>>)
    %dma_wait3A_16 = arith.constant 0 : i32
    %dma_wait3A_17 = tpu.memref_slice %arg3[%dma_wait3A_16] : memref<320000xi32, #tpu.memory_space<hbm>> -> memref<80xi32, #tpu.memory_space<hbm>>
    %dma_wait3A_18 = arith.constant 0 : i32
    %dma_wait3A_19 = tpu.memref_slice %arg3[%dma_wait3A_18] : memref<320000xi32, #tpu.memory_space<hbm>> -> memref<80xi32, #tpu.memory_space<hbm>>
    tpu.wait_dma2 semaphore(%arg20 : memref<!tpu.dma_semaphore, #tpu.memory_space<semaphore_mem>>) src(%dma_wait3A_19 : memref<80xi32, #tpu.memory_space<hbm>>) dst(%arg11 : memref<80xi32, #tpu.memory_space<vmem>>)
    %multiple_of3A_20 = tpu.assume_multiple %add3A, 8 : i32
    %min3A_21 = arith.constant 0 : i32
    %min3A_22 = arith.constant 124 : i32
    %min3A_23 = arith.minsi %min3A_21, %min3A_22 : i32
    %mul3A_24 = arith.constant 80 : i32
    %mul3A_25 = arith.muli %min3A_23, %mul3A_24 : i32
    %add3A_26 = arith.addi %multiple_of3A_20, %mul3A_25 : i32
    %dma_start3A_27 = arith.constant 0 : i32
    %dma_start3A_28 = tpu.memref_slice %arg4[%add3A_26, %dma_start3A_27] : memref<320000x16xf32, #tpu.memory_space<hbm>> -> memref<80x16xf32, #tpu.memory_space<hbm>>
    %dma_start3A_29 = arith.constant 0 : i32
    %dma_start3A_30 = tpu.memref_slice %arg4[%add3A_26, %dma_start3A_29] : memref<320000x16xf32, #tpu.memory_space<hbm>> -> memref<80x16xf32, #tpu.memory_space<hbm>>
    tpu.enqueue_dma source(%dma_start3A_30 : memref<80x16xf32, #tpu.memory_space<hbm>>) target(%arg13 : memref<80x16xf32, #tpu.memory_space<vmem>>) target_semaphore(%arg22 : memref<!tpu.dma_semaphore, #tpu.memory_space<semaphore_mem>>)
    %dma_start3A_31 = arith.constant 0 : i32
    %dma_start3A_32 = arith.constant 0 : i32
    %dma_start3A_33 = tpu.memref_slice %arg5[%dma_start3A_31, %dma_start3A_32] : memref<10000x16xf32, #tpu.memory_space<hbm>> -> memref<10000x16xf32, #tpu.memory_space<hbm>>
    tpu.enqueue_indirect_dma source(%dma_start3A_33 : memref<10000x16xf32, #tpu.memory_space<hbm>>) target(%arg15 : memref<80x16xf32, #tpu.memory_space<vmem>>) offsets(%arg11 : memref<80xi32, #tpu.memory_space<vmem>>) semaphore(%arg22 : memref<!tpu.dma_semaphore, #tpu.memory_space<semaphore_mem>>)
    %dma_start3A_34 = arith.constant 0 : i32
    %dma_start3A_35 = arith.constant 0 : i32
    %dma_start3A_36 = tpu.memref_slice %arg6[%dma_start3A_34, %dma_start3A_35] : memref<10000x128xf32, #tpu.memory_space<hbm>> -> memref<10000x128xf32, #tpu.memory_space<hbm>>
    tpu.enqueue_indirect_dma source(%dma_start3A_36 : memref<10000x128xf32, #tpu.memory_space<hbm>>) target(%arg17 : memref<80x128xf32, #tpu.memory_space<vmem>>) offsets(%arg9 : memref<80xi32, #tpu.memory_space<vmem>>) semaphore(%arg22 : memref<!tpu.dma_semaphore, #tpu.memory_space<semaphore_mem>>)
    %multiple_of3A_37 = tpu.assume_multiple %add3A, 8 : i32
    %min3A_38 = arith.constant 1 : i32
    %min3A_39 = arith.constant 124 : i32
    %min3A_40 = arith.minsi %min3A_38, %min3A_39 : i32
    %mul3A_41 = arith.constant 80 : i32
    %mul3A_42 = arith.muli %min3A_40, %mul3A_41 : i32
    %add3A_43 = arith.addi %multiple_of3A_37, %mul3A_42 : i32
    %dma_start3A_44 = tpu.memref_slice %arg2[%add3A_43] : memref<320000xi32, #tpu.memory_space<hbm>> -> memref<80xi32, #tpu.memory_space<hbm>>
    %dma_start3A_45 = tpu.memref_slice %arg2[%add3A_43] : memref<320000xi32, #tpu.memory_space<hbm>> -> memref<80xi32, #tpu.memory_space<hbm>>
    tpu.enqueue_dma source(%dma_start3A_45 : memref<80xi32, #tpu.memory_space<hbm>>) target(%arg10 : memref<80xi32, #tpu.memory_space<vmem>>) target_semaphore(%arg21 : memref<!tpu.dma_semaphore, #tpu.memory_space<semaphore_mem>>)
    %dma_start3A_46 = tpu.memref_slice %arg3[%add3A_43] : memref<320000xi32, #tpu.memory_space<hbm>> -> memref<80xi32, #tpu.memory_space<hbm>>
    %dma_start3A_47 = tpu.memref_slice %arg3[%add3A_43] : memref<320000xi32, #tpu.memory_space<hbm>> -> memref<80xi32, #tpu.memory_space<hbm>>
    tpu.enqueue_dma source(%dma_start3A_47 : memref<80xi32, #tpu.memory_space<hbm>>) target(%arg12 : memref<80xi32, #tpu.memory_space<vmem>>) target_semaphore(%arg21 : memref<!tpu.dma_semaphore, #tpu.memory_space<semaphore_mem>>)
    %scan3A = arith.constant 0 : i32
    %scan3A_48 = arith.constant 0 : i32
    %scan3A_49 = arith.constant 62 : i32
    %scan3A_50 = arith.addi %scan3A_48, %scan3A_49 : i32
    %scan3A_51 = arith.constant 1 : i32
    %scan3A_52 = scf.for %scan3A_88 = %scan3A_48 to %scan3A_50 step %scan3A_51 iter_args(%scan3A_89 = %scan3A) -> (i32)  : i32 {
      %mul3A_90 = arith.constant 2 : i32
      %mul3A_91 = arith.muli %mul3A_90, %scan3A_88 : i32
      %dma_wait3A_92 = arith.constant 0 : i32
      %dma_wait3A_93 = tpu.memref_slice %arg2[%dma_wait3A_92] : memref<320000xi32, #tpu.memory_space<hbm>> -> memref<80xi32, #tpu.memory_space<hbm>>
      %dma_wait3A_94 = arith.constant 0 : i32
      %dma_wait3A_95 = tpu.memref_slice %arg2[%dma_wait3A_94] : memref<320000xi32, #tpu.memory_space<hbm>> -> memref<80xi32, #tpu.memory_space<hbm>>
      tpu.wait_dma2 semaphore(%arg21 : memref<!tpu.dma_semaphore, #tpu.memory_space<semaphore_mem>>) src(%dma_wait3A_95 : memref<80xi32, #tpu.memory_space<hbm>>) dst(%arg10 : memref<80xi32, #tpu.memory_space<vmem>>)
      %dma_wait3A_96 = arith.constant 0 : i32
      %dma_wait3A_97 = tpu.memref_slice %arg3[%dma_wait3A_96] : memref<320000xi32, #tpu.memory_space<hbm>> -> memref<80xi32, #tpu.memory_space<hbm>>
      %dma_wait3A_98 = arith.constant 0 : i32
      %dma_wait3A_99 = tpu.memref_slice %arg3[%dma_wait3A_98] : memref<320000xi32, #tpu.memory_space<hbm>> -> memref<80xi32, #tpu.memory_space<hbm>>
      tpu.wait_dma2 semaphore(%arg21 : memref<!tpu.dma_semaphore, #tpu.memory_space<semaphore_mem>>) src(%dma_wait3A_99 : memref<80xi32, #tpu.memory_space<hbm>>) dst(%arg12 : memref<80xi32, #tpu.memory_space<vmem>>)
      %add3A_100 = arith.constant 1 : i32
      %add3A_101 = arith.addi %mul3A_91, %add3A_100 : i32
      %multiple_of3A_102 = tpu.assume_multiple %add3A, 8 : i32
      %min3A_103 = arith.constant 124 : i32
      %min3A_104 = arith.minsi %add3A_101, %min3A_103 : i32
      %mul3A_105 = arith.constant 80 : i32
      %mul3A_106 = arith.muli %min3A_104, %mul3A_105 : i32
      %add3A_107 = arith.addi %multiple_of3A_102, %mul3A_106 : i32
      %dma_start3A_108 = arith.constant 0 : i32
      %dma_start3A_109 = tpu.memref_slice %arg4[%add3A_107, %dma_start3A_108] : memref<320000x16xf32, #tpu.memory_space<hbm>> -> memref<80x16xf32, #tpu.memory_space<hbm>>
      %dma_start3A_110 = arith.constant 0 : i32
      %dma_start3A_111 = tpu.memref_slice %arg4[%add3A_107, %dma_start3A_110] : memref<320000x16xf32, #tpu.memory_space<hbm>> -> memref<80x16xf32, #tpu.memory_space<hbm>>
      tpu.enqueue_dma source(%dma_start3A_111 : memref<80x16xf32, #tpu.memory_space<hbm>>) target(%arg14 : memref<80x16xf32, #tpu.memory_space<vmem>>) target_semaphore(%arg23 : memref<!tpu.dma_semaphore, #tpu.memory_space<semaphore_mem>>)
      %dma_start3A_112 = arith.constant 0 : i32
      %dma_start3A_113 = arith.constant 0 : i32
      %dma_start3A_114 = tpu.memref_slice %arg5[%dma_start3A_112, %dma_start3A_113] : memref<10000x16xf32, #tpu.memory_space<hbm>> -> memref<10000x16xf32, #tpu.memory_space<hbm>>
      tpu.enqueue_indirect_dma source(%dma_start3A_114 : memref<10000x16xf32, #tpu.memory_space<hbm>>) target(%arg16 : memref<80x16xf32, #tpu.memory_space<vmem>>) offsets(%arg12 : memref<80xi32, #tpu.memory_space<vmem>>) semaphore(%arg23 : memref<!tpu.dma_semaphore, #tpu.memory_space<semaphore_mem>>)
      %dma_start3A_115 = arith.constant 0 : i32
      %dma_start3A_116 = arith.constant 0 : i32
      %dma_start3A_117 = tpu.memref_slice %arg6[%dma_start3A_115, %dma_start3A_116] : memref<10000x128xf32, #tpu.memory_space<hbm>> -> memref<10000x128xf32, #tpu.memory_space<hbm>>
      tpu.enqueue_indirect_dma source(%dma_start3A_117 : memref<10000x128xf32, #tpu.memory_space<hbm>>) target(%arg18 : memref<80x128xf32, #tpu.memory_space<vmem>>) offsets(%arg10 : memref<80xi32, #tpu.memory_space<vmem>>) semaphore(%arg23 : memref<!tpu.dma_semaphore, #tpu.memory_space<semaphore_mem>>)
      %dma_wait3A_118 = arith.constant 0 : i32
      %dma_wait3A_119 = arith.constant 0 : i32
      %dma_wait3A_120 = tpu.memref_slice %arg4[%dma_wait3A_118, %dma_wait3A_119] : memref<320000x16xf32, #tpu.memory_space<hbm>> -> memref<80x16xf32, #tpu.memory_space<hbm>>
      %dma_wait3A_121 = arith.constant 0 : i32
      %dma_wait3A_122 = arith.constant 0 : i32
      %dma_wait3A_123 = tpu.memref_slice %arg4[%dma_wait3A_121, %dma_wait3A_122] : memref<320000x16xf32, #tpu.memory_space<hbm>> -> memref<80x16xf32, #tpu.memory_space<hbm>>
      tpu.wait_dma2 semaphore(%arg22 : memref<!tpu.dma_semaphore, #tpu.memory_space<semaphore_mem>>) src(%dma_wait3A_123 : memref<80x16xf32, #tpu.memory_space<hbm>>) dst(%arg13 : memref<80x16xf32, #tpu.memory_space<vmem>>)
      %dma_wait3A_124 = arith.constant 0 : i32
      %dma_wait3A_125 = arith.constant 0 : i32
      %dma_wait3A_126 = tpu.memref_slice %arg4[%dma_wait3A_124, %dma_wait3A_125] : memref<320000x16xf32, #tpu.memory_space<hbm>> -> memref<80x16xf32, #tpu.memory_space<hbm>>
      %dma_wait3A_127 = arith.constant 0 : i32
      %dma_wait3A_128 = arith.constant 0 : i32
      %dma_wait3A_129 = tpu.memref_slice %arg4[%dma_wait3A_127, %dma_wait3A_128] : memref<320000x16xf32, #tpu.memory_space<hbm>> -> memref<80x16xf32, #tpu.memory_space<hbm>>
      tpu.wait_dma2 semaphore(%arg22 : memref<!tpu.dma_semaphore, #tpu.memory_space<semaphore_mem>>) src(%dma_wait3A_129 : memref<80x16xf32, #tpu.memory_space<hbm>>) dst(%arg15 : memref<80x16xf32, #tpu.memory_space<vmem>>)
      %dma_wait3A_130 = arith.constant 0 : i32
      %dma_wait3A_131 = arith.constant 0 : i32
      %dma_wait3A_132 = tpu.memref_slice %arg6[%dma_wait3A_130, %dma_wait3A_131] : memref<10000x128xf32, #tpu.memory_space<hbm>> -> memref<80x128xf32, #tpu.memory_space<hbm>>
      %dma_wait3A_133 = arith.constant 0 : i32
      %dma_wait3A_134 = arith.constant 0 : i32
      %dma_wait3A_135 = tpu.memref_slice %arg6[%dma_wait3A_133, %dma_wait3A_134] : memref<10000x128xf32, #tpu.memory_space<hbm>> -> memref<80x128xf32, #tpu.memory_space<hbm>>
      tpu.wait_dma2 semaphore(%arg22 : memref<!tpu.dma_semaphore, #tpu.memory_space<semaphore_mem>>) src(%dma_wait3A_135 : memref<80x128xf32, #tpu.memory_space<hbm>>) dst(%arg17 : memref<80x128xf32, #tpu.memory_space<vmem>>)
      %scan3A_136 = arith.constant 0 : i32
      %scan3A_137 = arith.constant 0 : i32
      %scan3A_138 = arith.constant 40 : i32
      %scan3A_139 = arith.addi %scan3A_137, %scan3A_138 : i32
      %scan3A_140 = arith.constant 1 : i32
      %scan3A_141 = scf.for %scan3A_219 = %scan3A_137 to %scan3A_139 step %scan3A_140 iter_args(%scan3A_220 = %scan3A_136) -> (i32)  : i32 {
        %mul3A_221 = arith.constant 2 : i32
        %mul3A_222 = arith.muli %scan3A_219, %mul3A_221 : i32
        %add3A_223 = arith.constant 0 : i32
        %add3A_224 = arith.addi %mul3A_222, %add3A_223 : i32
        %get3A = arith.index_cast %add3A_224 : i32 to index
        %get3A_225 = arith.constant 0 : index
        %get3A_226 = tpu.vector_load %arg13[%get3A, %get3A_225] {strides = array<i32>} : memref<80x16xf32, #tpu.memory_space<vmem>>, vector<1x16xf32>,
        %get3A_227 = vector.shape_cast %get3A_226 : vector<1x16xf32> to vector<16xf32>
        %get3A_228 = arith.index_cast %add3A_224 : i32 to index
        %get3A_229 = arith.constant 0 : index
        %get3A_230 = tpu.vector_load %arg15[%get3A_228, %get3A_229] {strides = array<i32>} : memref<80x16xf32, #tpu.memory_space<vmem>>, vector<1x16xf32>,
        %get3A_231 = vector.shape_cast %get3A_230 : vector<1x16xf32> to vector<16xf32>
        %mul3A_232 = arith.mulf %get3A_227, %get3A_231 : vector<16xf32>
        %get3A_233 = arith.index_cast %add3A_224 : i32 to index
        %get3A_234 = arith.constant 0 : index
        %get3A_235 = tpu.vector_load %arg17[%get3A_233, %get3A_234] {strides = array<i32>} : memref<80x128xf32, #tpu.memory_space<vmem>>, vector<1x16xf32>,
        %get3A_236 = vector.shape_cast %get3A_235 : vector<1x16xf32> to vector<16xf32>
        %mul3A_237 = arith.mulf %get3A_236, %mul3A_232 : vector<16xf32>
        %swap3A = arith.index_cast %add3A_224 : i32 to index
        %swap3A_238 = arith.constant 0 : index
        %swap3A_239 = tpu.vector_load %arg17[%swap3A, %swap3A_238] {strides = array<i32>} : memref<80x128xf32, #tpu.memory_space<vmem>>, vector<1x16xf32>,
        %swap3A_240 = vector.shape_cast %swap3A_239 : vector<1x16xf32> to vector<16xf32>
        %swap3A_241 = vector.shape_cast %mul3A_237 : vector<16xf32> to vector<1x16xf32>
        tpu.vector_store %arg17[%swap3A, %swap3A_238], %swap3A_241 {strides = array<i32>} : memref<80x128xf32, #tpu.memory_space<vmem>>, vector<1x16xf32>,
        %get3A_242 = arith.index_cast %add3A_224 : i32 to index
        %get3A_243 = arith.constant 16 : index
        %get3A_244 = tpu.vector_load %arg17[%get3A_242, %get3A_243] {strides = array<i32>} : memref<80x128xf32, #tpu.memory_space<vmem>>, vector<1x16xf32>,
        %get3A_245 = vector.shape_cast %get3A_244 : vector<1x16xf32> to vector<16xf32>
        %mul3A_246 = arith.mulf %get3A_245, %mul3A_232 : vector<16xf32>
        %swap3A_247 = arith.index_cast %add3A_224 : i32 to index
        %swap3A_248 = arith.constant 16 : index
        %swap3A_249 = tpu.vector_load %arg17[%swap3A_247, %swap3A_248] {strides = array<i32>} : memref<80x128xf32, #tpu.memory_space<vmem>>, vector<1x16xf32>,
        %swap3A_250 = vector.shape_cast %swap3A_249 : vector<1x16xf32> to vector<16xf32>
        %swap3A_251 = vector.shape_cast %mul3A_246 : vector<16xf32> to vector<1x16xf32>
        tpu.vector_store %arg17[%swap3A_247, %swap3A_248], %swap3A_251 {strides = array<i32>} : memref<80x128xf32, #tpu.memory_space<vmem>>, vector<1x16xf32>,
        %get3A_252 = arith.index_cast %add3A_224 : i32 to index
        %get3A_253 = arith.constant 32 : index
        %get3A_254 = tpu.vector_load %arg17[%get3A_252, %get3A_253] {strides = array<i32>} : memref<80x128xf32, #tpu.memory_space<vmem>>, vector<1x16xf32>,
        %get3A_255 = vector.shape_cast %get3A_254 : vector<1x16xf32> to vector<16xf32>
        %mul3A_256 = arith.mulf %get3A_255, %mul3A_232 : vector<16xf32>
        %swap3A_257 = arith.index_cast %add3A_224 : i32 to index
        %swap3A_258 = arith.constant 32 : index
        %swap3A_259 = tpu.vector_load %arg17[%swap3A_257, %swap3A_258] {strides = array<i32>} : memref<80x128xf32, #tpu.memory_space<vmem>>, vector<1x16xf32>,
        %swap3A_260 = vector.shape_cast %swap3A_259 : vector<1x16xf32> to vector<16xf32>
        %swap3A_261 = vector.shape_cast %mul3A_256 : vector<16xf32> to vector<1x16xf32>
        tpu.vector_store %arg17[%swap3A_257, %swap3A_258], %swap3A_261 {strides = array<i32>} : memref<80x128xf32, #tpu.memory_space<vmem>>, vector<1x16xf32>,
        %get3A_262 = arith.index_cast %add3A_224 : i32 to index
        %get3A_263 = arith.constant 48 : index
        %get3A_264 = tpu.vector_load %arg17[%get3A_262, %get3A_263] {strides = array<i32>} : memref<80x128xf32, #tpu.memory_space<vmem>>, vector<1x16xf32>,
        %get3A_265 = vector.shape_cast %get3A_264 : vector<1x16xf32> to vector<16xf32>
        %mul3A_266 = arith.mulf %get3A_265, %mul3A_232 : vector<16xf32>
        %swap3A_267 = arith.index_cast %add3A_224 : i32 to index
        %swap3A_268 = arith.constant 48 : index
        %swap3A_269 = tpu.vector_load %arg17[%swap3A_267, %swap3A_268] {strides = array<i32>} : memref<80x128xf32, #tpu.memory_space<vmem>>, vector<1x16xf32>,
        %swap3A_270 = vector.shape_cast %swap3A_269 : vector<1x16xf32> to vector<16xf32>
        %swap3A_271 = vector.shape_cast %mul3A_266 : vector<16xf32> to vector<1x16xf32>
        tpu.vector_store %arg17[%swap3A_267, %swap3A_268], %swap3A_271 {strides = array<i32>} : memref<80x128xf32, #tpu.memory_space<vmem>>, vector<1x16xf32>,
        %get3A_272 = arith.index_cast %add3A_224 : i32 to index
        %get3A_273 = arith.constant 64 : index
        %get3A_274 = tpu.vector_load %arg17[%get3A_272, %get3A_273] {strides = array<i32>} : memref<80x128xf32, #tpu.memory_space<vmem>>, vector<1x16xf32>,
        %get3A_275 = vector.shape_cast %get3A_274 : vector<1x16xf32> to vector<16xf32>
        %mul3A_276 = arith.mulf %get3A_275, %mul3A_232 : vector<16xf32>
        %swap3A_277 = arith.index_cast %add3A_224 : i32 to index
        %swap3A_278 = arith.constant 64 : index
        %swap3A_279 = tpu.vector_load %arg17[%swap3A_277, %swap3A_278] {strides = array<i32>} : memref<80x128xf32, #tpu.memory_space<vmem>>, vector<1x16xf32>,
        %swap3A_280 = vector.shape_cast %swap3A_279 : vector<1x16xf32> to vector<16xf32>
        %swap3A_281 = vector.shape_cast %mul3A_276 : vector<16xf32> to vector<1x16xf32>
        tpu.vector_store %arg17[%swap3A_277, %swap3A_278], %swap3A_281 {strides = array<i32>} : memref<80x128xf32, #tpu.memory_space<vmem>>, vector<1x16xf32>,
        %get3A_282 = arith.index_cast %add3A_224 : i32 to index
        %get3A_283 = arith.constant 80 : index
        %get3A_284 = tpu.vector_load %arg17[%get3A_282, %get3A_283] {strides = array<i32>} : memref<80x128xf32, #tpu.memory_space<vmem>>, vector<1x16xf32>,
        %get3A_285 = vector.shape_cast %get3A_284 : vector<1x16xf32> to vector<16xf32>
        %mul3A_286 = arith.mulf %get3A_285, %mul3A_232 : vector<16xf32>
        %swap3A_287 = arith.index_cast %add3A_224 : i32 to index
        %swap3A_288 = arith.constant 80 : index
        %swap3A_289 = tpu.vector_load %arg17[%swap3A_287, %swap3A_288] {strides = array<i32>} : memref<80x128xf32, #tpu.memory_space<vmem>>, vector<1x16xf32>,
        %swap3A_290 = vector.shape_cast %swap3A_289 : vector<1x16xf32> to vector<16xf32>
        %swap3A_291 = vector.shape_cast %mul3A_286 : vector<16xf32> to vector<1x16xf32>
        tpu.vector_store %arg17[%swap3A_287, %swap3A_288], %swap3A_291 {strides = array<i32>} : memref<80x128xf32, #tpu.memory_space<vmem>>, vector<1x16xf32>,
        %get3A_292 = arith.index_cast %add3A_224 : i32 to index
        %get3A_293 = arith.constant 96 : index
        %get3A_294 = tpu.vector_load %arg17[%get3A_292, %get3A_293] {strides = array<i32>} : memref<80x128xf32, #tpu.memory_space<vmem>>, vector<1x16xf32>,
        %get3A_295 = vector.shape_cast %get3A_294 : vector<1x16xf32> to vector<16xf32>
        %mul3A_296 = arith.mulf %get3A_295, %mul3A_232 : vector<16xf32>
        %swap3A_297 = arith.index_cast %add3A_224 : i32 to index
        %swap3A_298 = arith.constant 96 : index
        %swap3A_299 = tpu.vector_load %arg17[%swap3A_297, %swap3A_298] {strides = array<i32>} : memref<80x128xf32, #tpu.memory_space<vmem>>, vector<1x16xf32>,
        %swap3A_300 = vector.shape_cast %swap3A_299 : vector<1x16xf32> to vector<16xf32>
        %swap3A_301 = vector.shape_cast %mul3A_296 : vector<16xf32> to vector<1x16xf32>
        tpu.vector_store %arg17[%swap3A_297, %swap3A_298], %swap3A_301 {strides = array<i32>} : memref<80x128xf32, #tpu.memory_space<vmem>>, vector<1x16xf32>,
        %get3A_302 = arith.index_cast %add3A_224 : i32 to index
        %get3A_303 = arith.constant 112 : index
        %get3A_304 = tpu.vector_load %arg17[%get3A_302, %get3A_303] {strides = array<i32>} : memref<80x128xf32, #tpu.memory_space<vmem>>, vector<1x16xf32>,
        %get3A_305 = vector.shape_cast %get3A_304 : vector<1x16xf32> to vector<16xf32>
        %mul3A_306 = arith.mulf %get3A_305, %mul3A_232 : vector<16xf32>
        %swap3A_307 = arith.index_cast %add3A_224 : i32 to index
        %swap3A_308 = arith.constant 112 : index
        %swap3A_309 = tpu.vector_load %arg17[%swap3A_307, %swap3A_308] {strides = array<i32>} : memref<80x128xf32, #tpu.memory_space<vmem>>, vector<1x16xf32>,
        %swap3A_310 = vector.shape_cast %swap3A_309 : vector<1x16xf32> to vector<16xf32>
        %swap3A_311 = vector.shape_cast %mul3A_306 : vector<16xf32> to vector<1x16xf32>
        tpu.vector_store %arg17[%swap3A_307, %swap3A_308], %swap3A_311 {strides = array<i32>} : memref<80x128xf32, #tpu.memory_space<vmem>>, vector<1x16xf32>,
        %mul3A_312 = arith.constant 2 : i32
        %mul3A_313 = arith.muli %scan3A_219, %mul3A_312 : i32
        %add3A_314 = arith.constant 1 : i32
        %add3A_315 = arith.addi %mul3A_313, %add3A_314 : i32
        %get3A_316 = arith.index_cast %add3A_315 : i32 to index
        %get3A_317 = arith.constant 0 : index
        %get3A_318 = tpu.vector_load %arg13[%get3A_316, %get3A_317] {strides = array<i32>} : memref<80x16xf32, #tpu.memory_space<vmem>>, vector<1x16xf32>,
        %get3A_319 = vector.shape_cast %get3A_318 : vector<1x16xf32> to vector<16xf32>
        %get3A_320 = arith.index_cast %add3A_315 : i32 to index
        %get3A_321 = arith.constant 0 : index
        %get3A_322 = tpu.vector_load %arg15[%get3A_320, %get3A_321] {strides = array<i32>} : memref<80x16xf32, #tpu.memory_space<vmem>>, vector<1x16xf32>,
        %get3A_323 = vector.shape_cast %get3A_322 : vector<1x16xf32> to vector<16xf32>
        %mul3A_324 = arith.mulf %get3A_319, %get3A_323 : vector<16xf32>
        %get3A_325 = arith.index_cast %add3A_315 : i32 to index
        %get3A_326 = arith.constant 0 : index
        %get3A_327 = tpu.vector_load %arg17[%get3A_325, %get3A_326] {strides = array<i32>} : memref<80x128xf32, #tpu.memory_space<vmem>>, vector<1x16xf32>,
        %get3A_328 = vector.shape_cast %get3A_327 : vector<1x16xf32> to vector<16xf32>
        %mul3A_329 = arith.mulf %get3A_328, %mul3A_324 : vector<16xf32>
        %swap3A_330 = arith.index_cast %add3A_315 : i32 to index
        %swap3A_331 = arith.constant 0 : index
        %swap3A_332 = tpu.vector_load %arg17[%swap3A_330, %swap3A_331] {strides = array<i32>} : memref<80x128xf32, #tpu.memory_space<vmem>>, vector<1x16xf32>,
        %swap3A_333 = vector.shape_cast %swap3A_332 : vector<1x16xf32> to vector<16xf32>
        %swap3A_334 = vector.shape_cast %mul3A_329 : vector<16xf32> to vector<1x16xf32>
        tpu.vector_store %arg17[%swap3A_330, %swap3A_331], %swap3A_334 {strides = array<i32>} : memref<80x128xf32, #tpu.memory_space<vmem>>, vector<1x16xf32>,
        %get3A_335 = arith.index_cast %add3A_315 : i32 to index
        %get3A_336 = arith.constant 16 : index
        %get3A_337 = tpu.vector_load %arg17[%get3A_335, %get3A_336] {strides = array<i32>} : memref<80x128xf32, #tpu.memory_space<vmem>>, vector<1x16xf32>,
        %get3A_338 = vector.shape_cast %get3A_337 : vector<1x16xf32> to vector<16xf32>
        %mul3A_339 = arith.mulf %get3A_338, %mul3A_324 : vector<16xf32>
        %swap3A_340 = arith.index_cast %add3A_315 : i32 to index
        %swap3A_341 = arith.constant 16 : index
        %swap3A_342 = tpu.vector_load %arg17[%swap3A_340, %swap3A_341] {strides = array<i32>} : memref<80x128xf32, #tpu.memory_space<vmem>>, vector<1x16xf32>,
        %swap3A_343 = vector.shape_cast %swap3A_342 : vector<1x16xf32> to vector<16xf32>
        %swap3A_344 = vector.shape_cast %mul3A_339 : vector<16xf32> to vector<1x16xf32>
        tpu.vector_store %arg17[%swap3A_340, %swap3A_341], %swap3A_344 {strides = array<i32>} : memref<80x128xf32, #tpu.memory_space<vmem>>, vector<1x16xf32>,
        %get3A_345 = arith.index_cast %add3A_315 : i32 to index
        %get3A_346 = arith.constant 32 : index
        %get3A_347 = tpu.vector_load %arg17[%get3A_345, %get3A_346] {strides = array<i32>} : memref<80x128xf32, #tpu.memory_space<vmem>>, vector<1x16xf32>,
        %get3A_348 = vector.shape_cast %get3A_347 : vector<1x16xf32> to vector<16xf32>
        %mul3A_349 = arith.mulf %get3A_348, %mul3A_324 : vector<16xf32>
        %swap3A_350 = arith.index_cast %add3A_315 : i32 to index
        %swap3A_351 = arith.constant 32 : index
        %swap3A_352 = tpu.vector_load %arg17[%swap3A_350, %swap3A_351] {strides = array<i32>} : memref<80x128xf32, #tpu.memory_space<vmem>>, vector<1x16xf32>,
        %swap3A_353 = vector.shape_cast %swap3A_352 : vector<1x16xf32> to vector<16xf32>
        %swap3A_354 = vector.shape_cast %mul3A_349 : vector<16xf32> to vector<1x16xf32>
        tpu.vector_store %arg17[%swap3A_350, %swap3A_351], %swap3A_354 {strides = array<i32>} : memref<80x128xf32, #tpu.memory_space<vmem>>, vector<1x16xf32>,
        %get3A_355 = arith.index_cast %add3A_315 : i32 to index
        %get3A_356 = arith.constant 48 : index
        %get3A_357 = tpu.vector_load %arg17[%get3A_355, %get3A_356] {strides = array<i32>} : memref<80x128xf32, #tpu.memory_space<vmem>>, vector<1x16xf32>,
        %get3A_358 = vector.shape_cast %get3A_357 : vector<1x16xf32> to vector<16xf32>
        %mul3A_359 = arith.mulf %get3A_358, %mul3A_324 : vector<16xf32>
        %swap3A_360 = arith.index_cast %add3A_315 : i32 to index
        %swap3A_361 = arith.constant 48 : index
        %swap3A_362 = tpu.vector_load %arg17[%swap3A_360, %swap3A_361] {strides = array<i32>} : memref<80x128xf32, #tpu.memory_space<vmem>>, vector<1x16xf32>,
        %swap3A_363 = vector.shape_cast %swap3A_362 : vector<1x16xf32> to vector<16xf32>
        %swap3A_364 = vector.shape_cast %mul3A_359 : vector<16xf32> to vector<1x16xf32>
        tpu.vector_store %arg17[%swap3A_360, %swap3A_361], %swap3A_364 {strides = array<i32>} : memref<80x128xf32, #tpu.memory_space<vmem>>, vector<1x16xf32>,
        %get3A_365 = arith.index_cast %add3A_315 : i32 to index
        %get3A_366 = arith.constant 64 : index
        %get3A_367 = tpu.vector_load %arg17[%get3A_365, %get3A_366] {strides = array<i32>} : memref<80x128xf32, #tpu.memory_space<vmem>>, vector<1x16xf32>,
        %get3A_368 = vector.shape_cast %get3A_367 : vector<1x16xf32> to vector<16xf32>
        %mul3A_369 = arith.mulf %get3A_368, %mul3A_324 : vector<16xf32>
        %swap3A_370 = arith.index_cast %add3A_315 : i32 to index
        %swap3A_371 = arith.constant 64 : index
        %swap3A_372 = tpu.vector_load %arg17[%swap3A_370, %swap3A_371] {strides = array<i32>} : memref<80x128xf32, #tpu.memory_space<vmem>>, vector<1x16xf32>,
        %swap3A_373 = vector.shape_cast %swap3A_372 : vector<1x16xf32> to vector<16xf32>
        %swap3A_374 = vector.shape_cast %mul3A_369 : vector<16xf32> to vector<1x16xf32>
        tpu.vector_store %arg17[%swap3A_370, %swap3A_371], %swap3A_374 {strides = array<i32>} : memref<80x128xf32, #tpu.memory_space<vmem>>, vector<1x16xf32>,
        %get3A_375 = arith.index_cast %add3A_315 : i32 to index
        %get3A_376 = arith.constant 80 : index
        %get3A_377 = tpu.vector_load %arg17[%get3A_375, %get3A_376] {strides = array<i32>} : memref<80x128xf32, #tpu.memory_space<vmem>>, vector<1x16xf32>,
        %get3A_378 = vector.shape_cast %get3A_377 : vector<1x16xf32> to vector<16xf32>
        %mul3A_379 = arith.mulf %get3A_378, %mul3A_324 : vector<16xf32>
        %swap3A_380 = arith.index_cast %add3A_315 : i32 to index
        %swap3A_381 = arith.constant 80 : index
        %swap3A_382 = tpu.vector_load %arg17[%swap3A_380, %swap3A_381] {strides = array<i32>} : memref<80x128xf32, #tpu.memory_space<vmem>>, vector<1x16xf32>,
        %swap3A_383 = vector.shape_cast %swap3A_382 : vector<1x16xf32> to vector<16xf32>
        %swap3A_384 = vector.shape_cast %mul3A_379 : vector<16xf32> to vector<1x16xf32>
        tpu.vector_store %arg17[%swap3A_380, %swap3A_381], %swap3A_384 {strides = array<i32>} : memref<80x128xf32, #tpu.memory_space<vmem>>, vector<1x16xf32>,
        %get3A_385 = arith.index_cast %add3A_315 : i32 to index
        %get3A_386 = arith.constant 96 : index
        %get3A_387 = tpu.vector_load %arg17[%get3A_385, %get3A_386] {strides = array<i32>} : memref<80x128xf32, #tpu.memory_space<vmem>>, vector<1x16xf32>,
        %get3A_388 = vector.shape_cast %get3A_387 : vector<1x16xf32> to vector<16xf32>
        %mul3A_389 = arith.mulf %get3A_388, %mul3A_324 : vector<16xf32>
        %swap3A_390 = arith.index_cast %add3A_315 : i32 to index
        %swap3A_391 = arith.constant 96 : index
        %swap3A_392 = tpu.vector_load %arg17[%swap3A_390, %swap3A_391] {strides = array<i32>} : memref<80x128xf32, #tpu.memory_space<vmem>>, vector<1x16xf32>,
        %swap3A_393 = vector.shape_cast %swap3A_392 : vector<1x16xf32> to vector<16xf32>
        %swap3A_394 = vector.shape_cast %mul3A_389 : vector<16xf32> to vector<1x16xf32>
        tpu.vector_store %arg17[%swap3A_390, %swap3A_391], %swap3A_394 {strides = array<i32>} : memref<80x128xf32, #tpu.memory_space<vmem>>, vector<1x16xf32>,
        %get3A_395 = arith.index_cast %add3A_315 : i32 to index
        %get3A_396 = arith.constant 112 : index
        %get3A_397 = tpu.vector_load %arg17[%get3A_395, %get3A_396] {strides = array<i32>} : memref<80x128xf32, #tpu.memory_space<vmem>>, vector<1x16xf32>,
        %get3A_398 = vector.shape_cast %get3A_397 : vector<1x16xf32> to vector<16xf32>
        %mul3A_399 = arith.mulf %get3A_398, %mul3A_324 : vector<16xf32>
        %swap3A_400 = arith.index_cast %add3A_315 : i32 to index
        %swap3A_401 = arith.constant 112 : index
        %swap3A_402 = tpu.vector_load %arg17[%swap3A_400, %swap3A_401] {strides = array<i32>} : memref<80x128xf32, #tpu.memory_space<vmem>>, vector<1x16xf32>,
        %swap3A_403 = vector.shape_cast %swap3A_402 : vector<1x16xf32> to vector<16xf32>
        %swap3A_404 = vector.shape_cast %mul3A_399 : vector<16xf32> to vector<1x16xf32>
        tpu.vector_store %arg17[%swap3A_400, %swap3A_401], %swap3A_404 {strides = array<i32>} : memref<80x128xf32, #tpu.memory_space<vmem>>, vector<1x16xf32>,
        %scan3A_405 = arith.constant 0 : i32
        scf.yield %scan3A_405 : i32
      }
      %scan3A_142 = arith.constant 40 : i32
      "tpu.region"() ({
        %run_scoped3A = tpu.sem_alloc : memref<!tpu.dma_semaphore, #tpu.memory_space<semaphore_mem>>
        %dma_start3A_219 = arith.constant 0 : i32
        %dma_start3A_220 = arith.constant 0 : i32
        %dma_start3A_221 = tpu.memref_slice %arg19[%dma_start3A_219, %dma_start3A_220] : memref<10240x128xf32, #tpu.memory_space<vmem_shared>> -> memref<10240x128xf32, #tpu.memory_space<vmem_shared>>
        tpu.enqueue_indirect_dma source(%arg17 : memref<80x128xf32, #tpu.memory_space<vmem>>) target(%dma_start3A_221 : memref<10240x128xf32, #tpu.memory_space<vmem_shared>>) offsets(%arg11 : memref<80xi32, #tpu.memory_space<vmem>>) semaphore(%run_scoped3A : memref<!tpu.dma_semaphore, #tpu.memory_space<semaphore_mem>>) {add = true}
        %dma_wait3A_222 = arith.constant 0 : i32
        %dma_wait3A_223 = arith.constant 0 : i32
        %dma_wait3A_224 = tpu.memref_slice %arg19[%dma_wait3A_222, %dma_wait3A_223] : memref<10240x128xf32, #tpu.memory_space<vmem_shared>> -> memref<10240x128xf32, #tpu.memory_space<vmem_shared>>
        tpu.wait_indirect_dma semaphore(%run_scoped3A : memref<!tpu.dma_semaphore, #tpu.memory_space<semaphore_mem>>) src(%arg17 : memref<80x128xf32, #tpu.memory_space<vmem>>) dst(%dma_wait3A_224 : memref<10240x128xf32, #tpu.memory_space<vmem_shared>>)
        tpu.yield
      }) : () -> ()
      %add3A_143 = arith.constant 2 : i32
      %add3A_144 = arith.addi %mul3A_91, %add3A_143 : i32
      %multiple_of3A_145 = tpu.assume_multiple %add3A, 8 : i32
      %min3A_146 = arith.constant 124 : i32
      %min3A_147 = arith.minsi %add3A_144, %min3A_146 : i32
      %mul3A_148 = arith.constant 80 : i32
      %mul3A_149 = arith.muli %min3A_147, %mul3A_148 : i32
      %add3A_150 = arith.addi %multiple_of3A_145, %mul3A_149 : i32
      %dma_start3A_151 = tpu.memref_slice %arg2[%add3A_150] : memref<320000xi32, #tpu.memory_space<hbm>> -> memref<80xi32, #tpu.memory_space<hbm>>
      %dma_start3A_152 = tpu.memref_slice %arg2[%add3A_150] : memref<320000xi32, #tpu.memory_space<hbm>> -> memref<80xi32, #tpu.memory_space<hbm>>
      tpu.enqueue_dma source(%dma_start3A_152 : memref<80xi32, #tpu.memory_space<hbm>>) target(%arg9 : memref<80xi32, #tpu.memory_space<vmem>>) target_semaphore(%arg20 : memref<!tpu.dma_semaphore, #tpu.memory_space<semaphore_mem>>)
      %dma_start3A_153 = tpu.memref_slice %arg3[%add3A_150] : memref<320000xi32, #tpu.memory_space<hbm>> -> memref<80xi32, #tpu.memory_space<hbm>>
      %dma_start3A_154 = tpu.memref_slice %arg3[%add3A_150] : memref<320000xi32, #tpu.memory_space<hbm>> -> memref<80xi32, #tpu.memory_space<hbm>>
      tpu.enqueue_dma source(%dma_start3A_154 : memref<80xi32, #tpu.memory_space<hbm>>) target(%arg11 : memref<80xi32, #tpu.memory_space<vmem>>) target_semaphore(%arg20 : memref<!tpu.dma_semaphore, #tpu.memory_space<semaphore_mem>>)
      %dma_wait3A_155 = arith.constant 0 : i32
      %dma_wait3A_156 = tpu.memref_slice %arg2[%dma_wait3A_155] : memref<320000xi32, #tpu.memory_space<hbm>> -> memref<80xi32, #tpu.memory_space<hbm>>
      %dma_wait3A_157 = arith.constant 0 : i32
      %dma_wait3A_158 = tpu.memref_slice %arg2[%dma_wait3A_157] : memref<320000xi32, #tpu.memory_space<hbm>> -> memref<80xi32, #tpu.memory_space<hbm>>
      tpu.wait_dma2 semaphore(%arg20 : memref<!tpu.dma_semaphore, #tpu.memory_space<semaphore_mem>>) src(%dma_wait3A_158 : memref<80xi32, #tpu.memory_space<hbm>>) dst(%arg9 : memref<80xi32, #tpu.memory_space<vmem>>)
      %dma_wait3A_159 = arith.constant 0 : i32
      %dma_wait3A_160 = tpu.memref_slice %arg3[%dma_wait3A_159] : memref<320000xi32, #tpu.memory_space<hbm>> -> memref<80xi32, #tpu.memory_space<hbm>>
      %dma_wait3A_161 = arith.constant 0 : i32
      %dma_wait3A_162 = tpu.memref_slice %arg3[%dma_wait3A_161] : memref<320000xi32, #tpu.memory_space<hbm>> -> memref<80xi32, #tpu.memory_space<hbm>>
      tpu.wait_dma2 semaphore(%arg20 : memref<!tpu.dma_semaphore, #tpu.memory_space<semaphore_mem>>) src(%dma_wait3A_162 : memref<80xi32, #tpu.memory_space<hbm>>) dst(%arg11 : memref<80xi32, #tpu.memory_space<vmem>>)
      %dma_wait3A_163 = arith.constant 0 : i32
      %dma_wait3A_164 = arith.constant 0 : i32
      %dma_wait3A_165 = tpu.memref_slice %arg4[%dma_wait3A_163, %dma_wait3A_164] : memref<320000x16xf32, #tpu.memory_space<hbm>> -> memref<80x16xf32, #tpu.memory_space<hbm>>
      %dma_wait3A_166 = arith.constant 0 : i32
      %dma_wait3A_167 = arith.constant 0 : i32
      %dma_wait3A_168 = tpu.memref_slice %arg4[%dma_wait3A_166, %dma_wait3A_167] : memref<320000x16xf32, #tpu.memory_space<hbm>> -> memref<80x16xf32, #tpu.memory_space<hbm>>
      tpu.wait_dma2 semaphore(%arg23 : memref<!tpu.dma_semaphore, #tpu.memory_space<semaphore_mem>>) src(%dma_wait3A_168 : memref<80x16xf32, #tpu.memory_space<hbm>>) dst(%arg14 : memref<80x16xf32, #tpu.memory_space<vmem>>)
      %dma_wait3A_169 = arith.constant 0 : i32
      %dma_wait3A_170 = arith.constant 0 : i32
      %dma_wait3A_171 = tpu.memref_slice %arg4[%dma_wait3A_169, %dma_wait3A_170] : memref<320000x16xf32, #tpu.memory_space<hbm>> -> memref<80x16xf32, #tpu.memory_space<hbm>>
      %dma_wait3A_172 = arith.constant 0 : i32
      %dma_wait3A_173 = arith.constant 0 : i32
      %dma_wait3A_174 = tpu.memref_slice %arg4[%dma_wait3A_172, %dma_wait3A_173] : memref<320000x16xf32, #tpu.memory_space<hbm>> -> memref<80x16xf32, #tpu.memory_space<hbm>>
      tpu.wait_dma2 semaphore(%arg23 : memref<!tpu.dma_semaphore, #tpu.memory_space<semaphore_mem>>) src(%dma_wait3A_174 : memref<80x16xf32, #tpu.memory_space<hbm>>) dst(%arg16 : memref<80x16xf32, #tpu.memory_space<vmem>>)
      %dma_wait3A_175 = arith.constant 0 : i32
      %dma_wait3A_176 = arith.constant 0 : i32
      %dma_wait3A_177 = tpu.memref_slice %arg6[%dma_wait3A_175, %dma_wait3A_176] : memref<10000x128xf32, #tpu.memory_space<hbm>> -> memref<80x128xf32, #tpu.memory_space<hbm>>
      %dma_wait3A_178 = arith.constant 0 : i32
      %dma_wait3A_179 = arith.constant 0 : i32
      %dma_wait3A_180 = tpu.memref_slice %arg6[%dma_wait3A_178, %dma_wait3A_179] : memref<10000x128xf32, #tpu.memory_space<hbm>> -> memref<80x128xf32, #tpu.memory_space<hbm>>
      tpu.wait_dma2 semaphore(%arg23 : memref<!tpu.dma_semaphore, #tpu.memory_space<semaphore_mem>>) src(%dma_wait3A_180 : memref<80x128xf32, #tpu.memory_space<hbm>>) dst(%arg18 : memref<80x128xf32, #tpu.memory_space<vmem>>)
      %add3A_181 = arith.constant 2 : i32
      %add3A_182 = arith.addi %mul3A_91, %add3A_181 : i32
      %multiple_of3A_183 = tpu.assume_multiple %add3A, 8 : i32
      %min3A_184 = arith.constant 124 : i32
      %min3A_185 = arith.minsi %add3A_182, %min3A_184 : i32
      %mul3A_186 = arith.constant 80 : i32
      %mul3A_187 = arith.muli %min3A_185, %mul3A_186 : i32
      %add3A_188 = arith.addi %multiple_of3A_183, %mul3A_187 : i32
      %dma_start3A_189 = arith.constant 0 : i32
      %dma_start3A_190 = tpu.memref_slice %arg4[%add3A_188, %dma_start3A_189] : memref<320000x16xf32, #tpu.memory_space<hbm>> -> memref<80x16xf32, #tpu.memory_space<hbm>>
      %dma_start3A_191 = arith.constant 0 : i32
      %dma_start3A_192 = tpu.memref_slice %arg4[%add3A_188, %dma_start3A_191] : memref<320000x16xf32, #tpu.memory_space<hbm>> -> memref<80x16xf32, #tpu.memory_space<hbm>>
      tpu.enqueue_dma source(%dma_start3A_192 : memref<80x16xf32, #tpu.memory_space<hbm>>) target(%arg13 : memref<80x16xf32, #tpu.memory_space<vmem>>) target_semaphore(%arg22 : memref<!tpu.dma_semaphore, #tpu.memory_space<semaphore_mem>>)
      %dma_start3A_193 = arith.constant 0 : i32
      %dma_start3A_194 = arith.constant 0 : i32
      %dma_start3A_195 = tpu.memref_slice %arg5[%dma_start3A_193, %dma_start3A_194] : memref<10000x16xf32, #tpu.memory_space<hbm>> -> memref<10000x16xf32, #tpu.memory_space<hbm>>
      tpu.enqueue_indirect_dma source(%dma_start3A_195 : memref<10000x16xf32, #tpu.memory_space<hbm>>) target(%arg15 : memref<80x16xf32, #tpu.memory_space<vmem>>) offsets(%arg11 : memref<80xi32, #tpu.memory_space<vmem>>) semaphore(%arg22 : memref<!tpu.dma_semaphore, #tpu.memory_space<semaphore_mem>>)
      %dma_start3A_196 = arith.constant 0 : i32
      %dma_start3A_197 = arith.constant 0 : i32
      %dma_start3A_198 = tpu.memref_slice %arg6[%dma_start3A_196, %dma_start3A_197] : memref<10000x128xf32, #tpu.memory_space<hbm>> -> memref<10000x128xf32, #tpu.memory_space<hbm>>
      tpu.enqueue_indirect_dma source(%dma_start3A_198 : memref<10000x128xf32, #tpu.memory_space<hbm>>) target(%arg17 : memref<80x128xf32, #tpu.memory_space<vmem>>) offsets(%arg9 : memref<80xi32, #tpu.memory_space<vmem>>) semaphore(%arg22 : memref<!tpu.dma_semaphore, #tpu.memory_space<semaphore_mem>>)
      %scan3A_199 = arith.constant 0 : i32
      %scan3A_200 = arith.constant 0 : i32
      %scan3A_201 = arith.constant 40 : i32
      %scan3A_202 = arith.addi %scan3A_200, %scan3A_201 : i32
      %scan3A_203 = arith.constant 1 : i32
      %scan3A_204 = scf.for %scan3A_219 = %scan3A_200 to %scan3A_202 step %scan3A_203 iter_args(%scan3A_220 = %scan3A_199) -> (i32)  : i32 {
        %mul3A_221 = arith.constant 2 : i32
        %mul3A_222 = arith.muli %scan3A_219, %mul3A_221 : i32
        %add3A_223 = arith.constant 0 : i32
        %add3A_224 = arith.addi %mul3A_222, %add3A_223 : i32
        %get3A = arith.index_cast %add3A_224 : i32 to index
        %get3A_225 = arith.constant 0 : index
        %get3A_226 = tpu.vector_load %arg14[%get3A, %get3A_225] {strides = array<i32>} : memref<80x16xf32, #tpu.memory_space<vmem>>, vector<1x16xf32>,
        %get3A_227 = vector.shape_cast %get3A_226 : vector<1x16xf32> to vector<16xf32>
        %get3A_228 = arith.index_cast %add3A_224 : i32 to index
        %get3A_229 = arith.constant 0 : index
        %get3A_230 = tpu.vector_load %arg16[%get3A_228, %get3A_229] {strides = array<i32>} : memref<80x16xf32, #tpu.memory_space<vmem>>, vector<1x16xf32>,
        %get3A_231 = vector.shape_cast %get3A_230 : vector<1x16xf32> to vector<16xf32>
        %mul3A_232 = arith.mulf %get3A_227, %get3A_231 : vector<16xf32>
        %get3A_233 = arith.index_cast %add3A_224 : i32 to index
        %get3A_234 = arith.constant 0 : index
        %get3A_235 = tpu.vector_load %arg18[%get3A_233, %get3A_234] {strides = array<i32>} : memref<80x128xf32, #tpu.memory_space<vmem>>, vector<1x16xf32>,
        %get3A_236 = vector.shape_cast %get3A_235 : vector<1x16xf32> to vector<16xf32>
        %mul3A_237 = arith.mulf %get3A_236, %mul3A_232 : vector<16xf32>
        %swap3A = arith.index_cast %add3A_224 : i32 to index
        %swap3A_238 = arith.constant 0 : index
        %swap3A_239 = tpu.vector_load %arg18[%swap3A, %swap3A_238] {strides = array<i32>} : memref<80x128xf32, #tpu.memory_space<vmem>>, vector<1x16xf32>,
        %swap3A_240 = vector.shape_cast %swap3A_239 : vector<1x16xf32> to vector<16xf32>
        %swap3A_241 = vector.shape_cast %mul3A_237 : vector<16xf32> to vector<1x16xf32>
        tpu.vector_store %arg18[%swap3A, %swap3A_238], %swap3A_241 {strides = array<i32>} : memref<80x128xf32, #tpu.memory_space<vmem>>, vector<1x16xf32>,
        %get3A_242 = arith.index_cast %add3A_224 : i32 to index
        %get3A_243 = arith.constant 16 : index
        %get3A_244 = tpu.vector_load %arg18[%get3A_242, %get3A_243] {strides = array<i32>} : memref<80x128xf32, #tpu.memory_space<vmem>>, vector<1x16xf32>,
        %get3A_245 = vector.shape_cast %get3A_244 : vector<1x16xf32> to vector<16xf32>
        %mul3A_246 = arith.mulf %get3A_245, %mul3A_232 : vector<16xf32>
        %swap3A_247 = arith.index_cast %add3A_224 : i32 to index
        %swap3A_248 = arith.constant 16 : index
        %swap3A_249 = tpu.vector_load %arg18[%swap3A_247, %swap3A_248] {strides = array<i32>} : memref<80x128xf32, #tpu.memory_space<vmem>>, vector<1x16xf32>,
        %swap3A_250 = vector.shape_cast %swap3A_249 : vector<1x16xf32> to vector<16xf32>
        %swap3A_251 = vector.shape_cast %mul3A_246 : vector<16xf32> to vector<1x16xf32>
        tpu.vector_store %arg18[%swap3A_247, %swap3A_248], %swap3A_251 {strides = array<i32>} : memref<80x128xf32, #tpu.memory_space<vmem>>, vector<1x16xf32>,
        %get3A_252 = arith.index_cast %add3A_224 : i32 to index
        %get3A_253 = arith.constant 32 : index
        %get3A_254 = tpu.vector_load %arg18[%get3A_252, %get3A_253] {strides = array<i32>} : memref<80x128xf32, #tpu.memory_space<vmem>>, vector<1x16xf32>,
        %get3A_255 = vector.shape_cast %get3A_254 : vector<1x16xf32> to vector<16xf32>
        %mul3A_256 = arith.mulf %get3A_255, %mul3A_232 : vector<16xf32>
        %swap3A_257 = arith.index_cast %add3A_224 : i32 to index
        %swap3A_258 = arith.constant 32 : index
        %swap3A_259 = tpu.vector_load %arg18[%swap3A_257, %swap3A_258] {strides = array<i32>} : memref<80x128xf32, #tpu.memory_space<vmem>>, vector<1x16xf32>,
        %swap3A_260 = vector.shape_cast %swap3A_259 : vector<1x16xf32> to vector<16xf32>
        %swap3A_261 = vector.shape_cast %mul3A_256 : vector<16xf32> to vector<1x16xf32>
        tpu.vector_store %arg18[%swap3A_257, %swap3A_258], %swap3A_261 {strides = array<i32>} : memref<80x128xf32, #tpu.memory_space<vmem>>, vector<1x16xf32>,
        %get3A_262 = arith.index_cast %add3A_224 : i32 to index
        %get3A_263 = arith.constant 48 : index
        %get3A_264 = tpu.vector_load %arg18[%get3A_262, %get3A_263] {strides = array<i32>} : memref<80x128xf32, #tpu.memory_space<vmem>>, vector<1x16xf32>,
        %get3A_265 = vector.shape_cast %get3A_264 : vector<1x16xf32> to vector<16xf32>
        %mul3A_266 = arith.mulf %get3A_265, %mul3A_232 : vector<16xf32>
        %swap3A_267 = arith.index_cast %add3A_224 : i32 to index
        %swap3A_268 = arith.constant 48 : index
        %swap3A_269 = tpu.vector_load %arg18[%swap3A_267, %swap3A_268] {strides = array<i32>} : memref<80x128xf32, #tpu.memory_space<vmem>>, vector<1x16xf32>,
        %swap3A_270 = vector.shape_cast %swap3A_269 : vector<1x16xf32> to vector<16xf32>
        %swap3A_271 = vector.shape_cast %mul3A_266 : vector<16xf32> to vector<1x16xf32>
        tpu.vector_store %arg18[%swap3A_267, %swap3A_268], %swap3A_271 {strides = array<i32>} : memref<80x128xf32, #tpu.memory_space<vmem>>, vector<1x16xf32>,
        %get3A_272 = arith.index_cast %add3A_224 : i32 to index
        %get3A_273 = arith.constant 64 : index
        %get3A_274 = tpu.vector_load %arg18[%get3A_272, %get3A_273] {strides = array<i32>} : memref<80x128xf32, #tpu.memory_space<vmem>>, vector<1x16xf32>,
        %get3A_275 = vector.shape_cast %get3A_274 : vector<1x16xf32> to vector<16xf32>
        %mul3A_276 = arith.mulf %get3A_275, %mul3A_232 : vector<16xf32>
        %swap3A_277 = arith.index_cast %add3A_224 : i32 to index
        %swap3A_278 = arith.constant 64 : index
        %swap3A_279 = tpu.vector_load %arg18[%swap3A_277, %swap3A_278] {strides = array<i32>} : memref<80x128xf32, #tpu.memory_space<vmem>>, vector<1x16xf32>,
        %swap3A_280 = vector.shape_cast %swap3A_279 : vector<1x16xf32> to vector<16xf32>
        %swap3A_281 = vector.shape_cast %mul3A_276 : vector<16xf32> to vector<1x16xf32>
        tpu.vector_store %arg18[%swap3A_277, %swap3A_278], %swap3A_281 {strides = array<i32>} : memref<80x128xf32, #tpu.memory_space<vmem>>, vector<1x16xf32>,
        %get3A_282 = arith.index_cast %add3A_224 : i32 to index
        %get3A_283 = arith.constant 80 : index
        %get3A_284 = tpu.vector_load %arg18[%get3A_282, %get3A_283] {strides = array<i32>} : memref<80x128xf32, #tpu.memory_space<vmem>>, vector<1x16xf32>,
        %get3A_285 = vector.shape_cast %get3A_284 : vector<1x16xf32> to vector<16xf32>
        %mul3A_286 = arith.mulf %get3A_285, %mul3A_232 : vector<16xf32>
        %swap3A_287 = arith.index_cast %add3A_224 : i32 to index
        %swap3A_288 = arith.constant 80 : index
        %swap3A_289 = tpu.vector_load %arg18[%swap3A_287, %swap3A_288] {strides = array<i32>} : memref<80x128xf32, #tpu.memory_space<vmem>>, vector<1x16xf32>,
        %swap3A_290 = vector.shape_cast %swap3A_289 : vector<1x16xf32> to vector<16xf32>
        %swap3A_291 = vector.shape_cast %mul3A_286 : vector<16xf32> to vector<1x16xf32>
        tpu.vector_store %arg18[%swap3A_287, %swap3A_288], %swap3A_291 {strides = array<i32>} : memref<80x128xf32, #tpu.memory_space<vmem>>, vector<1x16xf32>,
        %get3A_292 = arith.index_cast %add3A_224 : i32 to index
        %get3A_293 = arith.constant 96 : index
        %get3A_294 = tpu.vector_load %arg18[%get3A_292, %get3A_293] {strides = array<i32>} : memref<80x128xf32, #tpu.memory_space<vmem>>, vector<1x16xf32>,
        %get3A_295 = vector.shape_cast %get3A_294 : vector<1x16xf32> to vector<16xf32>
        %mul3A_296 = arith.mulf %get3A_295, %mul3A_232 : vector<16xf32>
        %swap3A_297 = arith.index_cast %add3A_224 : i32 to index
        %swap3A_298 = arith.constant 96 : index
        %swap3A_299 = tpu.vector_load %arg18[%swap3A_297, %swap3A_298] {strides = array<i32>} : memref<80x128xf32, #tpu.memory_space<vmem>>, vector<1x16xf32>,
        %swap3A_300 = vector.shape_cast %swap3A_299 : vector<1x16xf32> to vector<16xf32>
        %swap3A_301 = vector.shape_cast %mul3A_296 : vector<16xf32> to vector<1x16xf32>
        tpu.vector_store %arg18[%swap3A_297, %swap3A_298], %swap3A_301 {strides = array<i32>} : memref<80x128xf32, #tpu.memory_space<vmem>>, vector<1x16xf32>,
        %get3A_302 = arith.index_cast %add3A_224 : i32 to index
        %get3A_303 = arith.constant 112 : index
        %get3A_304 = tpu.vector_load %arg18[%get3A_302, %get3A_303] {strides = array<i32>} : memref<80x128xf32, #tpu.memory_space<vmem>>, vector<1x16xf32>,
        %get3A_305 = vector.shape_cast %get3A_304 : vector<1x16xf32> to vector<16xf32>
        %mul3A_306 = arith.mulf %get3A_305, %mul3A_232 : vector<16xf32>
        %swap3A_307 = arith.index_cast %add3A_224 : i32 to index
        %swap3A_308 = arith.constant 112 : index
        %swap3A_309 = tpu.vector_load %arg18[%swap3A_307, %swap3A_308] {strides = array<i32>} : memref<80x128xf32, #tpu.memory_space<vmem>>, vector<1x16xf32>,
        %swap3A_310 = vector.shape_cast %swap3A_309 : vector<1x16xf32> to vector<16xf32>
        %swap3A_311 = vector.shape_cast %mul3A_306 : vector<16xf32> to vector<1x16xf32>
        tpu.vector_store %arg18[%swap3A_307, %swap3A_308], %swap3A_311 {strides = array<i32>} : memref<80x128xf32, #tpu.memory_space<vmem>>, vector<1x16xf32>,
        %mul3A_312 = arith.constant 2 : i32
        %mul3A_313 = arith.muli %scan3A_219, %mul3A_312 : i32
        %add3A_314 = arith.constant 1 : i32
        %add3A_315 = arith.addi %mul3A_313, %add3A_314 : i32
        %get3A_316 = arith.index_cast %add3A_315 : i32 to index
        %get3A_317 = arith.constant 0 : index
        %get3A_318 = tpu.vector_load %arg14[%get3A_316, %get3A_317] {strides = array<i32>} : memref<80x16xf32, #tpu.memory_space<vmem>>, vector<1x16xf32>,
        %get3A_319 = vector.shape_cast %get3A_318 : vector<1x16xf32> to vector<16xf32>
        %get3A_320 = arith.index_cast %add3A_315 : i32 to index
        %get3A_321 = arith.constant 0 : index
        %get3A_322 = tpu.vector_load %arg16[%get3A_320, %get3A_321] {strides = array<i32>} : memref<80x16xf32, #tpu.memory_space<vmem>>, vector<1x16xf32>,
        %get3A_323 = vector.shape_cast %get3A_322 : vector<1x16xf32> to vector<16xf32>
        %mul3A_324 = arith.mulf %get3A_319, %get3A_323 : vector<16xf32>
        %get3A_325 = arith.index_cast %add3A_315 : i32 to index
        %get3A_326 = arith.constant 0 : index
        %get3A_327 = tpu.vector_load %arg18[%get3A_325, %get3A_326] {strides = array<i32>} : memref<80x128xf32, #tpu.memory_space<vmem>>, vector<1x16xf32>,
        %get3A_328 = vector.shape_cast %get3A_327 : vector<1x16xf32> to vector<16xf32>
        %mul3A_329 = arith.mulf %get3A_328, %mul3A_324 : vector<16xf32>
        %swap3A_330 = arith.index_cast %add3A_315 : i32 to index
        %swap3A_331 = arith.constant 0 : index
        %swap3A_332 = tpu.vector_load %arg18[%swap3A_330, %swap3A_331] {strides = array<i32>} : memref<80x128xf32, #tpu.memory_space<vmem>>, vector<1x16xf32>,
        %swap3A_333 = vector.shape_cast %swap3A_332 : vector<1x16xf32> to vector<16xf32>
        %swap3A_334 = vector.shape_cast %mul3A_329 : vector<16xf32> to vector<1x16xf32>
        tpu.vector_store %arg18[%swap3A_330, %swap3A_331], %swap3A_334 {strides = array<i32>} : memref<80x128xf32, #tpu.memory_space<vmem>>, vector<1x16xf32>,
        %get3A_335 = arith.index_cast %add3A_315 : i32 to index
        %get3A_336 = arith.constant 16 : index
        %get3A_337 = tpu.vector_load %arg18[%get3A_335, %get3A_336] {strides = array<i32>} : memref<80x128xf32, #tpu.memory_space<vmem>>, vector<1x16xf32>,
        %get3A_338 = vector.shape_cast %get3A_337 : vector<1x16xf32> to vector<16xf32>
        %mul3A_339 = arith.mulf %get3A_338, %mul3A_324 : vector<16xf32>
        %swap3A_340 = arith.index_cast %add3A_315 : i32 to index
        %swap3A_341 = arith.constant 16 : index
        %swap3A_342 = tpu.vector_load %arg18[%swap3A_340, %swap3A_341] {strides = array<i32>} : memref<80x128xf32, #tpu.memory_space<vmem>>, vector<1x16xf32>,
        %swap3A_343 = vector.shape_cast %swap3A_342 : vector<1x16xf32> to vector<16xf32>
        %swap3A_344 = vector.shape_cast %mul3A_339 : vector<16xf32> to vector<1x16xf32>
        tpu.vector_store %arg18[%swap3A_340, %swap3A_341], %swap3A_344 {strides = array<i32>} : memref<80x128xf32, #tpu.memory_space<vmem>>, vector<1x16xf32>,
        %get3A_345 = arith.index_cast %add3A_315 : i32 to index
        %get3A_346 = arith.constant 32 : index
        %get3A_347 = tpu.vector_load %arg18[%get3A_345, %get3A_346] {strides = array<i32>} : memref<80x128xf32, #tpu.memory_space<vmem>>, vector<1x16xf32>,
        %get3A_348 = vector.shape_cast %get3A_347 : vector<1x16xf32> to vector<16xf32>
        %mul3A_349 = arith.mulf %get3A_348, %mul3A_324 : vector<16xf32>
        %swap3A_350 = arith.index_cast %add3A_315 : i32 to index
        %swap3A_351 = arith.constant 32 : index
        %swap3A_352 = tpu.vector_load %arg18[%swap3A_350, %swap3A_351] {strides = array<i32>} : memref<80x128xf32, #tpu.memory_space<vmem>>, vector<1x16xf32>,
        %swap3A_353 = vector.shape_cast %swap3A_352 : vector<1x16xf32> to vector<16xf32>
        %swap3A_354 = vector.shape_cast %mul3A_349 : vector<16xf32> to vector<1x16xf32>
        tpu.vector_store %arg18[%swap3A_350, %swap3A_351], %swap3A_354 {strides = array<i32>} : memref<80x128xf32, #tpu.memory_space<vmem>>, vector<1x16xf32>,
        %get3A_355 = arith.index_cast %add3A_315 : i32 to index
        %get3A_356 = arith.constant 48 : index
        %get3A_357 = tpu.vector_load %arg18[%get3A_355, %get3A_356] {strides = array<i32>} : memref<80x128xf32, #tpu.memory_space<vmem>>, vector<1x16xf32>,
        %get3A_358 = vector.shape_cast %get3A_357 : vector<1x16xf32> to vector<16xf32>
        %mul3A_359 = arith.mulf %get3A_358, %mul3A_324 : vector<16xf32>
        %swap3A_360 = arith.index_cast %add3A_315 : i32 to index
        %swap3A_361 = arith.constant 48 : index
        %swap3A_362 = tpu.vector_load %arg18[%swap3A_360, %swap3A_361] {strides = array<i32>} : memref<80x128xf32, #tpu.memory_space<vmem>>, vector<1x16xf32>,
        %swap3A_363 = vector.shape_cast %swap3A_362 : vector<1x16xf32> to vector<16xf32>
        %swap3A_364 = vector.shape_cast %mul3A_359 : vector<16xf32> to vector<1x16xf32>
        tpu.vector_store %arg18[%swap3A_360, %swap3A_361], %swap3A_364 {strides = array<i32>} : memref<80x128xf32, #tpu.memory_space<vmem>>, vector<1x16xf32>,
        %get3A_365 = arith.index_cast %add3A_315 : i32 to index
        %get3A_366 = arith.constant 64 : index
        %get3A_367 = tpu.vector_load %arg18[%get3A_365, %get3A_366] {strides = array<i32>} : memref<80x128xf32, #tpu.memory_space<vmem>>, vector<1x16xf32>,
        %get3A_368 = vector.shape_cast %get3A_367 : vector<1x16xf32> to vector<16xf32>
        %mul3A_369 = arith.mulf %get3A_368, %mul3A_324 : vector<16xf32>
        %swap3A_370 = arith.index_cast %add3A_315 : i32 to index
        %swap3A_371 = arith.constant 64 : index
        %swap3A_372 = tpu.vector_load %arg18[%swap3A_370, %swap3A_371] {strides = array<i32>} : memref<80x128xf32, #tpu.memory_space<vmem>>, vector<1x16xf32>,
        %swap3A_373 = vector.shape_cast %swap3A_372 : vector<1x16xf32> to vector<16xf32>
        %swap3A_374 = vector.shape_cast %mul3A_369 : vector<16xf32> to vector<1x16xf32>
        tpu.vector_store %arg18[%swap3A_370, %swap3A_371], %swap3A_374 {strides = array<i32>} : memref<80x128xf32, #tpu.memory_space<vmem>>, vector<1x16xf32>,
        %get3A_375 = arith.index_cast %add3A_315 : i32 to index
        %get3A_376 = arith.constant 80 : index
        %get3A_377 = tpu.vector_load %arg18[%get3A_375, %get3A_376] {strides = array<i32>} : memref<80x128xf32, #tpu.memory_space<vmem>>, vector<1x16xf32>,
        %get3A_378 = vector.shape_cast %get3A_377 : vector<1x16xf32> to vector<16xf32>
        %mul3A_379 = arith.mulf %get3A_378, %mul3A_324 : vector<16xf32>
        %swap3A_380 = arith.index_cast %add3A_315 : i32 to index
        %swap3A_381 = arith.constant 80 : index
        %swap3A_382 = tpu.vector_load %arg18[%swap3A_380, %swap3A_381] {strides = array<i32>} : memref<80x128xf32, #tpu.memory_space<vmem>>, vector<1x16xf32>,
        %swap3A_383 = vector.shape_cast %swap3A_382 : vector<1x16xf32> to vector<16xf32>
        %swap3A_384 = vector.shape_cast %mul3A_379 : vector<16xf32> to vector<1x16xf32>
        tpu.vector_store %arg18[%swap3A_380, %swap3A_381], %swap3A_384 {strides = array<i32>} : memref<80x128xf32, #tpu.memory_space<vmem>>, vector<1x16xf32>,
        %get3A_385 = arith.index_cast %add3A_315 : i32 to index
        %get3A_386 = arith.constant 96 : index
        %get3A_387 = tpu.vector_load %arg18[%get3A_385, %get3A_386] {strides = array<i32>} : memref<80x128xf32, #tpu.memory_space<vmem>>, vector<1x16xf32>,
        %get3A_388 = vector.shape_cast %get3A_387 : vector<1x16xf32> to vector<16xf32>
        %mul3A_389 = arith.mulf %get3A_388, %mul3A_324 : vector<16xf32>
        %swap3A_390 = arith.index_cast %add3A_315 : i32 to index
        %swap3A_391 = arith.constant 96 : index
        %swap3A_392 = tpu.vector_load %arg18[%swap3A_390, %swap3A_391] {strides = array<i32>} : memref<80x128xf32, #tpu.memory_space<vmem>>, vector<1x16xf32>,
        %swap3A_393 = vector.shape_cast %swap3A_392 : vector<1x16xf32> to vector<16xf32>
        %swap3A_394 = vector.shape_cast %mul3A_389 : vector<16xf32> to vector<1x16xf32>
        tpu.vector_store %arg18[%swap3A_390, %swap3A_391], %swap3A_394 {strides = array<i32>} : memref<80x128xf32, #tpu.memory_space<vmem>>, vector<1x16xf32>,
        %get3A_395 = arith.index_cast %add3A_315 : i32 to index
        %get3A_396 = arith.constant 112 : index
        %get3A_397 = tpu.vector_load %arg18[%get3A_395, %get3A_396] {strides = array<i32>} : memref<80x128xf32, #tpu.memory_space<vmem>>, vector<1x16xf32>,
        %get3A_398 = vector.shape_cast %get3A_397 : vector<1x16xf32> to vector<16xf32>
        %mul3A_399 = arith.mulf %get3A_398, %mul3A_324 : vector<16xf32>
        %swap3A_400 = arith.index_cast %add3A_315 : i32 to index
        %swap3A_401 = arith.constant 112 : index
        %swap3A_402 = tpu.vector_load %arg18[%swap3A_400, %swap3A_401] {strides = array<i32>} : memref<80x128xf32, #tpu.memory_space<vmem>>, vector<1x16xf32>,
        %swap3A_403 = vector.shape_cast %swap3A_402 : vector<1x16xf32> to vector<16xf32>
        %swap3A_404 = vector.shape_cast %mul3A_399 : vector<16xf32> to vector<1x16xf32>
        tpu.vector_store %arg18[%swap3A_400, %swap3A_401], %swap3A_404 {strides = array<i32>} : memref<80x128xf32, #tpu.memory_space<vmem>>, vector<1x16xf32>,
        %scan3A_405 = arith.constant 0 : i32
        scf.yield %scan3A_405 : i32
      }
      %scan3A_205 = arith.constant 40 : i32
      "tpu.region"() ({
        %run_scoped3A = tpu.sem_alloc : memref<!tpu.dma_semaphore, #tpu.memory_space<semaphore_mem>>
        %dma_start3A_219 = arith.constant 0 : i32
        %dma_start3A_220 = arith.constant 0 : i32
        %dma_start3A_221 = tpu.memref_slice %arg19[%dma_start3A_219, %dma_start3A_220] : memref<10240x128xf32, #tpu.memory_space<vmem_shared>> -> memref<10240x128xf32, #tpu.memory_space<vmem_shared>>
        tpu.enqueue_indirect_dma source(%arg18 : memref<80x128xf32, #tpu.memory_space<vmem>>) target(%dma_start3A_221 : memref<10240x128xf32, #tpu.memory_space<vmem_shared>>) offsets(%arg12 : memref<80xi32, #tpu.memory_space<vmem>>) semaphore(%run_scoped3A : memref<!tpu.dma_semaphore, #tpu.memory_space<semaphore_mem>>) {add = true}
        %dma_wait3A_222 = arith.constant 0 : i32
        %dma_wait3A_223 = arith.constant 0 : i32
        %dma_wait3A_224 = tpu.memref_slice %arg19[%dma_wait3A_222, %dma_wait3A_223] : memref<10240x128xf32, #tpu.memory_space<vmem_shared>> -> memref<10240x128xf32, #tpu.memory_space<vmem_shared>>
        tpu.wait_indirect_dma semaphore(%run_scoped3A : memref<!tpu.dma_semaphore, #tpu.memory_space<semaphore_mem>>) src(%arg18 : memref<80x128xf32, #tpu.memory_space<vmem>>) dst(%dma_wait3A_224 : memref<10240x128xf32, #tpu.memory_space<vmem_shared>>)
        tpu.yield
      }) : () -> ()
      %add3A_206 = arith.constant 3 : i32
      %add3A_207 = arith.addi %mul3A_91, %add3A_206 : i32
      %multiple_of3A_208 = tpu.assume_multiple %add3A, 8 : i32
      %min3A_209 = arith.constant 124 : i32
      %min3A_210 = arith.minsi %add3A_207, %min3A_209 : i32
      %mul3A_211 = arith.constant 80 : i32
      %mul3A_212 = arith.muli %min3A_210, %mul3A_211 : i32
      %add3A_213 = arith.addi %multiple_of3A_208, %mul3A_212 : i32
      %dma_start3A_214 = tpu.memref_slice %arg2[%add3A_213] : memref<320000xi32, #tpu.memory_space<hbm>> -> memref<80xi32, #tpu.memory_space<hbm>>
      %dma_start3A_215 = tpu.memref_slice %arg2[%add3A_213] : memref<320000xi32, #tpu.memory_space<hbm>> -> memref<80xi32, #tpu.memory_space<hbm>>
      tpu.enqueue_dma source(%dma_start3A_215 : memref<80xi32, #tpu.memory_space<hbm>>) target(%arg10 : memref<80xi32, #tpu.memory_space<vmem>>) target_semaphore(%arg21 : memref<!tpu.dma_semaphore, #tpu.memory_space<semaphore_mem>>)
      %dma_start3A_216 = tpu.memref_slice %arg3[%add3A_213] : memref<320000xi32, #tpu.memory_space<hbm>> -> memref<80xi32, #tpu.memory_space<hbm>>
      %dma_start3A_217 = tpu.memref_slice %arg3[%add3A_213] : memref<320000xi32, #tpu.memory_space<hbm>> -> memref<80xi32, #tpu.memory_space<hbm>>
      tpu.enqueue_dma source(%dma_start3A_217 : memref<80xi32, #tpu.memory_space<hbm>>) target(%arg12 : memref<80xi32, #tpu.memory_space<vmem>>) target_semaphore(%arg21 : memref<!tpu.dma_semaphore, #tpu.memory_space<semaphore_mem>>)
      %scan3A_218 = arith.constant 0 : i32
      scf.yield %scan3A_218 : i32
    }
    %scan3A_53 = arith.constant 62 : i32
    %dma_wait3A_54 = arith.constant 0 : i32
    %dma_wait3A_55 = tpu.memref_slice %arg2[%dma_wait3A_54] : memref<320000xi32, #tpu.memory_space<hbm>> -> memref<80xi32, #tpu.memory_space<hbm>>
    %dma_wait3A_56 = arith.constant 0 : i32
    %dma_wait3A_57 = tpu.memref_slice %arg2[%dma_wait3A_56] : memref<320000xi32, #tpu.memory_space<hbm>> -> memref<80xi32, #tpu.memory_space<hbm>>
    tpu.wait_dma2 semaphore(%arg21 : memref<!tpu.dma_semaphore, #tpu.memory_space<semaphore_mem>>) src(%dma_wait3A_57 : memref<80xi32, #tpu.memory_space<hbm>>) dst(%arg10 : memref<80xi32, #tpu.memory_space<vmem>>)
    %dma_wait3A_58 = arith.constant 0 : i32
    %dma_wait3A_59 = tpu.memref_slice %arg3[%dma_wait3A_58] : memref<320000xi32, #tpu.memory_space<hbm>> -> memref<80xi32, #tpu.memory_space<hbm>>
    %dma_wait3A_60 = arith.constant 0 : i32
    %dma_wait3A_61 = tpu.memref_slice %arg3[%dma_wait3A_60] : memref<320000xi32, #tpu.memory_space<hbm>> -> memref<80xi32, #tpu.memory_space<hbm>>
    tpu.wait_dma2 semaphore(%arg21 : memref<!tpu.dma_semaphore, #tpu.memory_space<semaphore_mem>>) src(%dma_wait3A_61 : memref<80xi32, #tpu.memory_space<hbm>>) dst(%arg12 : memref<80xi32, #tpu.memory_space<vmem>>)
    %dma_wait3A_62 = arith.constant 0 : i32
    %dma_wait3A_63 = arith.constant 0 : i32
    %dma_wait3A_64 = tpu.memref_slice %arg4[%dma_wait3A_62, %dma_wait3A_63] : memref<320000x16xf32, #tpu.memory_space<hbm>> -> memref<80x16xf32, #tpu.memory_space<hbm>>
    %dma_wait3A_65 = arith.constant 0 : i32
    %dma_wait3A_66 = arith.constant 0 : i32
    %dma_wait3A_67 = tpu.memref_slice %arg4[%dma_wait3A_65, %dma_wait3A_66] : memref<320000x16xf32, #tpu.memory_space<hbm>> -> memref<80x16xf32, #tpu.memory_space<hbm>>
    tpu.wait_dma2 semaphore(%arg22 : memref<!tpu.dma_semaphore, #tpu.memory_space<semaphore_mem>>) src(%dma_wait3A_67 : memref<80x16xf32, #tpu.memory_space<hbm>>) dst(%arg13 : memref<80x16xf32, #tpu.memory_space<vmem>>)
    %dma_wait3A_68 = arith.constant 0 : i32
    %dma_wait3A_69 = arith.constant 0 : i32
    %dma_wait3A_70 = tpu.memref_slice %arg4[%dma_wait3A_68, %dma_wait3A_69] : memref<320000x16xf32, #tpu.memory_space<hbm>> -> memref<80x16xf32, #tpu.memory_space<hbm>>
    %dma_wait3A_71 = arith.constant 0 : i32
    %dma_wait3A_72 = arith.constant 0 : i32
    %dma_wait3A_73 = tpu.memref_slice %arg4[%dma_wait3A_71, %dma_wait3A_72] : memref<320000x16xf32, #tpu.memory_space<hbm>> -> memref<80x16xf32, #tpu.memory_space<hbm>>
    tpu.wait_dma2 semaphore(%arg22 : memref<!tpu.dma_semaphore, #tpu.memory_space<semaphore_mem>>) src(%dma_wait3A_73 : memref<80x16xf32, #tpu.memory_space<hbm>>) dst(%arg15 : memref<80x16xf32, #tpu.memory_space<vmem>>)
    %dma_wait3A_74 = arith.constant 0 : i32
    %dma_wait3A_75 = arith.constant 0 : i32
    %dma_wait3A_76 = tpu.memref_slice %arg6[%dma_wait3A_74, %dma_wait3A_75] : memref<10000x128xf32, #tpu.memory_space<hbm>> -> memref<80x128xf32, #tpu.memory_space<hbm>>
    %dma_wait3A_77 = arith.constant 0 : i32
    %dma_wait3A_78 = arith.constant 0 : i32
    %dma_wait3A_79 = tpu.memref_slice %arg6[%dma_wait3A_77, %dma_wait3A_78] : memref<10000x128xf32, #tpu.memory_space<hbm>> -> memref<80x128xf32, #tpu.memory_space<hbm>>
    tpu.wait_dma2 semaphore(%arg22 : memref<!tpu.dma_semaphore, #tpu.memory_space<semaphore_mem>>) src(%dma_wait3A_79 : memref<80x128xf32, #tpu.memory_space<hbm>>) dst(%arg17 : memref<80x128xf32, #tpu.memory_space<vmem>>)
    %scan3A_80 = arith.constant 0 : i32
    %scan3A_81 = arith.constant 0 : i32
    %scan3A_82 = arith.constant 40 : i32
    %scan3A_83 = arith.addi %scan3A_81, %scan3A_82 : i32
    %scan3A_84 = arith.constant 1 : i32
    %scan3A_85 = scf.for %scan3A_88 = %scan3A_81 to %scan3A_83 step %scan3A_84 iter_args(%scan3A_89 = %scan3A_80) -> (i32)  : i32 {
      %mul3A_90 = arith.constant 2 : i32
      %mul3A_91 = arith.muli %scan3A_88, %mul3A_90 : i32
      %add3A_92 = arith.constant 0 : i32
      %add3A_93 = arith.addi %mul3A_91, %add3A_92 : i32
      %get3A = arith.index_cast %add3A_93 : i32 to index
      %get3A_94 = arith.constant 0 : index
      %get3A_95 = tpu.vector_load %arg13[%get3A, %get3A_94] {strides = array<i32>} : memref<80x16xf32, #tpu.memory_space<vmem>>, vector<1x16xf32>,
      %get3A_96 = vector.shape_cast %get3A_95 : vector<1x16xf32> to vector<16xf32>
      %get3A_97 = arith.index_cast %add3A_93 : i32 to index
      %get3A_98 = arith.constant 0 : index
      %get3A_99 = tpu.vector_load %arg15[%get3A_97, %get3A_98] {strides = array<i32>} : memref<80x16xf32, #tpu.memory_space<vmem>>, vector<1x16xf32>,
      %get3A_100 = vector.shape_cast %get3A_99 : vector<1x16xf32> to vector<16xf32>
      %mul3A_101 = arith.mulf %get3A_96, %get3A_100 : vector<16xf32>
      %get3A_102 = arith.index_cast %add3A_93 : i32 to index
      %get3A_103 = arith.constant 0 : index
      %get3A_104 = tpu.vector_load %arg17[%get3A_102, %get3A_103] {strides = array<i32>} : memref<80x128xf32, #tpu.memory_space<vmem>>, vector<1x16xf32>,
      %get3A_105 = vector.shape_cast %get3A_104 : vector<1x16xf32> to vector<16xf32>
      %mul3A_106 = arith.mulf %get3A_105, %mul3A_101 : vector<16xf32>
      %swap3A = arith.index_cast %add3A_93 : i32 to index
      %swap3A_107 = arith.constant 0 : index
      %swap3A_108 = tpu.vector_load %arg17[%swap3A, %swap3A_107] {strides = array<i32>} : memref<80x128xf32, #tpu.memory_space<vmem>>, vector<1x16xf32>,
      %swap3A_109 = vector.shape_cast %swap3A_108 : vector<1x16xf32> to vector<16xf32>
      %swap3A_110 = vector.shape_cast %mul3A_106 : vector<16xf32> to vector<1x16xf32>
      tpu.vector_store %arg17[%swap3A, %swap3A_107], %swap3A_110 {strides = array<i32>} : memref<80x128xf32, #tpu.memory_space<vmem>>, vector<1x16xf32>,
      %get3A_111 = arith.index_cast %add3A_93 : i32 to index
      %get3A_112 = arith.constant 16 : index
      %get3A_113 = tpu.vector_load %arg17[%get3A_111, %get3A_112] {strides = array<i32>} : memref<80x128xf32, #tpu.memory_space<vmem>>, vector<1x16xf32>,
      %get3A_114 = vector.shape_cast %get3A_113 : vector<1x16xf32> to vector<16xf32>
      %mul3A_115 = arith.mulf %get3A_114, %mul3A_101 : vector<16xf32>
      %swap3A_116 = arith.index_cast %add3A_93 : i32 to index
      %swap3A_117 = arith.constant 16 : index
      %swap3A_118 = tpu.vector_load %arg17[%swap3A_116, %swap3A_117] {strides = array<i32>} : memref<80x128xf32, #tpu.memory_space<vmem>>, vector<1x16xf32>,
      %swap3A_119 = vector.shape_cast %swap3A_118 : vector<1x16xf32> to vector<16xf32>
      %swap3A_120 = vector.shape_cast %mul3A_115 : vector<16xf32> to vector<1x16xf32>
      tpu.vector_store %arg17[%swap3A_116, %swap3A_117], %swap3A_120 {strides = array<i32>} : memref<80x128xf32, #tpu.memory_space<vmem>>, vector<1x16xf32>,
      %get3A_121 = arith.index_cast %add3A_93 : i32 to index
      %get3A_122 = arith.constant 32 : index
      %get3A_123 = tpu.vector_load %arg17[%get3A_121, %get3A_122] {strides = array<i32>} : memref<80x128xf32, #tpu.memory_space<vmem>>, vector<1x16xf32>,
      %get3A_124 = vector.shape_cast %get3A_123 : vector<1x16xf32> to vector<16xf32>
      %mul3A_125 = arith.mulf %get3A_124, %mul3A_101 : vector<16xf32>
      %swap3A_126 = arith.index_cast %add3A_93 : i32 to index
      %swap3A_127 = arith.constant 32 : index
      %swap3A_128 = tpu.vector_load %arg17[%swap3A_126, %swap3A_127] {strides = array<i32>} : memref<80x128xf32, #tpu.memory_space<vmem>>, vector<1x16xf32>,
      %swap3A_129 = vector.shape_cast %swap3A_128 : vector<1x16xf32> to vector<16xf32>
      %swap3A_130 = vector.shape_cast %mul3A_125 : vector<16xf32> to vector<1x16xf32>
      tpu.vector_store %arg17[%swap3A_126, %swap3A_127], %swap3A_130 {strides = array<i32>} : memref<80x128xf32, #tpu.memory_space<vmem>>, vector<1x16xf32>,
      %get3A_131 = arith.index_cast %add3A_93 : i32 to index
      %get3A_132 = arith.constant 48 : index
      %get3A_133 = tpu.vector_load %arg17[%get3A_131, %get3A_132] {strides = array<i32>} : memref<80x128xf32, #tpu.memory_space<vmem>>, vector<1x16xf32>,
      %get3A_134 = vector.shape_cast %get3A_133 : vector<1x16xf32> to vector<16xf32>
      %mul3A_135 = arith.mulf %get3A_134, %mul3A_101 : vector<16xf32>
      %swap3A_136 = arith.index_cast %add3A_93 : i32 to index
      %swap3A_137 = arith.constant 48 : index
      %swap3A_138 = tpu.vector_load %arg17[%swap3A_136, %swap3A_137] {strides = array<i32>} : memref<80x128xf32, #tpu.memory_space<vmem>>, vector<1x16xf32>,
      %swap3A_139 = vector.shape_cast %swap3A_138 : vector<1x16xf32> to vector<16xf32>
      %swap3A_140 = vector.shape_cast %mul3A_135 : vector<16xf32> to vector<1x16xf32>
      tpu.vector_store %arg17[%swap3A_136, %swap3A_137], %swap3A_140 {strides = array<i32>} : memref<80x128xf32, #tpu.memory_space<vmem>>, vector<1x16xf32>,
      %get3A_141 = arith.index_cast %add3A_93 : i32 to index
      %get3A_142 = arith.constant 64 : index
      %get3A_143 = tpu.vector_load %arg17[%get3A_141, %get3A_142] {strides = array<i32>} : memref<80x128xf32, #tpu.memory_space<vmem>>, vector<1x16xf32>,
      %get3A_144 = vector.shape_cast %get3A_143 : vector<1x16xf32> to vector<16xf32>
      %mul3A_145 = arith.mulf %get3A_144, %mul3A_101 : vector<16xf32>
      %swap3A_146 = arith.index_cast %add3A_93 : i32 to index
      %swap3A_147 = arith.constant 64 : index
      %swap3A_148 = tpu.vector_load %arg17[%swap3A_146, %swap3A_147] {strides = array<i32>} : memref<80x128xf32, #tpu.memory_space<vmem>>, vector<1x16xf32>,
      %swap3A_149 = vector.shape_cast %swap3A_148 : vector<1x16xf32> to vector<16xf32>
      %swap3A_150 = vector.shape_cast %mul3A_145 : vector<16xf32> to vector<1x16xf32>
      tpu.vector_store %arg17[%swap3A_146, %swap3A_147], %swap3A_150 {strides = array<i32>} : memref<80x128xf32, #tpu.memory_space<vmem>>, vector<1x16xf32>,
      %get3A_151 = arith.index_cast %add3A_93 : i32 to index
      %get3A_152 = arith.constant 80 : index
      %get3A_153 = tpu.vector_load %arg17[%get3A_151, %get3A_152] {strides = array<i32>} : memref<80x128xf32, #tpu.memory_space<vmem>>, vector<1x16xf32>,
      %get3A_154 = vector.shape_cast %get3A_153 : vector<1x16xf32> to vector<16xf32>
      %mul3A_155 = arith.mulf %get3A_154, %mul3A_101 : vector<16xf32>
      %swap3A_156 = arith.index_cast %add3A_93 : i32 to index
      %swap3A_157 = arith.constant 80 : index
      %swap3A_158 = tpu.vector_load %arg17[%swap3A_156, %swap3A_157] {strides = array<i32>} : memref<80x128xf32, #tpu.memory_space<vmem>>, vector<1x16xf32>,
      %swap3A_159 = vector.shape_cast %swap3A_158 : vector<1x16xf32> to vector<16xf32>
      %swap3A_160 = vector.shape_cast %mul3A_155 : vector<16xf32> to vector<1x16xf32>
      tpu.vector_store %arg17[%swap3A_156, %swap3A_157], %swap3A_160 {strides = array<i32>} : memref<80x128xf32, #tpu.memory_space<vmem>>, vector<1x16xf32>,
      %get3A_161 = arith.index_cast %add3A_93 : i32 to index
      %get3A_162 = arith.constant 96 : index
      %get3A_163 = tpu.vector_load %arg17[%get3A_161, %get3A_162] {strides = array<i32>} : memref<80x128xf32, #tpu.memory_space<vmem>>, vector<1x16xf32>,
      %get3A_164 = vector.shape_cast %get3A_163 : vector<1x16xf32> to vector<16xf32>
      %mul3A_165 = arith.mulf %get3A_164, %mul3A_101 : vector<16xf32>
      %swap3A_166 = arith.index_cast %add3A_93 : i32 to index
      %swap3A_167 = arith.constant 96 : index
      %swap3A_168 = tpu.vector_load %arg17[%swap3A_166, %swap3A_167] {strides = array<i32>} : memref<80x128xf32, #tpu.memory_space<vmem>>, vector<1x16xf32>,
      %swap3A_169 = vector.shape_cast %swap3A_168 : vector<1x16xf32> to vector<16xf32>
      %swap3A_170 = vector.shape_cast %mul3A_165 : vector<16xf32> to vector<1x16xf32>
      tpu.vector_store %arg17[%swap3A_166, %swap3A_167], %swap3A_170 {strides = array<i32>} : memref<80x128xf32, #tpu.memory_space<vmem>>, vector<1x16xf32>,
      %get3A_171 = arith.index_cast %add3A_93 : i32 to index
      %get3A_172 = arith.constant 112 : index
      %get3A_173 = tpu.vector_load %arg17[%get3A_171, %get3A_172] {strides = array<i32>} : memref<80x128xf32, #tpu.memory_space<vmem>>, vector<1x16xf32>,
      %get3A_174 = vector.shape_cast %get3A_173 : vector<1x16xf32> to vector<16xf32>
      %mul3A_175 = arith.mulf %get3A_174, %mul3A_101 : vector<16xf32>
      %swap3A_176 = arith.index_cast %add3A_93 : i32 to index
      %swap3A_177 = arith.constant 112 : index
      %swap3A_178 = tpu.vector_load %arg17[%swap3A_176, %swap3A_177] {strides = array<i32>} : memref<80x128xf32, #tpu.memory_space<vmem>>, vector<1x16xf32>,
      %swap3A_179 = vector.shape_cast %swap3A_178 : vector<1x16xf32> to vector<16xf32>
      %swap3A_180 = vector.shape_cast %mul3A_175 : vector<16xf32> to vector<1x16xf32>
      tpu.vector_store %arg17[%swap3A_176, %swap3A_177], %swap3A_180 {strides = array<i32>} : memref<80x128xf32, #tpu.memory_space<vmem>>, vector<1x16xf32>,
      %mul3A_181 = arith.constant 2 : i32
      %mul3A_182 = arith.muli %scan3A_88, %mul3A_181 : i32
      %add3A_183 = arith.constant 1 : i32
      %add3A_184 = arith.addi %mul3A_182, %add3A_183 : i32
      %get3A_185 = arith.index_cast %add3A_184 : i32 to index
      %get3A_186 = arith.constant 0 : index
      %get3A_187 = tpu.vector_load %arg13[%get3A_185, %get3A_186] {strides = array<i32>} : memref<80x16xf32, #tpu.memory_space<vmem>>, vector<1x16xf32>,
      %get3A_188 = vector.shape_cast %get3A_187 : vector<1x16xf32> to vector<16xf32>
      %get3A_189 = arith.index_cast %add3A_184 : i32 to index
      %get3A_190 = arith.constant 0 : index
      %get3A_191 = tpu.vector_load %arg15[%get3A_189, %get3A_190] {strides = array<i32>} : memref<80x16xf32, #tpu.memory_space<vmem>>, vector<1x16xf32>,
      %get3A_192 = vector.shape_cast %get3A_191 : vector<1x16xf32> to vector<16xf32>
      %mul3A_193 = arith.mulf %get3A_188, %get3A_192 : vector<16xf32>
      %get3A_194 = arith.index_cast %add3A_184 : i32 to index
      %get3A_195 = arith.constant 0 : index
      %get3A_196 = tpu.vector_load %arg17[%get3A_194, %get3A_195] {strides = array<i32>} : memref<80x128xf32, #tpu.memory_space<vmem>>, vector<1x16xf32>,
      %get3A_197 = vector.shape_cast %get3A_196 : vector<1x16xf32> to vector<16xf32>
      %mul3A_198 = arith.mulf %get3A_197, %mul3A_193 : vector<16xf32>
      %swap3A_199 = arith.index_cast %add3A_184 : i32 to index
      %swap3A_200 = arith.constant 0 : index
      %swap3A_201 = tpu.vector_load %arg17[%swap3A_199, %swap3A_200] {strides = array<i32>} : memref<80x128xf32, #tpu.memory_space<vmem>>, vector<1x16xf32>,
      %swap3A_202 = vector.shape_cast %swap3A_201 : vector<1x16xf32> to vector<16xf32>
      %swap3A_203 = vector.shape_cast %mul3A_198 : vector<16xf32> to vector<1x16xf32>
      tpu.vector_store %arg17[%swap3A_199, %swap3A_200], %swap3A_203 {strides = array<i32>} : memref<80x128xf32, #tpu.memory_space<vmem>>, vector<1x16xf32>,
      %get3A_204 = arith.index_cast %add3A_184 : i32 to index
      %get3A_205 = arith.constant 16 : index
      %get3A_206 = tpu.vector_load %arg17[%get3A_204, %get3A_205] {strides = array<i32>} : memref<80x128xf32, #tpu.memory_space<vmem>>, vector<1x16xf32>,
      %get3A_207 = vector.shape_cast %get3A_206 : vector<1x16xf32> to vector<16xf32>
      %mul3A_208 = arith.mulf %get3A_207, %mul3A_193 : vector<16xf32>
      %swap3A_209 = arith.index_cast %add3A_184 : i32 to index
      %swap3A_210 = arith.constant 16 : index
      %swap3A_211 = tpu.vector_load %arg17[%swap3A_209, %swap3A_210] {strides = array<i32>} : memref<80x128xf32, #tpu.memory_space<vmem>>, vector<1x16xf32>,
      %swap3A_212 = vector.shape_cast %swap3A_211 : vector<1x16xf32> to vector<16xf32>
      %swap3A_213 = vector.shape_cast %mul3A_208 : vector<16xf32> to vector<1x16xf32>
      tpu.vector_store %arg17[%swap3A_209, %swap3A_210], %swap3A_213 {strides = array<i32>} : memref<80x128xf32, #tpu.memory_space<vmem>>, vector<1x16xf32>,
      %get3A_214 = arith.index_cast %add3A_184 : i32 to index
      %get3A_215 = arith.constant 32 : index
      %get3A_216 = tpu.vector_load %arg17[%get3A_214, %get3A_215] {strides = array<i32>} : memref<80x128xf32, #tpu.memory_space<vmem>>, vector<1x16xf32>,
      %get3A_217 = vector.shape_cast %get3A_216 : vector<1x16xf32> to vector<16xf32>
      %mul3A_218 = arith.mulf %get3A_217, %mul3A_193 : vector<16xf32>
      %swap3A_219 = arith.index_cast %add3A_184 : i32 to index
      %swap3A_220 = arith.constant 32 : index
      %swap3A_221 = tpu.vector_load %arg17[%swap3A_219, %swap3A_220] {strides = array<i32>} : memref<80x128xf32, #tpu.memory_space<vmem>>, vector<1x16xf32>,
      %swap3A_222 = vector.shape_cast %swap3A_221 : vector<1x16xf32> to vector<16xf32>
      %swap3A_223 = vector.shape_cast %mul3A_218 : vector<16xf32> to vector<1x16xf32>
      tpu.vector_store %arg17[%swap3A_219, %swap3A_220], %swap3A_223 {strides = array<i32>} : memref<80x128xf32, #tpu.memory_space<vmem>>, vector<1x16xf32>,
      %get3A_224 = arith.index_cast %add3A_184 : i32 to index
      %get3A_225 = arith.constant 48 : index
      %get3A_226 = tpu.vector_load %arg17[%get3A_224, %get3A_225] {strides = array<i32>} : memref<80x128xf32, #tpu.memory_space<vmem>>, vector<1x16xf32>,
      %get3A_227 = vector.shape_cast %get3A_226 : vector<1x16xf32> to vector<16xf32>
      %mul3A_228 = arith.mulf %get3A_227, %mul3A_193 : vector<16xf32>
      %swap3A_229 = arith.index_cast %add3A_184 : i32 to index
      %swap3A_230 = arith.constant 48 : index
      %swap3A_231 = tpu.vector_load %arg17[%swap3A_229, %swap3A_230] {strides = array<i32>} : memref<80x128xf32, #tpu.memory_space<vmem>>, vector<1x16xf32>,
      %swap3A_232 = vector.shape_cast %swap3A_231 : vector<1x16xf32> to vector<16xf32>
      %swap3A_233 = vector.shape_cast %mul3A_228 : vector<16xf32> to vector<1x16xf32>
      tpu.vector_store %arg17[%swap3A_229, %swap3A_230], %swap3A_233 {strides = array<i32>} : memref<80x128xf32, #tpu.memory_space<vmem>>, vector<1x16xf32>,
      %get3A_234 = arith.index_cast %add3A_184 : i32 to index
      %get3A_235 = arith.constant 64 : index
      %get3A_236 = tpu.vector_load %arg17[%get3A_234, %get3A_235] {strides = array<i32>} : memref<80x128xf32, #tpu.memory_space<vmem>>, vector<1x16xf32>,
      %get3A_237 = vector.shape_cast %get3A_236 : vector<1x16xf32> to vector<16xf32>
      %mul3A_238 = arith.mulf %get3A_237, %mul3A_193 : vector<16xf32>
      %swap3A_239 = arith.index_cast %add3A_184 : i32 to index
      %swap3A_240 = arith.constant 64 : index
      %swap3A_241 = tpu.vector_load %arg17[%swap3A_239, %swap3A_240] {strides = array<i32>} : memref<80x128xf32, #tpu.memory_space<vmem>>, vector<1x16xf32>,
      %swap3A_242 = vector.shape_cast %swap3A_241 : vector<1x16xf32> to vector<16xf32>
      %swap3A_243 = vector.shape_cast %mul3A_238 : vector<16xf32> to vector<1x16xf32>
      tpu.vector_store %arg17[%swap3A_239, %swap3A_240], %swap3A_243 {strides = array<i32>} : memref<80x128xf32, #tpu.memory_space<vmem>>, vector<1x16xf32>,
      %get3A_244 = arith.index_cast %add3A_184 : i32 to index
      %get3A_245 = arith.constant 80 : index
      %get3A_246 = tpu.vector_load %arg17[%get3A_244, %get3A_245] {strides = array<i32>} : memref<80x128xf32, #tpu.memory_space<vmem>>, vector<1x16xf32>,
      %get3A_247 = vector.shape_cast %get3A_246 : vector<1x16xf32> to vector<16xf32>
      %mul3A_248 = arith.mulf %get3A_247, %mul3A_193 : vector<16xf32>
      %swap3A_249 = arith.index_cast %add3A_184 : i32 to index
      %swap3A_250 = arith.constant 80 : index
      %swap3A_251 = tpu.vector_load %arg17[%swap3A_249, %swap3A_250] {strides = array<i32>} : memref<80x128xf32, #tpu.memory_space<vmem>>, vector<1x16xf32>,
      %swap3A_252 = vector.shape_cast %swap3A_251 : vector<1x16xf32> to vector<16xf32>
      %swap3A_253 = vector.shape_cast %mul3A_248 : vector<16xf32> to vector<1x16xf32>
      tpu.vector_store %arg17[%swap3A_249, %swap3A_250], %swap3A_253 {strides = array<i32>} : memref<80x128xf32, #tpu.memory_space<vmem>>, vector<1x16xf32>,
      %get3A_254 = arith.index_cast %add3A_184 : i32 to index
      %get3A_255 = arith.constant 96 : index
      %get3A_256 = tpu.vector_load %arg17[%get3A_254, %get3A_255] {strides = array<i32>} : memref<80x128xf32, #tpu.memory_space<vmem>>, vector<1x16xf32>,
      %get3A_257 = vector.shape_cast %get3A_256 : vector<1x16xf32> to vector<16xf32>
      %mul3A_258 = arith.mulf %get3A_257, %mul3A_193 : vector<16xf32>
      %swap3A_259 = arith.index_cast %add3A_184 : i32 to index
      %swap3A_260 = arith.constant 96 : index
      %swap3A_261 = tpu.vector_load %arg17[%swap3A_259, %swap3A_260] {strides = array<i32>} : memref<80x128xf32, #tpu.memory_space<vmem>>, vector<1x16xf32>,
      %swap3A_262 = vector.shape_cast %swap3A_261 : vector<1x16xf32> to vector<16xf32>
      %swap3A_263 = vector.shape_cast %mul3A_258 : vector<16xf32> to vector<1x16xf32>
      tpu.vector_store %arg17[%swap3A_259, %swap3A_260], %swap3A_263 {strides = array<i32>} : memref<80x128xf32, #tpu.memory_space<vmem>>, vector<1x16xf32>,
      %get3A_264 = arith.index_cast %add3A_184 : i32 to index
      %get3A_265 = arith.constant 112 : index
      %get3A_266 = tpu.vector_load %arg17[%get3A_264, %get3A_265] {strides = array<i32>} : memref<80x128xf32, #tpu.memory_space<vmem>>, vector<1x16xf32>,
      %get3A_267 = vector.shape_cast %get3A_266 : vector<1x16xf32> to vector<16xf32>
      %mul3A_268 = arith.mulf %get3A_267, %mul3A_193 : vector<16xf32>
      %swap3A_269 = arith.index_cast %add3A_184 : i32 to index
      %swap3A_270 = arith.constant 112 : index
      %swap3A_271 = tpu.vector_load %arg17[%swap3A_269, %swap3A_270] {strides = array<i32>} : memref<80x128xf32, #tpu.memory_space<vmem>>, vector<1x16xf32>,
      %swap3A_272 = vector.shape_cast %swap3A_271 : vector<1x16xf32> to vector<16xf32>
      %swap3A_273 = vector.shape_cast %mul3A_268 : vector<16xf32> to vector<1x16xf32>
      tpu.vector_store %arg17[%swap3A_269, %swap3A_270], %swap3A_273 {strides = array<i32>} : memref<80x128xf32, #tpu.memory_space<vmem>>, vector<1x16xf32>,
      %scan3A_274 = arith.constant 0 : i32
      scf.yield %scan3A_274 : i32
    }
    %scan3A_86 = arith.constant 40 : i32
    "tpu.region"() ({
      %run_scoped3A = tpu.sem_alloc : memref<!tpu.dma_semaphore, #tpu.memory_space<semaphore_mem>>
      %dma_start3A_88 = arith.constant 0 : i32
      %dma_start3A_89 = arith.constant 0 : i32
      %dma_start3A_90 = tpu.memref_slice %arg19[%dma_start3A_88, %dma_start3A_89] : memref<10240x128xf32, #tpu.memory_space<vmem_shared>> -> memref<10240x128xf32, #tpu.memory_space<vmem_shared>>
      tpu.enqueue_indirect_dma source(%arg17 : memref<80x128xf32, #tpu.memory_space<vmem>>) target(%dma_start3A_90 : memref<10240x128xf32, #tpu.memory_space<vmem_shared>>) offsets(%arg11 : memref<80xi32, #tpu.memory_space<vmem>>) semaphore(%run_scoped3A : memref<!tpu.dma_semaphore, #tpu.memory_space<semaphore_mem>>) {add = true}
      %dma_wait3A_91 = arith.constant 0 : i32
      %dma_wait3A_92 = arith.constant 0 : i32
      %dma_wait3A_93 = tpu.memref_slice %arg19[%dma_wait3A_91, %dma_wait3A_92] : memref<10240x128xf32, #tpu.memory_space<vmem_shared>> -> memref<10240x128xf32, #tpu.memory_space<vmem_shared>>
      tpu.wait_indirect_dma semaphore(%run_scoped3A : memref<!tpu.dma_semaphore, #tpu.memory_space<semaphore_mem>>) src(%arg17 : memref<80x128xf32, #tpu.memory_space<vmem>>) dst(%dma_wait3A_93 : memref<10240x128xf32, #tpu.memory_space<vmem_shared>>)
      tpu.yield
    }) : () -> ()
    %barrier3A_87 = arith.constant 0 : index
    tpu.barrier barrier_id(%barrier3A_87)
    "tpu.region"() ({
      %run_scoped3A = tpu.sem_alloc : memref<!tpu.dma_semaphore, #tpu.memory_space<semaphore_mem>>
      %dma_start3A_88 = arith.constant 0 : i32
      %dma_start3A_89 = tpu.memref_slice %arg8[%arg0, %mul3A_0, %dma_start3A_88] : memref<2x10240x128xf32, #tpu.memory_space<hbm>> -> memref<1x640x128xf32, #tpu.memory_space<hbm>>
      %dma_start3A_90 = tpu.memref_squeeze %dma_start3A_89 : memref<1x640x128xf32, #tpu.memory_space<hbm>> -> memref<640x128xf32, #tpu.memory_space<hbm>>
      %dma_start3A_91 = arith.constant 0 : i32
      %dma_start3A_92 = tpu.memref_slice %arg19[%mul3A_0, %dma_start3A_91] : memref<10240x128xf32, #tpu.memory_space<vmem_shared>> -> memref<640x128xf32, #tpu.memory_space<vmem_shared>>
      tpu.enqueue_dma source(%dma_start3A_92 : memref<640x128xf32, #tpu.memory_space<vmem_shared>>) target(%dma_start3A_90 : memref<640x128xf32, #tpu.memory_space<hbm>>) target_semaphore(%run_scoped3A : memref<!tpu.dma_semaphore, #tpu.memory_space<semaphore_mem>>)
      %dma_wait3A_93 = arith.constant 0 : i32
      %dma_wait3A_94 = tpu.memref_slice %arg8[%arg0, %mul3A_0, %dma_wait3A_93] : memref<2x10240x128xf32, #tpu.memory_space<hbm>> -> memref<1x640x128xf32, #tpu.memory_space<hbm>>
      %dma_wait3A_95 = tpu.memref_squeeze %dma_wait3A_94 : memref<1x640x128xf32, #tpu.memory_space<hbm>> -> memref<640x128xf32, #tpu.memory_space<hbm>>
      %dma_wait3A_96 = arith.constant 0 : i32
      %dma_wait3A_97 = tpu.memref_slice %arg19[%mul3A_0, %dma_wait3A_96] : memref<10240x128xf32, #tpu.memory_space<vmem_shared>> -> memref<640x128xf32, #tpu.memory_space<vmem_shared>>
      tpu.wait_dma2 semaphore(%run_scoped3A : memref<!tpu.dma_semaphore, #tpu.memory_space<semaphore_mem>>) src(%dma_wait3A_97 : memref<640x128xf32, #tpu.memory_space<vmem_shared>>) dst(%dma_wait3A_95 : memref<640x128xf32, #tpu.memory_space<hbm>>)
      tpu.yield
    }) : () -> ()
    return
  }
}

module attributes {stable_mosaic.version = 14 : i64} {
  func.func @_edge_bias_body(%arg0: i32, %arg1: memref<1000x128xf32, #tpu.memory_space<vmem>>, %arg2: memref<128x1024xf32, #tpu.memory_space<vmem>>, %arg3: memref<1x1024xf32, #tpu.memory_space<vmem>>, %arg4: memref<1000x1024xf32, #tpu.memory_space<vmem>>) attributes {dimension_semantics = [#tpu.dimension_semantics<arbitrary>], iteration_bounds = array<i64: 5>, scalar_prefetch = 0 : i64, scratch_operands = 0 : i64, tpu.core_type = #tpu.core_type<tc>, window_params = [{transform_indices = @transform_0, window_bounds = array<i64: 1000, 128>}, {pipeline_mode = #tpu.pipeline_mode<synchronous>, transform_indices = @transform_1, window_bounds = array<i64: 128, 1024>}, {pipeline_mode = #tpu.pipeline_mode<synchronous>, transform_indices = @transform_2, window_bounds = array<i64: 1, 1024>}, {transform_indices = @transform_3, window_bounds = array<i64: 1000, 1024>}]} {
    %get3A = arith.constant 0 : index
    %get3A_0 = arith.constant 0 : index
    %get3A_1 = vector.load %arg1[%get3A, %get3A_0] : memref<1000x128xf32, #tpu.memory_space<vmem>>, vector<1000x128xf32>
    %get3A_2 = arith.constant 0 : index
    %get3A_3 = arith.constant 0 : index
    %get3A_4 = vector.load %arg2[%get3A_2, %get3A_3] : memref<128x1024xf32, #tpu.memory_space<vmem>>, vector<128x1024xf32>
    %dot_general3A = arith.constant dense<0.000000e+00> : vector<1000x1024xf32>
    %dot_general3A_5 = tpu.matmul %get3A_1, %get3A_4, %dot_general3A {dimension_numbers = #tpu.dot_dimension_numbers<[1], [0], [0], [1], [0, 0, 1, 1], [], []>, transpose_lhs_hint = false} : vector<1000x128xf32>, vector<128x1024xf32>, vector<1000x1024xf32> -> vector<1000x1024xf32>
    %get3A_6 = arith.constant 0 : index
    %get3A_7 = arith.constant 0 : index
    %get3A_8 = vector.load %arg3[%get3A_6, %get3A_7] : memref<1x1024xf32, #tpu.memory_space<vmem>>, vector<1x1024xf32>
    %add3A = vector.broadcast %get3A_8 : vector<1x1024xf32> to vector<1000x1024xf32>
    %add3A_9 = arith.addf %dot_general3A_5, %add3A : vector<1000x1024xf32>
    %swap3A = arith.constant 0 : index
    %swap3A_10 = arith.constant 0 : index
    %swap3A_11 = vector.load %arg4[%swap3A, %swap3A_10] : memref<1000x1024xf32, #tpu.memory_space<vmem>>, vector<1000x1024xf32>
    tpu.vector_store %arg4[%swap3A, %swap3A_10], %add3A_9 {strides = array<i32>} : memref<1000x1024xf32, #tpu.memory_space<vmem>>, vector<1000x1024xf32>,
    return
  }
  func.func @transform_0(%arg0: i32) -> (i32, i32) {
    %c0_i32 = arith.constant 0 : i32
    %c0_i32_0 = arith.constant 0 : i32
    return %arg0, %c0_i32 : i32, i32
  }
  func.func @transform_1(%arg0: i32) -> (i32, i32) {
    %c0_i32 = arith.constant 0 : i32
    %c0_i32_0 = arith.constant 0 : i32
    %c0_i32_1 = arith.constant 0 : i32
    return %c0_i32, %c0_i32_0 : i32, i32
  }
  func.func @transform_2(%arg0: i32) -> (i32, i32) {
    %c0_i32 = arith.constant 0 : i32
    %c0_i32_0 = arith.constant 0 : i32
    %c0_i32_1 = arith.constant 0 : i32
    return %c0_i32, %c0_i32_0 : i32, i32
  }
  func.func @transform_3(%arg0: i32) -> (i32, i32) {
    %c0_i32 = arith.constant 0 : i32
    %c0_i32_0 = arith.constant 0 : i32
    return %arg0, %c0_i32 : i32, i32
  }
}

module attributes {stable_mosaic.version = 14 : i64} {
  func.func @_node_proj_body(%arg0: i32, %arg1: memref<1000x128xf32, #tpu.memory_space<vmem>>, %arg2: memref<128x128xf32, #tpu.memory_space<vmem>>, %arg3: memref<1x128xf32, #tpu.memory_space<vmem>>, %arg4: memref<128x16xf32, #tpu.memory_space<vmem>>, %arg5: memref<1x16xf32, #tpu.memory_space<vmem>>, %arg6: memref<128x16xf32, #tpu.memory_space<vmem>>, %arg7: memref<1000x128xf32, #tpu.memory_space<vmem>>, %arg8: memref<1000x16xf32, #tpu.memory_space<vmem>>, %arg9: memref<1000x16xf32, #tpu.memory_space<vmem>>) attributes {dimension_semantics = [#tpu.dimension_semantics<arbitrary>], iteration_bounds = array<i64: 10>, scalar_prefetch = 0 : i64, scratch_operands = 0 : i64, tpu.core_type = #tpu.core_type<tc>, window_params = [{transform_indices = @transform_0, window_bounds = array<i64: 1000, 128>}, {pipeline_mode = #tpu.pipeline_mode<synchronous>, transform_indices = @transform_1, window_bounds = array<i64: 128, 128>}, {pipeline_mode = #tpu.pipeline_mode<synchronous>, transform_indices = @transform_2, window_bounds = array<i64: 1, 128>}, {pipeline_mode = #tpu.pipeline_mode<synchronous>, transform_indices = @transform_3, window_bounds = array<i64: 128, 16>}, {pipeline_mode = #tpu.pipeline_mode<synchronous>, transform_indices = @transform_4, window_bounds = array<i64: 1, 16>}, {pipeline_mode = #tpu.pipeline_mode<synchronous>, transform_indices = @transform_5, window_bounds = array<i64: 128, 16>}, {transform_indices = @transform_6, window_bounds = array<i64: 1000, 128>}, {transform_indices = @transform_7, window_bounds = array<i64: 1000, 16>}, {transform_indices = @transform_8, window_bounds = array<i64: 1000, 16>}]} {
    %get3A = arith.constant 0 : index
    %get3A_0 = arith.constant 0 : index
    %get3A_1 = vector.load %arg1[%get3A, %get3A_0] : memref<1000x128xf32, #tpu.memory_space<vmem>>, vector<1000x128xf32>
    %get3A_2 = arith.constant 0 : index
    %get3A_3 = arith.constant 0 : index
    %get3A_4 = vector.load %arg2[%get3A_2, %get3A_3] : memref<128x128xf32, #tpu.memory_space<vmem>>, vector<128x128xf32>
    %dot_general3A = arith.constant dense<0.000000e+00> : vector<1000x128xf32>
    %dot_general3A_5 = tpu.matmul %get3A_1, %get3A_4, %dot_general3A {dimension_numbers = #tpu.dot_dimension_numbers<[1], [0], [0], [1], [0, 0, 1, 1], [], []>, transpose_lhs_hint = false} : vector<1000x128xf32>, vector<128x128xf32>, vector<1000x128xf32> -> vector<1000x128xf32>
    %get3A_6 = arith.constant 0 : index
    %get3A_7 = arith.constant 0 : index
    %get3A_8 = vector.load %arg3[%get3A_6, %get3A_7] : memref<1x128xf32, #tpu.memory_space<vmem>>, vector<1x128xf32>
    %add3A = vector.broadcast %get3A_8 : vector<1x128xf32> to vector<1000x128xf32>
    %add3A_9 = arith.addf %dot_general3A_5, %add3A : vector<1000x128xf32>
    %swap3A = arith.constant 0 : index
    %swap3A_10 = arith.constant 0 : index
    %swap3A_11 = vector.load %arg7[%swap3A, %swap3A_10] : memref<1000x128xf32, #tpu.memory_space<vmem>>, vector<1000x128xf32>
    tpu.vector_store %arg7[%swap3A, %swap3A_10], %add3A_9 {strides = array<i32>} : memref<1000x128xf32, #tpu.memory_space<vmem>>, vector<1000x128xf32>,
    %get3A_12 = arith.constant 0 : index
    %get3A_13 = arith.constant 0 : index
    %get3A_14 = vector.load %arg4[%get3A_12, %get3A_13] : memref<128x16xf32, #tpu.memory_space<vmem>>, vector<128x16xf32>
    %dot_general3A_15 = arith.constant dense<0.000000e+00> : vector<1000x16xf32>
    %dot_general3A_16 = tpu.matmul %add3A_9, %get3A_14, %dot_general3A_15 {dimension_numbers = #tpu.dot_dimension_numbers<[1], [0], [0], [1], [0, 0, 1, 1], [], []>, transpose_lhs_hint = false} : vector<1000x128xf32>, vector<128x16xf32>, vector<1000x16xf32> -> vector<1000x16xf32>
    %get3A_17 = arith.constant 0 : index
    %get3A_18 = arith.constant 0 : index
    %get3A_19 = vector.load %arg5[%get3A_17, %get3A_18] : memref<1x16xf32, #tpu.memory_space<vmem>>, vector<1x16xf32>
    %add3A_20 = vector.broadcast %get3A_19 : vector<1x16xf32> to vector<1000x16xf32>
    %add3A_21 = arith.addf %dot_general3A_16, %add3A_20 : vector<1000x16xf32>
    %swap3A_22 = arith.constant 0 : index
    %swap3A_23 = arith.constant 0 : index
    %swap3A_24 = vector.load %arg8[%swap3A_22, %swap3A_23] : memref<1000x16xf32, #tpu.memory_space<vmem>>, vector<1000x16xf32>
    tpu.vector_store %arg8[%swap3A_22, %swap3A_23], %add3A_21 {strides = array<i32>} : memref<1000x16xf32, #tpu.memory_space<vmem>>, vector<1000x16xf32>,
    %get3A_25 = arith.constant 0 : index
    %get3A_26 = arith.constant 0 : index
    %get3A_27 = vector.load %arg6[%get3A_25, %get3A_26] : memref<128x16xf32, #tpu.memory_space<vmem>>, vector<128x16xf32>
    %dot_general3A_28 = arith.constant dense<0.000000e+00> : vector<1000x16xf32>
    %dot_general3A_29 = tpu.matmul %add3A_9, %get3A_27, %dot_general3A_28 {dimension_numbers = #tpu.dot_dimension_numbers<[1], [0], [0], [1], [0, 0, 1, 1], [], []>, transpose_lhs_hint = false} : vector<1000x128xf32>, vector<128x16xf32>, vector<1000x16xf32> -> vector<1000x16xf32>
    %swap3A_30 = arith.constant 0 : index
    %swap3A_31 = arith.constant 0 : index
    %swap3A_32 = vector.load %arg9[%swap3A_30, %swap3A_31] : memref<1000x16xf32, #tpu.memory_space<vmem>>, vector<1000x16xf32>
    tpu.vector_store %arg9[%swap3A_30, %swap3A_31], %dot_general3A_29 {strides = array<i32>} : memref<1000x16xf32, #tpu.memory_space<vmem>>, vector<1000x16xf32>,
    return
  }
  func.func @transform_0(%arg0: i32) -> (i32, i32) {
    %c0_i32 = arith.constant 0 : i32
    %c0_i32_0 = arith.constant 0 : i32
    return %arg0, %c0_i32 : i32, i32
  }
  func.func @transform_1(%arg0: i32) -> (i32, i32) {
    %c0_i32 = arith.constant 0 : i32
    %c0_i32_0 = arith.constant 0 : i32
    %c0_i32_1 = arith.constant 0 : i32
    return %c0_i32, %c0_i32_0 : i32, i32
  }
  func.func @transform_2(%arg0: i32) -> (i32, i32) {
    %c0_i32 = arith.constant 0 : i32
    %c0_i32_0 = arith.constant 0 : i32
    %c0_i32_1 = arith.constant 0 : i32
    return %c0_i32, %c0_i32_0 : i32, i32
  }
  func.func @transform_3(%arg0: i32) -> (i32, i32) {
    %c0_i32 = arith.constant 0 : i32
    %c0_i32_0 = arith.constant 0 : i32
    %c0_i32_1 = arith.constant 0 : i32
    return %c0_i32, %c0_i32_0 : i32, i32
  }
  func.func @transform_4(%arg0: i32) -> (i32, i32) {
    %c0_i32 = arith.constant 0 : i32
    %c0_i32_0 = arith.constant 0 : i32
    %c0_i32_1 = arith.constant 0 : i32
    return %c0_i32, %c0_i32_0 : i32, i32
  }
  func.func @transform_5(%arg0: i32) -> (i32, i32) {
    %c0_i32 = arith.constant 0 : i32
    %c0_i32_0 = arith.constant 0 : i32
    %c0_i32_1 = arith.constant 0 : i32
    return %c0_i32, %c0_i32_0 : i32, i32
  }
  func.func @transform_6(%arg0: i32) -> (i32, i32) {
    %c0_i32 = arith.constant 0 : i32
    %c0_i32_0 = arith.constant 0 : i32
    return %arg0, %c0_i32 : i32, i32
  }
  func.func @transform_7(%arg0: i32) -> (i32, i32) {
    %c0_i32 = arith.constant 0 : i32
    %c0_i32_0 = arith.constant 0 : i32
    return %arg0, %c0_i32 : i32, i32
  }
  func.func @transform_8(%arg0: i32) -> (i32, i32) {
    %c0_i32 = arith.constant 0 : i32
    %c0_i32_0 = arith.constant 0 : i32
    return %arg0, %c0_i32 : i32, i32
  }
}

module attributes {stable_mosaic.version = 14 : i64} {
  func.func @_combine_body(%arg0: i32, %arg1: memref<2x1000x16xf32, #tpu.memory_space<vmem>>, %arg2: memref<1000x16xf32, #tpu.memory_space<vmem>>) attributes {dimension_semantics = [#tpu.dimension_semantics<arbitrary>], iteration_bounds = array<i64: 10>, scalar_prefetch = 0 : i64, scratch_operands = 0 : i64, tpu.core_type = #tpu.core_type<tc>, window_params = [{transform_indices = @transform_0, window_bounds = array<i64: 2, 1000, 16>}, {transform_indices = @transform_1, window_bounds = array<i64: 1000, 16>}]} {
    %get3A = arith.constant 0 : index
    %get3A_0 = arith.constant 0 : index
    %get3A_1 = arith.constant 0 : index
    %get3A_2 = vector.load %arg1[%get3A, %get3A_0, %get3A_1] : memref<2x1000x16xf32, #tpu.memory_space<vmem>>, vector<1x1000x16xf32>
    %get3A_3 = vector.shape_cast %get3A_2 : vector<1x1000x16xf32> to vector<1000x16xf32>
    %get3A_4 = arith.constant 1 : index
    %get3A_5 = arith.constant 0 : index
    %get3A_6 = arith.constant 0 : index
    %get3A_7 = vector.load %arg1[%get3A_4, %get3A_5, %get3A_6] : memref<2x1000x16xf32, #tpu.memory_space<vmem>>, vector<1x1000x16xf32>
    %get3A_8 = vector.shape_cast %get3A_7 : vector<1x1000x16xf32> to vector<1000x16xf32>
    %add3A = arith.addf %get3A_3, %get3A_8 : vector<1000x16xf32>
    %add3A_9 = arith.constant 1.000000e-16 : f32
    %add3A_10 = vector.broadcast %add3A_9 : f32 to vector<1000x16xf32>
    %add3A_11 = arith.addf %add3A, %add3A_10 : vector<1000x16xf32>
    %div3A = arith.constant 1.000000e+00 : f32
    %div3A_12 = vector.broadcast %div3A : f32 to vector<1000x16xf32>
    %div3A_13 = arith.divf %div3A_12, %add3A_11 : vector<1000x16xf32>
    %swap3A = arith.constant 0 : index
    %swap3A_14 = arith.constant 0 : index
    %swap3A_15 = vector.load %arg2[%swap3A, %swap3A_14] : memref<1000x16xf32, #tpu.memory_space<vmem>>, vector<1000x16xf32>
    tpu.vector_store %arg2[%swap3A, %swap3A_14], %div3A_13 {strides = array<i32>} : memref<1000x16xf32, #tpu.memory_space<vmem>>, vector<1000x16xf32>,
    return
  }
  func.func @transform_0(%arg0: i32) -> (i32, i32, i32) {
    %c0_i32 = arith.constant 0 : i32
    %c0_i32_0 = arith.constant 0 : i32
    %c0_i32_1 = arith.constant 0 : i32
    return %c0_i32, %arg0, %c0_i32_0 : i32, i32, i32
  }
  func.func @transform_1(%arg0: i32) -> (i32, i32) {
    %c0_i32 = arith.constant 0 : i32
    %c0_i32_0 = arith.constant 0 : i32
    return %arg0, %c0_i32 : i32, i32
  }
}

module attributes {stable_mosaic.version = 14 : i64} {
  func.func @_ff_body(%arg0: i32, %arg1: memref<2x1000x128xf32, #tpu.memory_space<vmem>>, %arg2: memref<128x256xf32, #tpu.memory_space<vmem>>, %arg3: memref<1x256xf32, #tpu.memory_space<vmem>>, %arg4: memref<256x128xf32, #tpu.memory_space<vmem>>, %arg5: memref<1x128xf32, #tpu.memory_space<vmem>>, %arg6: memref<1000x128xf32, #tpu.memory_space<vmem>>) attributes {dimension_semantics = [#tpu.dimension_semantics<arbitrary>], iteration_bounds = array<i64: 10>, scalar_prefetch = 0 : i64, scratch_operands = 0 : i64, tpu.core_type = #tpu.core_type<tc>, window_params = [{transform_indices = @transform_0, window_bounds = array<i64: 2, 1000, 128>}, {pipeline_mode = #tpu.pipeline_mode<synchronous>, transform_indices = @transform_1, window_bounds = array<i64: 128, 256>}, {pipeline_mode = #tpu.pipeline_mode<synchronous>, transform_indices = @transform_2, window_bounds = array<i64: 1, 256>}, {pipeline_mode = #tpu.pipeline_mode<synchronous>, transform_indices = @transform_3, window_bounds = array<i64: 256, 128>}, {pipeline_mode = #tpu.pipeline_mode<synchronous>, transform_indices = @transform_4, window_bounds = array<i64: 1, 128>}, {transform_indices = @transform_5, window_bounds = array<i64: 1000, 128>}]} {
    %get3A = arith.constant 0 : index
    %get3A_0 = arith.constant 0 : index
    %get3A_1 = arith.constant 0 : index
    %get3A_2 = vector.load %arg1[%get3A, %get3A_0, %get3A_1] : memref<2x1000x128xf32, #tpu.memory_space<vmem>>, vector<1x1000x128xf32>
    %get3A_3 = vector.shape_cast %get3A_2 : vector<1x1000x128xf32> to vector<1000x128xf32>
    %get3A_4 = arith.constant 1 : index
    %get3A_5 = arith.constant 0 : index
    %get3A_6 = arith.constant 0 : index
    %get3A_7 = vector.load %arg1[%get3A_4, %get3A_5, %get3A_6] : memref<2x1000x128xf32, #tpu.memory_space<vmem>>, vector<1x1000x128xf32>
    %get3A_8 = vector.shape_cast %get3A_7 : vector<1x1000x128xf32> to vector<1000x128xf32>
    %add3A = arith.addf %get3A_3, %get3A_8 : vector<1000x128xf32>
    %get3A_9 = arith.constant 0 : index
    %get3A_10 = arith.constant 0 : index
    %get3A_11 = vector.load %arg2[%get3A_9, %get3A_10] : memref<128x256xf32, #tpu.memory_space<vmem>>, vector<128x256xf32>
    %dot_general3A = arith.constant dense<0.000000e+00> : vector<1000x256xf32>
    %dot_general3A_12 = tpu.matmul %add3A, %get3A_11, %dot_general3A {dimension_numbers = #tpu.dot_dimension_numbers<[1], [0], [0], [1], [0, 0, 1, 1], [], []>, transpose_lhs_hint = false} : vector<1000x128xf32>, vector<128x256xf32>, vector<1000x256xf32> -> vector<1000x256xf32>
    %get3A_13 = arith.constant 0 : index
    %get3A_14 = arith.constant 0 : index
    %get3A_15 = vector.load %arg3[%get3A_13, %get3A_14] : memref<1x256xf32, #tpu.memory_space<vmem>>, vector<1x256xf32>
    %add3A_16 = vector.broadcast %get3A_15 : vector<1x256xf32> to vector<1000x256xf32>
    %add3A_17 = arith.addf %dot_general3A_12, %add3A_16 : vector<1000x256xf32>
    %integer_pow3A = arith.mulf %add3A_17, %add3A_17 : vector<1000x256xf32>
    %integer_pow3A_18 = arith.mulf %add3A_17, %integer_pow3A : vector<1000x256xf32>
    %mul3A = arith.constant 4.471500e-02 : f32
    %mul3A_19 = vector.broadcast %mul3A : f32 to vector<1000x256xf32>
    %mul3A_20 = arith.mulf %mul3A_19, %integer_pow3A_18 : vector<1000x256xf32>
    %add3A_21 = arith.addf %add3A_17, %mul3A_20 : vector<1000x256xf32>
    %mul3A_22 = arith.constant 0.797884583 : f32
    %mul3A_23 = vector.broadcast %mul3A_22 : f32 to vector<1000x256xf32>
    %mul3A_24 = arith.mulf %mul3A_23, %add3A_21 : vector<1000x256xf32>
    %tanh3A = math.tanh %mul3A_24 : vector<1000x256xf32>
    %add3A_25 = arith.constant 1.000000e+00 : f32
    %add3A_26 = vector.broadcast %add3A_25 : f32 to vector<1000x256xf32>
    %add3A_27 = arith.addf %add3A_26, %tanh3A : vector<1000x256xf32>
    %mul3A_28 = arith.constant 5.000000e-01 : f32
    %mul3A_29 = vector.broadcast %mul3A_28 : f32 to vector<1000x256xf32>
    %mul3A_30 = arith.mulf %mul3A_29, %add3A_27 : vector<1000x256xf32>
    %mul3A_31 = arith.mulf %add3A_17, %mul3A_30 : vector<1000x256xf32>
    %get3A_32 = arith.constant 0 : index
    %get3A_33 = arith.constant 0 : index
    %get3A_34 = vector.load %arg4[%get3A_32, %get3A_33] : memref<256x128xf32, #tpu.memory_space<vmem>>, vector<256x128xf32>
    %dot_general3A_35 = arith.constant dense<0.000000e+00> : vector<1000x128xf32>
    %dot_general3A_36 = tpu.matmul %mul3A_31, %get3A_34, %dot_general3A_35 {dimension_numbers = #tpu.dot_dimension_numbers<[1], [0], [0], [1], [0, 0, 1, 1], [], []>, transpose_lhs_hint = false} : vector<1000x256xf32>, vector<256x128xf32>, vector<1000x128xf32> -> vector<1000x128xf32>
    %get3A_37 = arith.constant 0 : index
    %get3A_38 = arith.constant 0 : index
    %get3A_39 = vector.load %arg5[%get3A_37, %get3A_38] : memref<1x128xf32, #tpu.memory_space<vmem>>, vector<1x128xf32>
    %add3A_40 = vector.broadcast %get3A_39 : vector<1x128xf32> to vector<1000x128xf32>
    %add3A_41 = arith.addf %dot_general3A_36, %add3A_40 : vector<1000x128xf32>
    %swap3A = arith.constant 0 : index
    %swap3A_42 = arith.constant 0 : index
    %swap3A_43 = vector.load %arg6[%swap3A, %swap3A_42] : memref<1000x128xf32, #tpu.memory_space<vmem>>, vector<1000x128xf32>
    tpu.vector_store %arg6[%swap3A, %swap3A_42], %add3A_41 {strides = array<i32>} : memref<1000x128xf32, #tpu.memory_space<vmem>>, vector<1000x128xf32>,
    return
  }
  func.func @transform_0(%arg0: i32) -> (i32, i32, i32) {
    %c0_i32 = arith.constant 0 : i32
    %c0_i32_0 = arith.constant 0 : i32
    %c0_i32_1 = arith.constant 0 : i32
    return %c0_i32, %arg0, %c0_i32_0 : i32, i32, i32
  }
  func.func @transform_1(%arg0: i32) -> (i32, i32) {
    %c0_i32 = arith.constant 0 : i32
    %c0_i32_0 = arith.constant 0 : i32
    %c0_i32_1 = arith.constant 0 : i32
    return %c0_i32, %c0_i32_0 : i32, i32
  }
  func.func @transform_2(%arg0: i32) -> (i32, i32) {
    %c0_i32 = arith.constant 0 : i32
    %c0_i32_0 = arith.constant 0 : i32
    %c0_i32_1 = arith.constant 0 : i32
    return %c0_i32, %c0_i32_0 : i32, i32
  }
  func.func @transform_3(%arg0: i32) -> (i32, i32) {
    %c0_i32 = arith.constant 0 : i32
    %c0_i32_0 = arith.constant 0 : i32
    %c0_i32_1 = arith.constant 0 : i32
    return %c0_i32, %c0_i32_0 : i32, i32
  }
  func.func @transform_4(%arg0: i32) -> (i32, i32) {
    %c0_i32 = arith.constant 0 : i32
    %c0_i32_0 = arith.constant 0 : i32
    %c0_i32_1 = arith.constant 0 : i32
    return %c0_i32, %c0_i32_0 : i32, i32
  }
  func.func @transform_5(%arg0: i32) -> (i32, i32) {
    %c0_i32 = arith.constant 0 : i32
    %c0_i32_0 = arith.constant 0 : i32
    return %arg0, %c0_i32 : i32, i32
  }
}

</mosaic_0001>

<sc_bundles>
// kernel: kernel.11.cloned.1.call-start
scs
__scs_entry_jumppad:
0x0: {  	(pc) =	sbr.rel $0x88, $3  }
0x1: {  	(tag) =	ssettag $0x0;
	lr =	simm.s32 $0x1  }
0x2: {  	[smem:$0x3F91] =	sst lr;
	_ =	strace $0xD0000000  }
0x3: {  	_ = 	snop  }
0x4: {  	_ = 	snop  }
0x5: {  	_ = 	snop  }
0x6: {  	_ = 	snop  }
0x7: {  	_ = 	snop  }
__scs_overlays_trampoline_lowered:
0x8: {  	[smem:$0x3FA0] =	sst s0  }
0x9: {  	[smem:$0x3FA1] =	sst s1  }
0xa: {  	[smem:$0x3FA2] =	sst s2  }
0xb: {  	[smem:$0x3FA3] =	sst s3  }
0xc: {  	[smem:$0x3FA4] =	sst s4  }
0xd: {  	[smem:$0x3FA5] =	sst s5  }
0xe: {  	[smem:$0x3FA6] =	sst s6  }
0xf: {  	[smem:$0x3FA7] =	sst s7  }
0x10: {  	[smem:$0x3FA8] =	sst s8  }
0x11: {  	[smem:$0x3FA9] =	sst s9;
	s0 =	simm.s32 @!p0 $0x0  }
0x12: {  	s1 =	sld [smem:$0x3F8F];
	s0 =	simm.s32 @p0 $0x1  }
0x13: {  	[smem:$0x3FAA] =	sst s0;
	s0 =	simm.s32 @!p1 $0x0  }
0x14: {  	s2 =	sld [smem:$0x3F8E];
	s0 =	simm.s32 @p1 $0x1  }
0x15: {  	[smem:$0x3FAB] =	sst s0;
	s0 =	simm.s32 @!p2 $0x0  }
0x16: {  	s3 =	sld [smem:$0x3FDB];
	s0 =	simm.s32 @p2 $0x1  }
0x17: {  	s4 =	simm.s32 $0x1BF5;
	[smem:$0x3FAD] =	sst s0  }
0x18: {  	s0 =	sld [smem:$0x3F90];
	_ =	swait.ge [sflag:s4], $0x0  }
0x19: {  	s7 =	sld [smem:$0x3F91]  }
0x1a: {  	s8 =	sadd.s32 $0xFFFFE003, lr  }
0x1b: {  	s9 =	sadd.s32 $0xFFFFFEF7, lr;
	s5 =	simm.s32 $0xFFFFFFFF;
	p2 =	slt.u32 s8, $0xFFFFF086  }
0x1c: {  	p1 =	slt.u32 s9, $0xF7A;
	s5 =	simm.s32 @!p2 $0x0  }
0x1d: {  	s5 =	simm.s32 @p1 $0x1;
	p0 =	seq.s32 s7, s2  }
0x1e: {  	s7 =	smul.u32 @!p0 $0xF7A, s2;
	p2 =	seq.s32 @!p0 s5, $0x0  }
0x1f: {  	s9 =	smul.u32 $0xF7A, s1;
	s8 =	simm.s32 @!p0 $0x1BF5;
	p2 =	por !p2, p0  }
0x20: {  	[sflag:s8] =	ssyncset.s32 @!p0 $0xFFFFF086;
	s6 =	sadd.s32 @!p0 s3, s7;
	s7 =	simm.s32 @!p0 $0x108  }
0x21: {  	s3 =	sadd.s32 s3, s9;
	s6 =	sadd.s32 @!p0 $0x88, s6;
	s7 =	simm.s32 @p2 $0x1082  }
0x22: {  	[simem:s7], [sflag:s8] =	dma.local @!p0 [hbm:s6], $0xF7A  }
0x23: {  	s9 =	sor.u32 $0xD0000000, s2;
	s6 =	simm.s32 $0x108;
	_ =	swait.ge @!p0 [sflag:s8], $0x0  }
0x24: {  	s3 =	sadd.s32 $0x88, s3;
	s6 =	simm.s32 @!p1 $0x1082;
	[sflag:s4] =	ssyncset.s32 $0xFFFFF086  }
0x25: {  	[simem:s6], [sflag:s4] =	dma.local [hbm:s3], $0xF7A  }
0x26: {  	[smem:$0x3F91] =	sst s1;
	(tag) =	ssettag s2;
	_ =	strace s9  }
0x27: {  	s1 =	sld [smem:$0x3FA1]  }
0x28: {  	s2 =	sld [smem:$0x3FA2]  }
0x29: {  	s4 =	sld [smem:$0x3FA4]  }
0x2a: {  	p0 =	seq.s32 s5, $0x0;
	s5 =	sld [smem:$0x3FA5]  }
0x2b: {  	s6 =	sld [smem:$0x3FA6]  }
0x2c: {  	s7 =	sld [smem:$0x3FA7]  }
0x2d: {  	s3 =	simm.s32 $0x108;
	s8 =	sld [smem:$0x3FA8]  }
0x2e: {  	s3 =	simm.s32 @!p0 $0x1082;
	s9 =	sld [smem:$0x3FA9]  }
0x2f: {  	lr =	sadd.s32 s0, s3;
	s0 =	sld [smem:$0x3FA0]  }
0x30: {  	s3 =	sld [smem:$0x3FA3]  }
0x31: {  	[smem:$0x3FAC] =	sst s10  }
0x32: {  	s10 =	sld [smem:$0x3FAA];
	_ =	sdelay $0x3  }
0x33: {  	p0 =	seq.s32 s10, $0x1;
	s10 =	sld [smem:$0x3FAC];
	_ =	sdelay $0x3  }
0x34: {  	[smem:$0x3FAC] =	sst s10  }
0x35: {  	s10 =	sld [smem:$0x3FAB];
	_ =	sdelay $0x3  }
0x36: {  	p1 =	seq.s32 s10, $0x1;
	s10 =	sld [smem:$0x3FAC];
	_ =	sdelay $0x3  }
0x37: {  	[smem:$0x3FAC] =	sst s10  }
0x38: {  	s10 =	sld [smem:$0x3FAD]  }
0x39: {  	_ = 	snop;
	(pc) =	sbr.ind lr, $3  }
0x3a: {  	_ = 	snop  }
0x3b: {  	_ = 	snop  }
0x3c: {  	p2 =	seq.s32 s10, $0x1;
	s10 =	sld [smem:$0x3FAC]  }
0x3d: {  	_ =	shalt  }
0x3e: {  	_ =	shalt  }
0x3f: {  	_ =	shalt  }
0x40: {  	_ =	shalt  }
0x41: {  	_ =	shalt  }
0x42: {  	_ =	shalt  }
0x43: {  	_ =	shalt  }
0x44: {  	_ =	shalt  }
0x45: {  	_ =	shalt  }
0x46: {  	_ =	shalt  }
0x47: {  	_ =	shalt  }
0x48: {  	_ =	shalt  }
0x49: {  	_ =	shalt  }
0x4a: {  	_ =	shalt  }
0x4b: {  	_ =	shalt  }
0x4c: {  	_ =	shalt  }
0x4d: {  	_ =	shalt  }
0x4e: {  	_ =	shalt  }
0x4f: {  	_ =	shalt  }
0x50: {  	_ =	shalt  }
0x51: {  	_ =	shalt  }
0x52: {  	_ =	shalt  }
0x53: {  	_ =	shalt  }
0x54: {  	_ =	shalt  }
0x55: {  	_ =	shalt  }
0x56: {  	_ =	shalt  }
0x57: {  	_ =	shalt  }
0x58: {  	_ =	shalt  }
0x59: {  	_ =	shalt  }
0x5a: {  	_ =	shalt  }
0x5b: {  	_ =	shalt  }
0x5c: {  	_ =	shalt  }
0x5d: {  	_ =	shalt  }
0x5e: {  	_ =	shalt  }
0x5f: {  	_ =	shalt  }
0x60: {  	_ =	shalt  }
0x61: {  	_ =	shalt  }
0x62: {  	_ =	shalt  }
0x63: {  	_ =	shalt  }
0x64: {  	_ =	shalt  }
0x65: {  	_ =	shalt  }
0x66: {  	_ =	shalt  }
0x67: {  	_ =	shalt  }
0x68: {  	_ =	shalt  }
0x69: {  	_ =	shalt  }
0x6a: {  	_ =	shalt  }
0x6b: {  	_ =	shalt  }
0x6c: {  	_ =	shalt  }
0x6d: {  	_ =	shalt  }
0x6e: {  	_ =	shalt  }
0x6f: {  	_ =	shalt  }
0x70: {  	_ =	shalt  }
0x71: {  	_ =	shalt  }
0x72: {  	_ =	shalt  }
0x73: {  	_ =	shalt  }
0x74: {  	_ =	shalt  }
0x75: {  	_ =	shalt  }
0x76: {  	_ =	shalt  }
0x77: {  	_ =	shalt  }
0x78: {  	_ =	shalt  }
0x79: {  	_ =	shalt  }
0x7a: {  	_ =	shalt  }
0x7b: {  	_ =	shalt  }
0x7c: {  	_ =	shalt  }
0x7d: {  	_ =	shalt  }
0x7e: {  	_ =	shalt  }
0x7f: {  	_ =	shalt  }
0x80: {  	_ =	shalt  }
0x81: {  	_ =	shalt  }
0x82: {  	_ =	shalt  }
0x83: {  	_ =	shalt  }
0x84: {  	_ =	shalt  }
0x85: {  	_ =	shalt  }
0x86: {  	_ =	shalt  }
0x87: {  	_ =	shalt  }
.Lfunc_end0:
.L_simem_size_0:
called_computation.1_lowered:
.L_overlay_start_0:
0x88: {  	s2 =	sld [smem:$0x3FD9]  }
0x89: {  	s3 =	sld [smem:$0x3FFE];
	_ =	sdelay $0x1  }
0x8a: {  	s1 =	srdreg.scid  }
0x8b: {  	s0 =	sand.u32 $0x1, s1  }
0x8c: {  	s17 =	sshll.u32 s0, $0xA;
	s2 =	sadd.s32 s3, s2  }
0x8d: {  	s2 =	sadd.s32 s2, s17  }
0x8e: {  	[smem:$0x3FB8] =	sst s2  }
0x8f: {  	_ = 	snop  }
0x90: {  	s2 =	sld [smem:$0x3FD0];
	(tm) =	ssettm $0x1  }
0x91: {  	s18 =	sld [smem:$0x3FFB];
	_ =	sdelay $0x3  }
0x92: {  	_ =	strace s18  }
0x93: {  	s3 =	sld [smem:$0x3FFC];
	_ =	sdelay $0x3  }
0x94: {  	_ =	strace s3  }
0x95: {  	s3 =	sld [smem:$0x3FFD];
	_ =	sdelay $0x3  }
0x96: {  	_ =	strace s3  }
0x97: {  	_ =	strace $0x8FFFFFFF  }
0x98: {  	s19 =	sld [smem:$0x3FDB];
	_ =	sdelay $0x1  }
0x99: {  	s4 =	simm.s32 $_scs_section_size  }
0x9a: {  	s5 =	simm.s32 $_size__tile_overlayer_lowered;
	s6 =	simm.s32 $_tile_overlayer_lowered  }
0x9b: {  	s22 =	simm.s32 $0x1BFF;
	s21 =	sshll.u32 s6, $0x1;
	s3 =	sadd.s32 s4, s19  }
0x9c: {  	s7 =	simm.s32 $0x0;
	s20 =	sshll.u32 s5, $0x1;
	s5 =	sadd.s32 s21, s3  }
0x9d: {  	[timem:s7], [sflag:s22] =	dma.local [hbm:s5], s20  }
0x9e: {  	_ =	swait.ge [sflag:s22], s20  }
0x9f: {  	s4 =	ssub.s32 $0x0, s20;
	[sflag:s22] =	ssyncset.done $0x0  }
0xa0: {  	[sflag:s22] =	ssyncadd.s32 s4;
	_ =	sdelay $0x1  }
0xa1: {  	s23 =	simm.s32 $0x1B8B  }
0xa2: {  	_ =	swait.ge [sflag:s23], $0x1  }
0xa3: {  	[sflag:s23] =	ssyncset.done $0x0  }
0xa4: {  	s25 =	simm.s32 $0x1B8E;
	s24 =	sld [smem:$0x3FFE];
	[sflag:s23] =	ssyncadd.s32 $0xFFFFFFFF  }
0xa5: {  	s26 =	simm.s32 $execute0_lowered;
	[smem:$0x3FD2] =	sst s25  }
0xa6: {  	s5 =	sshll.u32 s26, $0x1;
	_ =	strace $0x80000049;
	[dreg:$0x1] =	wrdreg $0xFFFFFFFF  }
0xa7: {  	s28 =	simm.s32 $_size_execute0_lowered;
	s3 =	sadd.s32 s3, s5;
	[dreg:$0x0] =	wrdreg $0x0  }
0xa8: {  	s5 =	sshll.u32 s28, $0x1;
	[dreg:$0x2] =	wrdreg s3  }
0xa9: {  	[dreg:$0x3] =	wrdreg s5  }
0xaa: {  	[dreg:$0x4] =	wrdreg $0xC0  }
0xab: {  	_ =	task [dreg:s7], $0x5FFFF  }
0xac: {  	[dreg:$0x1] =	wrdreg $0xFFFFFFFF  }
0xad: {  	[dreg:$0x0] =	wrdreg $0x60  }
0xae: {  	[dreg:$0x2] =	wrdreg s24  }
0xaf: {  	[dreg:$0x3] =	wrdreg s2  }
0xb0: {  	[dreg:$0x4] =	wrdreg $0x65400  }
0xb1: {  	[dreg:$0x5] =	wrdreg $0x9  }
0xb2: {  	_ =	task.clear_ibuf [dreg:s7], $0x6FFFF;
	_ =	strace $0x90000049  }
0xb3: {  	s29 =	simm.s32 $0x9;
	_ =	strace $0x8000004B  }
0xb4: {  	_ =	swait.ge [sflag:s29], $0x1  }
0xb5: {  	[sflag:s29] =	ssyncadd.s32 $0xFFFFFFFF  }
0xb6: {  	_ =	strace $0x9000004B  }
0xb7: {  	_ =	sfence  }
0xb8: {  	s30 =	sld [smem:$0x0];
	_ =	sdelay $0x2  }
0xb9: {  	s31 =	sshll.u32 s1, $0xD;
	s1 =	sshrl.u32 s1, $0x2  }
0xba: {  	s3 =	sand.u32 $0x4000, s31;
	s1 =	sadd.s32 s1, s30  }
0xbb: {  	s0 =	sor.u32 s3, s0;
	s1 =	sshll.u32 s1, $0x11  }
0xbc: {  	s0 =	sor.u32 s1, s0  }
0xbd: {  	s0 =	sadd.s32 $0x8F2B, s0  }
0xbe: {  	[sflag:s0] =	ssyncadd.remote.s32 $0x1  }
0xbf: {  	_ =	sfence.sel $0xFFFF  }
0xc0: {  	[dreg:$0x0] =	wrdreg $0xFFFFFFFF;
	(pc) =	sbr.abs _section_cstart, $3  }
0xc1: {  	[dreg:$0x1] =	wrdreg $0xFFFFFFFF  }
0xc2: {  	_ =	task.clear_ibuf [dreg:s7], $0x2FFFF;
	_ =	strace $0x9FFFFFFF  }
0xc3: {  	(tm) =	ssettm $0x7FFFFFFF  }
tec
execute0_lowered:
.L_overlay_start_1:
0x0: {  	(tag) =	ssettag $0x1  }
0x1: {  	s1 =	rddreg [dreg:$0x0]  }
0x2: {  	s2 =	rddreg [dreg:$0x1]  }
0x3: {  	s4 =	rddreg [dreg:$0x2]  }
0x4: {  	s5 =	simm.s32 $0x0;
	s0 =	srdreg.scid;
	s13 =	stileid.u32  }
0x5: {  	s28 =	simm.s32 $0xB40;
	s29 =	simm.s32 $0x1540;
	s30 =	simm.s32 $0xF0  }
0x6: {  	s31 =	simm.s32 $0x2;
	[smem:$0x7FF] =	sst s5;
	s0 =	sand.u32 $0x1, s0  }
0x7: {  	s3 =	smul.u32 $0x14000, s13;
	s6 =	sadd.s32 $0x13E00, s1;
	s7 =	sadd.s32 $0xA000, s1  }
0x8: {  	s8 =	sadd.s32 $0x138800, s1;
	s12 =	smul.u32 $0x2710, s13;
	s14 =	sadd.s32 $0x5000, s1  }
0x9: {  	s18 =	sshll.u32 s13, $0x6;
	s13 =	simm.s32 $0x4;
	s9 =	smul.u32 $0x140000, s0  }
0xa: {  	_ =	strace $0x8000004A;
	s10 =	ssub.s32 $0x2, s0;
	s0 =	smul.u32 $0x27100, s0  }
0xb: {  	[dreg:$0x4] =	wrdreg s14;
	s15 =	sor.u32 $0x1C05, s18;
	s14 =	simm.s32 $0x0  }
0xc: {  	s11 =	sshrl.u32 s10, $0x1;
	[dreg:$0x5] =	wrdreg s15;
	s9 =	sadd.s32 s3, s9  }
0xd: {  	s10 =	ssub.s32 s10, s11;
	s3 =	sadd.s32 s3, s4;
	s0 =	sadd.s32 s12, s0  }
0xe: {  	s9 =	sshrl.u32 s9, $0x3;
	s12 =	sshrl.u32 s0, $0x3;
	s11 =	sadd.s32 $0x50, s0  }
0xf: {  	s20 =	sshll.u32 s0, $0x1;
	s17 =	sadd.s32 $0xA0, s0;
	s26 =	smax.u32 s10, $0x1  }
0x10: {  	s18 =	sadd.s32 $0xF0, s0;
	s16 =	sshrl.u32 s3, $0x3;
	[dreg:$0xc] =	wrdreg s26  }
0x11: {  	s0 =	simm.s32 $0x640;
	s19 =	sadd.s32 s6, s12;
	[dreg:$0xd] =	wrdreg s16  }
0x12: {  	s3 =	simm.s32 $0x1040;
	s12 =	sadd.s32 s7, s12;
	[dreg:$0x6] =	wrdreg s19  }
0x13: {  	s21 =	sshrl.u32 s11, $0x3;
	s22 =	sadd.s32 s8, s20;
	[dreg:$0x7] =	wrdreg s12  }
0x14: {  	s9 =	sadd.s32 s9, s1;
	[dreg:$0x8] =	wrdreg s22;
	s23 =	sadd.s32 s6, s21  }
0x15: {  	s26 =	simm.s32 $0x50;
	s24 =	sadd.s32 s7, s21;
	[dreg:$0x9] =	wrdreg s23  }
0x16: {  	s25 =	sadd.s32 $0x1DC00, s9;
	s22 =	simm.s32 $0x5;
	[dreg:$0xa] =	wrdreg s24  }
0x17: {  	s9 =	simm.s32 $0x3D40;
	s12 =	simm.s32 $0x3;
	[dreg:$0xb] =	wrdreg s25  }
0x18: {  	s23 =	simm.s32 $0xA0;
	s24 =	simm.s32 $0x1;
	s25 =	simm.s32 $0x140  }
.LBB2_1:
0x19: {  	s10 =	rddreg [dreg:$0x4]  }
0x1a: {  	[spmem:s16], [sflag:s15] =	dma.local [hbm:s10], $0x2800  }
0x1b: {  	_ =	swait.ge [sflag:s22], $0x2800  }
0x1c: {  	[sflag:s22] =	ssyncset.done $0x0  }
0x1d: {  	[sflag:s22] =	ssyncadd.s32 $0xFFFFD800  }
0x1e: {  	[bflag:$0x0] =	sbarrier.arrive $0xFFFF  }
0x1f: {  	s15 =	rddreg [dreg:$0x6]  }
0x20: {  	[tilespmem:s5], [sflag:$0x1] =	stream.linear.gather [hbm4b:s15+s5], $0x50, $0x38;
	[tilespmem:$0x1A540] =	vst v63  }
0x21: {  	s16 =	rddreg [dreg:$0x7]  }
0x22: {  	[tilespmem:s23], [sflag:$0x1] =	stream.linear.gather [hbm4b:s16+s5], $0x50, $0x38;
	[tilespmem:$0x1A540] =	vst v63  }
0x23: {  	_ =	swait.ge [sflag:s24], $0x50  }
0x24: {  	[sflag:s24] =	ssyncset.done $0x0  }
0x25: {  	[sflag:s24] =	ssyncadd.s32 $0xFFFFFFB0  }
0x26: {  	_ =	swait.ge [sflag:s24], $0x50  }
0x27: {  	[sflag:s24] =	ssyncset.done $0x0  }
0x28: {  	s19 =	rddreg [dreg:$0x8];
	[sflag:s24] =	ssyncadd.s32 $0xFFFFFFB0  }
0x29: {  	[tilespmem:s25], [sflag:$0x3] =	stream.linear.gather [hbm4b:s19+s5], $0x500, $0x38;
	[tilespmem:$0x1A540] =	vst v63  }
0x2a: {  	_ = 	snop  }
0x2b: {  	[tilespmem:s28], [sflag:$0x3] =	stream.indirect.gather [hbm4b:s1+s26], $0x10, s23, s26, $0xb8;
	[tilespmem:$0x1A540] =	vst v63  }
0x2c: {  	_ = 	snop  }
0x2d: {  	[tilespmem:s29], [sflag:$0x3] =	stream.indirect.gather [hbm4b:s2+s26], $0x80, s5, s26, $0xb8;
	[tilespmem:$0x1A540] =	vst v63  }
0x2e: {  	s20 =	rddreg [dreg:$0x9]  }
0x2f: {  	[tilespmem:s26], [sflag:$0x2] =	stream.linear.gather [hbm4b:s20+s5], $0x50, $0x38;
	[tilespmem:$0x1A540] =	vst v63  }
0x30: {  	s15 =	simm.s32 $0x0;
	s21 =	rddreg [dreg:$0xa]  }
0x31: {  	[tilespmem:s30], [sflag:$0x2] =	stream.linear.gather [hbm4b:s21+s5], $0x50, $0x38;
	[tilespmem:$0x1A540] =	vst v63  }
.LBB2_2:
0x32: {  	_ =	swait.ge [sflag:s31], $0x50  }
0x33: {  	s16 =	smul.u32 $0xA0, s15;
	[sflag:s31] =	ssyncset.done $0x0  }
0x34: {  	[sflag:s31] =	ssyncadd.s32 $0xFFFFFFB0  }
0x35: {  	s10 =	sadd.s32 s16, s11;
	_ =	swait.ge [sflag:s31], $0x50  }
0x36: {  	s10 =	sshll.u32 s10, $0x1;
	[sflag:s31] =	ssyncset.done $0x0  }
0x37: {  	s10 =	sadd.s32 s8, s10;
	[sflag:s31] =	ssyncadd.s32 $0xFFFFFFB0  }
0x38: {  	[tilespmem:s0], [sflag:$0x4] =	stream.linear.gather [hbm4b:s10+s5], $0x500, $0x38;
	[tilespmem:$0x1A540] =	vst v63  }
0x39: {  	_ = 	snop  }
0x3a: {  	[tilespmem:s3], [sflag:$0x4] =	stream.indirect.gather [hbm4b:s1+s26], $0x10, s30, s26, $0xb8;
	[tilespmem:$0x1A540] =	vst v63  }
0x3b: {  	_ = 	snop  }
0x3c: {  	[tilespmem:s9], [sflag:$0x4] =	stream.indirect.gather [hbm4b:s2+s26], $0x80, s26, s26, $0xb8;
	[tilespmem:$0x1A540] =	vst v63  }
0x3d: {  	_ =	swait.ge [sflag:s12], $0x500  }
0x3e: {  	[sflag:s12] =	ssyncset.done $0x0  }
0x3f: {  	[sflag:s12] =	ssyncadd.s32 $0xFFFFFB00  }
0x40: {  	_ =	swait.ge [sflag:s12], $0x500  }
0x41: {  	[sflag:s12] =	ssyncset.done $0x0  }
0x42: {  	[sflag:s12] =	ssyncadd.s32 $0xFFFFFB00  }
0x43: {  	_ =	swait.ge [sflag:s12], $0x2800  }
0x44: {  	[sflag:s12] =	ssyncset.done $0x0  }
0x45: {  	s21 =	simm.s32 $0x10;
	[sflag:s12] =	ssyncadd.s32 $0xFFFFD800  }
0x46: {  	v0 =	vld [tilespmem:s21+$0x130]  }
0x47: {  	v1 =	vld [tilespmem:s21+$0xB30]  }
0x48: {  	s19 =	simm.s32 $0x15C0  }
0x49: {  	v2 =	vld [tilespmem:s19+$0xFFFFFFF0]  }
0x4a: {  	v3 =	vld [tilespmem:s19+$0xFFFFFF80]  }
0x4b: {  	v4 =	vld [tilespmem:s19+$0xFFFFFFA0]  }
0x4c: {  	v5 =	vld [tilespmem:s19+$0xFFFFFFC0];
	v0 =	vmul.f32 v1, v0  }
0x4d: {  	v6 =	vld [tilespmem:s19+$0xFFFFFFE0]  }
0x4e: {  	v1 =	vld [tilespmem:s19+$0xFFFFFFB0];
	v2 =	vmul.f32 v2, v0  }
0x4f: {  	v7 =	vld [tilespmem:s19+$0xFFFFFFD0];
	v3 =	vmul.f32 v0, v3  }
0x50: {  	v8 =	vld [tilespmem:s19+$0xFFFFFF90];
	v4 =	vmul.f32 v4, v0;
	[tilespmem:s19+$0xFFFFFFF0] =	vst v2  }
0x51: {  	v2 =	vmul.f32 v5, v0;
	[tilespmem:s19+$0xFFFFFF80] =	vst v3  }
0x52: {  	[tilespmem:s19+$0xFFFFFFA0] =	vst v4;
	v3 =	vmul.f32 v6, v0  }
0x53: {  	v1 =	vmul.f32 v1, v0;
	[tilespmem:s19+$0xFFFFFFC0] =	vst v2  }
0x54: {  	v2 =	vmul.f32 v7, v0;
	[tilespmem:s19+$0xFFFFFFE0] =	vst v3  }
0x55: {  	v0 =	vmul.f32 v8, v0;
	[tilespmem:s19+$0xFFFFFFB0] =	vst v1;
	v1 =	vld [tilespmem:s19+$0x20]  }
0x56: {  	[tilespmem:s19+$0xFFFFFFD0] =	vst v2;
	v2 =	vld [tilespmem:s19+$0x0]  }
0x57: {  	[tilespmem:s19+$0xFFFFFF90] =	vst v0;
	v0 =	vld [tilespmem:s19+$0x70]  }
0x58: {  	s20 =	simm.s32 $0x15C0;
	s10 =	simm.s32 $0xC0;
	v3 =	vld [tilespmem:s21+$0x140]  }
.LBB2_3:
0x59: {  	p0 =	sne.s32 s10, $0x13C0  }
0x5a: {  	v4 =	vld [tilespmem:s21+$0xB40];
	s19 =	sadd.s32 $0x100, s19;
	s21 =	smov.u32 s10;
	s10 =	sadd.s32 $0x80, s10  }
0x5b: {  	v5 =	vld [tilespmem:s20+$0x40]  }
0x5c: {  	v6 =	vld [tilespmem:s20+$0x10]  }
0x5d: {  	v7 =	vld [tilespmem:s20+$0x30]  }
0x5e: {  	v8 =	vld [tilespmem:s20+$0x50]  }
0x5f: {  	v3 =	vmul.f32 v4, v3;
	v4 =	vld [tilespmem:s20+$0x60];
	_ =	sdelay $0x1  }
0x60: {  	v2 =	vmul.f32 v3, v2;
	v6 =	vmul.f32 v6, v3  }
0x61: {  	v1 =	vmul.f32 v1, v3;
	v7 =	vmul.f32 v7, v3  }
0x62: {  	[tilespmem:s20+$0x0] =	vst v2;
	v2 =	vmul.f32 v5, v3;
	v5 =	vmul.f32 v8, v3  }
0x63: {  	v0 =	vmul.f32 v0, v3;
	[tilespmem:s20+$0x20] =	vst v1;
	v1 =	vmul.f32 v4, v3  }
0x64: {  	[tilespmem:s20+$0x30] =	vst v7  }
0x65: {  	[tilespmem:s20+$0x40] =	vst v2  }
0x66: {  	[tilespmem:s20+$0x70] =	vst v0  }
0x67: {  	v0 =	vld [tilespmem:s19+$0xFFFFFFD0];
	[tilespmem:s20+$0x10] =	vst v6  }
0x68: {  	v2 =	vld [tilespmem:s19+$0xFFFFFFC0];
	[tilespmem:s20+$0x60] =	vst v1  }
0x69: {  	s21 =	sshra.s32 s21, $0x2;
	v1 =	vld [tilespmem:s19+$0xFFFFFFE0];
	[tilespmem:s20+$0x50] =	vst v5;
	s20 =	smov.u32 s19  }
0x6a: {  	v3 =	vld [tilespmem:s21+$0x130]  }
0x6b: {  	v4 =	vld [tilespmem:s21+$0xB30]  }
0x6c: {  	v5 =	vld [tilespmem:s19+$0xFFFFFFF0]  }
0x6d: {  	v6 =	vld [tilespmem:s19+$0xFFFFFF80]  }
0x6e: {  	v7 =	vld [tilespmem:s19+$0xFFFFFFA0]  }
0x6f: {  	v8 =	vld [tilespmem:s19+$0xFFFFFF90]  }
0x70: {  	v3 =	vmul.f32 v4, v3;
	v4 =	vld [tilespmem:s19+$0xFFFFFFB0];
	_ =	sdelay $0x1  }
0x71: {  	v6 =	vmul.f32 v3, v6;
	v5 =	vmul.f32 v5, v3  }
0x72: {  	v1 =	vmul.f32 v1, v3;
	v7 =	vmul.f32 v7, v3  }
0x73: {  	v2 =	vmul.f32 v2, v3;
	v8 =	vmul.f32 v8, v3;
	[tilespmem:s19+$0xFFFFFFF0] =	vst v5  }
0x74: {  	v0 =	vmul.f32 v0, v3;
	[tilespmem:s19+$0xFFFFFF80] =	vst v6;
	v4 =	vmul.f32 v4, v3  }
0x75: {  	[tilespmem:s19+$0xFFFFFFA0] =	vst v7  }
0x76: {  	[tilespmem:s19+$0xFFFFFFC0] =	vst v2  }
.Ltmp0:
0x77: {  	[tilespmem:s19+$0xFFFFFFB0] =	vst v4;
	(pc) =	sbr.rel @p0 .LBB2_3-.Ltmp0, $4  }
0x78: {  	[tilespmem:s19+$0xFFFFFFE0] =	vst v1;
	v1 =	vld [tilespmem:s19+$0x20]  }
0x79: {  	[tilespmem:s19+$0xFFFFFFD0] =	vst v0;
	v2 =	vld [tilespmem:s19+$0x0]  }
0x7a: {  	[tilespmem:s19+$0xFFFFFF90] =	vst v8;
	v0 =	vld [tilespmem:s19+$0x70]  }
0x7b: {  	v3 =	vld [tilespmem:s21+$0x140]  }
0x7c: {  	v4 =	vld [tilespmem:s21+$0xB40];
	_ =	sdelay $0x3  }
0x7d: {  	v5 =	vld [tilespmem:s20+$0x30]  }
0x7e: {  	v3 =	vmul.f32 v4, v3  }
0x7f: {  	v6 =	vld [tilespmem:s20+$0x40]  }
0x80: {  	v8 =	vld [tilespmem:s20+$0x50];
	v2 =	vmul.f32 v3, v2  }
0x81: {  	v4 =	vld [tilespmem:s20+$0x10];
	v1 =	vmul.f32 v1, v3  }
0x82: {  	v7 =	vld [tilespmem:s20+$0x60];
	v5 =	vmul.f32 v5, v3;
	[tilespmem:s20+$0x0] =	vst v2  }
0x83: {  	v0 =	vmul.f32 v0, v3;
	[tilespmem:s20+$0x20] =	vst v1  }
0x84: {  	v2 =	vmul.f32 v6, v3;
	[tilespmem:s20+$0x30] =	vst v5  }
0x85: {  	[tilespmem:s20+$0x70] =	vst v0;
	v0 =	vmul.f32 v8, v3  }
0x86: {  	v1 =	vmul.f32 v4, v3;
	[tilespmem:s20+$0x40] =	vst v2  }
0x87: {  	v2 =	vmul.f32 v7, v3;
	[tilespmem:s20+$0x50] =	vst v0  }
0x88: {  	[tilespmem:s20+$0x10] =	vst v1  }
0x89: {  	[tilespmem:s20+$0x60] =	vst v2  }
0x8a: {  	[spmem:s4] =	stream.indirect.scatter.add.f32 [tilespmem:s29], [sflag:$0x5], $0x80, s23, s26, $0xb8;
	[tilespmem:$0x1A540] =	vst v63  }
0x8b: {  	s10 =	sadd.s32 s16, s17;
	_ =	swait.ge [sflag:s22], $0x2800  }
0x8c: {  	s16 =	sshrl.u32 s10, $0x3;
	[sflag:s22] =	ssyncset.done $0x0  }
0x8d: {  	s19 =	sadd.s32 s6, s16;
	[sflag:s22] =	ssyncadd.s32 $0xFFFFD800  }
0x8e: {  	[tilespmem:s5], [sflag:$0x1] =	stream.linear.gather [hbm4b:s19+s5], $0x50, $0x38;
	[tilespmem:$0x1A540] =	vst v63  }
0x8f: {  	s16 =	sadd.s32 s7, s16  }
0x90: {  	[tilespmem:s23], [sflag:$0x1] =	stream.linear.gather [hbm4b:s16+s5], $0x50, $0x38;
	[tilespmem:$0x1A540] =	vst v63  }
0x91: {  	_ =	swait.ge [sflag:s24], $0x50  }
0x92: {  	[sflag:s24] =	ssyncset.done $0x0  }
0x93: {  	[sflag:s24] =	ssyncadd.s32 $0xFFFFFFB0  }
0x94: {  	_ =	swait.ge [sflag:s24], $0x50  }
0x95: {  	[sflag:s24] =	ssyncset.done $0x0  }
0x96: {  	[sflag:s24] =	ssyncadd.s32 $0xFFFFFFB0  }
0x97: {  	_ =	swait.ge [sflag:s13], $0x500  }
0x98: {  	[sflag:s13] =	ssyncset.done $0x0  }
0x99: {  	[sflag:s13] =	ssyncadd.s32 $0xFFFFFB00  }
0x9a: {  	_ =	swait.ge [sflag:s13], $0x500  }
0x9b: {  	[sflag:s13] =	ssyncset.done $0x0  }
0x9c: {  	[sflag:s13] =	ssyncadd.s32 $0xFFFFFB00  }
0x9d: {  	s10 =	sshll.u32 s10, $0x1;
	_ =	swait.ge [sflag:s13], $0x2800  }
0x9e: {  	s10 =	sand.u32 $0x1FFFFFE0, s10;
	[sflag:s13] =	ssyncset.done $0x0  }
0x9f: {  	s10 =	sadd.s32 s8, s10;
	[sflag:s13] =	ssyncadd.s32 $0xFFFFD800  }
0xa0: {  	[tilespmem:s25], [sflag:$0x3] =	stream.linear.gather [hbm4b:s10+s5], $0x500, $0x38;
	[tilespmem:$0x1A540] =	vst v63  }
0xa1: {  	_ = 	snop  }
0xa2: {  	[tilespmem:s28], [sflag:$0x3] =	stream.indirect.gather [hbm4b:s1+s26], $0x10, s23, s26, $0xb8;
	[tilespmem:$0x1A540] =	vst v63  }
0xa3: {  	s20 =	simm.s32 $0x10  }
0xa4: {  	[tilespmem:s29], [sflag:$0x3] =	stream.indirect.gather [hbm4b:s2+s26], $0x80, s5, s26, $0xb8;
	[tilespmem:$0x1A540] =	vst v63  }
0xa5: {  	v0 =	vld [tilespmem:s20+$0x630]  }
0xa6: {  	v1 =	vld [tilespmem:s20+$0x1030]  }
0xa7: {  	s16 =	simm.s32 $0x3DC0  }
0xa8: {  	v2 =	vld [tilespmem:s16+$0xFFFFFFF0]  }
0xa9: {  	v3 =	vld [tilespmem:s16+$0xFFFFFF80]  }
0xaa: {  	v4 =	vld [tilespmem:s16+$0xFFFFFFA0]  }
0xab: {  	v5 =	vld [tilespmem:s16+$0xFFFFFFC0];
	v0 =	vmul.f32 v1, v0  }
0xac: {  	v61 =	vld [tilespmem:s16+$0xFFFFFFE0]  }
0xad: {  	v1 =	vld [tilespmem:s16+$0xFFFFFFB0];
	v2 =	vmul.f32 v2, v0  }
0xae: {  	v62 =	vld [tilespmem:s16+$0xFFFFFFD0];
	v3 =	vmul.f32 v0, v3  }
0xaf: {  	v63 =	vld [tilespmem:s16+$0xFFFFFF90];
	v4 =	vmul.f32 v4, v0;
	[tilespmem:s16+$0xFFFFFFF0] =	vst v2  }
0xb0: {  	v2 =	vmul.f32 v5, v0;
	[tilespmem:s16+$0xFFFFFF80] =	vst v3  }
0xb1: {  	[tilespmem:s16+$0xFFFFFFA0] =	vst v4;
	v3 =	vmul.f32 v61, v0  }
0xb2: {  	v1 =	vmul.f32 v1, v0;
	[tilespmem:s16+$0xFFFFFFC0] =	vst v2  }
0xb3: {  	v2 =	vmul.f32 v62, v0;
	[tilespmem:s16+$0xFFFFFFE0] =	vst v3  }
0xb4: {  	v0 =	vmul.f32 v63, v0;
	[tilespmem:s16+$0xFFFFFFB0] =	vst v1;
	v1 =	vld [tilespmem:s16+$0x20]  }
0xb5: {  	[tilespmem:s16+$0xFFFFFFD0] =	vst v2;
	v2 =	vld [tilespmem:s16+$0x0]  }
0xb6: {  	[tilespmem:s16+$0xFFFFFF90] =	vst v0;
	v0 =	vld [tilespmem:s16+$0x70]  }
0xb7: {  	s19 =	simm.s32 $0x3DC0;
	s10 =	simm.s32 $0xC0;
	v3 =	vld [tilespmem:s20+$0x640]  }
.LBB2_5:
0xb8: {  	p0 =	sne.s32 s10, $0x13C0  }
0xb9: {  	v4 =	vld [tilespmem:s20+$0x1040];
	s16 =	sadd.s32 $0x100, s16;
	s20 =	smov.u32 s10;
	s10 =	sadd.s32 $0x80, s10  }
0xba: {  	v5 =	vld [tilespmem:s19+$0x40]  }
0xbb: {  	v6 =	vld [tilespmem:s19+$0x10]  }
0xbc: {  	v7 =	vld [tilespmem:s19+$0x30]  }
0xbd: {  	v8 =	vld [tilespmem:s19+$0x50]  }
0xbe: {  	v3 =	vmul.f32 v4, v3;
	v4 =	vld [tilespmem:s19+$0x60];
	_ =	sdelay $0x1  }
0xbf: {  	v2 =	vmul.f32 v3, v2;
	v6 =	vmul.f32 v6, v3  }
0xc0: {  	v1 =	vmul.f32 v1, v3;
	v7 =	vmul.f32 v7, v3  }
0xc1: {  	[tilespmem:s19+$0x0] =	vst v2;
	v2 =	vmul.f32 v5, v3;
	v5 =	vmul.f32 v8, v3  }
0xc2: {  	v0 =	vmul.f32 v0, v3;
	[tilespmem:s19+$0x20] =	vst v1;
	v1 =	vmul.f32 v4, v3  }
0xc3: {  	[tilespmem:s19+$0x30] =	vst v7  }
0xc4: {  	[tilespmem:s19+$0x40] =	vst v2  }
0xc5: {  	[tilespmem:s19+$0x70] =	vst v0  }
0xc6: {  	v0 =	vld [tilespmem:s16+$0xFFFFFFD0];
	[tilespmem:s19+$0x10] =	vst v6  }
0xc7: {  	v2 =	vld [tilespmem:s16+$0xFFFFFFC0];
	[tilespmem:s19+$0x60] =	vst v1  }
0xc8: {  	s20 =	sshra.s32 s20, $0x2;
	v1 =	vld [tilespmem:s16+$0xFFFFFFE0];
	[tilespmem:s19+$0x50] =	vst v5;
	s19 =	smov.u32 s16  }
0xc9: {  	v3 =	vld [tilespmem:s20+$0x630]  }
0xca: {  	v4 =	vld [tilespmem:s20+$0x1030]  }
0xcb: {  	v5 =	vld [tilespmem:s16+$0xFFFFFFF0]  }
0xcc: {  	v6 =	vld [tilespmem:s16+$0xFFFFFF80]  }
0xcd: {  	v7 =	vld [tilespmem:s16+$0xFFFFFFA0]  }
0xce: {  	v8 =	vld [tilespmem:s16+$0xFFFFFF90]  }
0xcf: {  	v3 =	vmul.f32 v4, v3;
	v4 =	vld [tilespmem:s16+$0xFFFFFFB0];
	_ =	sdelay $0x1  }
0xd0: {  	v6 =	vmul.f32 v3, v6;
	v5 =	vmul.f32 v5, v3  }
0xd1: {  	v1 =	vmul.f32 v1, v3;
	v7 =	vmul.f32 v7, v3  }
0xd2: {  	v2 =	vmul.f32 v2, v3;
	v8 =	vmul.f32 v8, v3;
	[tilespmem:s16+$0xFFFFFFF0] =	vst v5  }
0xd3: {  	v0 =	vmul.f32 v0, v3;
	[tilespmem:s16+$0xFFFFFF80] =	vst v6;
	v4 =	vmul.f32 v4, v3  }
0xd4: {  	[tilespmem:s16+$0xFFFFFFA0] =	vst v7  }
0xd5: {  	[tilespmem:s16+$0xFFFFFFC0] =	vst v2  }
.Ltmp1:
0xd6: {  	[tilespmem:s16+$0xFFFFFFB0] =	vst v4;
	(pc) =	sbr.rel @p0 .LBB2_5-.Ltmp1, $4  }
0xd7: {  	[tilespmem:s16+$0xFFFFFFE0] =	vst v1;
	v1 =	vld [tilespmem:s16+$0x20]  }
0xd8: {  	[tilespmem:s16+$0xFFFFFFD0] =	vst v0;
	v2 =	vld [tilespmem:s16+$0x0]  }
0xd9: {  	[tilespmem:s16+$0xFFFFFF90] =	vst v8;
	v0 =	vld [tilespmem:s16+$0x70]  }
0xda: {  	v3 =	vld [tilespmem:s20+$0x640]  }
0xdb: {  	v4 =	vld [tilespmem:s20+$0x1040];
	_ =	sdelay $0x3  }
0xdc: {  	v5 =	vld [tilespmem:s19+$0x30]  }
0xdd: {  	v6 =	vld [tilespmem:s19+$0x40];
	v3 =	vmul.f32 v4, v3;
	_ =	sdelay $0x1  }
0xde: {  	v59 =	vld [tilespmem:s19+$0x10];
	v2 =	vmul.f32 v3, v2  }
0xdf: {  	v7 =	vld [tilespmem:s19+$0x60];
	v1 =	vmul.f32 v1, v3  }
0xe0: {  	v8 =	vld [tilespmem:s19+$0x50];
	v5 =	vmul.f32 v5, v3;
	[tilespmem:s19+$0x0] =	vst v2  }
0xe1: {  	v60 =	vmul.f32 v6, v3;
	[tilespmem:s19+$0x20] =	vst v1  }
0xe2: {  	v0 =	vmul.f32 v0, v3;
	[tilespmem:s19+$0x30] =	vst v5  }
0xe3: {  	v61 =	vmul.f32 v59, v3;
	[tilespmem:s19+$0x40] =	vst v60  }
0xe4: {  	v62 =	vmul.f32 v7, v3;
	[tilespmem:s19+$0x70] =	vst v0  }
0xe5: {  	s10 =	sshll.u32 s15, $0x1;
	v63 =	vmul.f32 v8, v3;
	[tilespmem:s19+$0x10] =	vst v61  }
0xe6: {  	s10 =	smin.u32 s10, $0x79;
	[tilespmem:s19+$0x60] =	vst v62  }
0xe7: {  	s15 =	sadd.s32 $0x1, s15;
	s10 =	smul.u32 $0x50, s10;
	[tilespmem:s19+$0x50] =	vst v63  }
0xe8: {  	[spmem:s4] =	stream.indirect.scatter.add.f32 [tilespmem:s9], [sflag:$0x5], $0x80, s30, s26, $0xb8;
	[tilespmem:$0x1A540] =	vst v63  }
0xe9: {  	p0 =	sne.s32 s15, $0x3E;
	s10 =	sadd.s32 s10, s18;
	_ =	swait.ge [sflag:s22], $0x2800  }
.Ltmp2:
0xea: {  	s10 =	sshrl.u32 s10, $0x3;
	[sflag:s22] =	ssyncset.done $0x0;
	(pc) =	sbr.rel @p0 .LBB2_2-.Ltmp2, $4  }
0xeb: {  	s16 =	sadd.s32 s6, s10;
	[sflag:s22] =	ssyncadd.s32 $0xFFFFD800  }
0xec: {  	[tilespmem:s26], [sflag:$0x2] =	stream.linear.gather [hbm4b:s16+s5], $0x50, $0x38;
	[tilespmem:$0x1A540] =	vst v63  }
0xed: {  	s10 =	sadd.s32 s7, s10  }
0xee: {  	[tilespmem:s30], [sflag:$0x2] =	stream.linear.gather [hbm4b:s10+s5], $0x50, $0x38;
	[tilespmem:$0x1A540] =	vst v63  }
0xef: {  	_ =	swait.ge [sflag:s31], $0x50  }
0xf0: {  	[sflag:s31] =	ssyncset.done $0x0  }
0xf1: {  	[sflag:s31] =	ssyncadd.s32 $0xFFFFFFB0  }
0xf2: {  	_ =	swait.ge [sflag:s31], $0x50  }
0xf3: {  	[sflag:s31] =	ssyncset.done $0x0  }
0xf4: {  	[sflag:s31] =	ssyncadd.s32 $0xFFFFFFB0  }
0xf5: {  	_ =	swait.ge [sflag:s12], $0x500  }
0xf6: {  	[sflag:s12] =	ssyncset.done $0x0  }
0xf7: {  	[sflag:s12] =	ssyncadd.s32 $0xFFFFFB00  }
0xf8: {  	_ =	swait.ge [sflag:s12], $0x500  }
0xf9: {  	[sflag:s12] =	ssyncset.done $0x0  }
0xfa: {  	[sflag:s12] =	ssyncadd.s32 $0xFFFFFB00  }
0xfb: {  	_ =	swait.ge [sflag:s12], $0x2800  }
0xfc: {  	[sflag:s12] =	ssyncset.done $0x0  }
0xfd: {  	s19 =	simm.s32 $0x10;
	[sflag:s12] =	ssyncadd.s32 $0xFFFFD800  }
0xfe: {  	v0 =	vld [tilespmem:s19+$0x130]  }
0xff: {  	v1 =	vld [tilespmem:s19+$0xB30]  }
0x100: {  	s15 =	simm.s32 $0x15C0  }
0x101: {  	v2 =	vld [tilespmem:s15+$0xFFFFFFF0]  }
0x102: {  	v3 =	vld [tilespmem:s15+$0xFFFFFF80]  }
0x103: {  	v4 =	vld [tilespmem:s15+$0xFFFFFFA0]  }
0x104: {  	v5 =	vld [tilespmem:s15+$0xFFFFFFC0];
	v0 =	vmul.f32 v1, v0  }
0x105: {  	v6 =	vld [tilespmem:s15+$0xFFFFFFE0]  }
0x106: {  	v1 =	vld [tilespmem:s15+$0xFFFFFFB0];
	v2 =	vmul.f32 v2, v0  }
0x107: {  	v7 =	vld [tilespmem:s15+$0xFFFFFFD0];
	v3 =	vmul.f32 v0, v3  }
0x108: {  	v8 =	vld [tilespmem:s15+$0xFFFFFF90];
	v4 =	vmul.f32 v4, v0;
	[tilespmem:s15+$0xFFFFFFF0] =	vst v2  }
0x109: {  	v2 =	vmul.f32 v5, v0;
	[tilespmem:s15+$0xFFFFFF80] =	vst v3  }
0x10a: {  	[tilespmem:s15+$0xFFFFFFA0] =	vst v4;
	v3 =	vmul.f32 v6, v0  }
0x10b: {  	v1 =	vmul.f32 v1, v0;
	[tilespmem:s15+$0xFFFFFFC0] =	vst v2  }
0x10c: {  	v2 =	vmul.f32 v7, v0;
	[tilespmem:s15+$0xFFFFFFE0] =	vst v3  }
0x10d: {  	v0 =	vmul.f32 v8, v0;
	[tilespmem:s15+$0xFFFFFFB0] =	vst v1;
	v1 =	vld [tilespmem:s15+$0x20]  }
0x10e: {  	[tilespmem:s15+$0xFFFFFFD0] =	vst v2;
	v2 =	vld [tilespmem:s15+$0x0]  }
0x10f: {  	[tilespmem:s15+$0xFFFFFF90] =	vst v0;
	v0 =	vld [tilespmem:s15+$0x70]  }
0x110: {  	s10 =	simm.s32 $0xC0;
	s16 =	simm.s32 $0x15C0;
	v3 =	vld [tilespmem:s19+$0x140]  }
.LBB2_8:
0x111: {  	p0 =	sne.s32 s10, $0x13C0  }
0x112: {  	v4 =	vld [tilespmem:s19+$0xB40];
	s15 =	sadd.s32 $0x100, s15;
	s19 =	smov.u32 s10;
	s10 =	sadd.s32 $0x80, s10  }
0x113: {  	v5 =	vld [tilespmem:s16+$0x40]  }
0x114: {  	v6 =	vld [tilespmem:s16+$0x10]  }
0x115: {  	v7 =	vld [tilespmem:s16+$0x30]  }
0x116: {  	v8 =	vld [tilespmem:s16+$0x50]  }
0x117: {  	v3 =	vmul.f32 v4, v3;
	v4 =	vld [tilespmem:s16+$0x60];
	_ =	sdelay $0x1  }
0x118: {  	v2 =	vmul.f32 v3, v2;
	v6 =	vmul.f32 v6, v3  }
0x119: {  	v1 =	vmul.f32 v1, v3;
	v7 =	vmul.f32 v7, v3  }
0x11a: {  	[tilespmem:s16+$0x0] =	vst v2;
	v2 =	vmul.f32 v5, v3;
	v5 =	vmul.f32 v8, v3  }
0x11b: {  	v0 =	vmul.f32 v0, v3;
	[tilespmem:s16+$0x20] =	vst v1;
	v1 =	vmul.f32 v4, v3  }
0x11c: {  	[tilespmem:s16+$0x30] =	vst v7  }
0x11d: {  	[tilespmem:s16+$0x40] =	vst v2  }
0x11e: {  	[tilespmem:s16+$0x70] =	vst v0  }
0x11f: {  	v0 =	vld [tilespmem:s15+$0xFFFFFFD0];
	[tilespmem:s16+$0x10] =	vst v6  }
0x120: {  	v2 =	vld [tilespmem:s15+$0xFFFFFFC0];
	[tilespmem:s16+$0x60] =	vst v1  }
0x121: {  	s19 =	sshra.s32 s19, $0x2;
	v1 =	vld [tilespmem:s15+$0xFFFFFFE0];
	[tilespmem:s16+$0x50] =	vst v5;
	s16 =	smov.u32 s15  }
0x122: {  	v3 =	vld [tilespmem:s19+$0x130]  }
0x123: {  	v4 =	vld [tilespmem:s19+$0xB30]  }
0x124: {  	v5 =	vld [tilespmem:s15+$0xFFFFFFF0]  }
0x125: {  	v6 =	vld [tilespmem:s15+$0xFFFFFF80]  }
0x126: {  	v7 =	vld [tilespmem:s15+$0xFFFFFFA0]  }
0x127: {  	v8 =	vld [tilespmem:s15+$0xFFFFFF90]  }
0x128: {  	v3 =	vmul.f32 v4, v3;
	v4 =	vld [tilespmem:s15+$0xFFFFFFB0];
	_ =	sdelay $0x1  }
0x129: {  	v6 =	vmul.f32 v3, v6;
	v5 =	vmul.f32 v5, v3  }
0x12a: {  	v1 =	vmul.f32 v1, v3;
	v7 =	vmul.f32 v7, v3  }
0x12b: {  	v2 =	vmul.f32 v2, v3;
	v8 =	vmul.f32 v8, v3;
	[tilespmem:s15+$0xFFFFFFF0] =	vst v5  }
0x12c: {  	v0 =	vmul.f32 v0, v3;
	[tilespmem:s15+$0xFFFFFF80] =	vst v6;
	v4 =	vmul.f32 v4, v3  }
0x12d: {  	[tilespmem:s15+$0xFFFFFFA0] =	vst v7  }
0x12e: {  	[tilespmem:s15+$0xFFFFFFC0] =	vst v2  }
.Ltmp3:
0x12f: {  	[tilespmem:s15+$0xFFFFFFB0] =	vst v4;
	(pc) =	sbr.rel @p0 .LBB2_8-.Ltmp3, $4  }
0x130: {  	[tilespmem:s15+$0xFFFFFFE0] =	vst v1;
	v1 =	vld [tilespmem:s15+$0x20]  }
0x131: {  	[tilespmem:s15+$0xFFFFFFD0] =	vst v0;
	v2 =	vld [tilespmem:s15+$0x0]  }
0x132: {  	[tilespmem:s15+$0xFFFFFF90] =	vst v8;
	v0 =	vld [tilespmem:s15+$0x70]  }
0x133: {  	v3 =	vld [tilespmem:s19+$0x140]  }
0x134: {  	v4 =	vld [tilespmem:s19+$0xB40];
	_ =	sdelay $0x3  }
0x135: {  	v5 =	vld [tilespmem:s16+$0x30]  }
0x136: {  	v6 =	vld [tilespmem:s16+$0x40];
	v3 =	vmul.f32 v4, v3;
	_ =	sdelay $0x1  }
0x137: {  	v59 =	vld [tilespmem:s16+$0x10];
	v2 =	vmul.f32 v3, v2  }
0x138: {  	v7 =	vld [tilespmem:s16+$0x60];
	v1 =	vmul.f32 v1, v3  }
0x139: {  	v8 =	vld [tilespmem:s16+$0x50];
	v5 =	vmul.f32 v5, v3;
	[tilespmem:s16+$0x0] =	vst v2  }
0x13a: {  	v60 =	vmul.f32 v6, v3;
	[tilespmem:s16+$0x20] =	vst v1  }
0x13b: {  	v0 =	vmul.f32 v0, v3;
	[tilespmem:s16+$0x30] =	vst v5  }
0x13c: {  	v61 =	vmul.f32 v59, v3;
	[tilespmem:s16+$0x40] =	vst v60  }
0x13d: {  	v62 =	vmul.f32 v7, v3;
	[tilespmem:s16+$0x70] =	vst v0  }
0x13e: {  	v63 =	vmul.f32 v8, v3;
	[tilespmem:s16+$0x10] =	vst v61  }
0x13f: {  	[tilespmem:s16+$0x60] =	vst v62  }
0x140: {  	[tilespmem:s16+$0x50] =	vst v63  }
0x141: {  	[spmem:s4] =	stream.indirect.scatter.add.f32 [tilespmem:s29], [sflag:$0x5], $0x80, s23, s26, $0xb8;
	[tilespmem:$0x1A540] =	vst v63  }
0x142: {  	_ =	swait.ge [sflag:s22], $0x2800  }
0x143: {  	[sflag:s22] =	ssyncset.done $0x0  }
0x144: {  	[sflag:s22] =	ssyncadd.s32 $0xFFFFD800  }
0x145: {  	[bflag:$0x0] =	sbarrier.arrive $0xFFFF  }
0x146: {  	s15 =	rddreg [dreg:$0x5]  }
0x147: {  	s10 =	rddreg [dreg:$0xb]  }
0x148: {  	s16 =	rddreg [dreg:$0xd]  }
0x149: {  	[hbm:s10], [sflag:s15] =	dma.local [spmem:s16], $0x2800  }
0x14a: {  	_ =	swait.ge [sflag:s22], $0x2800  }
0x14b: {  	s14 =	sadd.s32 $0x1, s14;
	s21 =	rddreg [dreg:$0xc]  }
0x14c: {  	p0 =	sne.s32 s14, s21  }
.Ltmp4:
0x14d: {  	_ = 	snop;
	(pc) =	sbr.rel @p0 .LBB2_1-.Ltmp4, $3  }
0x14e: {  	_ =	sdelay $0x1  }
0x14f: {  	[sflag:s22] =	ssyncset.done $0x0  }
0x150: {  	[sflag:s22] =	ssyncadd.s32 $0xFFFFD800  }
0x151: {  	_ =	sfence.sel $0x180000  }
0x152: {  	[bflag:$0x0] =	sbarrier.arrive $0xFFFF  }
0x153: {  	_ =	strace $0x9000004A  }
0x154: {  	s0 =	stileid.u32;
	[bflag:$0x2] =	sbarrier.arrive $0xFFFF  }
0x155: {  	p0 =	sne.s32 s0, $0x0;
	s0 =	rddreg [dreg:$0x3]  }
0x156: {  	s0 =	sadd.s32 @!p0 $0x100000, s0  }
0x157: {  	[sflag:s0] =	ssyncadd.tile.s32 @!p0 $0x1;
	_ =	shalt  }
.Lfunc_end2:
_tile_overlayer_lowered:
.L_overlay_start_2:
0x158: {  	(tag) =	ssettag $0x2  }
0x159: {  	s0 =	rddreg [dreg:$0x0];
	s2 =	stileid.u32  }
0x15a: {  	s1 =	rddreg [dreg:$0x1];
	p0 =	sne.s32 s2, $0x0  }
0x15b: {  	s3 =	rddreg [dreg:$0x2];
	[bflag:$0x3] =	sbarrier.arrive $0xFFFF;
	s2 =	simm.s32 @!p0 $0x1C05  }
0x15c: {  	[timem:s3], [sflag:s2] =	dma.local @!p0 [hbm:s0], s1  }
0x15d: {  	s0 =	simm.s32 @!p0 $0x5  }
0x15e: {  	_ =	swait.ge @!p0 [sflag:s0], s1  }
0x15f: {  	s1 =	ssub.s32 @!p0 $0x0, s1;
	[sflag:s0] =	ssyncset.done @!p0 $0x0  }
0x160: {  	[sflag:s0] =	ssyncadd.s32 @!p0 s1  }
0x161: {  	[bflag:$0x3] =	sbarrier.arrive $0xFFFF  }
0x162: {  	_ =	shalt  }

// kernel: kernel.8.cloned.1.call-start
scs
__scs_entry_jumppad:
0x0: {  	(pc) =	sbr.rel $0x88, $3  }
0x1: {  	(tag) =	ssettag $0x0;
	lr =	simm.s32 $0x1  }
0x2: {  	[smem:$0x3F91] =	sst lr;
	_ =	strace $0xD0000000  }
0x3: {  	_ = 	snop  }
0x4: {  	_ = 	snop  }
0x5: {  	_ = 	snop  }
0x6: {  	_ = 	snop  }
0x7: {  	_ = 	snop  }
__scs_overlays_trampoline_lowered:
0x8: {  	[smem:$0x3FA0] =	sst s0  }
0x9: {  	[smem:$0x3FA1] =	sst s1  }
0xa: {  	[smem:$0x3FA2] =	sst s2  }
0xb: {  	[smem:$0x3FA3] =	sst s3  }
0xc: {  	[smem:$0x3FA4] =	sst s4  }
0xd: {  	[smem:$0x3FA5] =	sst s5  }
0xe: {  	[smem:$0x3FA6] =	sst s6  }
0xf: {  	[smem:$0x3FA7] =	sst s7  }
0x10: {  	[smem:$0x3FA8] =	sst s8  }
0x11: {  	[smem:$0x3FA9] =	sst s9;
	s0 =	simm.s32 @!p0 $0x0  }
0x12: {  	s1 =	sld [smem:$0x3F8F];
	s0 =	simm.s32 @p0 $0x1  }
0x13: {  	[smem:$0x3FAA] =	sst s0;
	s0 =	simm.s32 @!p1 $0x0  }
0x14: {  	s2 =	sld [smem:$0x3F8E];
	s0 =	simm.s32 @p1 $0x1  }
0x15: {  	[smem:$0x3FAB] =	sst s0;
	s0 =	simm.s32 @!p2 $0x0  }
0x16: {  	s3 =	sld [smem:$0x3FDB];
	s0 =	simm.s32 @p2 $0x1  }
0x17: {  	s4 =	simm.s32 $0x1BF5;
	[smem:$0x3FAD] =	sst s0  }
0x18: {  	s0 =	sld [smem:$0x3F90];
	_ =	swait.ge [sflag:s4], $0x0  }
0x19: {  	s7 =	sld [smem:$0x3F91]  }
0x1a: {  	s8 =	sadd.s32 $0xFFFFE003, lr  }
0x1b: {  	s9 =	sadd.s32 $0xFFFFFEF7, lr;
	s5 =	simm.s32 $0xFFFFFFFF;
	p2 =	slt.u32 s8, $0xFFFFF086  }
0x1c: {  	p1 =	slt.u32 s9, $0xF7A;
	s5 =	simm.s32 @!p2 $0x0  }
0x1d: {  	s5 =	simm.s32 @p1 $0x1;
	p0 =	seq.s32 s7, s2  }
0x1e: {  	s7 =	smul.u32 @!p0 $0xF7A, s2;
	p2 =	seq.s32 @!p0 s5, $0x0  }
0x1f: {  	s9 =	smul.u32 $0xF7A, s1;
	s8 =	simm.s32 @!p0 $0x1BF5;
	p2 =	por !p2, p0  }
0x20: {  	[sflag:s8] =	ssyncset.s32 @!p0 $0xFFFFF086;
	s6 =	sadd.s32 @!p0 s3, s7;
	s7 =	simm.s32 @!p0 $0x108  }
0x21: {  	s3 =	sadd.s32 s3, s9;
	s6 =	sadd.s32 @!p0 $0x88, s6;
	s7 =	simm.s32 @p2 $0x1082  }
0x22: {  	[simem:s7], [sflag:s8] =	dma.local @!p0 [hbm:s6], $0xF7A  }
0x23: {  	s9 =	sor.u32 $0xD0000000, s2;
	s6 =	simm.s32 $0x108;
	_ =	swait.ge @!p0 [sflag:s8], $0x0  }
0x24: {  	s3 =	sadd.s32 $0x88, s3;
	s6 =	simm.s32 @!p1 $0x1082;
	[sflag:s4] =	ssyncset.s32 $0xFFFFF086  }
0x25: {  	[simem:s6], [sflag:s4] =	dma.local [hbm:s3], $0xF7A  }
0x26: {  	[smem:$0x3F91] =	sst s1;
	(tag) =	ssettag s2;
	_ =	strace s9  }
0x27: {  	s1 =	sld [smem:$0x3FA1]  }
0x28: {  	s2 =	sld [smem:$0x3FA2]  }
0x29: {  	s4 =	sld [smem:$0x3FA4]  }
0x2a: {  	p0 =	seq.s32 s5, $0x0;
	s5 =	sld [smem:$0x3FA5]  }
0x2b: {  	s6 =	sld [smem:$0x3FA6]  }
0x2c: {  	s7 =	sld [smem:$0x3FA7]  }
0x2d: {  	s3 =	simm.s32 $0x108;
	s8 =	sld [smem:$0x3FA8]  }
0x2e: {  	s3 =	simm.s32 @!p0 $0x1082;
	s9 =	sld [smem:$0x3FA9]  }
0x2f: {  	lr =	sadd.s32 s0, s3;
	s0 =	sld [smem:$0x3FA0]  }
0x30: {  	s3 =	sld [smem:$0x3FA3]  }
0x31: {  	[smem:$0x3FAC] =	sst s10  }
0x32: {  	s10 =	sld [smem:$0x3FAA];
	_ =	sdelay $0x3  }
0x33: {  	p0 =	seq.s32 s10, $0x1;
	s10 =	sld [smem:$0x3FAC];
	_ =	sdelay $0x3  }
0x34: {  	[smem:$0x3FAC] =	sst s10  }
0x35: {  	s10 =	sld [smem:$0x3FAB];
	_ =	sdelay $0x3  }
0x36: {  	p1 =	seq.s32 s10, $0x1;
	s10 =	sld [smem:$0x3FAC];
	_ =	sdelay $0x3  }
0x37: {  	[smem:$0x3FAC] =	sst s10  }
0x38: {  	s10 =	sld [smem:$0x3FAD]  }
0x39: {  	_ = 	snop;
	(pc) =	sbr.ind lr, $3  }
0x3a: {  	_ = 	snop  }
0x3b: {  	_ = 	snop  }
0x3c: {  	p2 =	seq.s32 s10, $0x1;
	s10 =	sld [smem:$0x3FAC]  }
0x3d: {  	_ =	shalt  }
0x3e: {  	_ =	shalt  }
0x3f: {  	_ =	shalt  }
0x40: {  	_ =	shalt  }
0x41: {  	_ =	shalt  }
0x42: {  	_ =	shalt  }
0x43: {  	_ =	shalt  }
0x44: {  	_ =	shalt  }
0x45: {  	_ =	shalt  }
0x46: {  	_ =	shalt  }
0x47: {  	_ =	shalt  }
0x48: {  	_ =	shalt  }
0x49: {  	_ =	shalt  }
0x4a: {  	_ =	shalt  }
0x4b: {  	_ =	shalt  }
0x4c: {  	_ =	shalt  }
0x4d: {  	_ =	shalt  }
0x4e: {  	_ =	shalt  }
0x4f: {  	_ =	shalt  }
0x50: {  	_ =	shalt  }
0x51: {  	_ =	shalt  }
0x52: {  	_ =	shalt  }
0x53: {  	_ =	shalt  }
0x54: {  	_ =	shalt  }
0x55: {  	_ =	shalt  }
0x56: {  	_ =	shalt  }
0x57: {  	_ =	shalt  }
0x58: {  	_ =	shalt  }
0x59: {  	_ =	shalt  }
0x5a: {  	_ =	shalt  }
0x5b: {  	_ =	shalt  }
0x5c: {  	_ =	shalt  }
0x5d: {  	_ =	shalt  }
0x5e: {  	_ =	shalt  }
0x5f: {  	_ =	shalt  }
0x60: {  	_ =	shalt  }
0x61: {  	_ =	shalt  }
0x62: {  	_ =	shalt  }
0x63: {  	_ =	shalt  }
0x64: {  	_ =	shalt  }
0x65: {  	_ =	shalt  }
0x66: {  	_ =	shalt  }
0x67: {  	_ =	shalt  }
0x68: {  	_ =	shalt  }
0x69: {  	_ =	shalt  }
0x6a: {  	_ =	shalt  }
0x6b: {  	_ =	shalt  }
0x6c: {  	_ =	shalt  }
0x6d: {  	_ =	shalt  }
0x6e: {  	_ =	shalt  }
0x6f: {  	_ =	shalt  }
0x70: {  	_ =	shalt  }
0x71: {  	_ =	shalt  }
0x72: {  	_ =	shalt  }
0x73: {  	_ =	shalt  }
0x74: {  	_ =	shalt  }
0x75: {  	_ =	shalt  }
0x76: {  	_ =	shalt  }
0x77: {  	_ =	shalt  }
0x78: {  	_ =	shalt  }
0x79: {  	_ =	shalt  }
0x7a: {  	_ =	shalt  }
0x7b: {  	_ =	shalt  }
0x7c: {  	_ =	shalt  }
0x7d: {  	_ =	shalt  }
0x7e: {  	_ =	shalt  }
0x7f: {  	_ =	shalt  }
0x80: {  	_ =	shalt  }
0x81: {  	_ =	shalt  }
0x82: {  	_ =	shalt  }
0x83: {  	_ =	shalt  }
0x84: {  	_ =	shalt  }
0x85: {  	_ =	shalt  }
0x86: {  	_ =	shalt  }
0x87: {  	_ =	shalt  }
.Lfunc_end0:
.L_simem_size_0:
called_computation_lowered:
.L_overlay_start_0:
0x88: {  	s2 =	sld [smem:$0x3FD9]  }
0x89: {  	s3 =	sld [smem:$0x3FFE];
	_ =	sdelay $0x1  }
0x8a: {  	s1 =	srdreg.scid  }
0x8b: {  	s0 =	sand.u32 $0x1, s1  }
0x8c: {  	s16 =	sshll.u32 s0, $0xA;
	s2 =	sadd.s32 s3, s2  }
0x8d: {  	s2 =	sadd.s32 s2, s16  }
0x8e: {  	[smem:$0x3FB8] =	sst s2  }
0x8f: {  	_ = 	snop  }
0x90: {  	(tm) =	ssettm $0x1  }
0x91: {  	s17 =	sld [smem:$0x3FFB];
	_ =	sdelay $0x3  }
0x92: {  	_ =	strace s17  }
0x93: {  	s2 =	sld [smem:$0x3FFC];
	_ =	sdelay $0x3  }
0x94: {  	_ =	strace s2  }
0x95: {  	s2 =	sld [smem:$0x3FFD];
	_ =	sdelay $0x3  }
0x96: {  	_ =	strace s2  }
0x97: {  	_ =	strace $0x8FFFFFFF  }
0x98: {  	s18 =	sld [smem:$0x3FDB];
	_ =	sdelay $0x1  }
0x99: {  	s19 =	simm.s32 $_scs_section_size  }
0x9a: {  	s4 =	simm.s32 $_size__tile_overlayer_lowered;
	s5 =	simm.s32 $_tile_overlayer_lowered  }
0x9b: {  	s22 =	simm.s32 $0x1BFF;
	s21 =	sshll.u32 s5, $0x1;
	s2 =	sadd.s32 s19, s18  }
0x9c: {  	s6 =	simm.s32 $0x0;
	s20 =	sshll.u32 s4, $0x1;
	s4 =	sadd.s32 s21, s2  }
0x9d: {  	[timem:s6], [sflag:s22] =	dma.local [hbm:s4], s20  }
0x9e: {  	_ =	swait.ge [sflag:s22], s20  }
0x9f: {  	s3 =	ssub.s32 $0x0, s20;
	[sflag:s22] =	ssyncset.done $0x0  }
0xa0: {  	[sflag:s22] =	ssyncadd.s32 s3;
	_ =	sdelay $0x1  }
0xa1: {  	s23 =	simm.s32 $0x1B8B  }
0xa2: {  	_ =	swait.ge [sflag:s23], $0x1  }
0xa3: {  	[sflag:s23] =	ssyncset.done $0x0  }
0xa4: {  	s25 =	simm.s32 $0x1B8E;
	s24 =	sld [smem:$0x3FFE];
	[sflag:s23] =	ssyncadd.s32 $0xFFFFFFFF  }
0xa5: {  	s26 =	simm.s32 $execute0_lowered;
	[smem:$0x3FD2] =	sst s25  }
0xa6: {  	s4 =	sshll.u32 s26, $0x1;
	_ =	strace $0x80000046;
	[dreg:$0x1] =	wrdreg $0xFFFFFFFF  }
0xa7: {  	s28 =	simm.s32 $_size_execute0_lowered;
	s2 =	sadd.s32 s2, s4;
	[dreg:$0x0] =	wrdreg $0x0  }
0xa8: {  	s4 =	sshll.u32 s28, $0x1;
	[dreg:$0x2] =	wrdreg s2  }
0xa9: {  	[dreg:$0x3] =	wrdreg s4  }
0xaa: {  	[dreg:$0x4] =	wrdreg $0xC0  }
0xab: {  	_ =	task [dreg:s6], $0x5FFFF  }
0xac: {  	[dreg:$0x1] =	wrdreg $0xFFFFFFFF  }
0xad: {  	[dreg:$0x0] =	wrdreg $0x60  }
0xae: {  	[dreg:$0x2] =	wrdreg s24  }
0xaf: {  	[dreg:$0x3] =	wrdreg $0x4E200  }
0xb0: {  	[dreg:$0x4] =	wrdreg $0x9  }
0xb1: {  	_ =	task.clear_ibuf [dreg:s6], $0x5FFFF;
	_ =	strace $0x90000046  }
0xb2: {  	s29 =	simm.s32 $0x9;
	_ =	strace $0x80000048  }
0xb3: {  	_ =	swait.ge [sflag:s29], $0x1  }
0xb4: {  	[sflag:s29] =	ssyncadd.s32 $0xFFFFFFFF  }
0xb5: {  	_ =	strace $0x90000048  }
0xb6: {  	_ =	sfence  }
0xb7: {  	s30 =	sld [smem:$0x0];
	_ =	sdelay $0x2  }
0xb8: {  	s31 =	sshll.u32 s1, $0xD;
	s1 =	sshrl.u32 s1, $0x2  }
0xb9: {  	s3 =	sand.u32 $0x4000, s31;
	s1 =	sadd.s32 s1, s30  }
0xba: {  	s0 =	sor.u32 s3, s0;
	s1 =	sshll.u32 s1, $0x11  }
0xbb: {  	s0 =	sor.u32 s1, s0  }
0xbc: {  	s0 =	sadd.s32 $0x8F2B, s0  }
0xbd: {  	[sflag:s0] =	ssyncadd.remote.s32 $0x1  }
0xbe: {  	_ =	sfence.sel $0xFFFF  }
0xbf: {  	[dreg:$0x0] =	wrdreg $0xFFFFFFFF;
	(pc) =	sbr.abs _section_cstart, $3  }
0xc0: {  	[dreg:$0x1] =	wrdreg $0xFFFFFFFF  }
0xc1: {  	_ =	task.clear_ibuf [dreg:s6], $0x2FFFF;
	_ =	strace $0x9FFFFFFF  }
0xc2: {  	(tm) =	ssettm $0x7FFFFFFF  }
0xc3: {  	_ =	shalt  }
tec
execute0_lowered:
.L_overlay_start_1:
0x0: {  	(tag) =	ssettag $0x1  }
0x1: {  	s1 =	rddreg [dreg:$0x0]  }
0x2: {  	s2 =	rddreg [dreg:$0x1];
	s4 =	simm.s32 $0x0  }
0x3: {  	s0 =	srdreg.scid;
	s14 =	stileid.u32;
	s28 =	simm.s32 $0x5  }
0x4: {  	s29 =	simm.s32 $0x190;
	s30 =	simm.s32 $0x1;
	s31 =	simm.s32 $0x3520  }
0x5: {  	[smem:$0x7FF] =	sst s4;
	s0 =	sand.u32 $0x1, s0;
	s3 =	smul.u32 $0x2800, s14  }
0x6: {  	s5 =	sadd.s32 $0x13E00, s1;
	s6 =	sadd.s32 $0xA000, s1;
	s7 =	sadd.s32 $0x9C400, s1  }
0x7: {  	s8 =	sadd.s32 $0x5000, s1;
	s10 =	sadd.s32 $0x1DC00, s1;
	s13 =	smul.u32 $0x2710, s14  }
0x8: {  	s15 =	sshll.u32 s14, $0x6;
	_ =	strace $0x80000047;
	s9 =	smul.u32 $0x28000, s0  }
0x9: {  	[dreg:$0x3] =	wrdreg s10;
	s11 =	ssub.s32 $0x2, s0;
	s0 =	smul.u32 $0x27100, s0  }
0xa: {  	s10 =	sadd.s32 $0x138800, s1;
	s19 =	sor.u32 $0x1C05, s15;
	s15 =	simm.s32 $0xC8  }
0xb: {  	s12 =	sshrl.u32 s11, $0x1;
	[dreg:$0x5] =	wrdreg s19;
	s9 =	sadd.s32 s3, s9  }
0xc: {  	s11 =	ssub.s32 s11, s12;
	s3 =	sadd.s32 s3, s2;
	s12 =	sadd.s32 s13, s0  }
0xd: {  	s9 =	sshrl.u32 s9, $0x3;
	[dreg:$0x4] =	wrdreg s3;
	s0 =	sshrl.u32 s12, $0x3  }
0xe: {  	s14 =	sadd.s32 $0xC8, s12;
	s17 =	sshll.u32 s12, $0x1;
	s26 =	smax.u32 s11, $0x1  }
0xf: {  	s11 =	simm.s32 $0x4;
	s16 =	sadd.s32 s5, s0;
	[dreg:$0xf] =	wrdreg s26  }
0x10: {  	s9 =	sadd.s32 s9, s1;
	s0 =	sadd.s32 s6, s0;
	[dreg:$0x6] =	wrdreg s16  }
0x11: {  	s18 =	sshrl.u32 s14, $0x3;
	s20 =	sadd.s32 s7, s17;
	[dreg:$0x7] =	wrdreg s0  }
0x12: {  	s23 =	sadd.s32 $0x4C90, s17;
	[dreg:$0x8] =	wrdreg s20;
	s21 =	sadd.s32 s5, s18  }
0x13: {  	s3 =	sadd.s32 s10, s17;
	s22 =	sadd.s32 s6, s18;
	[dreg:$0x9] =	wrdreg s21  }
0x14: {  	s26 =	sadd.s32 $0x258, s12;
	s24 =	sadd.s32 s7, s23;
	[dreg:$0xa] =	wrdreg s22  }
0x15: {  	s17 =	simm.s32 $0x2;
	s3 =	sadd.s32 $0x4B00, s3;
	[dreg:$0xb] =	wrdreg s24  }
0x16: {  	s20 =	sadd.s32 $0x190, s12;
	s0 =	sadd.s32 s10, s23;
	[dreg:$0xc] =	wrdreg s3  }
0x17: {  	s25 =	sadd.s32 $0x1E200, s9;
	s16 =	simm.s32 $0x258;
	[dreg:$0xd] =	wrdreg s0  }
0x18: {  	s18 =	simm.s32 $0x41A0;
	s9 =	simm.s32 $0x3;
	[dreg:$0xe] =	wrdreg s25  }
0x19: {  	s0 =	simm.s32 $0x28;
	s3 =	simm.s32 $0x32A0;
	s21 =	simm.s32 $0x0  }
.LBB2_1:
0x1a: {  	[dreg:$0x10] =	wrdreg s21  }
0x1b: {  	s13 =	rddreg [dreg:$0x4]  }
0x1c: {  	s25 =	rddreg [dreg:$0x3];
	s24 =	sshrl.u32 s13, $0x3  }
0x1d: {  	[dreg:$0x11] =	wrdreg s24  }
0x1e: {  	[spmem:s24], [sflag:s19] =	dma.local [hbm:s25], $0x500  }
0x1f: {  	_ =	swait.ge [sflag:s28], $0x500  }
0x20: {  	[sflag:s28] =	ssyncset.done $0x0  }
0x21: {  	[sflag:s28] =	ssyncadd.s32 $0xFFFFFB00  }
0x22: {  	[bflag:$0x0] =	sbarrier.arrive $0xFFFF  }
0x23: {  	s22 =	rddreg [dreg:$0x6]  }
0x24: {  	[tilespmem:s4], [sflag:$0x1] =	stream.linear.gather [hbm4b:s22+s4], $0xC8, $0x38;
	[tilespmem:$0x7620] =	vst v63  }
0x25: {  	s23 =	rddreg [dreg:$0x7]  }
0x26: {  	[tilespmem:s29], [sflag:$0x1] =	stream.linear.gather [hbm4b:s23+s4], $0xC8, $0x38;
	[tilespmem:$0x7620] =	vst v63  }
0x27: {  	_ =	swait.ge [sflag:s30], $0xC8  }
0x28: {  	[sflag:s30] =	ssyncset.done $0x0  }
0x29: {  	[sflag:s30] =	ssyncadd.s32 $0xFFFFFF38  }
0x2a: {  	_ =	swait.ge [sflag:s30], $0xC8  }
0x2b: {  	[sflag:s30] =	ssyncset.done $0x0  }
0x2c: {  	s24 =	rddreg [dreg:$0x8];
	[sflag:s30] =	ssyncadd.s32 $0xFFFFFF38  }
0x2d: {  	[tilespmem:s31], [sflag:$0x3] =	stream.linear.gather [hbm4b:s24+s4], $0xC80, $0x38;
	[tilespmem:$0x7620] =	vst v63  }
0x2e: {  	s25 =	simm.s32 $0x320  }
0x2f: {  	[tilespmem:s25], [sflag:$0x3] =	stream.indirect.gather [hbm4b:s8+s0], $0x10, s4, s0, $0xb8;
	[tilespmem:$0x7620] =	vst v63  }
0x30: {  	s19 =	simm.s32 $0x1C20  }
0x31: {  	[tilespmem:s19], [sflag:$0x3] =	stream.indirect.gather [hbm4b:s1+s0], $0x10, s29, s0, $0xb8;
	[tilespmem:$0x7620] =	vst v63  }
0x32: {  	s21 =	simm.s32 $0x5A0  }
0x33: {  	[tilespmem:s21], [sflag:$0x3] =	stream.indirect.gather [hbm4b:s8+s0], $0x10, s0, s0, $0xb8;
	[tilespmem:$0x7620] =	vst v63  }
0x34: {  	s22 =	simm.s32 $0x1B8;
	s23 =	simm.s32 $0x1EA0  }
0x35: {  	[tilespmem:s23], [sflag:$0x3] =	stream.indirect.gather [hbm4b:s1+s0], $0x10, s22, s0, $0xb8;
	[tilespmem:$0x7620] =	vst v63  }
0x36: {  	s24 =	simm.s32 $0x50;
	s25 =	simm.s32 $0x820  }
0x37: {  	[tilespmem:s25], [sflag:$0x3] =	stream.indirect.gather [hbm4b:s8+s0], $0x10, s24, s0, $0xb8;
	[tilespmem:$0x7620] =	vst v63  }
0x38: {  	s19 =	simm.s32 $0x1E0;
	s21 =	simm.s32 $0x2120  }
0x39: {  	[tilespmem:s21], [sflag:$0x3] =	stream.indirect.gather [hbm4b:s1+s0], $0x10, s19, s0, $0xb8;
	[tilespmem:$0x7620] =	vst v63  }
0x3a: {  	s22 =	simm.s32 $0x78;
	s23 =	simm.s32 $0xAA0  }
0x3b: {  	[tilespmem:s23], [sflag:$0x3] =	stream.indirect.gather [hbm4b:s8+s0], $0x10, s22, s0, $0xb8;
	[tilespmem:$0x7620] =	vst v63  }
0x3c: {  	s24 =	simm.s32 $0x208;
	s25 =	simm.s32 $0x23A0  }
0x3d: {  	[tilespmem:s25], [sflag:$0x3] =	stream.indirect.gather [hbm4b:s1+s0], $0x10, s24, s0, $0xb8;
	[tilespmem:$0x7620] =	vst v63  }
0x3e: {  	s19 =	simm.s32 $0xA0;
	s21 =	simm.s32 $0xD20  }
0x3f: {  	[tilespmem:s21], [sflag:$0x3] =	stream.indirect.gather [hbm4b:s8+s0], $0x10, s19, s0, $0xb8;
	[tilespmem:$0x7620] =	vst v63  }
0x40: {  	s22 =	simm.s32 $0x230;
	s23 =	simm.s32 $0x2620  }
0x41: {  	[tilespmem:s23], [sflag:$0x3] =	stream.indirect.gather [hbm4b:s1+s0], $0x10, s22, s0, $0xb8;
	[tilespmem:$0x7620] =	vst v63  }
0x42: {  	s24 =	rddreg [dreg:$0x9]  }
0x43: {  	[tilespmem:s15], [sflag:$0x2] =	stream.linear.gather [hbm4b:s24+s4], $0xC8, $0x38;
	[tilespmem:$0x7620] =	vst v63  }
0x44: {  	s25 =	rddreg [dreg:$0xa];
	s19 =	simm.s32 $0x0  }
0x45: {  	[tilespmem:s16], [sflag:$0x2] =	stream.linear.gather [hbm4b:s25+s4], $0xC8, $0x38;
	[tilespmem:$0x7620] =	vst v63  }
.LBB2_2:
0x46: {  	_ =	swait.ge [sflag:s17], $0xC8  }
0x47: {  	s21 =	smul.u32 $0x190, s19;
	[sflag:s17] =	ssyncset.done $0x0  }
0x48: {  	[sflag:s17] =	ssyncadd.s32 $0xFFFFFF38  }
0x49: {  	s13 =	sadd.s32 s21, s14;
	_ =	swait.ge [sflag:s17], $0xC8  }
0x4a: {  	s22 =	sshll.u32 s13, $0x1;
	[sflag:s17] =	ssyncset.done $0x0  }
0x4b: {  	s23 =	simm.s32 $0x0;
	s13 =	sadd.s32 s7, s22;
	[sflag:s17] =	ssyncadd.s32 $0xFFFFFF38  }
0x4c: {  	[tilespmem:s18], [sflag:$0x4] =	stream.linear.gather [hbm4b:s13+s23], $0xC80, $0x38;
	[tilespmem:$0x7620] =	vst v63  }
0x4d: {  	s25 =	simm.s32 $0xFA0  }
0x4e: {  	[tilespmem:s25], [sflag:$0x4] =	stream.indirect.gather [hbm4b:s8+s0], $0x10, s15, s0, $0xb8;
	[tilespmem:$0x7620] =	vst v63  }
0x4f: {  	s23 =	simm.s32 $0x28A0  }
0x50: {  	[tilespmem:s23], [sflag:$0x4] =	stream.indirect.gather [hbm4b:s1+s0], $0x10, s16, s0, $0xb8;
	[tilespmem:$0x7620] =	vst v63  }
0x51: {  	s24 =	simm.s32 $0xF0;
	s25 =	simm.s32 $0x1220  }
0x52: {  	[tilespmem:s25], [sflag:$0x4] =	stream.indirect.gather [hbm4b:s8+s0], $0x10, s24, s0, $0xb8;
	[tilespmem:$0x7620] =	vst v63  }
0x53: {  	s24 =	simm.s32 $0x280;
	s25 =	simm.s32 $0x2B20  }
0x54: {  	[tilespmem:s25], [sflag:$0x4] =	stream.indirect.gather [hbm4b:s1+s0], $0x10, s24, s0, $0xb8;
	[tilespmem:$0x7620] =	vst v63  }
0x55: {  	s24 =	simm.s32 $0x118;
	s25 =	simm.s32 $0x14A0  }
0x56: {  	[tilespmem:s25], [sflag:$0x4] =	stream.indirect.gather [hbm4b:s8+s0], $0x10, s24, s0, $0xb8;
	[tilespmem:$0x7620] =	vst v63  }
0x57: {  	s24 =	simm.s32 $0x2A8;
	s25 =	simm.s32 $0x2DA0  }
0x58: {  	[tilespmem:s25], [sflag:$0x4] =	stream.indirect.gather [hbm4b:s1+s0], $0x10, s24, s0, $0xb8;
	[tilespmem:$0x7620] =	vst v63  }
0x59: {  	s24 =	simm.s32 $0x140;
	s25 =	simm.s32 $0x1720  }
0x5a: {  	[tilespmem:s25], [sflag:$0x4] =	stream.indirect.gather [hbm4b:s8+s0], $0x10, s24, s0, $0xb8;
	[tilespmem:$0x7620] =	vst v63  }
0x5b: {  	s24 =	simm.s32 $0x2D0;
	s25 =	simm.s32 $0x3020  }
0x5c: {  	[tilespmem:s25], [sflag:$0x4] =	stream.indirect.gather [hbm4b:s1+s0], $0x10, s24, s0, $0xb8;
	[tilespmem:$0x7620] =	vst v63  }
0x5d: {  	s23 =	simm.s32 $0x168;
	s24 =	simm.s32 $0x19A0  }
0x5e: {  	[tilespmem:s24], [sflag:$0x4] =	stream.indirect.gather [hbm4b:s8+s0], $0x10, s23, s0, $0xb8;
	[tilespmem:$0x7620] =	vst v63  }
0x5f: {  	s25 =	simm.s32 $0x2F8  }
0x60: {  	[tilespmem:s3], [sflag:$0x4] =	stream.indirect.gather [hbm4b:s1+s0], $0x10, s25, s0, $0xb8;
	[tilespmem:$0x7620] =	vst v63  }
0x61: {  	_ =	swait.ge [sflag:s9], $0xC80  }
0x62: {  	[sflag:s9] =	ssyncset.done $0x0  }
0x63: {  	[sflag:s9] =	ssyncadd.s32 $0xFFFFF380  }
0x64: {  	_ =	swait.ge [sflag:s9], $0xC80  }
0x65: {  	[sflag:s9] =	ssyncset.done $0x0  }
0x66: {  	[sflag:s9] =	ssyncadd.s32 $0xFFFFF380  }
0x67: {  	_ =	swait.ge [sflag:s9], $0xC80  }
0x68: {  	[sflag:s9] =	ssyncset.done $0x0  }
0x69: {  	s23 =	simm.s32 $0x0;
	[sflag:s9] =	ssyncadd.s32 $0xFFFFF380  }
0x6a: {  	v0 =	vld [tilespmem:s23+$0x1C50]  }
0x6b: {  	v1 =	vld [tilespmem:s23+$0x320]  }
0x6c: {  	v2 =	vld [tilespmem:s23+$0x350]  }
0x6d: {  	v3 =	vld [tilespmem:s23+$0x1C40]  }
0x6e: {  	v4 =	vld [tilespmem:s23+$0x340]  }
0x6f: {  	v5 =	vld [tilespmem:s23+$0x1C30]  }
0x70: {  	v6 =	vld [tilespmem:s23+$0x330]  }
0x71: {  	v7 =	vld [tilespmem:s23+$0x1C20]  }
0x72: {  	v8 =	vld [tilespmem:s23+$0x3530]  }
0x73: {  	v9 =	vld [tilespmem:s23+$0x3540]  }
0x74: {  	v10 =	vld [tilespmem:s23+$0x3520]  }
0x75: {  	v59 =	vld [tilespmem:s23+$0x3550]  }
0x76: {  	v5 =	vadd.f32 v5, v6  }
0x77: {  	v3 =	vadd.f32 v3, v4;
	v1 =	vadd.f32 v7, v1  }
0x78: {  	v0 =	vadd.f32 v0, v2;
	v60 =	vadd.f32 v8, v5  }
0x79: {  	v2 =	vadd.f32 v9, v3  }
0x7a: {  	v1 =	vadd.f32 v10, v1;
	v0 =	vadd.f32 v59, v0;
	v3 =	vmul.f32 $2.000000030e-01, v60  }
0x7b: {  	vm0 =	vge.f32 v60, $0.0e+00;
	vm1 =	vge.f32 v2, $0.0e+00;
	v61 =	vmul.f32 $2.000000030e-01, v2  }
0x7c: {  	vm2 =	vge.f32 v1, $0.0e+00;
	v62 =	vmul.f32 $2.000000030e-01, v1;
	v3 =	vsel vm0, v60, v3  }
0x7d: {  	v63 =	vmul.f32 $2.000000030e-01, v0;
	v2 =	vsel vm1, v2, v61;
	v3 =	vmul.f32 $1.442695020e+00, v3  }
0x7e: {  	vm15 =	vge.f32 v0, $0.0e+00;
	v1 =	vsel vm2, v1, v62;
	v2 =	vmul.f32 $1.442695020e+00, v2  }
0x7f: {  	v0 =	vsel vm15, v0, v63;
	v1 =	vmul.f32 $1.442695020e+00, v1;
	(erf) = vpow2.f32 v3  }
0x80: {  	v3 =	vmul.f32 $1.442695020e+00, v0;
	(erf) = vpow2.f32 v2  }
0x81: {  	s24 =	simm.s32 $0x40;
	(erf) = vpow2.f32 v1  }
0x82: {  	s25 =	simm.s32 $0x200;
	v0 =	vld [tilespmem:s24+$0x1C50];
	(erf) = vpow2.f32 v3  }
.LBB2_3:
0x83: {  	p0 =	sne.s32 s25, $0x3100;
	v1 =	vld [tilespmem:s24+$0x320];
	s13 =	smov.u32 s25;
	s25 =	sadd.s32 $0x100, s25  }
0x84: {  	v2 =	vld [tilespmem:s24+$0x350]  }
0x85: {  	v3 =	vld [tilespmem:s24+$0x1C40]  }
0x86: {  	v4 =	vld [tilespmem:s24+$0x340]  }
0x87: {  	v5 =	vld [tilespmem:s24+$0x1C30]  }
0x88: {  	v6 =	vld [tilespmem:s24+$0x330];
	v7 =	vpop (erf)  }
0x89: {  	v8 =	vld [tilespmem:s24+$0x1C20];
	v0 =	vadd.f32 v0, v2;
	[tilespmem:s23+$0x3530] =	vst v7;
	v2 =	vpop (erf)  }
0x8a: {  	v7 =	vld [tilespmem:s24+$0x3530];
	[tilespmem:s23+$0x3540] =	vst v2;
	v2 =	vpop (erf)  }
0x8b: {  	v9 =	vld [tilespmem:s24+$0x3540];
	[tilespmem:s23+$0x3520] =	vst v2;
	v2 =	vpop (erf)  }
0x8c: {  	v10 =	vld [tilespmem:s24+$0x3520];
	[tilespmem:s23+$0x3550] =	vst v2;
	s23 =	smov.u32 s24  }
0x8d: {  	v3 =	vadd.f32 v3, v4;
	v2 =	vadd.f32 v5, v6;
	v4 =	vld [tilespmem:s23+$0x3550];
	_ =	sdelay $0x1  }
0x8e: {  	v1 =	vadd.f32 v8, v1;
	v2 =	vadd.f32 v7, v2  }
0x8f: {  	v3 =	vadd.f32 v9, v3  }
0x90: {  	v1 =	vadd.f32 v10, v1;
	vm0 =	vge.f32 v2, $0.0e+00;
	v5 =	vmul.f32 $2.000000030e-01, v2  }
0x91: {  	vm1 =	vge.f32 v3, $0.0e+00;
	v6 =	vmul.f32 $2.000000030e-01, v3;
	v0 =	vadd.f32 v4, v0  }
0x92: {  	vm2 =	vge.f32 v1, $0.0e+00;
	v4 =	vmul.f32 $2.000000030e-01, v1;
	v2 =	vsel vm0, v2, v5  }
0x93: {  	v2 =	vmul.f32 $1.442695020e+00, v2;
	v3 =	vsel vm1, v3, v6;
	v5 =	vmul.f32 $2.000000030e-01, v0  }
.Ltmp0:
0x94: {  	vm0 =	vge.f32 v0, $0.0e+00;
	v1 =	vsel vm2, v1, v4;
	v3 =	vmul.f32 $1.442695020e+00, v3;
	(pc) =	sbr.rel @p0 .LBB2_3-.Ltmp0, $4  }
0x95: {  	v1 =	vmul.f32 $1.442695020e+00, v1;
	v0 =	vsel vm0, v0, v5;
	(erf) = vpow2.f32 v2  }
0x96: {  	v2 =	vmul.f32 $1.442695020e+00, v0;
	(erf) = vpow2.f32 v3  }
0x97: {  	s24 =	sshra.s32 s13, $0x2;
	(erf) = vpow2.f32 v1  }
0x98: {  	v0 =	vld [tilespmem:s24+$0x1C50];
	(erf) = vpow2.f32 v2  }
0x99: {  	v1 =	vld [tilespmem:s24+$0x320]  }
0x9a: {  	v2 =	vld [tilespmem:s24+$0x350]  }
0x9b: {  	v3 =	vld [tilespmem:s24+$0x1C40]  }
0x9c: {  	v4 =	vld [tilespmem:s24+$0x340]  }
0x9d: {  	v5 =	vld [tilespmem:s24+$0x1C30]  }
0x9e: {  	v6 =	vld [tilespmem:s24+$0x330];
	v7 =	vpop (erf)  }
0x9f: {  	v8 =	vld [tilespmem:s24+$0x1C20];
	[tilespmem:s23+$0x3530] =	vst v7;
	v44 =	vpop (erf)  }
0xa0: {  	v9 =	vld [tilespmem:s24+$0x3530];
	[tilespmem:s23+$0x3540] =	vst v44;
	v45 =	vpop (erf)  }
0xa1: {  	v10 =	vld [tilespmem:s24+$0x3540];
	[tilespmem:s23+$0x3520] =	vst v45;
	v46 =	vpop (erf)  }
0xa2: {  	v11 =	vld [tilespmem:s24+$0x3520];
	[tilespmem:s23+$0x3550] =	vst v46  }
0xa3: {  	v5 =	vadd.f32 v5, v6;
	v47 =	vld [tilespmem:s24+$0x3550]  }
0xa4: {  	v3 =	vadd.f32 v3, v4  }
0xa5: {  	v1 =	vadd.f32 v8, v1;
	v48 =	vadd.f32 v9, v5  }
0xa6: {  	v0 =	vadd.f32 v0, v2;
	v2 =	vadd.f32 v10, v3  }
0xa7: {  	v1 =	vadd.f32 v11, v1;
	vm0 =	vge.f32 v48, $0.0e+00;
	v3 =	vmul.f32 $2.000000030e-01, v48  }
0xa8: {  	vm1 =	vge.f32 v2, $0.0e+00;
	v49 =	vmul.f32 $2.000000030e-01, v2;
	v0 =	vadd.f32 v47, v0  }
0xa9: {  	vm2 =	vge.f32 v1, $0.0e+00;
	v50 =	vmul.f32 $2.000000030e-01, v1;
	v3 =	vsel vm0, v48, v3  }
0xaa: {  	v3 =	vmul.f32 $1.442695020e+00, v3;
	v2 =	vsel vm1, v2, v49;
	v51 =	vmul.f32 $2.000000030e-01, v0  }
0xab: {  	vm11 =	vge.f32 v0, $0.0e+00;
	v1 =	vsel vm2, v1, v50;
	v2 =	vmul.f32 $1.442695020e+00, v2  }
0xac: {  	v1 =	vmul.f32 $1.442695020e+00, v1;
	v0 =	vsel vm11, v0, v51;
	(erf) = vpow2.f32 v3  }
0xad: {  	v0 =	vmul.f32 $1.442695020e+00, v0;
	(erf) = vpow2.f32 v2  }
0xae: {  	(erf) = vpow2.f32 v1  }
0xaf: {  	(erf) = vpow2.f32 v0;
	_ =	sdelay $0x5  }
0xb0: {  	v0 =	vpop (erf)  }
0xb1: {  	[tilespmem:s24+$0x3530] =	vst v0;
	v0 =	vpop (erf)  }
0xb2: {  	s13 =	sadd.s32 s12, s21;
	[tilespmem:s24+$0x3540] =	vst v0;
	v0 =	vpop (erf)  }
0xb3: {  	s13 =	sshll.u32 s13, $0x1;
	[tilespmem:s24+$0x3520] =	vst v0;
	v0 =	vpop (erf)  }
0xb4: {  	s13 =	sadd.s32 s10, s13;
	s23 =	simm.s32 $0x0;
	[tilespmem:s24+$0x3550] =	vst v0  }
0xb5: {  	[hbm4b:s13+s23] =	stream.linear.scatter [tilespmem:s31], [sflag:$0x1], $0xC80, $0x38;
	[tilespmem:$0x7620] =	vst v63  }
0xb6: {  	_ = 	snop  }
0xb7: {  	[spmem:s2] =	stream.indirect.scatter.add.f32 [tilespmem:s31], [sflag:$0x5], $0x10, s29, s15, $0xb8;
	[tilespmem:$0x7620] =	vst v63  }
0xb8: {  	_ =	swait.ge [sflag:s28], $0xC80  }
0xb9: {  	[sflag:s28] =	ssyncset.done $0x0  }
0xba: {  	[sflag:s28] =	ssyncadd.s32 $0xFFFFF380  }
0xbb: {  	s13 =	sadd.s32 s21, s20;
	_ =	swait.ge [sflag:s30], $0xC80  }
0xbc: {  	s24 =	sshrl.u32 s13, $0x3;
	[sflag:s30] =	ssyncset.done $0x0  }
0xbd: {  	s25 =	sadd.s32 s5, s24;
	[sflag:s30] =	ssyncadd.s32 $0xFFFFF380  }
0xbe: {  	[tilespmem:s23], [sflag:$0x1] =	stream.linear.gather [hbm4b:s25+s23], $0xC8, $0x38;
	[tilespmem:$0x7620] =	vst v63  }
0xbf: {  	s24 =	sadd.s32 s6, s24  }
0xc0: {  	[tilespmem:s29], [sflag:$0x1] =	stream.linear.gather [hbm4b:s24+s23], $0xC8, $0x38;
	[tilespmem:$0x7620] =	vst v63  }
0xc1: {  	_ =	swait.ge [sflag:s30], $0xC8  }
0xc2: {  	[sflag:s30] =	ssyncset.done $0x0  }
0xc3: {  	[sflag:s30] =	ssyncadd.s32 $0xFFFFFF38  }
0xc4: {  	_ =	swait.ge [sflag:s30], $0xC8  }
0xc5: {  	[sflag:s30] =	ssyncset.done $0x0  }
0xc6: {  	[sflag:s30] =	ssyncadd.s32 $0xFFFFFF38  }
0xc7: {  	_ =	swait.ge [sflag:s11], $0xC80  }
0xc8: {  	[sflag:s11] =	ssyncset.done $0x0  }
0xc9: {  	[sflag:s11] =	ssyncadd.s32 $0xFFFFF380  }
0xca: {  	_ =	swait.ge [sflag:s11], $0xC80  }
0xcb: {  	[sflag:s11] =	ssyncset.done $0x0  }
0xcc: {  	[sflag:s11] =	ssyncadd.s32 $0xFFFFF380  }
0xcd: {  	s13 =	sshll.u32 s13, $0x1;
	_ =	swait.ge [sflag:s11], $0xC80  }
0xce: {  	s13 =	sand.u32 $0x1FFFFFE0, s13;
	[sflag:s11] =	ssyncset.done $0x0  }
0xcf: {  	s13 =	sadd.s32 s7, s13;
	[sflag:s11] =	ssyncadd.s32 $0xFFFFF380  }
0xd0: {  	[tilespmem:s31], [sflag:$0x3] =	stream.linear.gather [hbm4b:s13+s23], $0xC80, $0x38;
	[tilespmem:$0x7620] =	vst v63  }
0xd1: {  	s24 =	simm.s32 $0x320  }
0xd2: {  	[tilespmem:s24], [sflag:$0x3] =	stream.indirect.gather [hbm4b:s8+s0], $0x10, s23, s0, $0xb8;
	[tilespmem:$0x7620] =	vst v63  }
0xd3: {  	s25 =	simm.s32 $0x1C20  }
0xd4: {  	[tilespmem:s25], [sflag:$0x3] =	stream.indirect.gather [hbm4b:s1+s0], $0x10, s29, s0, $0xb8;
	[tilespmem:$0x7620] =	vst v63  }
0xd5: {  	s23 =	simm.s32 $0x5A0  }
0xd6: {  	[tilespmem:s23], [sflag:$0x3] =	stream.indirect.gather [hbm4b:s8+s0], $0x10, s0, s0, $0xb8;
	[tilespmem:$0x7620] =	vst v63  }
0xd7: {  	s24 =	simm.s32 $0x1B8;
	s25 =	simm.s32 $0x1EA0  }
0xd8: {  	[tilespmem:s25], [sflag:$0x3] =	stream.indirect.gather [hbm4b:s1+s0], $0x10, s24, s0, $0xb8;
	[tilespmem:$0x7620] =	vst v63  }
0xd9: {  	s24 =	simm.s32 $0x50;
	s25 =	simm.s32 $0x820  }
0xda: {  	[tilespmem:s25], [sflag:$0x3] =	stream.indirect.gather [hbm4b:s8+s0], $0x10, s24, s0, $0xb8;
	[tilespmem:$0x7620] =	vst v63  }
0xdb: {  	s24 =	simm.s32 $0x1E0;
	s25 =	simm.s32 $0x2120  }
0xdc: {  	[tilespmem:s25], [sflag:$0x3] =	stream.indirect.gather [hbm4b:s1+s0], $0x10, s24, s0, $0xb8;
	[tilespmem:$0x7620] =	vst v63  }
0xdd: {  	s24 =	simm.s32 $0x78;
	s25 =	simm.s32 $0xAA0  }
0xde: {  	[tilespmem:s25], [sflag:$0x3] =	stream.indirect.gather [hbm4b:s8+s0], $0x10, s24, s0, $0xb8;
	[tilespmem:$0x7620] =	vst v63  }
0xdf: {  	s24 =	simm.s32 $0x208;
	s25 =	simm.s32 $0x23A0  }
0xe0: {  	[tilespmem:s25], [sflag:$0x3] =	stream.indirect.gather [hbm4b:s1+s0], $0x10, s24, s0, $0xb8;
	[tilespmem:$0x7620] =	vst v63  }
0xe1: {  	s24 =	simm.s32 $0xA0;
	s25 =	simm.s32 $0xD20  }
0xe2: {  	[tilespmem:s25], [sflag:$0x3] =	stream.indirect.gather [hbm4b:s8+s0], $0x10, s24, s0, $0xb8;
	[tilespmem:$0x7620] =	vst v63  }
0xe3: {  	s23 =	simm.s32 $0x0;
	s24 =	simm.s32 $0x230;
	s25 =	simm.s32 $0x2620  }
0xe4: {  	[tilespmem:s25], [sflag:$0x3] =	stream.indirect.gather [hbm4b:s1+s0], $0x10, s24, s0, $0xb8;
	[tilespmem:$0x7620] =	vst v63  }
0xe5: {  	v0 =	vld [tilespmem:s23+$0x28D0]  }
0xe6: {  	v1 =	vld [tilespmem:s23+$0xFA0]  }
0xe7: {  	v2 =	vld [tilespmem:s23+$0xFD0]  }
0xe8: {  	v3 =	vld [tilespmem:s23+$0x28C0]  }
0xe9: {  	v52 =	vld [tilespmem:s23+$0xFC0]  }
0xea: {  	v53 =	vld [tilespmem:s23+$0x28B0]  }
0xeb: {  	v54 =	vld [tilespmem:s23+$0xFB0]  }
0xec: {  	v55 =	vld [tilespmem:s23+$0x28A0]  }
0xed: {  	v56 =	vld [tilespmem:s23+$0x41B0]  }
0xee: {  	v57 =	vld [tilespmem:s23+$0x41C0]  }
0xef: {  	v58 =	vld [tilespmem:s23+$0x41A0]  }
0xf0: {  	v59 =	vld [tilespmem:s23+$0x41D0]  }
0xf1: {  	v5 =	vadd.f32 v53, v54  }
0xf2: {  	v3 =	vadd.f32 v3, v52;
	v1 =	vadd.f32 v55, v1  }
0xf3: {  	v0 =	vadd.f32 v0, v2;
	v60 =	vadd.f32 v56, v5  }
0xf4: {  	v2 =	vadd.f32 v57, v3  }
0xf5: {  	v1 =	vadd.f32 v58, v1;
	v0 =	vadd.f32 v59, v0;
	v3 =	vmul.f32 $2.000000030e-01, v60  }
0xf6: {  	vm12 =	vge.f32 v60, $0.0e+00;
	vm13 =	vge.f32 v2, $0.0e+00;
	v61 =	vmul.f32 $2.000000030e-01, v2  }
0xf7: {  	vm14 =	vge.f32 v1, $0.0e+00;
	v62 =	vmul.f32 $2.000000030e-01, v1;
	v3 =	vsel vm12, v60, v3  }
0xf8: {  	v63 =	vmul.f32 $2.000000030e-01, v0;
	v2 =	vsel vm13, v2, v61;
	v3 =	vmul.f32 $1.442695020e+00, v3  }
0xf9: {  	vm15 =	vge.f32 v0, $0.0e+00;
	v1 =	vsel vm14, v1, v62;
	v2 =	vmul.f32 $1.442695020e+00, v2  }
0xfa: {  	v0 =	vsel vm15, v0, v63;
	v1 =	vmul.f32 $1.442695020e+00, v1;
	(erf) = vpow2.f32 v3  }
0xfb: {  	v3 =	vmul.f32 $1.442695020e+00, v0;
	(erf) = vpow2.f32 v2  }
0xfc: {  	s24 =	simm.s32 $0x40;
	(erf) = vpow2.f32 v1  }
0xfd: {  	s25 =	simm.s32 $0x200;
	v0 =	vld [tilespmem:s24+$0x28D0];
	(erf) = vpow2.f32 v3  }
.LBB2_5:
0xfe: {  	p0 =	sne.s32 s25, $0x3100;
	v1 =	vld [tilespmem:s24+$0xFA0];
	s13 =	smov.u32 s25;
	s25 =	sadd.s32 $0x100, s25  }
0xff: {  	v2 =	vld [tilespmem:s24+$0xFD0]  }
0x100: {  	v3 =	vld [tilespmem:s24+$0x28C0]  }
0x101: {  	v4 =	vld [tilespmem:s24+$0xFC0]  }
0x102: {  	v5 =	vld [tilespmem:s24+$0x28B0]  }
0x103: {  	v6 =	vld [tilespmem:s24+$0xFB0];
	v7 =	vpop (erf)  }
0x104: {  	v8 =	vld [tilespmem:s24+$0x28A0];
	v0 =	vadd.f32 v0, v2;
	[tilespmem:s23+$0x41B0] =	vst v7;
	v2 =	vpop (erf)  }
0x105: {  	v7 =	vld [tilespmem:s24+$0x41B0];
	[tilespmem:s23+$0x41C0] =	vst v2;
	v2 =	vpop (erf)  }
0x106: {  	v9 =	vld [tilespmem:s24+$0x41C0];
	[tilespmem:s23+$0x41A0] =	vst v2;
	v2 =	vpop (erf)  }
0x107: {  	v10 =	vld [tilespmem:s24+$0x41A0];
	[tilespmem:s23+$0x41D0] =	vst v2;
	s23 =	smov.u32 s24  }
0x108: {  	v3 =	vadd.f32 v3, v4;
	v2 =	vadd.f32 v5, v6;
	v4 =	vld [tilespmem:s23+$0x41D0];
	_ =	sdelay $0x1  }
0x109: {  	v1 =	vadd.f32 v8, v1;
	v2 =	vadd.f32 v7, v2  }
0x10a: {  	v3 =	vadd.f32 v9, v3  }
0x10b: {  	v1 =	vadd.f32 v10, v1;
	vm0 =	vge.f32 v2, $0.0e+00;
	v5 =	vmul.f32 $2.000000030e-01, v2  }
0x10c: {  	vm1 =	vge.f32 v3, $0.0e+00;
	v6 =	vmul.f32 $2.000000030e-01, v3;
	v0 =	vadd.f32 v4, v0  }
0x10d: {  	vm2 =	vge.f32 v1, $0.0e+00;
	v4 =	vmul.f32 $2.000000030e-01, v1;
	v2 =	vsel vm0, v2, v5  }
0x10e: {  	v2 =	vmul.f32 $1.442695020e+00, v2;
	v3 =	vsel vm1, v3, v6;
	v5 =	vmul.f32 $2.000000030e-01, v0  }
.Ltmp1:
0x10f: {  	vm0 =	vge.f32 v0, $0.0e+00;
	v1 =	vsel vm2, v1, v4;
	v3 =	vmul.f32 $1.442695020e+00, v3;
	(pc) =	sbr.rel @p0 .LBB2_5-.Ltmp1, $4  }
0x110: {  	v1 =	vmul.f32 $1.442695020e+00, v1;
	v0 =	vsel vm0, v0, v5;
	(erf) = vpow2.f32 v2  }
0x111: {  	v2 =	vmul.f32 $1.442695020e+00, v0;
	(erf) = vpow2.f32 v3  }
0x112: {  	s24 =	sshra.s32 s13, $0x2;
	(erf) = vpow2.f32 v1  }
0x113: {  	v0 =	vld [tilespmem:s24+$0x28D0];
	(erf) = vpow2.f32 v2  }
0x114: {  	v1 =	vld [tilespmem:s24+$0xFA0]  }
0x115: {  	v2 =	vld [tilespmem:s24+$0xFD0]  }
0x116: {  	v3 =	vld [tilespmem:s24+$0x28C0]  }
0x117: {  	v4 =	vld [tilespmem:s24+$0xFC0]  }
0x118: {  	v5 =	vld [tilespmem:s24+$0x28B0]  }
0x119: {  	v6 =	vld [tilespmem:s24+$0xFB0];
	v7 =	vpop (erf)  }
0x11a: {  	v8 =	vld [tilespmem:s24+$0x28A0];
	[tilespmem:s23+$0x41B0] =	vst v7;
	v50 =	vpop (erf)  }
0x11b: {  	v9 =	vld [tilespmem:s24+$0x41B0];
	[tilespmem:s23+$0x41C0] =	vst v50;
	v51 =	vpop (erf)  }
0x11c: {  	v10 =	vld [tilespmem:s24+$0x41C0];
	[tilespmem:s23+$0x41A0] =	vst v51;
	v52 =	vpop (erf)  }
0x11d: {  	v11 =	vld [tilespmem:s24+$0x41A0];
	[tilespmem:s23+$0x41D0] =	vst v52  }
0x11e: {  	v5 =	vadd.f32 v5, v6;
	v53 =	vld [tilespmem:s24+$0x41D0]  }
0x11f: {  	v3 =	vadd.f32 v3, v4  }
0x120: {  	v1 =	vadd.f32 v8, v1;
	v54 =	vadd.f32 v9, v5  }
0x121: {  	v0 =	vadd.f32 v0, v2;
	v55 =	vadd.f32 v10, v3  }
0x122: {  	v1 =	vadd.f32 v11, v1;
	vm0 =	vge.f32 v54, $0.0e+00;
	v56 =	vmul.f32 $2.000000030e-01, v54  }
0x123: {  	vm1 =	vge.f32 v55, $0.0e+00;
	v57 =	vmul.f32 $2.000000030e-01, v55;
	v0 =	vadd.f32 v53, v0  }
0x124: {  	vm2 =	vge.f32 v1, $0.0e+00;
	v58 =	vmul.f32 $2.000000030e-01, v1;
	v3 =	vsel vm0, v54, v56  }
0x125: {  	v3 =	vmul.f32 $1.442695020e+00, v3;
	v2 =	vsel vm1, v55, v57;
	v59 =	vmul.f32 $2.000000030e-01, v0  }
0x126: {  	vm15 =	vge.f32 v0, $0.0e+00;
	v1 =	vsel vm2, v1, v58;
	v2 =	vmul.f32 $1.442695020e+00, v2  }
0x127: {  	v1 =	vmul.f32 $1.442695020e+00, v1;
	v0 =	vsel vm15, v0, v59;
	(erf) = vpow2.f32 v3  }
0x128: {  	v0 =	vmul.f32 $1.442695020e+00, v0;
	(erf) = vpow2.f32 v2  }
0x129: {  	(erf) = vpow2.f32 v1  }
0x12a: {  	(erf) = vpow2.f32 v0;
	_ =	sdelay $0x5  }
0x12b: {  	v60 =	vpop (erf)  }
0x12c: {  	[tilespmem:s24+$0x41B0] =	vst v60;
	v61 =	vpop (erf)  }
0x12d: {  	[tilespmem:s24+$0x41C0] =	vst v61;
	v62 =	vpop (erf)  }
0x12e: {  	[tilespmem:s24+$0x41A0] =	vst v62;
	v63 =	vpop (erf)  }
0x12f: {  	s13 =	sadd.s32 s10, s22;
	[tilespmem:s24+$0x41D0] =	vst v63  }
0x130: {  	[hbm4b:s13+s4] =	stream.linear.scatter [tilespmem:s18], [sflag:$0x2], $0xC80, $0x38;
	[tilespmem:$0x7620] =	vst v63  }
0x131: {  	_ = 	snop  }
0x132: {  	[spmem:s2] =	stream.indirect.scatter.add.f32 [tilespmem:s18], [sflag:$0x5], $0x10, s16, s15, $0xb8;
	[tilespmem:$0x7620] =	vst v63  }
0x133: {  	_ =	swait.ge [sflag:s28], $0xC80  }
0x134: {  	[sflag:s28] =	ssyncset.done $0x0  }
0x135: {  	s19 =	sadd.s32 $0x1, s19;
	[sflag:s28] =	ssyncadd.s32 $0xFFFFF380  }
0x136: {  	p0 =	sne.s32 s19, $0x18;
	s24 =	sadd.s32 s21, s26;
	_ =	swait.ge [sflag:s17], $0xC80  }
.Ltmp2:
0x137: {  	s13 =	sshrl.u32 s24, $0x3;
	[sflag:s17] =	ssyncset.done $0x0;
	(pc) =	sbr.rel @p0 .LBB2_2-.Ltmp2, $4  }
0x138: {  	s25 =	sadd.s32 s5, s13;
	[sflag:s17] =	ssyncadd.s32 $0xFFFFF380  }
0x139: {  	[tilespmem:s15], [sflag:$0x2] =	stream.linear.gather [hbm4b:s25+s4], $0xC8, $0x38;
	[tilespmem:$0x7620] =	vst v63  }
0x13a: {  	s13 =	sadd.s32 s6, s13  }
0x13b: {  	[tilespmem:s16], [sflag:$0x2] =	stream.linear.gather [hbm4b:s13+s4], $0xC8, $0x38;
	[tilespmem:$0x7620] =	vst v63  }
0x13c: {  	_ =	swait.ge [sflag:s17], $0xC8  }
0x13d: {  	[sflag:s17] =	ssyncset.done $0x0  }
0x13e: {  	[sflag:s17] =	ssyncadd.s32 $0xFFFFFF38  }
0x13f: {  	_ =	swait.ge [sflag:s17], $0xC8  }
0x140: {  	[sflag:s17] =	ssyncset.done $0x0  }
0x141: {  	s13 =	simm.s32 $0x0;
	s19 =	rddreg [dreg:$0xb];
	[sflag:s17] =	ssyncadd.s32 $0xFFFFFF38  }
0x142: {  	[tilespmem:s18], [sflag:$0x4] =	stream.linear.gather [hbm4b:s19+s13], $0xC80, $0x38;
	[tilespmem:$0x7620] =	vst v63  }
0x143: {  	s19 =	simm.s32 $0xFA0  }
0x144: {  	[tilespmem:s19], [sflag:$0x4] =	stream.indirect.gather [hbm4b:s8+s0], $0x10, s15, s0, $0xb8;
	[tilespmem:$0x7620] =	vst v63  }
0x145: {  	s21 =	simm.s32 $0x28A0  }
0x146: {  	[tilespmem:s21], [sflag:$0x4] =	stream.indirect.gather [hbm4b:s1+s0], $0x10, s16, s0, $0xb8;
	[tilespmem:$0x7620] =	vst v63  }
0x147: {  	s22 =	simm.s32 $0xF0;
	s23 =	simm.s32 $0x1220  }
0x148: {  	[tilespmem:s23], [sflag:$0x4] =	stream.indirect.gather [hbm4b:s8+s0], $0x10, s22, s0, $0xb8;
	[tilespmem:$0x7620] =	vst v63  }
0x149: {  	s24 =	simm.s32 $0x280;
	s25 =	simm.s32 $0x2B20  }
0x14a: {  	[tilespmem:s25], [sflag:$0x4] =	stream.indirect.gather [hbm4b:s1+s0], $0x10, s24, s0, $0xb8;
	[tilespmem:$0x7620] =	vst v63  }
0x14b: {  	s19 =	simm.s32 $0x118;
	s21 =	simm.s32 $0x14A0  }
0x14c: {  	[tilespmem:s21], [sflag:$0x4] =	stream.indirect.gather [hbm4b:s8+s0], $0x10, s19, s0, $0xb8;
	[tilespmem:$0x7620] =	vst v63  }
0x14d: {  	s22 =	simm.s32 $0x2A8;
	s23 =	simm.s32 $0x2DA0  }
0x14e: {  	[tilespmem:s23], [sflag:$0x4] =	stream.indirect.gather [hbm4b:s1+s0], $0x10, s22, s0, $0xb8;
	[tilespmem:$0x7620] =	vst v63  }
0x14f: {  	s24 =	simm.s32 $0x140;
	s25 =	simm.s32 $0x1720  }
0x150: {  	[tilespmem:s25], [sflag:$0x4] =	stream.indirect.gather [hbm4b:s8+s0], $0x10, s24, s0, $0xb8;
	[tilespmem:$0x7620] =	vst v63  }
0x151: {  	s21 =	simm.s32 $0x2D0;
	s22 =	simm.s32 $0x3020  }
0x152: {  	[tilespmem:s22], [sflag:$0x4] =	stream.indirect.gather [hbm4b:s1+s0], $0x10, s21, s0, $0xb8;
	[tilespmem:$0x7620] =	vst v63  }
0x153: {  	s23 =	simm.s32 $0x168;
	s24 =	simm.s32 $0x19A0  }
0x154: {  	[tilespmem:s24], [sflag:$0x4] =	stream.indirect.gather [hbm4b:s8+s0], $0x10, s23, s0, $0xb8;
	[tilespmem:$0x7620] =	vst v63  }
0x155: {  	s25 =	simm.s32 $0x2F8  }
0x156: {  	[tilespmem:s3], [sflag:$0x4] =	stream.indirect.gather [hbm4b:s1+s0], $0x10, s25, s0, $0xb8;
	[tilespmem:$0x7620] =	vst v63  }
0x157: {  	_ =	swait.ge [sflag:s9], $0xC80  }
0x158: {  	[sflag:s9] =	ssyncset.done $0x0  }
0x159: {  	[sflag:s9] =	ssyncadd.s32 $0xFFFFF380  }
0x15a: {  	_ =	swait.ge [sflag:s9], $0xC80  }
0x15b: {  	[sflag:s9] =	ssyncset.done $0x0  }
0x15c: {  	[sflag:s9] =	ssyncadd.s32 $0xFFFFF380  }
0x15d: {  	_ =	swait.ge [sflag:s9], $0xC80  }
0x15e: {  	[sflag:s9] =	ssyncset.done $0x0  }
0x15f: {  	s19 =	simm.s32 $0x0;
	[sflag:s9] =	ssyncadd.s32 $0xFFFFF380  }
0x160: {  	v0 =	vld [tilespmem:s19+$0x1C50]  }
0x161: {  	v1 =	vld [tilespmem:s19+$0x320]  }
0x162: {  	v2 =	vld [tilespmem:s19+$0x350]  }
0x163: {  	v3 =	vld [tilespmem:s19+$0x1C40]  }
0x164: {  	v4 =	vld [tilespmem:s19+$0x340]  }
0x165: {  	v5 =	vld [tilespmem:s19+$0x1C30]  }
0x166: {  	v6 =	vld [tilespmem:s19+$0x330]  }
0x167: {  	v7 =	vld [tilespmem:s19+$0x1C20]  }
0x168: {  	v8 =	vld [tilespmem:s19+$0x3530]  }
0x169: {  	v9 =	vld [tilespmem:s19+$0x3540]  }
0x16a: {  	v10 =	vld [tilespmem:s19+$0x3520]  }
0x16b: {  	v59 =	vld [tilespmem:s19+$0x3550]  }
0x16c: {  	v5 =	vadd.f32 v5, v6  }
0x16d: {  	v3 =	vadd.f32 v3, v4;
	v1 =	vadd.f32 v7, v1  }
0x16e: {  	v0 =	vadd.f32 v0, v2;
	v60 =	vadd.f32 v8, v5  }
0x16f: {  	v2 =	vadd.f32 v9, v3  }
0x170: {  	v1 =	vadd.f32 v10, v1;
	v0 =	vadd.f32 v59, v0;
	v3 =	vmul.f32 $2.000000030e-01, v60  }
0x171: {  	vm0 =	vge.f32 v60, $0.0e+00;
	vm1 =	vge.f32 v2, $0.0e+00;
	v61 =	vmul.f32 $2.000000030e-01, v2  }
0x172: {  	vm2 =	vge.f32 v1, $0.0e+00;
	v62 =	vmul.f32 $2.000000030e-01, v1;
	v3 =	vsel vm0, v60, v3  }
0x173: {  	v63 =	vmul.f32 $2.000000030e-01, v0;
	v2 =	vsel vm1, v2, v61;
	v3 =	vmul.f32 $1.442695020e+00, v3  }
0x174: {  	vm15 =	vge.f32 v0, $0.0e+00;
	v1 =	vsel vm2, v1, v62;
	v2 =	vmul.f32 $1.442695020e+00, v2  }
0x175: {  	v0 =	vsel vm15, v0, v63;
	v1 =	vmul.f32 $1.442695020e+00, v1;
	(erf) = vpow2.f32 v3  }
0x176: {  	v3 =	vmul.f32 $1.442695020e+00, v0;
	(erf) = vpow2.f32 v2  }
0x177: {  	s21 =	simm.s32 $0x40;
	(erf) = vpow2.f32 v1  }
0x178: {  	s22 =	simm.s32 $0x200;
	v0 =	vld [tilespmem:s21+$0x1C50];
	(erf) = vpow2.f32 v3  }
.LBB2_8:
0x179: {  	p0 =	sne.s32 s22, $0x3100;
	v1 =	vld [tilespmem:s21+$0x320];
	s13 =	smov.u32 s22;
	s22 =	sadd.s32 $0x100, s22  }
0x17a: {  	v2 =	vld [tilespmem:s21+$0x350]  }
0x17b: {  	v3 =	vld [tilespmem:s21+$0x1C40]  }
0x17c: {  	v4 =	vld [tilespmem:s21+$0x340]  }
0x17d: {  	v5 =	vld [tilespmem:s21+$0x1C30]  }
0x17e: {  	v6 =	vld [tilespmem:s21+$0x330];
	v7 =	vpop (erf)  }
0x17f: {  	v8 =	vld [tilespmem:s21+$0x1C20];
	v0 =	vadd.f32 v0, v2;
	[tilespmem:s19+$0x3530] =	vst v7;
	v2 =	vpop (erf)  }
0x180: {  	v7 =	vld [tilespmem:s21+$0x3530];
	[tilespmem:s19+$0x3540] =	vst v2;
	v2 =	vpop (erf)  }
0x181: {  	v9 =	vld [tilespmem:s21+$0x3540];
	[tilespmem:s19+$0x3520] =	vst v2;
	v2 =	vpop (erf)  }
0x182: {  	v10 =	vld [tilespmem:s21+$0x3520];
	[tilespmem:s19+$0x3550] =	vst v2;
	s19 =	smov.u32 s21  }
0x183: {  	v3 =	vadd.f32 v3, v4;
	v2 =	vadd.f32 v5, v6;
	v4 =	vld [tilespmem:s19+$0x3550];
	_ =	sdelay $0x1  }
0x184: {  	v1 =	vadd.f32 v8, v1;
	v2 =	vadd.f32 v7, v2  }
0x185: {  	v3 =	vadd.f32 v9, v3  }
0x186: {  	v1 =	vadd.f32 v10, v1;
	vm0 =	vge.f32 v2, $0.0e+00;
	v5 =	vmul.f32 $2.000000030e-01, v2  }
0x187: {  	vm1 =	vge.f32 v3, $0.0e+00;
	v6 =	vmul.f32 $2.000000030e-01, v3;
	v0 =	vadd.f32 v4, v0  }
0x188: {  	vm2 =	vge.f32 v1, $0.0e+00;
	v4 =	vmul.f32 $2.000000030e-01, v1;
	v2 =	vsel vm0, v2, v5  }
0x189: {  	v2 =	vmul.f32 $1.442695020e+00, v2;
	v3 =	vsel vm1, v3, v6;
	v5 =	vmul.f32 $2.000000030e-01, v0  }
.Ltmp3:
0x18a: {  	vm0 =	vge.f32 v0, $0.0e+00;
	v1 =	vsel vm2, v1, v4;
	v3 =	vmul.f32 $1.442695020e+00, v3;
	(pc) =	sbr.rel @p0 .LBB2_8-.Ltmp3, $4  }
0x18b: {  	v1 =	vmul.f32 $1.442695020e+00, v1;
	v0 =	vsel vm0, v0, v5;
	(erf) = vpow2.f32 v2  }
0x18c: {  	v2 =	vmul.f32 $1.442695020e+00, v0;
	(erf) = vpow2.f32 v3  }
0x18d: {  	s21 =	sshra.s32 s13, $0x2;
	(erf) = vpow2.f32 v1  }
0x18e: {  	v0 =	vld [tilespmem:s21+$0x1C50];
	(erf) = vpow2.f32 v2  }
0x18f: {  	v1 =	vld [tilespmem:s21+$0x320]  }
0x190: {  	v2 =	vld [tilespmem:s21+$0x350]  }
0x191: {  	v3 =	vld [tilespmem:s21+$0x1C40]  }
0x192: {  	v4 =	vld [tilespmem:s21+$0x340]  }
0x193: {  	v5 =	vld [tilespmem:s21+$0x1C30]  }
0x194: {  	v6 =	vld [tilespmem:s21+$0x330];
	v7 =	vpop (erf)  }
0x195: {  	v8 =	vld [tilespmem:s21+$0x1C20];
	[tilespmem:s19+$0x3530] =	vst v7;
	v44 =	vpop (erf)  }
0x196: {  	v9 =	vld [tilespmem:s21+$0x3530];
	[tilespmem:s19+$0x3540] =	vst v44;
	v45 =	vpop (erf)  }
0x197: {  	v10 =	vld [tilespmem:s21+$0x3540];
	[tilespmem:s19+$0x3520] =	vst v45;
	v46 =	vpop (erf)  }
0x198: {  	v11 =	vld [tilespmem:s21+$0x3520];
	[tilespmem:s19+$0x3550] =	vst v46  }
0x199: {  	v5 =	vadd.f32 v5, v6;
	v47 =	vld [tilespmem:s21+$0x3550]  }
0x19a: {  	v3 =	vadd.f32 v3, v4  }
0x19b: {  	v1 =	vadd.f32 v8, v1;
	v48 =	vadd.f32 v9, v5  }
0x19c: {  	v0 =	vadd.f32 v0, v2;
	v2 =	vadd.f32 v10, v3  }
0x19d: {  	v1 =	vadd.f32 v11, v1;
	vm0 =	vge.f32 v48, $0.0e+00;
	v3 =	vmul.f32 $2.000000030e-01, v48  }
0x19e: {  	vm1 =	vge.f32 v2, $0.0e+00;
	v49 =	vmul.f32 $2.000000030e-01, v2;
	v0 =	vadd.f32 v47, v0  }
0x19f: {  	vm2 =	vge.f32 v1, $0.0e+00;
	v50 =	vmul.f32 $2.000000030e-01, v1;
	v3 =	vsel vm0, v48, v3  }
0x1a0: {  	v3 =	vmul.f32 $1.442695020e+00, v3;
	v2 =	vsel vm1, v2, v49;
	v51 =	vmul.f32 $2.000000030e-01, v0  }
0x1a1: {  	vm11 =	vge.f32 v0, $0.0e+00;
	v1 =	vsel vm2, v1, v50;
	v2 =	vmul.f32 $1.442695020e+00, v2  }
0x1a2: {  	v1 =	vmul.f32 $1.442695020e+00, v1;
	v0 =	vsel vm11, v0, v51;
	(erf) = vpow2.f32 v3  }
0x1a3: {  	v0 =	vmul.f32 $1.442695020e+00, v0;
	(erf) = vpow2.f32 v2  }
0x1a4: {  	(erf) = vpow2.f32 v1  }
0x1a5: {  	(erf) = vpow2.f32 v0;
	_ =	sdelay $0x5  }
0x1a6: {  	v0 =	vpop (erf)  }
0x1a7: {  	[tilespmem:s21+$0x3530] =	vst v0;
	v0 =	vpop (erf)  }
0x1a8: {  	[tilespmem:s21+$0x3540] =	vst v0;
	v0 =	vpop (erf)  }
0x1a9: {  	[tilespmem:s21+$0x3520] =	vst v0;
	v0 =	vpop (erf)  }
0x1aa: {  	s13 =	simm.s32 $0x0;
	s25 =	rddreg [dreg:$0xc];
	[tilespmem:s21+$0x3550] =	vst v0  }
0x1ab: {  	[hbm4b:s25+s13] =	stream.linear.scatter [tilespmem:s31], [sflag:$0x1], $0xC80, $0x38;
	[tilespmem:$0x7620] =	vst v63  }
0x1ac: {  	_ = 	snop  }
0x1ad: {  	[spmem:s2] =	stream.indirect.scatter.add.f32 [tilespmem:s31], [sflag:$0x5], $0x10, s29, s15, $0xb8;
	[tilespmem:$0x7620] =	vst v63  }
0x1ae: {  	_ =	swait.ge [sflag:s28], $0xC80  }
0x1af: {  	[sflag:s28] =	ssyncset.done $0x0  }
0x1b0: {  	[sflag:s28] =	ssyncadd.s32 $0xFFFFF380  }
0x1b1: {  	_ =	swait.ge [sflag:s30], $0xC80  }
0x1b2: {  	[sflag:s30] =	ssyncset.done $0x0  }
0x1b3: {  	[sflag:s30] =	ssyncadd.s32 $0xFFFFF380  }
0x1b4: {  	_ =	swait.ge [sflag:s11], $0xC80  }
0x1b5: {  	[sflag:s11] =	ssyncset.done $0x0  }
0x1b6: {  	[sflag:s11] =	ssyncadd.s32 $0xFFFFF380  }
0x1b7: {  	_ =	swait.ge [sflag:s11], $0xC80  }
0x1b8: {  	[sflag:s11] =	ssyncset.done $0x0  }
0x1b9: {  	[sflag:s11] =	ssyncadd.s32 $0xFFFFF380  }
0x1ba: {  	_ =	swait.ge [sflag:s11], $0xC80  }
0x1bb: {  	[sflag:s11] =	ssyncset.done $0x0  }
0x1bc: {  	s19 =	simm.s32 $0x0;
	[sflag:s11] =	ssyncadd.s32 $0xFFFFF380  }
0x1bd: {  	v0 =	vld [tilespmem:s19+$0x28D0]  }
0x1be: {  	v1 =	vld [tilespmem:s19+$0xFA0]  }
0x1bf: {  	v2 =	vld [tilespmem:s19+$0xFD0]  }
0x1c0: {  	v3 =	vld [tilespmem:s19+$0x28C0]  }
0x1c1: {  	v52 =	vld [tilespmem:s19+$0xFC0]  }
0x1c2: {  	v53 =	vld [tilespmem:s19+$0x28B0]  }
0x1c3: {  	v54 =	vld [tilespmem:s19+$0xFB0]  }
0x1c4: {  	v55 =	vld [tilespmem:s19+$0x28A0]  }
0x1c5: {  	v56 =	vld [tilespmem:s19+$0x41B0]  }
0x1c6: {  	v57 =	vld [tilespmem:s19+$0x41C0]  }
0x1c7: {  	v58 =	vld [tilespmem:s19+$0x41A0]  }
0x1c8: {  	v59 =	vld [tilespmem:s19+$0x41D0]  }
0x1c9: {  	v5 =	vadd.f32 v53, v54  }
0x1ca: {  	v3 =	vadd.f32 v3, v52;
	v1 =	vadd.f32 v55, v1  }
0x1cb: {  	v0 =	vadd.f32 v0, v2;
	v60 =	vadd.f32 v56, v5  }
0x1cc: {  	v2 =	vadd.f32 v57, v3  }
0x1cd: {  	v1 =	vadd.f32 v58, v1;
	v0 =	vadd.f32 v59, v0;
	v3 =	vmul.f32 $2.000000030e-01, v60  }
0x1ce: {  	vm12 =	vge.f32 v60, $0.0e+00;
	vm13 =	vge.f32 v2, $0.0e+00;
	v61 =	vmul.f32 $2.000000030e-01, v2  }
0x1cf: {  	vm14 =	vge.f32 v1, $0.0e+00;
	v62 =	vmul.f32 $2.000000030e-01, v1;
	v3 =	vsel vm12, v60, v3  }
0x1d0: {  	v63 =	vmul.f32 $2.000000030e-01, v0;
	v2 =	vsel vm13, v2, v61;
	v3 =	vmul.f32 $1.442695020e+00, v3  }
0x1d1: {  	vm15 =	vge.f32 v0, $0.0e+00;
	v1 =	vsel vm14, v1, v62;
	v2 =	vmul.f32 $1.442695020e+00, v2  }
0x1d2: {  	v0 =	vsel vm15, v0, v63;
	v1 =	vmul.f32 $1.442695020e+00, v1;
	(erf) = vpow2.f32 v3  }
0x1d3: {  	v3 =	vmul.f32 $1.442695020e+00, v0;
	(erf) = vpow2.f32 v2  }
0x1d4: {  	s21 =	simm.s32 $0x40;
	(erf) = vpow2.f32 v1  }
0x1d5: {  	s22 =	simm.s32 $0x200;
	v0 =	vld [tilespmem:s21+$0x28D0];
	(erf) = vpow2.f32 v3  }
.LBB2_10:
0x1d6: {  	p0 =	sne.s32 s22, $0x3100;
	v1 =	vld [tilespmem:s21+$0xFA0];
	s13 =	smov.u32 s22;
	s22 =	sadd.s32 $0x100, s22  }
0x1d7: {  	v2 =	vld [tilespmem:s21+$0xFD0]  }
0x1d8: {  	v3 =	vld [tilespmem:s21+$0x28C0]  }
0x1d9: {  	v4 =	vld [tilespmem:s21+$0xFC0]  }
0x1da: {  	v5 =	vld [tilespmem:s21+$0x28B0]  }
0x1db: {  	v6 =	vld [tilespmem:s21+$0xFB0];
	v7 =	vpop (erf)  }
0x1dc: {  	v8 =	vld [tilespmem:s21+$0x28A0];
	v0 =	vadd.f32 v0, v2;
	[tilespmem:s19+$0x41B0] =	vst v7;
	v2 =	vpop (erf)  }
0x1dd: {  	v7 =	vld [tilespmem:s21+$0x41B0];
	[tilespmem:s19+$0x41C0] =	vst v2;
	v2 =	vpop (erf)  }
0x1de: {  	v9 =	vld [tilespmem:s21+$0x41C0];
	[tilespmem:s19+$0x41A0] =	vst v2;
	v2 =	vpop (erf)  }
0x1df: {  	v10 =	vld [tilespmem:s21+$0x41A0];
	[tilespmem:s19+$0x41D0] =	vst v2;
	s19 =	smov.u32 s21  }
0x1e0: {  	v3 =	vadd.f32 v3, v4;
	v2 =	vadd.f32 v5, v6;
	v4 =	vld [tilespmem:s19+$0x41D0];
	_ =	sdelay $0x1  }
0x1e1: {  	v1 =	vadd.f32 v8, v1;
	v2 =	vadd.f32 v7, v2  }
0x1e2: {  	v3 =	vadd.f32 v9, v3  }
0x1e3: {  	v1 =	vadd.f32 v10, v1;
	vm0 =	vge.f32 v2, $0.0e+00;
	v5 =	vmul.f32 $2.000000030e-01, v2  }
0x1e4: {  	vm1 =	vge.f32 v3, $0.0e+00;
	v6 =	vmul.f32 $2.000000030e-01, v3;
	v0 =	vadd.f32 v4, v0  }
0x1e5: {  	vm2 =	vge.f32 v1, $0.0e+00;
	v4 =	vmul.f32 $2.000000030e-01, v1;
	v2 =	vsel vm0, v2, v5  }
0x1e6: {  	v2 =	vmul.f32 $1.442695020e+00, v2;
	v3 =	vsel vm1, v3, v6;
	v5 =	vmul.f32 $2.000000030e-01, v0  }
.Ltmp4:
0x1e7: {  	vm0 =	vge.f32 v0, $0.0e+00;
	v1 =	vsel vm2, v1, v4;
	v3 =	vmul.f32 $1.442695020e+00, v3;
	(pc) =	sbr.rel @p0 .LBB2_10-.Ltmp4, $4  }
0x1e8: {  	v1 =	vmul.f32 $1.442695020e+00, v1;
	v0 =	vsel vm0, v0, v5;
	(erf) = vpow2.f32 v2  }
0x1e9: {  	v2 =	vmul.f32 $1.442695020e+00, v0;
	(erf) = vpow2.f32 v3  }
0x1ea: {  	s21 =	sshra.s32 s13, $0x2;
	(erf) = vpow2.f32 v1  }
0x1eb: {  	v0 =	vld [tilespmem:s21+$0x28D0];
	(erf) = vpow2.f32 v2  }
0x1ec: {  	v1 =	vld [tilespmem:s21+$0xFA0]  }
0x1ed: {  	v2 =	vld [tilespmem:s21+$0xFD0]  }
0x1ee: {  	v3 =	vld [tilespmem:s21+$0x28C0]  }
0x1ef: {  	v4 =	vld [tilespmem:s21+$0xFC0]  }
0x1f0: {  	v5 =	vld [tilespmem:s21+$0x28B0]  }
0x1f1: {  	v6 =	vld [tilespmem:s21+$0xFB0];
	v7 =	vpop (erf)  }
0x1f2: {  	v8 =	vld [tilespmem:s21+$0x28A0];
	[tilespmem:s19+$0x41B0] =	vst v7;
	v50 =	vpop (erf)  }
0x1f3: {  	v9 =	vld [tilespmem:s21+$0x41B0];
	[tilespmem:s19+$0x41C0] =	vst v50;
	v51 =	vpop (erf)  }
0x1f4: {  	v10 =	vld [tilespmem:s21+$0x41C0];
	[tilespmem:s19+$0x41A0] =	vst v51;
	v52 =	vpop (erf)  }
0x1f5: {  	v11 =	vld [tilespmem:s21+$0x41A0];
	[tilespmem:s19+$0x41D0] =	vst v52  }
0x1f6: {  	v5 =	vadd.f32 v5, v6;
	v53 =	vld [tilespmem:s21+$0x41D0]  }
0x1f7: {  	v3 =	vadd.f32 v3, v4  }
0x1f8: {  	v1 =	vadd.f32 v8, v1;
	v54 =	vadd.f32 v9, v5  }
0x1f9: {  	v0 =	vadd.f32 v0, v2;
	v55 =	vadd.f32 v10, v3  }
0x1fa: {  	v1 =	vadd.f32 v11, v1;
	vm0 =	vge.f32 v54, $0.0e+00;
	v56 =	vmul.f32 $2.000000030e-01, v54  }
0x1fb: {  	vm1 =	vge.f32 v55, $0.0e+00;
	v57 =	vmul.f32 $2.000000030e-01, v55;
	v0 =	vadd.f32 v53, v0  }
0x1fc: {  	vm2 =	vge.f32 v1, $0.0e+00;
	v58 =	vmul.f32 $2.000000030e-01, v1;
	v3 =	vsel vm0, v54, v56  }
0x1fd: {  	v3 =	vmul.f32 $1.442695020e+00, v3;
	v2 =	vsel vm1, v55, v57;
	v59 =	vmul.f32 $2.000000030e-01, v0  }
0x1fe: {  	vm15 =	vge.f32 v0, $0.0e+00;
	v1 =	vsel vm2, v1, v58;
	v2 =	vmul.f32 $1.442695020e+00, v2  }
0x1ff: {  	v1 =	vmul.f32 $1.442695020e+00, v1;
	v0 =	vsel vm15, v0, v59;
	(erf) = vpow2.f32 v3  }
0x200: {  	v0 =	vmul.f32 $1.442695020e+00, v0;
	(erf) = vpow2.f32 v2  }
0x201: {  	(erf) = vpow2.f32 v1  }
0x202: {  	(erf) = vpow2.f32 v0;
	_ =	sdelay $0x5  }
0x203: {  	v60 =	vpop (erf)  }
0x204: {  	[tilespmem:s21+$0x41B0] =	vst v60;
	v61 =	vpop (erf)  }
0x205: {  	[tilespmem:s21+$0x41C0] =	vst v61;
	v62 =	vpop (erf)  }
0x206: {  	[tilespmem:s21+$0x41A0] =	vst v62;
	v63 =	vpop (erf)  }
0x207: {  	s13 =	rddreg [dreg:$0xd];
	[tilespmem:s21+$0x41D0] =	vst v63  }
0x208: {  	[hbm4b:s13+s4] =	stream.linear.scatter [tilespmem:s18], [sflag:$0x2], $0xC80, $0x38;
	[tilespmem:$0x7620] =	vst v63  }
0x209: {  	_ = 	snop  }
0x20a: {  	[spmem:s2] =	stream.indirect.scatter.add.f32 [tilespmem:s18], [sflag:$0x5], $0x10, s16, s15, $0xb8;
	[tilespmem:$0x7620] =	vst v63  }
0x20b: {  	_ =	swait.ge [sflag:s28], $0xC80  }
0x20c: {  	[sflag:s28] =	ssyncset.done $0x0  }
0x20d: {  	[sflag:s28] =	ssyncadd.s32 $0xFFFFF380  }
0x20e: {  	_ =	swait.ge [sflag:s17], $0xC80  }
0x20f: {  	[sflag:s17] =	ssyncset.done $0x0  }
0x210: {  	[sflag:s17] =	ssyncadd.s32 $0xFFFFF380  }
0x211: {  	[bflag:$0x0] =	sbarrier.arrive $0xFFFF  }
0x212: {  	s19 =	rddreg [dreg:$0x5]  }
0x213: {  	s22 =	rddreg [dreg:$0xe]  }
0x214: {  	s23 =	rddreg [dreg:$0x11]  }
0x215: {  	[hbm:s22], [sflag:s19] =	dma.local [spmem:s23], $0x500  }
0x216: {  	_ =	swait.ge [sflag:s28], $0x500  }
0x217: {  	s24 =	rddreg [dreg:$0x10]  }
0x218: {  	s25 =	rddreg [dreg:$0xf];
	s21 =	sadd.s32 $0x1, s24  }
0x219: {  	p0 =	sne.s32 s21, s25  }
.Ltmp5:
0x21a: {  	_ = 	snop;
	(pc) =	sbr.rel @p0 .LBB2_1-.Ltmp5, $3  }
0x21b: {  	_ =	sdelay $0x1  }
0x21c: {  	[sflag:s28] =	ssyncset.done $0x0  }
0x21d: {  	[sflag:s28] =	ssyncadd.s32 $0xFFFFFB00  }
0x21e: {  	_ =	sfence.sel $0x180000  }
0x21f: {  	[bflag:$0x0] =	sbarrier.arrive $0xFFFF  }
0x220: {  	_ =	strace $0x90000047  }
0x221: {  	s0 =	stileid.u32;
	[bflag:$0x2] =	sbarrier.arrive $0xFFFF  }
0x222: {  	p0 =	sne.s32 s0, $0x0;
	s0 =	rddreg [dreg:$0x2]  }
0x223: {  	s0 =	sadd.s32 @!p0 $0x100000, s0  }
0x224: {  	[sflag:s0] =	ssyncadd.tile.s32 @!p0 $0x1;
	_ =	shalt  }
.Lfunc_end2:
_tile_overlayer_lowered:
.L_overlay_start_2:
0x225: {  	(tag) =	ssettag $0x2  }
0x226: {  	s0 =	rddreg [dreg:$0x0];
	s2 =	stileid.u32  }
0x227: {  	s1 =	rddreg [dreg:$0x1];
	p0 =	sne.s32 s2, $0x0  }
0x228: {  	s3 =	rddreg [dreg:$0x2];
	[bflag:$0x3] =	sbarrier.arrive $0xFFFF;
	s2 =	simm.s32 @!p0 $0x1C05  }
0x229: {  	[timem:s3], [sflag:s2] =	dma.local @!p0 [hbm:s0], s1  }
0x22a: {  	s0 =	simm.s32 @!p0 $0x5  }
0x22b: {  	_ =	swait.ge @!p0 [sflag:s0], s1  }
0x22c: {  	s1 =	ssub.s32 @!p0 $0x0, s1;
	[sflag:s0] =	ssyncset.done @!p0 $0x0  }
0x22d: {  	[sflag:s0] =	ssyncadd.s32 @!p0 s1  }
0x22e: {  	[bflag:$0x3] =	sbarrier.arrive $0xFFFF  }
0x22f: {  	_ =	shalt  }

</sc_bundles>
